<compile_context>
chip_gen: v7x
topology: tpu7x:2x2x1
jax: 0.10.2.dev20260603
libtpu: 0.0.44.dev20260713+nightly
codegen_flags: <defaults>
</compile_context>

<pallas_src>
import functools

import jax
import jax.numpy as jnp
from jax import lax
from jax.experimental import pallas as pl
from jax.experimental.pallas import tpu as pltpu
from jax.experimental.pallas import tpu_sc as plsc

D_MODEL = 64
SCALE = 8.0

_NC = 2
_NS = 16
_NW = _NC * _NS

_CHUNK = 128
_K = 4
_GROUP = _CHUNK * _K
_NBUF = 2


@functools.lru_cache(maxsize=None)
def _build(B):
    n_idx_rows = B // _CHUNK
    rows_per_w = n_idx_rows // _NW
    groups = rows_per_w // _K
    assert n_idx_rows % (_NW * _K) == 0 and groups % 2 == 0 and groups >= 4

    mesh = plsc.VectorSubcoreMesh(core_axis_name="c", subcore_axis_name="s")

    @functools.partial(
        pl.kernel,
        mesh=mesh,
        out_type=jax.ShapeDtypeStruct((B, 128), jnp.float32),
        compiler_params=pltpu.CompilerParams(use_tc_tiling_on_sc=False),
        scratch_types=[
            pltpu.VMEM((_NBUF, _K, _CHUNK), jnp.int32),
            pltpu.VMEM((_NBUF, _GROUP, D_MODEL), jnp.float32),
            pltpu.SemaphoreType.DMA,
            pltpu.SemaphoreType.DMA,
            pltpu.SemaphoreType.DMA,
            pltpu.SemaphoreType.DMA,
        ],
    )
    def emb(x_hbm, w_hbm, out_hbm, idx_v, rows_v, g0, g1, s0, s1):
        wid = lax.axis_index("s") * _NC + lax.axis_index("c")
        gsem = (g0, g1)
        ssem = (s0, s1)
        base_row = wid * groups * _K

        def load_idx(g, b):
            pltpu.sync_copy(x_hbm.at[pl.ds(base_row + g * _K, _K)],
                            idx_v.at[b])
            for j in range(_K):
                for cc in range(_CHUNK // 16):
                    sl = pl.ds(cc * 16, 16)
                    idx_v[b, j, sl] = idx_v[b, j, sl] * 2

        def fire_gathers(b):
            for j in range(_K):
                pltpu.make_async_copy(
                    w_hbm.at[idx_v.at[b, j]],
                    rows_v.at[b, pl.ds(j * _CHUNK, _CHUNK)],
                    gsem[b],
                ).start()

        def drain_gathers(b):
            for j in range(_K):
                pltpu.make_async_copy(
                    w_hbm.at[idx_v.at[b, j]],
                    rows_v.at[b, pl.ds(j * _CHUNK, _CHUNK)],
                    gsem[b],
                ).wait()

        def scale(b):
            @plsc.parallel_loop(0, _GROUP, unroll=8)
            def _(r):
                for cc in range(D_MODEL // 16):
                    sl = pl.ds(cc * 16, 16)
                    rows_v[b, r, sl] = rows_v[b, r, sl] * SCALE

        def fire_store(g, b):
            pltpu.make_async_copy(
                rows_v.at[b],
                out_hbm.at[pl.ds((base_row + g * _K) * _CHUNK, _GROUP),
                           pl.ds(0, D_MODEL)],
                ssem[b],
            ).start()

        def drain_store(g, b):
            pltpu.make_async_copy(
                rows_v.at[b],
                out_hbm.at[pl.ds((base_row + g * _K) * _CHUNK, _GROUP),
                           pl.ds(0, D_MODEL)],
                ssem[b],
            ).wait()

        load_idx(0, 0)
        fire_gathers(0)
        load_idx(1, 1)
        fire_gathers(1)

        def outer_body(outer, carry):
            for b in range(_NBUF):
                g = outer * _NBUF + b
                drain_gathers(b)
                scale(b)
                fire_store(g, b)
                load_idx(g + 2, b)
                drain_store(g, b)
                fire_gathers(b)
            return carry

        lax.fori_loop(0, (groups - 2) // _NBUF, outer_body, 0)

        for b in range(_NBUF):
            g = groups - 2 + b
            drain_gathers(b)
            scale(b)
            fire_store(g, b)
        for b in range(_NBUF):
            drain_store(groups - 2 + b, b)

    return emb


def kernel(x, W):
    B = x.size
    x2d = x.reshape(B // _CHUNK, _CHUNK)
    W2 = jnp.pad(W, ((0, 0), (0, 128 - D_MODEL))).reshape(2 * W.shape[0],
                                                          D_MODEL)
    out = _build(B)(x2d, W2)
    return out[:, :D_MODEL].reshape(x.shape + (D_MODEL,))

# --- scband reference (transcript-rebuilt; emitter-appended) ---
"""Pipeline reference for scband-input-embeddings-1606317768892 (READ-ONLY COPY).

The authoritative reference and input builder live on the scoring server;
editing this copy changes nothing except your own understanding.
"""

import jax, jax.numpy as jnp
import numpy as np
import math

D_MODEL = 64
VOCAB_SIZE = 1000000

def setup_inputs(seed: int = 0) -> dict:
    key = jax.random.key(seed)
    k_idx, k_w = jax.random.split(key)
    x = jax.random.randint(k_idx, (4096, 200), 0, VOCAB_SIZE, dtype=jnp.int64 if jax.config.jax_enable_x64 else jnp.int32)
    W = jax.random.normal(k_w, (VOCAB_SIZE, D_MODEL), dtype=jnp.float32)
    return {"x": x, "W": W}

def reference(x, W):
    # nn.Embedding lookup followed by scaling by sqrt(d_model)
    emb = jnp.take(W, x, axis=0)
    return emb * math.sqrt(D_MODEL)

if __name__ == "__main__":
    import jax
    _d = setup_inputs()
    print(jax.jit(kernel)(*tuple(_d.values())))

</pallas_src>

<mosaic_0001>
#map = affine_map<(d0, d1) -> (0, 0)>
module attributes {stable_mosaic.version = 14 : i64} {
  func.func @emb(%arg0: i32, %arg1: i32, %arg2: memref<6400x128xi32, #tpu.memory_space<hbm>>, %arg3: memref<2000000x64xf32, #tpu.memory_space<hbm>>, %arg4: memref<819200x128xf32, #tpu.memory_space<hbm>>, %arg5: memref<2x4x128xi32, #tpu.memory_space<vmem>>, %arg6: memref<2x512x64xf32, #tpu.memory_space<vmem>>, %arg7: memref<!tpu.dma_semaphore, #tpu.memory_space<semaphore_mem>>, %arg8: memref<!tpu.dma_semaphore, #tpu.memory_space<semaphore_mem>>, %arg9: memref<!tpu.dma_semaphore, #tpu.memory_space<semaphore_mem>>, %arg10: memref<!tpu.dma_semaphore, #tpu.memory_space<semaphore_mem>>) attributes {dimension_semantics = [#tpu.dimension_semantics<core_parallel>, #tpu.dimension_semantics<subcore_parallel>], iteration_bounds = array<i64: 2, 16>, scalar_prefetch = 0 : i64, scratch_operands = 6 : i64, tpu.core_type = #tpu.core_type<sc_vector_subcore>, window_params = [{transform_indices = #map}, {transform_indices = #map}, {transform_indices = #map}]} {
    %mul3A = arith.constant 2 : i32
    %mul3A_0 = arith.muli %arg1, %mul3A : i32
    %add3A = arith.addi %mul3A_0, %arg0 : i32
    %mul3A_1 = arith.constant 50 : i32
    %mul3A_2 = arith.muli %add3A, %mul3A_1 : i32
    %mul3A_3 = arith.constant 4 : i32
    %mul3A_4 = arith.muli %mul3A_2, %mul3A_3 : i32
    %add3A_5 = arith.constant 0 : i32
    %add3A_6 = arith.addi %mul3A_4, %add3A_5 : i32
    %run_scoped3A = arith.constant 0 : i32
    "tpu.region"() ({
      %run_scoped3A_1444 = tpu.sem_alloc : memref<!tpu.dma_semaphore, #tpu.memory_space<semaphore_mem>>
      %dma_start3A_1445 = arith.constant 0 : i32
      %dma_start3A_1446 = arith.constant 0 : i32
      %dma_start3A_1447 = tpu.memref_slice %arg5[%run_scoped3A, %dma_start3A_1445, %dma_start3A_1446] : memref<2x4x128xi32, #tpu.memory_space<vmem>> -> memref<1x4x128xi32, #tpu.memory_space<vmem>>
      %dma_start3A_1448 = tpu.memref_squeeze %dma_start3A_1447 : memref<1x4x128xi32, #tpu.memory_space<vmem>> -> memref<4x128xi32, #tpu.memory_space<vmem>>
      %dma_start3A_1449 = arith.constant 0 : i32
      %dma_start3A_1450 = tpu.memref_slice %arg2[%add3A_6, %dma_start3A_1449] : memref<6400x128xi32, #tpu.memory_space<hbm>> -> memref<4x128xi32, #tpu.memory_space<hbm>>
      %dma_start3A_1451 = arith.constant 0 : i32
      %dma_start3A_1452 = arith.constant 0 : i32
      %dma_start3A_1453 = tpu.memref_slice %arg5[%run_scoped3A, %dma_start3A_1451, %dma_start3A_1452] : memref<2x4x128xi32, #tpu.memory_space<vmem>> -> memref<1x4x128xi32, #tpu.memory_space<vmem>>
      %dma_start3A_1454 = tpu.memref_squeeze %dma_start3A_1453 : memref<1x4x128xi32, #tpu.memory_space<vmem>> -> memref<4x128xi32, #tpu.memory_space<vmem>>
      %dma_start3A_1455 = arith.constant 0 : i32
      %dma_start3A_1456 = tpu.memref_slice %arg2[%add3A_6, %dma_start3A_1455] : memref<6400x128xi32, #tpu.memory_space<hbm>> -> memref<4x128xi32, #tpu.memory_space<hbm>>
      tpu.enqueue_dma source(%dma_start3A_1456 : memref<4x128xi32, #tpu.memory_space<hbm>>) target(%dma_start3A_1454 : memref<4x128xi32, #tpu.memory_space<vmem>>) target_semaphore(%run_scoped3A_1444 : memref<!tpu.dma_semaphore, #tpu.memory_space<semaphore_mem>>)
      %dma_wait3A_1457 = arith.constant 0 : i32
      %dma_wait3A_1458 = arith.constant 0 : i32
      %dma_wait3A_1459 = tpu.memref_slice %arg5[%run_scoped3A, %dma_wait3A_1457, %dma_wait3A_1458] : memref<2x4x128xi32, #tpu.memory_space<vmem>> -> memref<1x4x128xi32, #tpu.memory_space<vmem>>
      %dma_wait3A_1460 = tpu.memref_squeeze %dma_wait3A_1459 : memref<1x4x128xi32, #tpu.memory_space<vmem>> -> memref<4x128xi32, #tpu.memory_space<vmem>>
      %dma_wait3A_1461 = arith.constant 0 : i32
      %dma_wait3A_1462 = tpu.memref_slice %arg2[%add3A_6, %dma_wait3A_1461] : memref<6400x128xi32, #tpu.memory_space<hbm>> -> memref<4x128xi32, #tpu.memory_space<hbm>>
      %dma_wait3A_1463 = arith.constant 0 : i32
      %dma_wait3A_1464 = arith.constant 0 : i32
      %dma_wait3A_1465 = tpu.memref_slice %arg5[%run_scoped3A, %dma_wait3A_1463, %dma_wait3A_1464] : memref<2x4x128xi32, #tpu.memory_space<vmem>> -> memref<1x4x128xi32, #tpu.memory_space<vmem>>
      %dma_wait3A_1466 = tpu.memref_squeeze %dma_wait3A_1465 : memref<1x4x128xi32, #tpu.memory_space<vmem>> -> memref<4x128xi32, #tpu.memory_space<vmem>>
      %dma_wait3A_1467 = arith.constant 0 : i32
      %dma_wait3A_1468 = tpu.memref_slice %arg2[%add3A_6, %dma_wait3A_1467] : memref<6400x128xi32, #tpu.memory_space<hbm>> -> memref<4x128xi32, #tpu.memory_space<hbm>>
      tpu.wait_dma2 semaphore(%run_scoped3A_1444 : memref<!tpu.dma_semaphore, #tpu.memory_space<semaphore_mem>>) src(%dma_wait3A_1468 : memref<4x128xi32, #tpu.memory_space<hbm>>) dst(%dma_wait3A_1466 : memref<4x128xi32, #tpu.memory_space<vmem>>)
      tpu.yield
    }) : () -> ()
    %get3A = arith.constant 0 : i32
    %get3A_7 = arith.constant 0 : i32
    %get3A_8 = arith.index_cast %get3A : i32 to index
    %get3A_9 = arith.index_cast %get3A_7 : i32 to index
    %get3A_10 = arith.constant 0 : index
    %get3A_11 = tpu.vector_load %arg5[%get3A_8, %get3A_9, %get3A_10] {strides = array<i32>} : memref<2x4x128xi32, #tpu.memory_space<vmem>>, vector<1x1x16xi32>,
    %get3A_12 = vector.shape_cast %get3A_11 : vector<1x1x16xi32> to vector<16xi32>
    %mul3A_13 = arith.constant 2 : i32
    %mul3A_14 = vector.broadcast %mul3A_13 : i32 to vector<16xi32>
    %mul3A_15 = arith.muli %get3A_12, %mul3A_14 : vector<16xi32>
    %swap3A = arith.constant 0 : i32
    %swap3A_16 = arith.constant 0 : i32
    %swap3A_17 = arith.index_cast %swap3A : i32 to index
    %swap3A_18 = arith.index_cast %swap3A_16 : i32 to index
    %swap3A_19 = arith.constant 0 : index
    %swap3A_20 = tpu.vector_load %arg5[%swap3A_17, %swap3A_18, %swap3A_19] {strides = array<i32>} : memref<2x4x128xi32, #tpu.memory_space<vmem>>, vector<1x1x16xi32>,
    %swap3A_21 = vector.shape_cast %swap3A_20 : vector<1x1x16xi32> to vector<16xi32>
    %swap3A_22 = vector.shape_cast %mul3A_15 : vector<16xi32> to vector<1x1x16xi32>
    tpu.vector_store %arg5[%swap3A_17, %swap3A_18, %swap3A_19], %swap3A_22 {strides = array<i32>} : memref<2x4x128xi32, #tpu.memory_space<vmem>>, vector<1x1x16xi32>,
    %get3A_23 = arith.constant 0 : i32
    %get3A_24 = arith.constant 0 : i32
    %get3A_25 = arith.index_cast %get3A_23 : i32 to index
    %get3A_26 = arith.index_cast %get3A_24 : i32 to index
    %get3A_27 = arith.constant 16 : index
    %get3A_28 = tpu.vector_load %arg5[%get3A_25, %get3A_26, %get3A_27] {strides = array<i32>} : memref<2x4x128xi32, #tpu.memory_space<vmem>>, vector<1x1x16xi32>,
    %get3A_29 = vector.shape_cast %get3A_28 : vector<1x1x16xi32> to vector<16xi32>
    %mul3A_30 = arith.constant 2 : i32
    %mul3A_31 = vector.broadcast %mul3A_30 : i32 to vector<16xi32>
    %mul3A_32 = arith.muli %get3A_29, %mul3A_31 : vector<16xi32>
    %swap3A_33 = arith.constant 0 : i32
    %swap3A_34 = arith.constant 0 : i32
    %swap3A_35 = arith.index_cast %swap3A_33 : i32 to index
    %swap3A_36 = arith.index_cast %swap3A_34 : i32 to index
    %swap3A_37 = arith.constant 16 : index
    %swap3A_38 = tpu.vector_load %arg5[%swap3A_35, %swap3A_36, %swap3A_37] {strides = array<i32>} : memref<2x4x128xi32, #tpu.memory_space<vmem>>, vector<1x1x16xi32>,
    %swap3A_39 = vector.shape_cast %swap3A_38 : vector<1x1x16xi32> to vector<16xi32>
    %swap3A_40 = vector.shape_cast %mul3A_32 : vector<16xi32> to vector<1x1x16xi32>
    tpu.vector_store %arg5[%swap3A_35, %swap3A_36, %swap3A_37], %swap3A_40 {strides = array<i32>} : memref<2x4x128xi32, #tpu.memory_space<vmem>>, vector<1x1x16xi32>,
    %get3A_41 = arith.constant 0 : i32
    %get3A_42 = arith.constant 0 : i32
    %get3A_43 = arith.index_cast %get3A_41 : i32 to index
    %get3A_44 = arith.index_cast %get3A_42 : i32 to index
    %get3A_45 = arith.constant 32 : index
    %get3A_46 = tpu.vector_load %arg5[%get3A_43, %get3A_44, %get3A_45] {strides = array<i32>} : memref<2x4x128xi32, #tpu.memory_space<vmem>>, vector<1x1x16xi32>,
    %get3A_47 = vector.shape_cast %get3A_46 : vector<1x1x16xi32> to vector<16xi32>
    %mul3A_48 = arith.constant 2 : i32
    %mul3A_49 = vector.broadcast %mul3A_48 : i32 to vector<16xi32>
    %mul3A_50 = arith.muli %get3A_47, %mul3A_49 : vector<16xi32>
    %swap3A_51 = arith.constant 0 : i32
    %swap3A_52 = arith.constant 0 : i32
    %swap3A_53 = arith.index_cast %swap3A_51 : i32 to index
    %swap3A_54 = arith.index_cast %swap3A_52 : i32 to index
    %swap3A_55 = arith.constant 32 : index
    %swap3A_56 = tpu.vector_load %arg5[%swap3A_53, %swap3A_54, %swap3A_55] {strides = array<i32>} : memref<2x4x128xi32, #tpu.memory_space<vmem>>, vector<1x1x16xi32>,
    %swap3A_57 = vector.shape_cast %swap3A_56 : vector<1x1x16xi32> to vector<16xi32>
    %swap3A_58 = vector.shape_cast %mul3A_50 : vector<16xi32> to vector<1x1x16xi32>
    tpu.vector_store %arg5[%swap3A_53, %swap3A_54, %swap3A_55], %swap3A_58 {strides = array<i32>} : memref<2x4x128xi32, #tpu.memory_space<vmem>>, vector<1x1x16xi32>,
    %get3A_59 = arith.constant 0 : i32
    %get3A_60 = arith.constant 0 : i32
    %get3A_61 = arith.index_cast %get3A_59 : i32 to index
    %get3A_62 = arith.index_cast %get3A_60 : i32 to index
    %get3A_63 = arith.constant 48 : index
    %get3A_64 = tpu.vector_load %arg5[%get3A_61, %get3A_62, %get3A_63] {strides = array<i32>} : memref<2x4x128xi32, #tpu.memory_space<vmem>>, vector<1x1x16xi32>,
    %get3A_65 = vector.shape_cast %get3A_64 : vector<1x1x16xi32> to vector<16xi32>
    %mul3A_66 = arith.constant 2 : i32
    %mul3A_67 = vector.broadcast %mul3A_66 : i32 to vector<16xi32>
    %mul3A_68 = arith.muli %get3A_65, %mul3A_67 : vector<16xi32>
    %swap3A_69 = arith.constant 0 : i32
    %swap3A_70 = arith.constant 0 : i32
    %swap3A_71 = arith.index_cast %swap3A_69 : i32 to index
    %swap3A_72 = arith.index_cast %swap3A_70 : i32 to index
    %swap3A_73 = arith.constant 48 : index
    %swap3A_74 = tpu.vector_load %arg5[%swap3A_71, %swap3A_72, %swap3A_73] {strides = array<i32>} : memref<2x4x128xi32, #tpu.memory_space<vmem>>, vector<1x1x16xi32>,
    %swap3A_75 = vector.shape_cast %swap3A_74 : vector<1x1x16xi32> to vector<16xi32>
    %swap3A_76 = vector.shape_cast %mul3A_68 : vector<16xi32> to vector<1x1x16xi32>
    tpu.vector_store %arg5[%swap3A_71, %swap3A_72, %swap3A_73], %swap3A_76 {strides = array<i32>} : memref<2x4x128xi32, #tpu.memory_space<vmem>>, vector<1x1x16xi32>,
    %get3A_77 = arith.constant 0 : i32
    %get3A_78 = arith.constant 0 : i32
    %get3A_79 = arith.index_cast %get3A_77 : i32 to index
    %get3A_80 = arith.index_cast %get3A_78 : i32 to index
    %get3A_81 = arith.constant 64 : index
    %get3A_82 = tpu.vector_load %arg5[%get3A_79, %get3A_80, %get3A_81] {strides = array<i32>} : memref<2x4x128xi32, #tpu.memory_space<vmem>>, vector<1x1x16xi32>,
    %get3A_83 = vector.shape_cast %get3A_82 : vector<1x1x16xi32> to vector<16xi32>
    %mul3A_84 = arith.constant 2 : i32
    %mul3A_85 = vector.broadcast %mul3A_84 : i32 to vector<16xi32>
    %mul3A_86 = arith.muli %get3A_83, %mul3A_85 : vector<16xi32>
    %swap3A_87 = arith.constant 0 : i32
    %swap3A_88 = arith.constant 0 : i32
    %swap3A_89 = arith.index_cast %swap3A_87 : i32 to index
    %swap3A_90 = arith.index_cast %swap3A_88 : i32 to index
    %swap3A_91 = arith.constant 64 : index
    %swap3A_92 = tpu.vector_load %arg5[%swap3A_89, %swap3A_90, %swap3A_91] {strides = array<i32>} : memref<2x4x128xi32, #tpu.memory_space<vmem>>, vector<1x1x16xi32>,
    %swap3A_93 = vector.shape_cast %swap3A_92 : vector<1x1x16xi32> to vector<16xi32>
    %swap3A_94 = vector.shape_cast %mul3A_86 : vector<16xi32> to vector<1x1x16xi32>
    tpu.vector_store %arg5[%swap3A_89, %swap3A_90, %swap3A_91], %swap3A_94 {strides = array<i32>} : memref<2x4x128xi32, #tpu.memory_space<vmem>>, vector<1x1x16xi32>,
    %get3A_95 = arith.constant 0 : i32
    %get3A_96 = arith.constant 0 : i32
    %get3A_97 = arith.index_cast %get3A_95 : i32 to index
    %get3A_98 = arith.index_cast %get3A_96 : i32 to index
    %get3A_99 = arith.constant 80 : index
    %get3A_100 = tpu.vector_load %arg5[%get3A_97, %get3A_98, %get3A_99] {strides = array<i32>} : memref<2x4x128xi32, #tpu.memory_space<vmem>>, vector<1x1x16xi32>,
    %get3A_101 = vector.shape_cast %get3A_100 : vector<1x1x16xi32> to vector<16xi32>
    %mul3A_102 = arith.constant 2 : i32
    %mul3A_103 = vector.broadcast %mul3A_102 : i32 to vector<16xi32>
    %mul3A_104 = arith.muli %get3A_101, %mul3A_103 : vector<16xi32>
    %swap3A_105 = arith.constant 0 : i32
    %swap3A_106 = arith.constant 0 : i32
    %swap3A_107 = arith.index_cast %swap3A_105 : i32 to index
    %swap3A_108 = arith.index_cast %swap3A_106 : i32 to index
    %swap3A_109 = arith.constant 80 : index
    %swap3A_110 = tpu.vector_load %arg5[%swap3A_107, %swap3A_108, %swap3A_109] {strides = array<i32>} : memref<2x4x128xi32, #tpu.memory_space<vmem>>, vector<1x1x16xi32>,
    %swap3A_111 = vector.shape_cast %swap3A_110 : vector<1x1x16xi32> to vector<16xi32>
    %swap3A_112 = vector.shape_cast %mul3A_104 : vector<16xi32> to vector<1x1x16xi32>
    tpu.vector_store %arg5[%swap3A_107, %swap3A_108, %swap3A_109], %swap3A_112 {strides = array<i32>} : memref<2x4x128xi32, #tpu.memory_space<vmem>>, vector<1x1x16xi32>,
    %get3A_113 = arith.constant 0 : i32
    %get3A_114 = arith.constant 0 : i32
    %get3A_115 = arith.index_cast %get3A_113 : i32 to index
    %get3A_116 = arith.index_cast %get3A_114 : i32 to index
    %get3A_117 = arith.constant 96 : index
    %get3A_118 = tpu.vector_load %arg5[%get3A_115, %get3A_116, %get3A_117] {strides = array<i32>} : memref<2x4x128xi32, #tpu.memory_space<vmem>>, vector<1x1x16xi32>,
    %get3A_119 = vector.shape_cast %get3A_118 : vector<1x1x16xi32> to vector<16xi32>
    %mul3A_120 = arith.constant 2 : i32
    %mul3A_121 = vector.broadcast %mul3A_120 : i32 to vector<16xi32>
    %mul3A_122 = arith.muli %get3A_119, %mul3A_121 : vector<16xi32>
    %swap3A_123 = arith.constant 0 : i32
    %swap3A_124 = arith.constant 0 : i32
    %swap3A_125 = arith.index_cast %swap3A_123 : i32 to index
    %swap3A_126 = arith.index_cast %swap3A_124 : i32 to index
    %swap3A_127 = arith.constant 96 : index
    %swap3A_128 = tpu.vector_load %arg5[%swap3A_125, %swap3A_126, %swap3A_127] {strides = array<i32>} : memref<2x4x128xi32, #tpu.memory_space<vmem>>, vector<1x1x16xi32>,
    %swap3A_129 = vector.shape_cast %swap3A_128 : vector<1x1x16xi32> to vector<16xi32>
    %swap3A_130 = vector.shape_cast %mul3A_122 : vector<16xi32> to vector<1x1x16xi32>
    tpu.vector_store %arg5[%swap3A_125, %swap3A_126, %swap3A_127], %swap3A_130 {strides = array<i32>} : memref<2x4x128xi32, #tpu.memory_space<vmem>>, vector<1x1x16xi32>,
    %get3A_131 = arith.constant 0 : i32
    %get3A_132 = arith.constant 0 : i32
    %get3A_133 = arith.index_cast %get3A_131 : i32 to index
    %get3A_134 = arith.index_cast %get3A_132 : i32 to index
    %get3A_135 = arith.constant 112 : index
    %get3A_136 = tpu.vector_load %arg5[%get3A_133, %get3A_134, %get3A_135] {strides = array<i32>} : memref<2x4x128xi32, #tpu.memory_space<vmem>>, vector<1x1x16xi32>,
    %get3A_137 = vector.shape_cast %get3A_136 : vector<1x1x16xi32> to vector<16xi32>
    %mul3A_138 = arith.constant 2 : i32
    %mul3A_139 = vector.broadcast %mul3A_138 : i32 to vector<16xi32>
    %mul3A_140 = arith.muli %get3A_137, %mul3A_139 : vector<16xi32>
    %swap3A_141 = arith.constant 0 : i32
    %swap3A_142 = arith.constant 0 : i32
    %swap3A_143 = arith.index_cast %swap3A_141 : i32 to index
    %swap3A_144 = arith.index_cast %swap3A_142 : i32 to index
    %swap3A_145 = arith.constant 112 : index
    %swap3A_146 = tpu.vector_load %arg5[%swap3A_143, %swap3A_144, %swap3A_145] {strides = array<i32>} : memref<2x4x128xi32, #tpu.memory_space<vmem>>, vector<1x1x16xi32>,
    %swap3A_147 = vector.shape_cast %swap3A_146 : vector<1x1x16xi32> to vector<16xi32>
    %swap3A_148 = vector.shape_cast %mul3A_140 : vector<16xi32> to vector<1x1x16xi32>
    tpu.vector_store %arg5[%swap3A_143, %swap3A_144, %swap3A_145], %swap3A_148 {strides = array<i32>} : memref<2x4x128xi32, #tpu.memory_space<vmem>>, vector<1x1x16xi32>,
    %get3A_149 = arith.constant 0 : i32
    %get3A_150 = arith.constant 1 : i32
    %get3A_151 = arith.index_cast %get3A_149 : i32 to index
    %get3A_152 = arith.index_cast %get3A_150 : i32 to index
    %get3A_153 = arith.constant 0 : index
    %get3A_154 = tpu.vector_load %arg5[%get3A_151, %get3A_152, %get3A_153] {strides = array<i32>} : memref<2x4x128xi32, #tpu.memory_space<vmem>>, vector<1x1x16xi32>,
    %get3A_155 = vector.shape_cast %get3A_154 : vector<1x1x16xi32> to vector<16xi32>
    %mul3A_156 = arith.constant 2 : i32
    %mul3A_157 = vector.broadcast %mul3A_156 : i32 to vector<16xi32>
    %mul3A_158 = arith.muli %get3A_155, %mul3A_157 : vector<16xi32>
    %swap3A_159 = arith.constant 0 : i32
    %swap3A_160 = arith.constant 1 : i32
    %swap3A_161 = arith.index_cast %swap3A_159 : i32 to index
    %swap3A_162 = arith.index_cast %swap3A_160 : i32 to index
    %swap3A_163 = arith.constant 0 : index
    %swap3A_164 = tpu.vector_load %arg5[%swap3A_161, %swap3A_162, %swap3A_163] {strides = array<i32>} : memref<2x4x128xi32, #tpu.memory_space<vmem>>, vector<1x1x16xi32>,
    %swap3A_165 = vector.shape_cast %swap3A_164 : vector<1x1x16xi32> to vector<16xi32>
    %swap3A_166 = vector.shape_cast %mul3A_158 : vector<16xi32> to vector<1x1x16xi32>
    tpu.vector_store %arg5[%swap3A_161, %swap3A_162, %swap3A_163], %swap3A_166 {strides = array<i32>} : memref<2x4x128xi32, #tpu.memory_space<vmem>>, vector<1x1x16xi32>,
    %get3A_167 = arith.constant 0 : i32
    %get3A_168 = arith.constant 1 : i32
    %get3A_169 = arith.index_cast %get3A_167 : i32 to index
    %get3A_170 = arith.index_cast %get3A_168 : i32 to index
    %get3A_171 = arith.constant 16 : index
    %get3A_172 = tpu.vector_load %arg5[%get3A_169, %get3A_170, %get3A_171] {strides = array<i32>} : memref<2x4x128xi32, #tpu.memory_space<vmem>>, vector<1x1x16xi32>,
    %get3A_173 = vector.shape_cast %get3A_172 : vector<1x1x16xi32> to vector<16xi32>
    %mul3A_174 = arith.constant 2 : i32
    %mul3A_175 = vector.broadcast %mul3A_174 : i32 to vector<16xi32>
    %mul3A_176 = arith.muli %get3A_173, %mul3A_175 : vector<16xi32>
    %swap3A_177 = arith.constant 0 : i32
    %swap3A_178 = arith.constant 1 : i32
    %swap3A_179 = arith.index_cast %swap3A_177 : i32 to index
    %swap3A_180 = arith.index_cast %swap3A_178 : i32 to index
    %swap3A_181 = arith.constant 16 : index
    %swap3A_182 = tpu.vector_load %arg5[%swap3A_179, %swap3A_180, %swap3A_181] {strides = array<i32>} : memref<2x4x128xi32, #tpu.memory_space<vmem>>, vector<1x1x16xi32>,
    %swap3A_183 = vector.shape_cast %swap3A_182 : vector<1x1x16xi32> to vector<16xi32>
    %swap3A_184 = vector.shape_cast %mul3A_176 : vector<16xi32> to vector<1x1x16xi32>
    tpu.vector_store %arg5[%swap3A_179, %swap3A_180, %swap3A_181], %swap3A_184 {strides = array<i32>} : memref<2x4x128xi32, #tpu.memory_space<vmem>>, vector<1x1x16xi32>,
    %get3A_185 = arith.constant 0 : i32
    %get3A_186 = arith.constant 1 : i32
    %get3A_187 = arith.index_cast %get3A_185 : i32 to index
    %get3A_188 = arith.index_cast %get3A_186 : i32 to index
    %get3A_189 = arith.constant 32 : index
    %get3A_190 = tpu.vector_load %arg5[%get3A_187, %get3A_188, %get3A_189] {strides = array<i32>} : memref<2x4x128xi32, #tpu.memory_space<vmem>>, vector<1x1x16xi32>,
    %get3A_191 = vector.shape_cast %get3A_190 : vector<1x1x16xi32> to vector<16xi32>
    %mul3A_192 = arith.constant 2 : i32
    %mul3A_193 = vector.broadcast %mul3A_192 : i32 to vector<16xi32>
    %mul3A_194 = arith.muli %get3A_191, %mul3A_193 : vector<16xi32>
    %swap3A_195 = arith.constant 0 : i32
    %swap3A_196 = arith.constant 1 : i32
    %swap3A_197 = arith.index_cast %swap3A_195 : i32 to index
    %swap3A_198 = arith.index_cast %swap3A_196 : i32 to index
    %swap3A_199 = arith.constant 32 : index
    %swap3A_200 = tpu.vector_load %arg5[%swap3A_197, %swap3A_198, %swap3A_199] {strides = array<i32>} : memref<2x4x128xi32, #tpu.memory_space<vmem>>, vector<1x1x16xi32>,
    %swap3A_201 = vector.shape_cast %swap3A_200 : vector<1x1x16xi32> to vector<16xi32>
    %swap3A_202 = vector.shape_cast %mul3A_194 : vector<16xi32> to vector<1x1x16xi32>
    tpu.vector_store %arg5[%swap3A_197, %swap3A_198, %swap3A_199], %swap3A_202 {strides = array<i32>} : memref<2x4x128xi32, #tpu.memory_space<vmem>>, vector<1x1x16xi32>,
    %get3A_203 = arith.constant 0 : i32
    %get3A_204 = arith.constant 1 : i32
    %get3A_205 = arith.index_cast %get3A_203 : i32 to index
    %get3A_206 = arith.index_cast %get3A_204 : i32 to index
    %get3A_207 = arith.constant 48 : index
    %get3A_208 = tpu.vector_load %arg5[%get3A_205, %get3A_206, %get3A_207] {strides = array<i32>} : memref<2x4x128xi32, #tpu.memory_space<vmem>>, vector<1x1x16xi32>,
    %get3A_209 = vector.shape_cast %get3A_208 : vector<1x1x16xi32> to vector<16xi32>
    %mul3A_210 = arith.constant 2 : i32
    %mul3A_211 = vector.broadcast %mul3A_210 : i32 to vector<16xi32>
    %mul3A_212 = arith.muli %get3A_209, %mul3A_211 : vector<16xi32>
    %swap3A_213 = arith.constant 0 : i32
    %swap3A_214 = arith.constant 1 : i32
    %swap3A_215 = arith.index_cast %swap3A_213 : i32 to index
    %swap3A_216 = arith.index_cast %swap3A_214 : i32 to index
    %swap3A_217 = arith.constant 48 : index
    %swap3A_218 = tpu.vector_load %arg5[%swap3A_215, %swap3A_216, %swap3A_217] {strides = array<i32>} : memref<2x4x128xi32, #tpu.memory_space<vmem>>, vector<1x1x16xi32>,
    %swap3A_219 = vector.shape_cast %swap3A_218 : vector<1x1x16xi32> to vector<16xi32>
    %swap3A_220 = vector.shape_cast %mul3A_212 : vector<16xi32> to vector<1x1x16xi32>
    tpu.vector_store %arg5[%swap3A_215, %swap3A_216, %swap3A_217], %swap3A_220 {strides = array<i32>} : memref<2x4x128xi32, #tpu.memory_space<vmem>>, vector<1x1x16xi32>,
    %get3A_221 = arith.constant 0 : i32
    %get3A_222 = arith.constant 1 : i32
    %get3A_223 = arith.index_cast %get3A_221 : i32 to index
    %get3A_224 = arith.index_cast %get3A_222 : i32 to index
    %get3A_225 = arith.constant 64 : index
    %get3A_226 = tpu.vector_load %arg5[%get3A_223, %get3A_224, %get3A_225] {strides = array<i32>} : memref<2x4x128xi32, #tpu.memory_space<vmem>>, vector<1x1x16xi32>,
    %get3A_227 = vector.shape_cast %get3A_226 : vector<1x1x16xi32> to vector<16xi32>
    %mul3A_228 = arith.constant 2 : i32
    %mul3A_229 = vector.broadcast %mul3A_228 : i32 to vector<16xi32>
    %mul3A_230 = arith.muli %get3A_227, %mul3A_229 : vector<16xi32>
    %swap3A_231 = arith.constant 0 : i32
    %swap3A_232 = arith.constant 1 : i32
    %swap3A_233 = arith.index_cast %swap3A_231 : i32 to index
    %swap3A_234 = arith.index_cast %swap3A_232 : i32 to index
    %swap3A_235 = arith.constant 64 : index
    %swap3A_236 = tpu.vector_load %arg5[%swap3A_233, %swap3A_234, %swap3A_235] {strides = array<i32>} : memref<2x4x128xi32, #tpu.memory_space<vmem>>, vector<1x1x16xi32>,
    %swap3A_237 = vector.shape_cast %swap3A_236 : vector<1x1x16xi32> to vector<16xi32>
    %swap3A_238 = vector.shape_cast %mul3A_230 : vector<16xi32> to vector<1x1x16xi32>
    tpu.vector_store %arg5[%swap3A_233, %swap3A_234, %swap3A_235], %swap3A_238 {strides = array<i32>} : memref<2x4x128xi32, #tpu.memory_space<vmem>>, vector<1x1x16xi32>,
    %get3A_239 = arith.constant 0 : i32
    %get3A_240 = arith.constant 1 : i32
    %get3A_241 = arith.index_cast %get3A_239 : i32 to index
    %get3A_242 = arith.index_cast %get3A_240 : i32 to index
    %get3A_243 = arith.constant 80 : index
    %get3A_244 = tpu.vector_load %arg5[%get3A_241, %get3A_242, %get3A_243] {strides = array<i32>} : memref<2x4x128xi32, #tpu.memory_space<vmem>>, vector<1x1x16xi32>,
    %get3A_245 = vector.shape_cast %get3A_244 : vector<1x1x16xi32> to vector<16xi32>
    %mul3A_246 = arith.constant 2 : i32
    %mul3A_247 = vector.broadcast %mul3A_246 : i32 to vector<16xi32>
    %mul3A_248 = arith.muli %get3A_245, %mul3A_247 : vector<16xi32>
    %swap3A_249 = arith.constant 0 : i32
    %swap3A_250 = arith.constant 1 : i32
    %swap3A_251 = arith.index_cast %swap3A_249 : i32 to index
    %swap3A_252 = arith.index_cast %swap3A_250 : i32 to index
    %swap3A_253 = arith.constant 80 : index
    %swap3A_254 = tpu.vector_load %arg5[%swap3A_251, %swap3A_252, %swap3A_253] {strides = array<i32>} : memref<2x4x128xi32, #tpu.memory_space<vmem>>, vector<1x1x16xi32>,
    %swap3A_255 = vector.shape_cast %swap3A_254 : vector<1x1x16xi32> to vector<16xi32>
    %swap3A_256 = vector.shape_cast %mul3A_248 : vector<16xi32> to vector<1x1x16xi32>
    tpu.vector_store %arg5[%swap3A_251, %swap3A_252, %swap3A_253], %swap3A_256 {strides = array<i32>} : memref<2x4x128xi32, #tpu.memory_space<vmem>>, vector<1x1x16xi32>,
    %get3A_257 = arith.constant 0 : i32
    %get3A_258 = arith.constant 1 : i32
    %get3A_259 = arith.index_cast %get3A_257 : i32 to index
    %get3A_260 = arith.index_cast %get3A_258 : i32 to index
    %get3A_261 = arith.constant 96 : index
    %get3A_262 = tpu.vector_load %arg5[%get3A_259, %get3A_260, %get3A_261] {strides = array<i32>} : memref<2x4x128xi32, #tpu.memory_space<vmem>>, vector<1x1x16xi32>,
    %get3A_263 = vector.shape_cast %get3A_262 : vector<1x1x16xi32> to vector<16xi32>
    %mul3A_264 = arith.constant 2 : i32
    %mul3A_265 = vector.broadcast %mul3A_264 : i32 to vector<16xi32>
    %mul3A_266 = arith.muli %get3A_263, %mul3A_265 : vector<16xi32>
    %swap3A_267 = arith.constant 0 : i32
    %swap3A_268 = arith.constant 1 : i32
    %swap3A_269 = arith.index_cast %swap3A_267 : i32 to index
    %swap3A_270 = arith.index_cast %swap3A_268 : i32 to index
    %swap3A_271 = arith.constant 96 : index
    %swap3A_272 = tpu.vector_load %arg5[%swap3A_269, %swap3A_270, %swap3A_271] {strides = array<i32>} : memref<2x4x128xi32, #tpu.memory_space<vmem>>, vector<1x1x16xi32>,
    %swap3A_273 = vector.shape_cast %swap3A_272 : vector<1x1x16xi32> to vector<16xi32>
    %swap3A_274 = vector.shape_cast %mul3A_266 : vector<16xi32> to vector<1x1x16xi32>
    tpu.vector_store %arg5[%swap3A_269, %swap3A_270, %swap3A_271], %swap3A_274 {strides = array<i32>} : memref<2x4x128xi32, #tpu.memory_space<vmem>>, vector<1x1x16xi32>,
    %get3A_275 = arith.constant 0 : i32
    %get3A_276 = arith.constant 1 : i32
    %get3A_277 = arith.index_cast %get3A_275 : i32 to index
    %get3A_278 = arith.index_cast %get3A_276 : i32 to index
    %get3A_279 = arith.constant 112 : index
    %get3A_280 = tpu.vector_load %arg5[%get3A_277, %get3A_278, %get3A_279] {strides = array<i32>} : memref<2x4x128xi32, #tpu.memory_space<vmem>>, vector<1x1x16xi32>,
    %get3A_281 = vector.shape_cast %get3A_280 : vector<1x1x16xi32> to vector<16xi32>
    %mul3A_282 = arith.constant 2 : i32
    %mul3A_283 = vector.broadcast %mul3A_282 : i32 to vector<16xi32>
    %mul3A_284 = arith.muli %get3A_281, %mul3A_283 : vector<16xi32>
    %swap3A_285 = arith.constant 0 : i32
    %swap3A_286 = arith.constant 1 : i32
    %swap3A_287 = arith.index_cast %swap3A_285 : i32 to index
    %swap3A_288 = arith.index_cast %swap3A_286 : i32 to index
    %swap3A_289 = arith.constant 112 : index
    %swap3A_290 = tpu.vector_load %arg5[%swap3A_287, %swap3A_288, %swap3A_289] {strides = array<i32>} : memref<2x4x128xi32, #tpu.memory_space<vmem>>, vector<1x1x16xi32>,
    %swap3A_291 = vector.shape_cast %swap3A_290 : vector<1x1x16xi32> to vector<16xi32>
    %swap3A_292 = vector.shape_cast %mul3A_284 : vector<16xi32> to vector<1x1x16xi32>
    tpu.vector_store %arg5[%swap3A_287, %swap3A_288, %swap3A_289], %swap3A_292 {strides = array<i32>} : memref<2x4x128xi32, #tpu.memory_space<vmem>>, vector<1x1x16xi32>,
    %get3A_293 = arith.constant 0 : i32
    %get3A_294 = arith.constant 2 : i32
    %get3A_295 = arith.index_cast %get3A_293 : i32 to index
    %get3A_296 = arith.index_cast %get3A_294 : i32 to index
    %get3A_297 = arith.constant 0 : index
    %get3A_298 = tpu.vector_load %arg5[%get3A_295, %get3A_296, %get3A_297] {strides = array<i32>} : memref<2x4x128xi32, #tpu.memory_space<vmem>>, vector<1x1x16xi32>,
    %get3A_299 = vector.shape_cast %get3A_298 : vector<1x1x16xi32> to vector<16xi32>
    %mul3A_300 = arith.constant 2 : i32
    %mul3A_301 = vector.broadcast %mul3A_300 : i32 to vector<16xi32>
    %mul3A_302 = arith.muli %get3A_299, %mul3A_301 : vector<16xi32>
    %swap3A_303 = arith.constant 0 : i32
    %swap3A_304 = arith.constant 2 : i32
    %swap3A_305 = arith.index_cast %swap3A_303 : i32 to index
    %swap3A_306 = arith.index_cast %swap3A_304 : i32 to index
    %swap3A_307 = arith.constant 0 : index
    %swap3A_308 = tpu.vector_load %arg5[%swap3A_305, %swap3A_306, %swap3A_307] {strides = array<i32>} : memref<2x4x128xi32, #tpu.memory_space<vmem>>, vector<1x1x16xi32>,
    %swap3A_309 = vector.shape_cast %swap3A_308 : vector<1x1x16xi32> to vector<16xi32>
    %swap3A_310 = vector.shape_cast %mul3A_302 : vector<16xi32> to vector<1x1x16xi32>
    tpu.vector_store %arg5[%swap3A_305, %swap3A_306, %swap3A_307], %swap3A_310 {strides = array<i32>} : memref<2x4x128xi32, #tpu.memory_space<vmem>>, vector<1x1x16xi32>,
    %get3A_311 = arith.constant 0 : i32
    %get3A_312 = arith.constant 2 : i32
    %get3A_313 = arith.index_cast %get3A_311 : i32 to index
    %get3A_314 = arith.index_cast %get3A_312 : i32 to index
    %get3A_315 = arith.constant 16 : index
    %get3A_316 = tpu.vector_load %arg5[%get3A_313, %get3A_314, %get3A_315] {strides = array<i32>} : memref<2x4x128xi32, #tpu.memory_space<vmem>>, vector<1x1x16xi32>,
    %get3A_317 = vector.shape_cast %get3A_316 : vector<1x1x16xi32> to vector<16xi32>
    %mul3A_318 = arith.constant 2 : i32
    %mul3A_319 = vector.broadcast %mul3A_318 : i32 to vector<16xi32>
    %mul3A_320 = arith.muli %get3A_317, %mul3A_319 : vector<16xi32>
    %swap3A_321 = arith.constant 0 : i32
    %swap3A_322 = arith.constant 2 : i32
    %swap3A_323 = arith.index_cast %swap3A_321 : i32 to index
    %swap3A_324 = arith.index_cast %swap3A_322 : i32 to index
    %swap3A_325 = arith.constant 16 : index
    %swap3A_326 = tpu.vector_load %arg5[%swap3A_323, %swap3A_324, %swap3A_325] {strides = array<i32>} : memref<2x4x128xi32, #tpu.memory_space<vmem>>, vector<1x1x16xi32>,
    %swap3A_327 = vector.shape_cast %swap3A_326 : vector<1x1x16xi32> to vector<16xi32>
    %swap3A_328 = vector.shape_cast %mul3A_320 : vector<16xi32> to vector<1x1x16xi32>
    tpu.vector_store %arg5[%swap3A_323, %swap3A_324, %swap3A_325], %swap3A_328 {strides = array<i32>} : memref<2x4x128xi32, #tpu.memory_space<vmem>>, vector<1x1x16xi32>,
    %get3A_329 = arith.constant 0 : i32
    %get3A_330 = arith.constant 2 : i32
    %get3A_331 = arith.index_cast %get3A_329 : i32 to index
    %get3A_332 = arith.index_cast %get3A_330 : i32 to index
    %get3A_333 = arith.constant 32 : index
    %get3A_334 = tpu.vector_load %arg5[%get3A_331, %get3A_332, %get3A_333] {strides = array<i32>} : memref<2x4x128xi32, #tpu.memory_space<vmem>>, vector<1x1x16xi32>,
    %get3A_335 = vector.shape_cast %get3A_334 : vector<1x1x16xi32> to vector<16xi32>
    %mul3A_336 = arith.constant 2 : i32
    %mul3A_337 = vector.broadcast %mul3A_336 : i32 to vector<16xi32>
    %mul3A_338 = arith.muli %get3A_335, %mul3A_337 : vector<16xi32>
    %swap3A_339 = arith.constant 0 : i32
    %swap3A_340 = arith.constant 2 : i32
    %swap3A_341 = arith.index_cast %swap3A_339 : i32 to index
    %swap3A_342 = arith.index_cast %swap3A_340 : i32 to index
    %swap3A_343 = arith.constant 32 : index
    %swap3A_344 = tpu.vector_load %arg5[%swap3A_341, %swap3A_342, %swap3A_343] {strides = array<i32>} : memref<2x4x128xi32, #tpu.memory_space<vmem>>, vector<1x1x16xi32>,
    %swap3A_345 = vector.shape_cast %swap3A_344 : vector<1x1x16xi32> to vector<16xi32>
    %swap3A_346 = vector.shape_cast %mul3A_338 : vector<16xi32> to vector<1x1x16xi32>
    tpu.vector_store %arg5[%swap3A_341, %swap3A_342, %swap3A_343], %swap3A_346 {strides = array<i32>} : memref<2x4x128xi32, #tpu.memory_space<vmem>>, vector<1x1x16xi32>,
    %get3A_347 = arith.constant 0 : i32
    %get3A_348 = arith.constant 2 : i32
    %get3A_349 = arith.index_cast %get3A_347 : i32 to index
    %get3A_350 = arith.index_cast %get3A_348 : i32 to index
    %get3A_351 = arith.constant 48 : index
    %get3A_352 = tpu.vector_load %arg5[%get3A_349, %get3A_350, %get3A_351] {strides = array<i32>} : memref<2x4x128xi32, #tpu.memory_space<vmem>>, vector<1x1x16xi32>,
    %get3A_353 = vector.shape_cast %get3A_352 : vector<1x1x16xi32> to vector<16xi32>
    %mul3A_354 = arith.constant 2 : i32
    %mul3A_355 = vector.broadcast %mul3A_354 : i32 to vector<16xi32>
    %mul3A_356 = arith.muli %get3A_353, %mul3A_355 : vector<16xi32>
    %swap3A_357 = arith.constant 0 : i32
    %swap3A_358 = arith.constant 2 : i32
    %swap3A_359 = arith.index_cast %swap3A_357 : i32 to index
    %swap3A_360 = arith.index_cast %swap3A_358 : i32 to index
    %swap3A_361 = arith.constant 48 : index
    %swap3A_362 = tpu.vector_load %arg5[%swap3A_359, %swap3A_360, %swap3A_361] {strides = array<i32>} : memref<2x4x128xi32, #tpu.memory_space<vmem>>, vector<1x1x16xi32>,
    %swap3A_363 = vector.shape_cast %swap3A_362 : vector<1x1x16xi32> to vector<16xi32>
    %swap3A_364 = vector.shape_cast %mul3A_356 : vector<16xi32> to vector<1x1x16xi32>
    tpu.vector_store %arg5[%swap3A_359, %swap3A_360, %swap3A_361], %swap3A_364 {strides = array<i32>} : memref<2x4x128xi32, #tpu.memory_space<vmem>>, vector<1x1x16xi32>,
    %get3A_365 = arith.constant 0 : i32
    %get3A_366 = arith.constant 2 : i32
    %get3A_367 = arith.index_cast %get3A_365 : i32 to index
    %get3A_368 = arith.index_cast %get3A_366 : i32 to index
    %get3A_369 = arith.constant 64 : index
    %get3A_370 = tpu.vector_load %arg5[%get3A_367, %get3A_368, %get3A_369] {strides = array<i32>} : memref<2x4x128xi32, #tpu.memory_space<vmem>>, vector<1x1x16xi32>,
    %get3A_371 = vector.shape_cast %get3A_370 : vector<1x1x16xi32> to vector<16xi32>
    %mul3A_372 = arith.constant 2 : i32
    %mul3A_373 = vector.broadcast %mul3A_372 : i32 to vector<16xi32>
    %mul3A_374 = arith.muli %get3A_371, %mul3A_373 : vector<16xi32>
    %swap3A_375 = arith.constant 0 : i32
    %swap3A_376 = arith.constant 2 : i32
    %swap3A_377 = arith.index_cast %swap3A_375 : i32 to index
    %swap3A_378 = arith.index_cast %swap3A_376 : i32 to index
    %swap3A_379 = arith.constant 64 : index
    %swap3A_380 = tpu.vector_load %arg5[%swap3A_377, %swap3A_378, %swap3A_379] {strides = array<i32>} : memref<2x4x128xi32, #tpu.memory_space<vmem>>, vector<1x1x16xi32>,
    %swap3A_381 = vector.shape_cast %swap3A_380 : vector<1x1x16xi32> to vector<16xi32>
    %swap3A_382 = vector.shape_cast %mul3A_374 : vector<16xi32> to vector<1x1x16xi32>
    tpu.vector_store %arg5[%swap3A_377, %swap3A_378, %swap3A_379], %swap3A_382 {strides = array<i32>} : memref<2x4x128xi32, #tpu.memory_space<vmem>>, vector<1x1x16xi32>,
    %get3A_383 = arith.constant 0 : i32
    %get3A_384 = arith.constant 2 : i32
    %get3A_385 = arith.index_cast %get3A_383 : i32 to index
    %get3A_386 = arith.index_cast %get3A_384 : i32 to index
    %get3A_387 = arith.constant 80 : index
    %get3A_388 = tpu.vector_load %arg5[%get3A_385, %get3A_386, %get3A_387] {strides = array<i32>} : memref<2x4x128xi32, #tpu.memory_space<vmem>>, vector<1x1x16xi32>,
    %get3A_389 = vector.shape_cast %get3A_388 : vector<1x1x16xi32> to vector<16xi32>
    %mul3A_390 = arith.constant 2 : i32
    %mul3A_391 = vector.broadcast %mul3A_390 : i32 to vector<16xi32>
    %mul3A_392 = arith.muli %get3A_389, %mul3A_391 : vector<16xi32>
    %swap3A_393 = arith.constant 0 : i32
    %swap3A_394 = arith.constant 2 : i32
    %swap3A_395 = arith.index_cast %swap3A_393 : i32 to index
    %swap3A_396 = arith.index_cast %swap3A_394 : i32 to index
    %swap3A_397 = arith.constant 80 : index
    %swap3A_398 = tpu.vector_load %arg5[%swap3A_395, %swap3A_396, %swap3A_397] {strides = array<i32>} : memref<2x4x128xi32, #tpu.memory_space<vmem>>, vector<1x1x16xi32>,
    %swap3A_399 = vector.shape_cast %swap3A_398 : vector<1x1x16xi32> to vector<16xi32>
    %swap3A_400 = vector.shape_cast %mul3A_392 : vector<16xi32> to vector<1x1x16xi32>
    tpu.vector_store %arg5[%swap3A_395, %swap3A_396, %swap3A_397], %swap3A_400 {strides = array<i32>} : memref<2x4x128xi32, #tpu.memory_space<vmem>>, vector<1x1x16xi32>,
    %get3A_401 = arith.constant 0 : i32
    %get3A_402 = arith.constant 2 : i32
    %get3A_403 = arith.index_cast %get3A_401 : i32 to index
    %get3A_404 = arith.index_cast %get3A_402 : i32 to index
    %get3A_405 = arith.constant 96 : index
    %get3A_406 = tpu.vector_load %arg5[%get3A_403, %get3A_404, %get3A_405] {strides = array<i32>} : memref<2x4x128xi32, #tpu.memory_space<vmem>>, vector<1x1x16xi32>,
    %get3A_407 = vector.shape_cast %get3A_406 : vector<1x1x16xi32> to vector<16xi32>
    %mul3A_408 = arith.constant 2 : i32
    %mul3A_409 = vector.broadcast %mul3A_408 : i32 to vector<16xi32>
    %mul3A_410 = arith.muli %get3A_407, %mul3A_409 : vector<16xi32>
    %swap3A_411 = arith.constant 0 : i32
    %swap3A_412 = arith.constant 2 : i32
    %swap3A_413 = arith.index_cast %swap3A_411 : i32 to index
    %swap3A_414 = arith.index_cast %swap3A_412 : i32 to index
    %swap3A_415 = arith.constant 96 : index
    %swap3A_416 = tpu.vector_load %arg5[%swap3A_413, %swap3A_414, %swap3A_415] {strides = array<i32>} : memref<2x4x128xi32, #tpu.memory_space<vmem>>, vector<1x1x16xi32>,
    %swap3A_417 = vector.shape_cast %swap3A_416 : vector<1x1x16xi32> to vector<16xi32>
    %swap3A_418 = vector.shape_cast %mul3A_410 : vector<16xi32> to vector<1x1x16xi32>
    tpu.vector_store %arg5[%swap3A_413, %swap3A_414, %swap3A_415], %swap3A_418 {strides = array<i32>} : memref<2x4x128xi32, #tpu.memory_space<vmem>>, vector<1x1x16xi32>,
    %get3A_419 = arith.constant 0 : i32
    %get3A_420 = arith.constant 2 : i32
    %get3A_421 = arith.index_cast %get3A_419 : i32 to index
    %get3A_422 = arith.index_cast %get3A_420 : i32 to index
    %get3A_423 = arith.constant 112 : index
    %get3A_424 = tpu.vector_load %arg5[%get3A_421, %get3A_422, %get3A_423] {strides = array<i32>} : memref<2x4x128xi32, #tpu.memory_space<vmem>>, vector<1x1x16xi32>,
    %get3A_425 = vector.shape_cast %get3A_424 : vector<1x1x16xi32> to vector<16xi32>
    %mul3A_426 = arith.constant 2 : i32
    %mul3A_427 = vector.broadcast %mul3A_426 : i32 to vector<16xi32>
    %mul3A_428 = arith.muli %get3A_425, %mul3A_427 : vector<16xi32>
    %swap3A_429 = arith.constant 0 : i32
    %swap3A_430 = arith.constant 2 : i32
    %swap3A_431 = arith.index_cast %swap3A_429 : i32 to index
    %swap3A_432 = arith.index_cast %swap3A_430 : i32 to index
    %swap3A_433 = arith.constant 112 : index
    %swap3A_434 = tpu.vector_load %arg5[%swap3A_431, %swap3A_432, %swap3A_433] {strides = array<i32>} : memref<2x4x128xi32, #tpu.memory_space<vmem>>, vector<1x1x16xi32>,
    %swap3A_435 = vector.shape_cast %swap3A_434 : vector<1x1x16xi32> to vector<16xi32>
    %swap3A_436 = vector.shape_cast %mul3A_428 : vector<16xi32> to vector<1x1x16xi32>
    tpu.vector_store %arg5[%swap3A_431, %swap3A_432, %swap3A_433], %swap3A_436 {strides = array<i32>} : memref<2x4x128xi32, #tpu.memory_space<vmem>>, vector<1x1x16xi32>,
    %get3A_437 = arith.constant 0 : i32
    %get3A_438 = arith.constant 3 : i32
    %get3A_439 = arith.index_cast %get3A_437 : i32 to index
    %get3A_440 = arith.index_cast %get3A_438 : i32 to index
    %get3A_441 = arith.constant 0 : index
    %get3A_442 = tpu.vector_load %arg5[%get3A_439, %get3A_440, %get3A_441] {strides = array<i32>} : memref<2x4x128xi32, #tpu.memory_space<vmem>>, vector<1x1x16xi32>,
    %get3A_443 = vector.shape_cast %get3A_442 : vector<1x1x16xi32> to vector<16xi32>
    %mul3A_444 = arith.constant 2 : i32
    %mul3A_445 = vector.broadcast %mul3A_444 : i32 to vector<16xi32>
    %mul3A_446 = arith.muli %get3A_443, %mul3A_445 : vector<16xi32>
    %swap3A_447 = arith.constant 0 : i32
    %swap3A_448 = arith.constant 3 : i32
    %swap3A_449 = arith.index_cast %swap3A_447 : i32 to index
    %swap3A_450 = arith.index_cast %swap3A_448 : i32 to index
    %swap3A_451 = arith.constant 0 : index
    %swap3A_452 = tpu.vector_load %arg5[%swap3A_449, %swap3A_450, %swap3A_451] {strides = array<i32>} : memref<2x4x128xi32, #tpu.memory_space<vmem>>, vector<1x1x16xi32>,
    %swap3A_453 = vector.shape_cast %swap3A_452 : vector<1x1x16xi32> to vector<16xi32>
    %swap3A_454 = vector.shape_cast %mul3A_446 : vector<16xi32> to vector<1x1x16xi32>
    tpu.vector_store %arg5[%swap3A_449, %swap3A_450, %swap3A_451], %swap3A_454 {strides = array<i32>} : memref<2x4x128xi32, #tpu.memory_space<vmem>>, vector<1x1x16xi32>,
    %get3A_455 = arith.constant 0 : i32
    %get3A_456 = arith.constant 3 : i32
    %get3A_457 = arith.index_cast %get3A_455 : i32 to index
    %get3A_458 = arith.index_cast %get3A_456 : i32 to index
    %get3A_459 = arith.constant 16 : index
    %get3A_460 = tpu.vector_load %arg5[%get3A_457, %get3A_458, %get3A_459] {strides = array<i32>} : memref<2x4x128xi32, #tpu.memory_space<vmem>>, vector<1x1x16xi32>,
    %get3A_461 = vector.shape_cast %get3A_460 : vector<1x1x16xi32> to vector<16xi32>
    %mul3A_462 = arith.constant 2 : i32
    %mul3A_463 = vector.broadcast %mul3A_462 : i32 to vector<16xi32>
    %mul3A_464 = arith.muli %get3A_461, %mul3A_463 : vector<16xi32>
    %swap3A_465 = arith.constant 0 : i32
    %swap3A_466 = arith.constant 3 : i32
    %swap3A_467 = arith.index_cast %swap3A_465 : i32 to index
    %swap3A_468 = arith.index_cast %swap3A_466 : i32 to index
    %swap3A_469 = arith.constant 16 : index
    %swap3A_470 = tpu.vector_load %arg5[%swap3A_467, %swap3A_468, %swap3A_469] {strides = array<i32>} : memref<2x4x128xi32, #tpu.memory_space<vmem>>, vector<1x1x16xi32>,
    %swap3A_471 = vector.shape_cast %swap3A_470 : vector<1x1x16xi32> to vector<16xi32>
    %swap3A_472 = vector.shape_cast %mul3A_464 : vector<16xi32> to vector<1x1x16xi32>
    tpu.vector_store %arg5[%swap3A_467, %swap3A_468, %swap3A_469], %swap3A_472 {strides = array<i32>} : memref<2x4x128xi32, #tpu.memory_space<vmem>>, vector<1x1x16xi32>,
    %get3A_473 = arith.constant 0 : i32
    %get3A_474 = arith.constant 3 : i32
    %get3A_475 = arith.index_cast %get3A_473 : i32 to index
    %get3A_476 = arith.index_cast %get3A_474 : i32 to index
    %get3A_477 = arith.constant 32 : index
    %get3A_478 = tpu.vector_load %arg5[%get3A_475, %get3A_476, %get3A_477] {strides = array<i32>} : memref<2x4x128xi32, #tpu.memory_space<vmem>>, vector<1x1x16xi32>,
    %get3A_479 = vector.shape_cast %get3A_478 : vector<1x1x16xi32> to vector<16xi32>
    %mul3A_480 = arith.constant 2 : i32
    %mul3A_481 = vector.broadcast %mul3A_480 : i32 to vector<16xi32>
    %mul3A_482 = arith.muli %get3A_479, %mul3A_481 : vector<16xi32>
    %swap3A_483 = arith.constant 0 : i32
    %swap3A_484 = arith.constant 3 : i32
    %swap3A_485 = arith.index_cast %swap3A_483 : i32 to index
    %swap3A_486 = arith.index_cast %swap3A_484 : i32 to index
    %swap3A_487 = arith.constant 32 : index
    %swap3A_488 = tpu.vector_load %arg5[%swap3A_485, %swap3A_486, %swap3A_487] {strides = array<i32>} : memref<2x4x128xi32, #tpu.memory_space<vmem>>, vector<1x1x16xi32>,
    %swap3A_489 = vector.shape_cast %swap3A_488 : vector<1x1x16xi32> to vector<16xi32>
    %swap3A_490 = vector.shape_cast %mul3A_482 : vector<16xi32> to vector<1x1x16xi32>
    tpu.vector_store %arg5[%swap3A_485, %swap3A_486, %swap3A_487], %swap3A_490 {strides = array<i32>} : memref<2x4x128xi32, #tpu.memory_space<vmem>>, vector<1x1x16xi32>,
    %get3A_491 = arith.constant 0 : i32
    %get3A_492 = arith.constant 3 : i32
    %get3A_493 = arith.index_cast %get3A_491 : i32 to index
    %get3A_494 = arith.index_cast %get3A_492 : i32 to index
    %get3A_495 = arith.constant 48 : index
    %get3A_496 = tpu.vector_load %arg5[%get3A_493, %get3A_494, %get3A_495] {strides = array<i32>} : memref<2x4x128xi32, #tpu.memory_space<vmem>>, vector<1x1x16xi32>,
    %get3A_497 = vector.shape_cast %get3A_496 : vector<1x1x16xi32> to vector<16xi32>
    %mul3A_498 = arith.constant 2 : i32
    %mul3A_499 = vector.broadcast %mul3A_498 : i32 to vector<16xi32>
    %mul3A_500 = arith.muli %get3A_497, %mul3A_499 : vector<16xi32>
    %swap3A_501 = arith.constant 0 : i32
    %swap3A_502 = arith.constant 3 : i32
    %swap3A_503 = arith.index_cast %swap3A_501 : i32 to index
    %swap3A_504 = arith.index_cast %swap3A_502 : i32 to index
    %swap3A_505 = arith.constant 48 : index
    %swap3A_506 = tpu.vector_load %arg5[%swap3A_503, %swap3A_504, %swap3A_505] {strides = array<i32>} : memref<2x4x128xi32, #tpu.memory_space<vmem>>, vector<1x1x16xi32>,
    %swap3A_507 = vector.shape_cast %swap3A_506 : vector<1x1x16xi32> to vector<16xi32>
    %swap3A_508 = vector.shape_cast %mul3A_500 : vector<16xi32> to vector<1x1x16xi32>
    tpu.vector_store %arg5[%swap3A_503, %swap3A_504, %swap3A_505], %swap3A_508 {strides = array<i32>} : memref<2x4x128xi32, #tpu.memory_space<vmem>>, vector<1x1x16xi32>,
    %get3A_509 = arith.constant 0 : i32
    %get3A_510 = arith.constant 3 : i32
    %get3A_511 = arith.index_cast %get3A_509 : i32 to index
    %get3A_512 = arith.index_cast %get3A_510 : i32 to index
    %get3A_513 = arith.constant 64 : index
    %get3A_514 = tpu.vector_load %arg5[%get3A_511, %get3A_512, %get3A_513] {strides = array<i32>} : memref<2x4x128xi32, #tpu.memory_space<vmem>>, vector<1x1x16xi32>,
    %get3A_515 = vector.shape_cast %get3A_514 : vector<1x1x16xi32> to vector<16xi32>
    %mul3A_516 = arith.constant 2 : i32
    %mul3A_517 = vector.broadcast %mul3A_516 : i32 to vector<16xi32>
    %mul3A_518 = arith.muli %get3A_515, %mul3A_517 : vector<16xi32>
    %swap3A_519 = arith.constant 0 : i32
    %swap3A_520 = arith.constant 3 : i32
    %swap3A_521 = arith.index_cast %swap3A_519 : i32 to index
    %swap3A_522 = arith.index_cast %swap3A_520 : i32 to index
    %swap3A_523 = arith.constant 64 : index
    %swap3A_524 = tpu.vector_load %arg5[%swap3A_521, %swap3A_522, %swap3A_523] {strides = array<i32>} : memref<2x4x128xi32, #tpu.memory_space<vmem>>, vector<1x1x16xi32>,
    %swap3A_525 = vector.shape_cast %swap3A_524 : vector<1x1x16xi32> to vector<16xi32>
    %swap3A_526 = vector.shape_cast %mul3A_518 : vector<16xi32> to vector<1x1x16xi32>
    tpu.vector_store %arg5[%swap3A_521, %swap3A_522, %swap3A_523], %swap3A_526 {strides = array<i32>} : memref<2x4x128xi32, #tpu.memory_space<vmem>>, vector<1x1x16xi32>,
    %get3A_527 = arith.constant 0 : i32
    %get3A_528 = arith.constant 3 : i32
    %get3A_529 = arith.index_cast %get3A_527 : i32 to index
    %get3A_530 = arith.index_cast %get3A_528 : i32 to index
    %get3A_531 = arith.constant 80 : index
    %get3A_532 = tpu.vector_load %arg5[%get3A_529, %get3A_530, %get3A_531] {strides = array<i32>} : memref<2x4x128xi32, #tpu.memory_space<vmem>>, vector<1x1x16xi32>,
    %get3A_533 = vector.shape_cast %get3A_532 : vector<1x1x16xi32> to vector<16xi32>
    %mul3A_534 = arith.constant 2 : i32
    %mul3A_535 = vector.broadcast %mul3A_534 : i32 to vector<16xi32>
    %mul3A_536 = arith.muli %get3A_533, %mul3A_535 : vector<16xi32>
    %swap3A_537 = arith.constant 0 : i32
    %swap3A_538 = arith.constant 3 : i32
    %swap3A_539 = arith.index_cast %swap3A_537 : i32 to index
    %swap3A_540 = arith.index_cast %swap3A_538 : i32 to index
    %swap3A_541 = arith.constant 80 : index
    %swap3A_542 = tpu.vector_load %arg5[%swap3A_539, %swap3A_540, %swap3A_541] {strides = array<i32>} : memref<2x4x128xi32, #tpu.memory_space<vmem>>, vector<1x1x16xi32>,
    %swap3A_543 = vector.shape_cast %swap3A_542 : vector<1x1x16xi32> to vector<16xi32>
    %swap3A_544 = vector.shape_cast %mul3A_536 : vector<16xi32> to vector<1x1x16xi32>
    tpu.vector_store %arg5[%swap3A_539, %swap3A_540, %swap3A_541], %swap3A_544 {strides = array<i32>} : memref<2x4x128xi32, #tpu.memory_space<vmem>>, vector<1x1x16xi32>,
    %get3A_545 = arith.constant 0 : i32
    %get3A_546 = arith.constant 3 : i32
    %get3A_547 = arith.index_cast %get3A_545 : i32 to index
    %get3A_548 = arith.index_cast %get3A_546 : i32 to index
    %get3A_549 = arith.constant 96 : index
    %get3A_550 = tpu.vector_load %arg5[%get3A_547, %get3A_548, %get3A_549] {strides = array<i32>} : memref<2x4x128xi32, #tpu.memory_space<vmem>>, vector<1x1x16xi32>,
    %get3A_551 = vector.shape_cast %get3A_550 : vector<1x1x16xi32> to vector<16xi32>
    %mul3A_552 = arith.constant 2 : i32
    %mul3A_553 = vector.broadcast %mul3A_552 : i32 to vector<16xi32>
    %mul3A_554 = arith.muli %get3A_551, %mul3A_553 : vector<16xi32>
    %swap3A_555 = arith.constant 0 : i32
    %swap3A_556 = arith.constant 3 : i32
    %swap3A_557 = arith.index_cast %swap3A_555 : i32 to index
    %swap3A_558 = arith.index_cast %swap3A_556 : i32 to index
    %swap3A_559 = arith.constant 96 : index
    %swap3A_560 = tpu.vector_load %arg5[%swap3A_557, %swap3A_558, %swap3A_559] {strides = array<i32>} : memref<2x4x128xi32, #tpu.memory_space<vmem>>, vector<1x1x16xi32>,
    %swap3A_561 = vector.shape_cast %swap3A_560 : vector<1x1x16xi32> to vector<16xi32>
    %swap3A_562 = vector.shape_cast %mul3A_554 : vector<16xi32> to vector<1x1x16xi32>
    tpu.vector_store %arg5[%swap3A_557, %swap3A_558, %swap3A_559], %swap3A_562 {strides = array<i32>} : memref<2x4x128xi32, #tpu.memory_space<vmem>>, vector<1x1x16xi32>,
    %get3A_563 = arith.constant 0 : i32
    %get3A_564 = arith.constant 3 : i32
    %get3A_565 = arith.index_cast %get3A_563 : i32 to index
    %get3A_566 = arith.index_cast %get3A_564 : i32 to index
    %get3A_567 = arith.constant 112 : index
    %get3A_568 = tpu.vector_load %arg5[%get3A_565, %get3A_566, %get3A_567] {strides = array<i32>} : memref<2x4x128xi32, #tpu.memory_space<vmem>>, vector<1x1x16xi32>,
    %get3A_569 = vector.shape_cast %get3A_568 : vector<1x1x16xi32> to vector<16xi32>
    %mul3A_570 = arith.constant 2 : i32
    %mul3A_571 = vector.broadcast %mul3A_570 : i32 to vector<16xi32>
    %mul3A_572 = arith.muli %get3A_569, %mul3A_571 : vector<16xi32>
    %swap3A_573 = arith.constant 0 : i32
    %swap3A_574 = arith.constant 3 : i32
    %swap3A_575 = arith.index_cast %swap3A_573 : i32 to index
    %swap3A_576 = arith.index_cast %swap3A_574 : i32 to index
    %swap3A_577 = arith.constant 112 : index
    %swap3A_578 = tpu.vector_load %arg5[%swap3A_575, %swap3A_576, %swap3A_577] {strides = array<i32>} : memref<2x4x128xi32, #tpu.memory_space<vmem>>, vector<1x1x16xi32>,
    %swap3A_579 = vector.shape_cast %swap3A_578 : vector<1x1x16xi32> to vector<16xi32>
    %swap3A_580 = vector.shape_cast %mul3A_572 : vector<16xi32> to vector<1x1x16xi32>
    tpu.vector_store %arg5[%swap3A_575, %swap3A_576, %swap3A_577], %swap3A_580 {strides = array<i32>} : memref<2x4x128xi32, #tpu.memory_space<vmem>>, vector<1x1x16xi32>,
    %dma_start3A = arith.constant 0 : i32
    %dma_start3A_581 = arith.constant 0 : i32
    %dma_start3A_582 = arith.constant 0 : i32
    %dma_start3A_583 = arith.constant 0 : i32
    %dma_start3A_584 = arith.constant 0 : i32
    %dma_start3A_585 = tpu.memref_slice %arg6[%dma_start3A_582, %dma_start3A_583, %dma_start3A_584] : memref<2x512x64xf32, #tpu.memory_space<vmem>> -> memref<1x128x64xf32, #tpu.memory_space<vmem>>
    %dma_start3A_586 = tpu.memref_squeeze %dma_start3A_585 : memref<1x128x64xf32, #tpu.memory_space<vmem>> -> memref<128x64xf32, #tpu.memory_space<vmem>>
    %dma_start3A_587 = arith.constant 0 : i32
    %dma_start3A_588 = tpu.memref_slice %arg5[%dma_start3A, %dma_start3A_581, %dma_start3A_587] : memref<2x4x128xi32, #tpu.memory_space<vmem>> -> memref<1x1x128xi32, #tpu.memory_space<vmem>>
    %dma_start3A_589 = tpu.memref_squeeze %dma_start3A_588 : memref<1x1x128xi32, #tpu.memory_space<vmem>> -> memref<128xi32, #tpu.memory_space<vmem>>
    %dma_start3A_590 = arith.constant 0 : i32
    %dma_start3A_591 = arith.constant 0 : i32
    %dma_start3A_592 = tpu.memref_slice %arg3[%dma_start3A_590, %dma_start3A_591] : memref<2000000x64xf32, #tpu.memory_space<hbm>> -> memref<2000000x64xf32, #tpu.memory_space<hbm>>
    tpu.enqueue_indirect_dma source(%dma_start3A_592 : memref<2000000x64xf32, #tpu.memory_space<hbm>>) target(%dma_start3A_586 : memref<128x64xf32, #tpu.memory_space<vmem>>) offsets(%dma_start3A_589 : memref<128xi32, #tpu.memory_space<vmem>>) semaphore(%arg7 : memref<!tpu.dma_semaphore, #tpu.memory_space<semaphore_mem>>)
    %dma_start3A_593 = arith.constant 0 : i32
    %dma_start3A_594 = arith.constant 1 : i32
    %dma_start3A_595 = arith.constant 0 : i32
    %dma_start3A_596 = arith.constant 128 : i32
    %dma_start3A_597 = arith.constant 0 : i32
    %dma_start3A_598 = tpu.memref_slice %arg6[%dma_start3A_595, %dma_start3A_596, %dma_start3A_597] : memref<2x512x64xf32, #tpu.memory_space<vmem>> -> memref<1x128x64xf32, #tpu.memory_space<vmem>>
    %dma_start3A_599 = tpu.memref_squeeze %dma_start3A_598 : memref<1x128x64xf32, #tpu.memory_space<vmem>> -> memref<128x64xf32, #tpu.memory_space<vmem>>
    %dma_start3A_600 = arith.constant 0 : i32
    %dma_start3A_601 = tpu.memref_slice %arg5[%dma_start3A_593, %dma_start3A_594, %dma_start3A_600] : memref<2x4x128xi32, #tpu.memory_space<vmem>> -> memref<1x1x128xi32, #tpu.memory_space<vmem>>
    %dma_start3A_602 = tpu.memref_squeeze %dma_start3A_601 : memref<1x1x128xi32, #tpu.memory_space<vmem>> -> memref<128xi32, #tpu.memory_space<vmem>>
    %dma_start3A_603 = arith.constant 0 : i32
    %dma_start3A_604 = arith.constant 0 : i32
    %dma_start3A_605 = tpu.memref_slice %arg3[%dma_start3A_603, %dma_start3A_604] : memref<2000000x64xf32, #tpu.memory_space<hbm>> -> memref<2000000x64xf32, #tpu.memory_space<hbm>>
    tpu.enqueue_indirect_dma source(%dma_start3A_605 : memref<2000000x64xf32, #tpu.memory_space<hbm>>) target(%dma_start3A_599 : memref<128x64xf32, #tpu.memory_space<vmem>>) offsets(%dma_start3A_602 : memref<128xi32, #tpu.memory_space<vmem>>) semaphore(%arg7 : memref<!tpu.dma_semaphore, #tpu.memory_space<semaphore_mem>>)
    %dma_start3A_606 = arith.constant 0 : i32
    %dma_start3A_607 = arith.constant 2 : i32
    %dma_start3A_608 = arith.constant 0 : i32
    %dma_start3A_609 = arith.constant 256 : i32
    %dma_start3A_610 = arith.constant 0 : i32
    %dma_start3A_611 = tpu.memref_slice %arg6[%dma_start3A_608, %dma_start3A_609, %dma_start3A_610] : memref<2x512x64xf32, #tpu.memory_space<vmem>> -> memref<1x128x64xf32, #tpu.memory_space<vmem>>
    %dma_start3A_612 = tpu.memref_squeeze %dma_start3A_611 : memref<1x128x64xf32, #tpu.memory_space<vmem>> -> memref<128x64xf32, #tpu.memory_space<vmem>>
    %dma_start3A_613 = arith.constant 0 : i32
    %dma_start3A_614 = tpu.memref_slice %arg5[%dma_start3A_606, %dma_start3A_607, %dma_start3A_613] : memref<2x4x128xi32, #tpu.memory_space<vmem>> -> memref<1x1x128xi32, #tpu.memory_space<vmem>>
    %dma_start3A_615 = tpu.memref_squeeze %dma_start3A_614 : memref<1x1x128xi32, #tpu.memory_space<vmem>> -> memref<128xi32, #tpu.memory_space<vmem>>
    %dma_start3A_616 = arith.constant 0 : i32
    %dma_start3A_617 = arith.constant 0 : i32
    %dma_start3A_618 = tpu.memref_slice %arg3[%dma_start3A_616, %dma_start3A_617] : memref<2000000x64xf32, #tpu.memory_space<hbm>> -> memref<2000000x64xf32, #tpu.memory_space<hbm>>
    tpu.enqueue_indirect_dma source(%dma_start3A_618 : memref<2000000x64xf32, #tpu.memory_space<hbm>>) target(%dma_start3A_612 : memref<128x64xf32, #tpu.memory_space<vmem>>) offsets(%dma_start3A_615 : memref<128xi32, #tpu.memory_space<vmem>>) semaphore(%arg7 : memref<!tpu.dma_semaphore, #tpu.memory_space<semaphore_mem>>)
    %dma_start3A_619 = arith.constant 0 : i32
    %dma_start3A_620 = arith.constant 3 : i32
    %dma_start3A_621 = arith.constant 0 : i32
    %dma_start3A_622 = arith.constant 384 : i32
    %dma_start3A_623 = arith.constant 0 : i32
    %dma_start3A_624 = tpu.memref_slice %arg6[%dma_start3A_621, %dma_start3A_622, %dma_start3A_623] : memref<2x512x64xf32, #tpu.memory_space<vmem>> -> memref<1x128x64xf32, #tpu.memory_space<vmem>>
    %dma_start3A_625 = tpu.memref_squeeze %dma_start3A_624 : memref<1x128x64xf32, #tpu.memory_space<vmem>> -> memref<128x64xf32, #tpu.memory_space<vmem>>
    %dma_start3A_626 = arith.constant 0 : i32
    %dma_start3A_627 = tpu.memref_slice %arg5[%dma_start3A_619, %dma_start3A_620, %dma_start3A_626] : memref<2x4x128xi32, #tpu.memory_space<vmem>> -> memref<1x1x128xi32, #tpu.memory_space<vmem>>
    %dma_start3A_628 = tpu.memref_squeeze %dma_start3A_627 : memref<1x1x128xi32, #tpu.memory_space<vmem>> -> memref<128xi32, #tpu.memory_space<vmem>>
    %dma_start3A_629 = arith.constant 0 : i32
    %dma_start3A_630 = arith.constant 0 : i32
    %dma_start3A_631 = tpu.memref_slice %arg3[%dma_start3A_629, %dma_start3A_630] : memref<2000000x64xf32, #tpu.memory_space<hbm>> -> memref<2000000x64xf32, #tpu.memory_space<hbm>>
    tpu.enqueue_indirect_dma source(%dma_start3A_631 : memref<2000000x64xf32, #tpu.memory_space<hbm>>) target(%dma_start3A_625 : memref<128x64xf32, #tpu.memory_space<vmem>>) offsets(%dma_start3A_628 : memref<128xi32, #tpu.memory_space<vmem>>) semaphore(%arg7 : memref<!tpu.dma_semaphore, #tpu.memory_space<semaphore_mem>>)
    %add3A_632 = arith.constant 4 : i32
    %add3A_633 = arith.addi %mul3A_4, %add3A_632 : i32
    %run_scoped3A_634 = arith.constant 1 : i32
    "tpu.region"() ({
      %run_scoped3A_1444 = tpu.sem_alloc : memref<!tpu.dma_semaphore, #tpu.memory_space<semaphore_mem>>
      %dma_start3A_1445 = arith.constant 0 : i32
      %dma_start3A_1446 = arith.constant 0 : i32
      %dma_start3A_1447 = tpu.memref_slice %arg5[%run_scoped3A_634, %dma_start3A_1445, %dma_start3A_1446] : memref<2x4x128xi32, #tpu.memory_space<vmem>> -> memref<1x4x128xi32, #tpu.memory_space<vmem>>
      %dma_start3A_1448 = tpu.memref_squeeze %dma_start3A_1447 : memref<1x4x128xi32, #tpu.memory_space<vmem>> -> memref<4x128xi32, #tpu.memory_space<vmem>>
      %dma_start3A_1449 = arith.constant 0 : i32
      %dma_start3A_1450 = tpu.memref_slice %arg2[%add3A_633, %dma_start3A_1449] : memref<6400x128xi32, #tpu.memory_space<hbm>> -> memref<4x128xi32, #tpu.memory_space<hbm>>
      %dma_start3A_1451 = arith.constant 0 : i32
      %dma_start3A_1452 = arith.constant 0 : i32
      %dma_start3A_1453 = tpu.memref_slice %arg5[%run_scoped3A_634, %dma_start3A_1451, %dma_start3A_1452] : memref<2x4x128xi32, #tpu.memory_space<vmem>> -> memref<1x4x128xi32, #tpu.memory_space<vmem>>
      %dma_start3A_1454 = tpu.memref_squeeze %dma_start3A_1453 : memref<1x4x128xi32, #tpu.memory_space<vmem>> -> memref<4x128xi32, #tpu.memory_space<vmem>>
      %dma_start3A_1455 = arith.constant 0 : i32
      %dma_start3A_1456 = tpu.memref_slice %arg2[%add3A_633, %dma_start3A_1455] : memref<6400x128xi32, #tpu.memory_space<hbm>> -> memref<4x128xi32, #tpu.memory_space<hbm>>
      tpu.enqueue_dma source(%dma_start3A_1456 : memref<4x128xi32, #tpu.memory_space<hbm>>) target(%dma_start3A_1454 : memref<4x128xi32, #tpu.memory_space<vmem>>) target_semaphore(%run_scoped3A_1444 : memref<!tpu.dma_semaphore, #tpu.memory_space<semaphore_mem>>)
      %dma_wait3A_1457 = arith.constant 0 : i32
      %dma_wait3A_1458 = arith.constant 0 : i32
      %dma_wait3A_1459 = tpu.memref_slice %arg5[%run_scoped3A_634, %dma_wait3A_1457, %dma_wait3A_1458] : memref<2x4x128xi32, #tpu.memory_space<vmem>> -> memref<1x4x128xi32, #tpu.memory_space<vmem>>
      %dma_wait3A_1460 = tpu.memref_squeeze %dma_wait3A_1459 : memref<1x4x128xi32, #tpu.memory_space<vmem>> -> memref<4x128xi32, #tpu.memory_space<vmem>>
      %dma_wait3A_1461 = arith.constant 0 : i32
      %dma_wait3A_1462 = tpu.memref_slice %arg2[%add3A_633, %dma_wait3A_1461] : memref<6400x128xi32, #tpu.memory_space<hbm>> -> memref<4x128xi32, #tpu.memory_space<hbm>>
      %dma_wait3A_1463 = arith.constant 0 : i32
      %dma_wait3A_1464 = arith.constant 0 : i32
      %dma_wait3A_1465 = tpu.memref_slice %arg5[%run_scoped3A_634, %dma_wait3A_1463, %dma_wait3A_1464] : memref<2x4x128xi32, #tpu.memory_space<vmem>> -> memref<1x4x128xi32, #tpu.memory_space<vmem>>
      %dma_wait3A_1466 = tpu.memref_squeeze %dma_wait3A_1465 : memref<1x4x128xi32, #tpu.memory_space<vmem>> -> memref<4x128xi32, #tpu.memory_space<vmem>>
      %dma_wait3A_1467 = arith.constant 0 : i32
      %dma_wait3A_1468 = tpu.memref_slice %arg2[%add3A_633, %dma_wait3A_1467] : memref<6400x128xi32, #tpu.memory_space<hbm>> -> memref<4x128xi32, #tpu.memory_space<hbm>>
      tpu.wait_dma2 semaphore(%run_scoped3A_1444 : memref<!tpu.dma_semaphore, #tpu.memory_space<semaphore_mem>>) src(%dma_wait3A_1468 : memref<4x128xi32, #tpu.memory_space<hbm>>) dst(%dma_wait3A_1466 : memref<4x128xi32, #tpu.memory_space<vmem>>)
      tpu.yield
    }) : () -> ()
    %get3A_635 = arith.constant 1 : i32
    %get3A_636 = arith.constant 0 : i32
    %get3A_637 = arith.index_cast %get3A_635 : i32 to index
    %get3A_638 = arith.index_cast %get3A_636 : i32 to index
    %get3A_639 = arith.constant 0 : index
    %get3A_640 = tpu.vector_load %arg5[%get3A_637, %get3A_638, %get3A_639] {strides = array<i32>} : memref<2x4x128xi32, #tpu.memory_space<vmem>>, vector<1x1x16xi32>,
    %get3A_641 = vector.shape_cast %get3A_640 : vector<1x1x16xi32> to vector<16xi32>
    %mul3A_642 = arith.constant 2 : i32
    %mul3A_643 = vector.broadcast %mul3A_642 : i32 to vector<16xi32>
    %mul3A_644 = arith.muli %get3A_641, %mul3A_643 : vector<16xi32>
    %swap3A_645 = arith.constant 1 : i32
    %swap3A_646 = arith.constant 0 : i32
    %swap3A_647 = arith.index_cast %swap3A_645 : i32 to index
    %swap3A_648 = arith.index_cast %swap3A_646 : i32 to index
    %swap3A_649 = arith.constant 0 : index
    %swap3A_650 = tpu.vector_load %arg5[%swap3A_647, %swap3A_648, %swap3A_649] {strides = array<i32>} : memref<2x4x128xi32, #tpu.memory_space<vmem>>, vector<1x1x16xi32>,
    %swap3A_651 = vector.shape_cast %swap3A_650 : vector<1x1x16xi32> to vector<16xi32>
    %swap3A_652 = vector.shape_cast %mul3A_644 : vector<16xi32> to vector<1x1x16xi32>
    tpu.vector_store %arg5[%swap3A_647, %swap3A_648, %swap3A_649], %swap3A_652 {strides = array<i32>} : memref<2x4x128xi32, #tpu.memory_space<vmem>>, vector<1x1x16xi32>,
    %get3A_653 = arith.constant 1 : i32
    %get3A_654 = arith.constant 0 : i32
    %get3A_655 = arith.index_cast %get3A_653 : i32 to index
    %get3A_656 = arith.index_cast %get3A_654 : i32 to index
    %get3A_657 = arith.constant 16 : index
    %get3A_658 = tpu.vector_load %arg5[%get3A_655, %get3A_656, %get3A_657] {strides = array<i32>} : memref<2x4x128xi32, #tpu.memory_space<vmem>>, vector<1x1x16xi32>,
    %get3A_659 = vector.shape_cast %get3A_658 : vector<1x1x16xi32> to vector<16xi32>
    %mul3A_660 = arith.constant 2 : i32
    %mul3A_661 = vector.broadcast %mul3A_660 : i32 to vector<16xi32>
    %mul3A_662 = arith.muli %get3A_659, %mul3A_661 : vector<16xi32>
    %swap3A_663 = arith.constant 1 : i32
    %swap3A_664 = arith.constant 0 : i32
    %swap3A_665 = arith.index_cast %swap3A_663 : i32 to index
    %swap3A_666 = arith.index_cast %swap3A_664 : i32 to index
    %swap3A_667 = arith.constant 16 : index
    %swap3A_668 = tpu.vector_load %arg5[%swap3A_665, %swap3A_666, %swap3A_667] {strides = array<i32>} : memref<2x4x128xi32, #tpu.memory_space<vmem>>, vector<1x1x16xi32>,
    %swap3A_669 = vector.shape_cast %swap3A_668 : vector<1x1x16xi32> to vector<16xi32>
    %swap3A_670 = vector.shape_cast %mul3A_662 : vector<16xi32> to vector<1x1x16xi32>
    tpu.vector_store %arg5[%swap3A_665, %swap3A_666, %swap3A_667], %swap3A_670 {strides = array<i32>} : memref<2x4x128xi32, #tpu.memory_space<vmem>>, vector<1x1x16xi32>,
    %get3A_671 = arith.constant 1 : i32
    %get3A_672 = arith.constant 0 : i32
    %get3A_673 = arith.index_cast %get3A_671 : i32 to index
    %get3A_674 = arith.index_cast %get3A_672 : i32 to index
    %get3A_675 = arith.constant 32 : index
    %get3A_676 = tpu.vector_load %arg5[%get3A_673, %get3A_674, %get3A_675] {strides = array<i32>} : memref<2x4x128xi32, #tpu.memory_space<vmem>>, vector<1x1x16xi32>,
    %get3A_677 = vector.shape_cast %get3A_676 : vector<1x1x16xi32> to vector<16xi32>
    %mul3A_678 = arith.constant 2 : i32
    %mul3A_679 = vector.broadcast %mul3A_678 : i32 to vector<16xi32>
    %mul3A_680 = arith.muli %get3A_677, %mul3A_679 : vector<16xi32>
    %swap3A_681 = arith.constant 1 : i32
    %swap3A_682 = arith.constant 0 : i32
    %swap3A_683 = arith.index_cast %swap3A_681 : i32 to index
    %swap3A_684 = arith.index_cast %swap3A_682 : i32 to index
    %swap3A_685 = arith.constant 32 : index
    %swap3A_686 = tpu.vector_load %arg5[%swap3A_683, %swap3A_684, %swap3A_685] {strides = array<i32>} : memref<2x4x128xi32, #tpu.memory_space<vmem>>, vector<1x1x16xi32>,
    %swap3A_687 = vector.shape_cast %swap3A_686 : vector<1x1x16xi32> to vector<16xi32>
    %swap3A_688 = vector.shape_cast %mul3A_680 : vector<16xi32> to vector<1x1x16xi32>
    tpu.vector_store %arg5[%swap3A_683, %swap3A_684, %swap3A_685], %swap3A_688 {strides = array<i32>} : memref<2x4x128xi32, #tpu.memory_space<vmem>>, vector<1x1x16xi32>,
    %get3A_689 = arith.constant 1 : i32
    %get3A_690 = arith.constant 0 : i32
    %get3A_691 = arith.index_cast %get3A_689 : i32 to index
    %get3A_692 = arith.index_cast %get3A_690 : i32 to index
    %get3A_693 = arith.constant 48 : index
    %get3A_694 = tpu.vector_load %arg5[%get3A_691, %get3A_692, %get3A_693] {strides = array<i32>} : memref<2x4x128xi32, #tpu.memory_space<vmem>>, vector<1x1x16xi32>,
    %get3A_695 = vector.shape_cast %get3A_694 : vector<1x1x16xi32> to vector<16xi32>
    %mul3A_696 = arith.constant 2 : i32
    %mul3A_697 = vector.broadcast %mul3A_696 : i32 to vector<16xi32>
    %mul3A_698 = arith.muli %get3A_695, %mul3A_697 : vector<16xi32>
    %swap3A_699 = arith.constant 1 : i32
    %swap3A_700 = arith.constant 0 : i32
    %swap3A_701 = arith.index_cast %swap3A_699 : i32 to index
    %swap3A_702 = arith.index_cast %swap3A_700 : i32 to index
    %swap3A_703 = arith.constant 48 : index
    %swap3A_704 = tpu.vector_load %arg5[%swap3A_701, %swap3A_702, %swap3A_703] {strides = array<i32>} : memref<2x4x128xi32, #tpu.memory_space<vmem>>, vector<1x1x16xi32>,
    %swap3A_705 = vector.shape_cast %swap3A_704 : vector<1x1x16xi32> to vector<16xi32>
    %swap3A_706 = vector.shape_cast %mul3A_698 : vector<16xi32> to vector<1x1x16xi32>
    tpu.vector_store %arg5[%swap3A_701, %swap3A_702, %swap3A_703], %swap3A_706 {strides = array<i32>} : memref<2x4x128xi32, #tpu.memory_space<vmem>>, vector<1x1x16xi32>,
    %get3A_707 = arith.constant 1 : i32
    %get3A_708 = arith.constant 0 : i32
    %get3A_709 = arith.index_cast %get3A_707 : i32 to index
    %get3A_710 = arith.index_cast %get3A_708 : i32 to index
    %get3A_711 = arith.constant 64 : index
    %get3A_712 = tpu.vector_load %arg5[%get3A_709, %get3A_710, %get3A_711] {strides = array<i32>} : memref<2x4x128xi32, #tpu.memory_space<vmem>>, vector<1x1x16xi32>,
    %get3A_713 = vector.shape_cast %get3A_712 : vector<1x1x16xi32> to vector<16xi32>
    %mul3A_714 = arith.constant 2 : i32
    %mul3A_715 = vector.broadcast %mul3A_714 : i32 to vector<16xi32>
    %mul3A_716 = arith.muli %get3A_713, %mul3A_715 : vector<16xi32>
    %swap3A_717 = arith.constant 1 : i32
    %swap3A_718 = arith.constant 0 : i32
    %swap3A_719 = arith.index_cast %swap3A_717 : i32 to index
    %swap3A_720 = arith.index_cast %swap3A_718 : i32 to index
    %swap3A_721 = arith.constant 64 : index
    %swap3A_722 = tpu.vector_load %arg5[%swap3A_719, %swap3A_720, %swap3A_721] {strides = array<i32>} : memref<2x4x128xi32, #tpu.memory_space<vmem>>, vector<1x1x16xi32>,
    %swap3A_723 = vector.shape_cast %swap3A_722 : vector<1x1x16xi32> to vector<16xi32>
    %swap3A_724 = vector.shape_cast %mul3A_716 : vector<16xi32> to vector<1x1x16xi32>
    tpu.vector_store %arg5[%swap3A_719, %swap3A_720, %swap3A_721], %swap3A_724 {strides = array<i32>} : memref<2x4x128xi32, #tpu.memory_space<vmem>>, vector<1x1x16xi32>,
    %get3A_725 = arith.constant 1 : i32
    %get3A_726 = arith.constant 0 : i32
    %get3A_727 = arith.index_cast %get3A_725 : i32 to index
    %get3A_728 = arith.index_cast %get3A_726 : i32 to index
    %get3A_729 = arith.constant 80 : index
    %get3A_730 = tpu.vector_load %arg5[%get3A_727, %get3A_728, %get3A_729] {strides = array<i32>} : memref<2x4x128xi32, #tpu.memory_space<vmem>>, vector<1x1x16xi32>,
    %get3A_731 = vector.shape_cast %get3A_730 : vector<1x1x16xi32> to vector<16xi32>
    %mul3A_732 = arith.constant 2 : i32
    %mul3A_733 = vector.broadcast %mul3A_732 : i32 to vector<16xi32>
    %mul3A_734 = arith.muli %get3A_731, %mul3A_733 : vector<16xi32>
    %swap3A_735 = arith.constant 1 : i32
    %swap3A_736 = arith.constant 0 : i32
    %swap3A_737 = arith.index_cast %swap3A_735 : i32 to index
    %swap3A_738 = arith.index_cast %swap3A_736 : i32 to index
    %swap3A_739 = arith.constant 80 : index
    %swap3A_740 = tpu.vector_load %arg5[%swap3A_737, %swap3A_738, %swap3A_739] {strides = array<i32>} : memref<2x4x128xi32, #tpu.memory_space<vmem>>, vector<1x1x16xi32>,
    %swap3A_741 = vector.shape_cast %swap3A_740 : vector<1x1x16xi32> to vector<16xi32>
    %swap3A_742 = vector.shape_cast %mul3A_734 : vector<16xi32> to vector<1x1x16xi32>
    tpu.vector_store %arg5[%swap3A_737, %swap3A_738, %swap3A_739], %swap3A_742 {strides = array<i32>} : memref<2x4x128xi32, #tpu.memory_space<vmem>>, vector<1x1x16xi32>,
    %get3A_743 = arith.constant 1 : i32
    %get3A_744 = arith.constant 0 : i32
    %get3A_745 = arith.index_cast %get3A_743 : i32 to index
    %get3A_746 = arith.index_cast %get3A_744 : i32 to index
    %get3A_747 = arith.constant 96 : index
    %get3A_748 = tpu.vector_load %arg5[%get3A_745, %get3A_746, %get3A_747] {strides = array<i32>} : memref<2x4x128xi32, #tpu.memory_space<vmem>>, vector<1x1x16xi32>,
    %get3A_749 = vector.shape_cast %get3A_748 : vector<1x1x16xi32> to vector<16xi32>
    %mul3A_750 = arith.constant 2 : i32
    %mul3A_751 = vector.broadcast %mul3A_750 : i32 to vector<16xi32>
    %mul3A_752 = arith.muli %get3A_749, %mul3A_751 : vector<16xi32>
    %swap3A_753 = arith.constant 1 : i32
    %swap3A_754 = arith.constant 0 : i32
    %swap3A_755 = arith.index_cast %swap3A_753 : i32 to index
    %swap3A_756 = arith.index_cast %swap3A_754 : i32 to index
    %swap3A_757 = arith.constant 96 : index
    %swap3A_758 = tpu.vector_load %arg5[%swap3A_755, %swap3A_756, %swap3A_757] {strides = array<i32>} : memref<2x4x128xi32, #tpu.memory_space<vmem>>, vector<1x1x16xi32>,
    %swap3A_759 = vector.shape_cast %swap3A_758 : vector<1x1x16xi32> to vector<16xi32>
    %swap3A_760 = vector.shape_cast %mul3A_752 : vector<16xi32> to vector<1x1x16xi32>
    tpu.vector_store %arg5[%swap3A_755, %swap3A_756, %swap3A_757], %swap3A_760 {strides = array<i32>} : memref<2x4x128xi32, #tpu.memory_space<vmem>>, vector<1x1x16xi32>,
    %get3A_761 = arith.constant 1 : i32
    %get3A_762 = arith.constant 0 : i32
    %get3A_763 = arith.index_cast %get3A_761 : i32 to index
    %get3A_764 = arith.index_cast %get3A_762 : i32 to index
    %get3A_765 = arith.constant 112 : index
    %get3A_766 = tpu.vector_load %arg5[%get3A_763, %get3A_764, %get3A_765] {strides = array<i32>} : memref<2x4x128xi32, #tpu.memory_space<vmem>>, vector<1x1x16xi32>,
    %get3A_767 = vector.shape_cast %get3A_766 : vector<1x1x16xi32> to vector<16xi32>
    %mul3A_768 = arith.constant 2 : i32
    %mul3A_769 = vector.broadcast %mul3A_768 : i32 to vector<16xi32>
    %mul3A_770 = arith.muli %get3A_767, %mul3A_769 : vector<16xi32>
    %swap3A_771 = arith.constant 1 : i32
    %swap3A_772 = arith.constant 0 : i32
    %swap3A_773 = arith.index_cast %swap3A_771 : i32 to index
    %swap3A_774 = arith.index_cast %swap3A_772 : i32 to index
    %swap3A_775 = arith.constant 112 : index
    %swap3A_776 = tpu.vector_load %arg5[%swap3A_773, %swap3A_774, %swap3A_775] {strides = array<i32>} : memref<2x4x128xi32, #tpu.memory_space<vmem>>, vector<1x1x16xi32>,
    %swap3A_777 = vector.shape_cast %swap3A_776 : vector<1x1x16xi32> to vector<16xi32>
    %swap3A_778 = vector.shape_cast %mul3A_770 : vector<16xi32> to vector<1x1x16xi32>
    tpu.vector_store %arg5[%swap3A_773, %swap3A_774, %swap3A_775], %swap3A_778 {strides = array<i32>} : memref<2x4x128xi32, #tpu.memory_space<vmem>>, vector<1x1x16xi32>,
    %get3A_779 = arith.constant 1 : i32
    %get3A_780 = arith.constant 1 : i32
    %get3A_781 = arith.index_cast %get3A_779 : i32 to index
    %get3A_782 = arith.index_cast %get3A_780 : i32 to index
    %get3A_783 = arith.constant 0 : index
    %get3A_784 = tpu.vector_load %arg5[%get3A_781, %get3A_782, %get3A_783] {strides = array<i32>} : memref<2x4x128xi32, #tpu.memory_space<vmem>>, vector<1x1x16xi32>,
    %get3A_785 = vector.shape_cast %get3A_784 : vector<1x1x16xi32> to vector<16xi32>
    %mul3A_786 = arith.constant 2 : i32
    %mul3A_787 = vector.broadcast %mul3A_786 : i32 to vector<16xi32>
    %mul3A_788 = arith.muli %get3A_785, %mul3A_787 : vector<16xi32>
    %swap3A_789 = arith.constant 1 : i32
    %swap3A_790 = arith.constant 1 : i32
    %swap3A_791 = arith.index_cast %swap3A_789 : i32 to index
    %swap3A_792 = arith.index_cast %swap3A_790 : i32 to index
    %swap3A_793 = arith.constant 0 : index
    %swap3A_794 = tpu.vector_load %arg5[%swap3A_791, %swap3A_792, %swap3A_793] {strides = array<i32>} : memref<2x4x128xi32, #tpu.memory_space<vmem>>, vector<1x1x16xi32>,
    %swap3A_795 = vector.shape_cast %swap3A_794 : vector<1x1x16xi32> to vector<16xi32>
    %swap3A_796 = vector.shape_cast %mul3A_788 : vector<16xi32> to vector<1x1x16xi32>
    tpu.vector_store %arg5[%swap3A_791, %swap3A_792, %swap3A_793], %swap3A_796 {strides = array<i32>} : memref<2x4x128xi32, #tpu.memory_space<vmem>>, vector<1x1x16xi32>,
    %get3A_797 = arith.constant 1 : i32
    %get3A_798 = arith.constant 1 : i32
    %get3A_799 = arith.index_cast %get3A_797 : i32 to index
    %get3A_800 = arith.index_cast %get3A_798 : i32 to index
    %get3A_801 = arith.constant 16 : index
    %get3A_802 = tpu.vector_load %arg5[%get3A_799, %get3A_800, %get3A_801] {strides = array<i32>} : memref<2x4x128xi32, #tpu.memory_space<vmem>>, vector<1x1x16xi32>,
    %get3A_803 = vector.shape_cast %get3A_802 : vector<1x1x16xi32> to vector<16xi32>
    %mul3A_804 = arith.constant 2 : i32
    %mul3A_805 = vector.broadcast %mul3A_804 : i32 to vector<16xi32>
    %mul3A_806 = arith.muli %get3A_803, %mul3A_805 : vector<16xi32>
    %swap3A_807 = arith.constant 1 : i32
    %swap3A_808 = arith.constant 1 : i32
    %swap3A_809 = arith.index_cast %swap3A_807 : i32 to index
    %swap3A_810 = arith.index_cast %swap3A_808 : i32 to index
    %swap3A_811 = arith.constant 16 : index
    %swap3A_812 = tpu.vector_load %arg5[%swap3A_809, %swap3A_810, %swap3A_811] {strides = array<i32>} : memref<2x4x128xi32, #tpu.memory_space<vmem>>, vector<1x1x16xi32>,
    %swap3A_813 = vector.shape_cast %swap3A_812 : vector<1x1x16xi32> to vector<16xi32>
    %swap3A_814 = vector.shape_cast %mul3A_806 : vector<16xi32> to vector<1x1x16xi32>
    tpu.vector_store %arg5[%swap3A_809, %swap3A_810, %swap3A_811], %swap3A_814 {strides = array<i32>} : memref<2x4x128xi32, #tpu.memory_space<vmem>>, vector<1x1x16xi32>,
    %get3A_815 = arith.constant 1 : i32
    %get3A_816 = arith.constant 1 : i32
    %get3A_817 = arith.index_cast %get3A_815 : i32 to index
    %get3A_818 = arith.index_cast %get3A_816 : i32 to index
    %get3A_819 = arith.constant 32 : index
    %get3A_820 = tpu.vector_load %arg5[%get3A_817, %get3A_818, %get3A_819] {strides = array<i32>} : memref<2x4x128xi32, #tpu.memory_space<vmem>>, vector<1x1x16xi32>,
    %get3A_821 = vector.shape_cast %get3A_820 : vector<1x1x16xi32> to vector<16xi32>
    %mul3A_822 = arith.constant 2 : i32
    %mul3A_823 = vector.broadcast %mul3A_822 : i32 to vector<16xi32>
    %mul3A_824 = arith.muli %get3A_821, %mul3A_823 : vector<16xi32>
    %swap3A_825 = arith.constant 1 : i32
    %swap3A_826 = arith.constant 1 : i32
    %swap3A_827 = arith.index_cast %swap3A_825 : i32 to index
    %swap3A_828 = arith.index_cast %swap3A_826 : i32 to index
    %swap3A_829 = arith.constant 32 : index
    %swap3A_830 = tpu.vector_load %arg5[%swap3A_827, %swap3A_828, %swap3A_829] {strides = array<i32>} : memref<2x4x128xi32, #tpu.memory_space<vmem>>, vector<1x1x16xi32>,
    %swap3A_831 = vector.shape_cast %swap3A_830 : vector<1x1x16xi32> to vector<16xi32>
    %swap3A_832 = vector.shape_cast %mul3A_824 : vector<16xi32> to vector<1x1x16xi32>
    tpu.vector_store %arg5[%swap3A_827, %swap3A_828, %swap3A_829], %swap3A_832 {strides = array<i32>} : memref<2x4x128xi32, #tpu.memory_space<vmem>>, vector<1x1x16xi32>,
    %get3A_833 = arith.constant 1 : i32
    %get3A_834 = arith.constant 1 : i32
    %get3A_835 = arith.index_cast %get3A_833 : i32 to index
    %get3A_836 = arith.index_cast %get3A_834 : i32 to index
    %get3A_837 = arith.constant 48 : index
    %get3A_838 = tpu.vector_load %arg5[%get3A_835, %get3A_836, %get3A_837] {strides = array<i32>} : memref<2x4x128xi32, #tpu.memory_space<vmem>>, vector<1x1x16xi32>,
    %get3A_839 = vector.shape_cast %get3A_838 : vector<1x1x16xi32> to vector<16xi32>
    %mul3A_840 = arith.constant 2 : i32
    %mul3A_841 = vector.broadcast %mul3A_840 : i32 to vector<16xi32>
    %mul3A_842 = arith.muli %get3A_839, %mul3A_841 : vector<16xi32>
    %swap3A_843 = arith.constant 1 : i32
    %swap3A_844 = arith.constant 1 : i32
    %swap3A_845 = arith.index_cast %swap3A_843 : i32 to index
    %swap3A_846 = arith.index_cast %swap3A_844 : i32 to index
    %swap3A_847 = arith.constant 48 : index
    %swap3A_848 = tpu.vector_load %arg5[%swap3A_845, %swap3A_846, %swap3A_847] {strides = array<i32>} : memref<2x4x128xi32, #tpu.memory_space<vmem>>, vector<1x1x16xi32>,
    %swap3A_849 = vector.shape_cast %swap3A_848 : vector<1x1x16xi32> to vector<16xi32>
    %swap3A_850 = vector.shape_cast %mul3A_842 : vector<16xi32> to vector<1x1x16xi32>
    tpu.vector_store %arg5[%swap3A_845, %swap3A_846, %swap3A_847], %swap3A_850 {strides = array<i32>} : memref<2x4x128xi32, #tpu.memory_space<vmem>>, vector<1x1x16xi32>,
    %get3A_851 = arith.constant 1 : i32
    %get3A_852 = arith.constant 1 : i32
    %get3A_853 = arith.index_cast %get3A_851 : i32 to index
    %get3A_854 = arith.index_cast %get3A_852 : i32 to index
    %get3A_855 = arith.constant 64 : index
    %get3A_856 = tpu.vector_load %arg5[%get3A_853, %get3A_854, %get3A_855] {strides = array<i32>} : memref<2x4x128xi32, #tpu.memory_space<vmem>>, vector<1x1x16xi32>,
    %get3A_857 = vector.shape_cast %get3A_856 : vector<1x1x16xi32> to vector<16xi32>
    %mul3A_858 = arith.constant 2 : i32
    %mul3A_859 = vector.broadcast %mul3A_858 : i32 to vector<16xi32>
    %mul3A_860 = arith.muli %get3A_857, %mul3A_859 : vector<16xi32>
    %swap3A_861 = arith.constant 1 : i32
    %swap3A_862 = arith.constant 1 : i32
    %swap3A_863 = arith.index_cast %swap3A_861 : i32 to index
    %swap3A_864 = arith.index_cast %swap3A_862 : i32 to index
    %swap3A_865 = arith.constant 64 : index
    %swap3A_866 = tpu.vector_load %arg5[%swap3A_863, %swap3A_864, %swap3A_865] {strides = array<i32>} : memref<2x4x128xi32, #tpu.memory_space<vmem>>, vector<1x1x16xi32>,
    %swap3A_867 = vector.shape_cast %swap3A_866 : vector<1x1x16xi32> to vector<16xi32>
    %swap3A_868 = vector.shape_cast %mul3A_860 : vector<16xi32> to vector<1x1x16xi32>
    tpu.vector_store %arg5[%swap3A_863, %swap3A_864, %swap3A_865], %swap3A_868 {strides = array<i32>} : memref<2x4x128xi32, #tpu.memory_space<vmem>>, vector<1x1x16xi32>,
    %get3A_869 = arith.constant 1 : i32
    %get3A_870 = arith.constant 1 : i32
    %get3A_871 = arith.index_cast %get3A_869 : i32 to index
    %get3A_872 = arith.index_cast %get3A_870 : i32 to index
    %get3A_873 = arith.constant 80 : index
    %get3A_874 = tpu.vector_load %arg5[%get3A_871, %get3A_872, %get3A_873] {strides = array<i32>} : memref<2x4x128xi32, #tpu.memory_space<vmem>>, vector<1x1x16xi32>,
    %get3A_875 = vector.shape_cast %get3A_874 : vector<1x1x16xi32> to vector<16xi32>
    %mul3A_876 = arith.constant 2 : i32
    %mul3A_877 = vector.broadcast %mul3A_876 : i32 to vector<16xi32>
    %mul3A_878 = arith.muli %get3A_875, %mul3A_877 : vector<16xi32>
    %swap3A_879 = arith.constant 1 : i32
    %swap3A_880 = arith.constant 1 : i32
    %swap3A_881 = arith.index_cast %swap3A_879 : i32 to index
    %swap3A_882 = arith.index_cast %swap3A_880 : i32 to index
    %swap3A_883 = arith.constant 80 : index
    %swap3A_884 = tpu.vector_load %arg5[%swap3A_881, %swap3A_882, %swap3A_883] {strides = array<i32>} : memref<2x4x128xi32, #tpu.memory_space<vmem>>, vector<1x1x16xi32>,
    %swap3A_885 = vector.shape_cast %swap3A_884 : vector<1x1x16xi32> to vector<16xi32>
    %swap3A_886 = vector.shape_cast %mul3A_878 : vector<16xi32> to vector<1x1x16xi32>
    tpu.vector_store %arg5[%swap3A_881, %swap3A_882, %swap3A_883], %swap3A_886 {strides = array<i32>} : memref<2x4x128xi32, #tpu.memory_space<vmem>>, vector<1x1x16xi32>,
    %get3A_887 = arith.constant 1 : i32
    %get3A_888 = arith.constant 1 : i32
    %get3A_889 = arith.index_cast %get3A_887 : i32 to index
    %get3A_890 = arith.index_cast %get3A_888 : i32 to index
    %get3A_891 = arith.constant 96 : index
    %get3A_892 = tpu.vector_load %arg5[%get3A_889, %get3A_890, %get3A_891] {strides = array<i32>} : memref<2x4x128xi32, #tpu.memory_space<vmem>>, vector<1x1x16xi32>,
    %get3A_893 = vector.shape_cast %get3A_892 : vector<1x1x16xi32> to vector<16xi32>
    %mul3A_894 = arith.constant 2 : i32
    %mul3A_895 = vector.broadcast %mul3A_894 : i32 to vector<16xi32>
    %mul3A_896 = arith.muli %get3A_893, %mul3A_895 : vector<16xi32>
    %swap3A_897 = arith.constant 1 : i32
    %swap3A_898 = arith.constant 1 : i32
    %swap3A_899 = arith.index_cast %swap3A_897 : i32 to index
    %swap3A_900 = arith.index_cast %swap3A_898 : i32 to index
    %swap3A_901 = arith.constant 96 : index
    %swap3A_902 = tpu.vector_load %arg5[%swap3A_899, %swap3A_900, %swap3A_901] {strides = array<i32>} : memref<2x4x128xi32, #tpu.memory_space<vmem>>, vector<1x1x16xi32>,
    %swap3A_903 = vector.shape_cast %swap3A_902 : vector<1x1x16xi32> to vector<16xi32>
    %swap3A_904 = vector.shape_cast %mul3A_896 : vector<16xi32> to vector<1x1x16xi32>
    tpu.vector_store %arg5[%swap3A_899, %swap3A_900, %swap3A_901], %swap3A_904 {strides = array<i32>} : memref<2x4x128xi32, #tpu.memory_space<vmem>>, vector<1x1x16xi32>,
    %get3A_905 = arith.constant 1 : i32
    %get3A_906 = arith.constant 1 : i32
    %get3A_907 = arith.index_cast %get3A_905 : i32 to index
    %get3A_908 = arith.index_cast %get3A_906 : i32 to index
    %get3A_909 = arith.constant 112 : index
    %get3A_910 = tpu.vector_load %arg5[%get3A_907, %get3A_908, %get3A_909] {strides = array<i32>} : memref<2x4x128xi32, #tpu.memory_space<vmem>>, vector<1x1x16xi32>,
    %get3A_911 = vector.shape_cast %get3A_910 : vector<1x1x16xi32> to vector<16xi32>
    %mul3A_912 = arith.constant 2 : i32
    %mul3A_913 = vector.broadcast %mul3A_912 : i32 to vector<16xi32>
    %mul3A_914 = arith.muli %get3A_911, %mul3A_913 : vector<16xi32>
    %swap3A_915 = arith.constant 1 : i32
    %swap3A_916 = arith.constant 1 : i32
    %swap3A_917 = arith.index_cast %swap3A_915 : i32 to index
    %swap3A_918 = arith.index_cast %swap3A_916 : i32 to index
    %swap3A_919 = arith.constant 112 : index
    %swap3A_920 = tpu.vector_load %arg5[%swap3A_917, %swap3A_918, %swap3A_919] {strides = array<i32>} : memref<2x4x128xi32, #tpu.memory_space<vmem>>, vector<1x1x16xi32>,
    %swap3A_921 = vector.shape_cast %swap3A_920 : vector<1x1x16xi32> to vector<16xi32>
    %swap3A_922 = vector.shape_cast %mul3A_914 : vector<16xi32> to vector<1x1x16xi32>
    tpu.vector_store %arg5[%swap3A_917, %swap3A_918, %swap3A_919], %swap3A_922 {strides = array<i32>} : memref<2x4x128xi32, #tpu.memory_space<vmem>>, vector<1x1x16xi32>,
    %get3A_923 = arith.constant 1 : i32
    %get3A_924 = arith.constant 2 : i32
    %get3A_925 = arith.index_cast %get3A_923 : i32 to index
    %get3A_926 = arith.index_cast %get3A_924 : i32 to index
    %get3A_927 = arith.constant 0 : index
    %get3A_928 = tpu.vector_load %arg5[%get3A_925, %get3A_926, %get3A_927] {strides = array<i32>} : memref<2x4x128xi32, #tpu.memory_space<vmem>>, vector<1x1x16xi32>,
    %get3A_929 = vector.shape_cast %get3A_928 : vector<1x1x16xi32> to vector<16xi32>
    %mul3A_930 = arith.constant 2 : i32
    %mul3A_931 = vector.broadcast %mul3A_930 : i32 to vector<16xi32>
    %mul3A_932 = arith.muli %get3A_929, %mul3A_931 : vector<16xi32>
    %swap3A_933 = arith.constant 1 : i32
    %swap3A_934 = arith.constant 2 : i32
    %swap3A_935 = arith.index_cast %swap3A_933 : i32 to index
    %swap3A_936 = arith.index_cast %swap3A_934 : i32 to index
    %swap3A_937 = arith.constant 0 : index
    %swap3A_938 = tpu.vector_load %arg5[%swap3A_935, %swap3A_936, %swap3A_937] {strides = array<i32>} : memref<2x4x128xi32, #tpu.memory_space<vmem>>, vector<1x1x16xi32>,
    %swap3A_939 = vector.shape_cast %swap3A_938 : vector<1x1x16xi32> to vector<16xi32>
    %swap3A_940 = vector.shape_cast %mul3A_932 : vector<16xi32> to vector<1x1x16xi32>
    tpu.vector_store %arg5[%swap3A_935, %swap3A_936, %swap3A_937], %swap3A_940 {strides = array<i32>} : memref<2x4x128xi32, #tpu.memory_space<vmem>>, vector<1x1x16xi32>,
    %get3A_941 = arith.constant 1 : i32
    %get3A_942 = arith.constant 2 : i32
    %get3A_943 = arith.index_cast %get3A_941 : i32 to index
    %get3A_944 = arith.index_cast %get3A_942 : i32 to index
    %get3A_945 = arith.constant 16 : index
    %get3A_946 = tpu.vector_load %arg5[%get3A_943, %get3A_944, %get3A_945] {strides = array<i32>} : memref<2x4x128xi32, #tpu.memory_space<vmem>>, vector<1x1x16xi32>,
    %get3A_947 = vector.shape_cast %get3A_946 : vector<1x1x16xi32> to vector<16xi32>
    %mul3A_948 = arith.constant 2 : i32
    %mul3A_949 = vector.broadcast %mul3A_948 : i32 to vector<16xi32>
    %mul3A_950 = arith.muli %get3A_947, %mul3A_949 : vector<16xi32>
    %swap3A_951 = arith.constant 1 : i32
    %swap3A_952 = arith.constant 2 : i32
    %swap3A_953 = arith.index_cast %swap3A_951 : i32 to index
    %swap3A_954 = arith.index_cast %swap3A_952 : i32 to index
    %swap3A_955 = arith.constant 16 : index
    %swap3A_956 = tpu.vector_load %arg5[%swap3A_953, %swap3A_954, %swap3A_955] {strides = array<i32>} : memref<2x4x128xi32, #tpu.memory_space<vmem>>, vector<1x1x16xi32>,
    %swap3A_957 = vector.shape_cast %swap3A_956 : vector<1x1x16xi32> to vector<16xi32>
    %swap3A_958 = vector.shape_cast %mul3A_950 : vector<16xi32> to vector<1x1x16xi32>
    tpu.vector_store %arg5[%swap3A_953, %swap3A_954, %swap3A_955], %swap3A_958 {strides = array<i32>} : memref<2x4x128xi32, #tpu.memory_space<vmem>>, vector<1x1x16xi32>,
    %get3A_959 = arith.constant 1 : i32
    %get3A_960 = arith.constant 2 : i32
    %get3A_961 = arith.index_cast %get3A_959 : i32 to index
    %get3A_962 = arith.index_cast %get3A_960 : i32 to index
    %get3A_963 = arith.constant 32 : index
    %get3A_964 = tpu.vector_load %arg5[%get3A_961, %get3A_962, %get3A_963] {strides = array<i32>} : memref<2x4x128xi32, #tpu.memory_space<vmem>>, vector<1x1x16xi32>,
    %get3A_965 = vector.shape_cast %get3A_964 : vector<1x1x16xi32> to vector<16xi32>
    %mul3A_966 = arith.constant 2 : i32
    %mul3A_967 = vector.broadcast %mul3A_966 : i32 to vector<16xi32>
    %mul3A_968 = arith.muli %get3A_965, %mul3A_967 : vector<16xi32>
    %swap3A_969 = arith.constant 1 : i32
    %swap3A_970 = arith.constant 2 : i32
    %swap3A_971 = arith.index_cast %swap3A_969 : i32 to index
    %swap3A_972 = arith.index_cast %swap3A_970 : i32 to index
    %swap3A_973 = arith.constant 32 : index
    %swap3A_974 = tpu.vector_load %arg5[%swap3A_971, %swap3A_972, %swap3A_973] {strides = array<i32>} : memref<2x4x128xi32, #tpu.memory_space<vmem>>, vector<1x1x16xi32>,
    %swap3A_975 = vector.shape_cast %swap3A_974 : vector<1x1x16xi32> to vector<16xi32>
    %swap3A_976 = vector.shape_cast %mul3A_968 : vector<16xi32> to vector<1x1x16xi32>
    tpu.vector_store %arg5[%swap3A_971, %swap3A_972, %swap3A_973], %swap3A_976 {strides = array<i32>} : memref<2x4x128xi32, #tpu.memory_space<vmem>>, vector<1x1x16xi32>,
    %get3A_977 = arith.constant 1 : i32
    %get3A_978 = arith.constant 2 : i32
    %get3A_979 = arith.index_cast %get3A_977 : i32 to index
    %get3A_980 = arith.index_cast %get3A_978 : i32 to index
    %get3A_981 = arith.constant 48 : index
    %get3A_982 = tpu.vector_load %arg5[%get3A_979, %get3A_980, %get3A_981] {strides = array<i32>} : memref<2x4x128xi32, #tpu.memory_space<vmem>>, vector<1x1x16xi32>,
    %get3A_983 = vector.shape_cast %get3A_982 : vector<1x1x16xi32> to vector<16xi32>
    %mul3A_984 = arith.constant 2 : i32
    %mul3A_985 = vector.broadcast %mul3A_984 : i32 to vector<16xi32>
    %mul3A_986 = arith.muli %get3A_983, %mul3A_985 : vector<16xi32>
    %swap3A_987 = arith.constant 1 : i32
    %swap3A_988 = arith.constant 2 : i32
    %swap3A_989 = arith.index_cast %swap3A_987 : i32 to index
    %swap3A_990 = arith.index_cast %swap3A_988 : i32 to index
    %swap3A_991 = arith.constant 48 : index
    %swap3A_992 = tpu.vector_load %arg5[%swap3A_989, %swap3A_990, %swap3A_991] {strides = array<i32>} : memref<2x4x128xi32, #tpu.memory_space<vmem>>, vector<1x1x16xi32>,
    %swap3A_993 = vector.shape_cast %swap3A_992 : vector<1x1x16xi32> to vector<16xi32>
    %swap3A_994 = vector.shape_cast %mul3A_986 : vector<16xi32> to vector<1x1x16xi32>
    tpu.vector_store %arg5[%swap3A_989, %swap3A_990, %swap3A_991], %swap3A_994 {strides = array<i32>} : memref<2x4x128xi32, #tpu.memory_space<vmem>>, vector<1x1x16xi32>,
    %get3A_995 = arith.constant 1 : i32
    %get3A_996 = arith.constant 2 : i32
    %get3A_997 = arith.index_cast %get3A_995 : i32 to index
    %get3A_998 = arith.index_cast %get3A_996 : i32 to index
    %get3A_999 = arith.constant 64 : index
    %get3A_1000 = tpu.vector_load %arg5[%get3A_997, %get3A_998, %get3A_999] {strides = array<i32>} : memref<2x4x128xi32, #tpu.memory_space<vmem>>, vector<1x1x16xi32>,
    %get3A_1001 = vector.shape_cast %get3A_1000 : vector<1x1x16xi32> to vector<16xi32>
    %mul3A_1002 = arith.constant 2 : i32
    %mul3A_1003 = vector.broadcast %mul3A_1002 : i32 to vector<16xi32>
    %mul3A_1004 = arith.muli %get3A_1001, %mul3A_1003 : vector<16xi32>
    %swap3A_1005 = arith.constant 1 : i32
    %swap3A_1006 = arith.constant 2 : i32
    %swap3A_1007 = arith.index_cast %swap3A_1005 : i32 to index
    %swap3A_1008 = arith.index_cast %swap3A_1006 : i32 to index
    %swap3A_1009 = arith.constant 64 : index
    %swap3A_1010 = tpu.vector_load %arg5[%swap3A_1007, %swap3A_1008, %swap3A_1009] {strides = array<i32>} : memref<2x4x128xi32, #tpu.memory_space<vmem>>, vector<1x1x16xi32>,
    %swap3A_1011 = vector.shape_cast %swap3A_1010 : vector<1x1x16xi32> to vector<16xi32>
    %swap3A_1012 = vector.shape_cast %mul3A_1004 : vector<16xi32> to vector<1x1x16xi32>
    tpu.vector_store %arg5[%swap3A_1007, %swap3A_1008, %swap3A_1009], %swap3A_1012 {strides = array<i32>} : memref<2x4x128xi32, #tpu.memory_space<vmem>>, vector<1x1x16xi32>,
    %get3A_1013 = arith.constant 1 : i32
    %get3A_1014 = arith.constant 2 : i32
    %get3A_1015 = arith.index_cast %get3A_1013 : i32 to index
    %get3A_1016 = arith.index_cast %get3A_1014 : i32 to index
    %get3A_1017 = arith.constant 80 : index
    %get3A_1018 = tpu.vector_load %arg5[%get3A_1015, %get3A_1016, %get3A_1017] {strides = array<i32>} : memref<2x4x128xi32, #tpu.memory_space<vmem>>, vector<1x1x16xi32>,
    %get3A_1019 = vector.shape_cast %get3A_1018 : vector<1x1x16xi32> to vector<16xi32>
    %mul3A_1020 = arith.constant 2 : i32
    %mul3A_1021 = vector.broadcast %mul3A_1020 : i32 to vector<16xi32>
    %mul3A_1022 = arith.muli %get3A_1019, %mul3A_1021 : vector<16xi32>
    %swap3A_1023 = arith.constant 1 : i32
    %swap3A_1024 = arith.constant 2 : i32
    %swap3A_1025 = arith.index_cast %swap3A_1023 : i32 to index
    %swap3A_1026 = arith.index_cast %swap3A_1024 : i32 to index
    %swap3A_1027 = arith.constant 80 : index
    %swap3A_1028 = tpu.vector_load %arg5[%swap3A_1025, %swap3A_1026, %swap3A_1027] {strides = array<i32>} : memref<2x4x128xi32, #tpu.memory_space<vmem>>, vector<1x1x16xi32>,
    %swap3A_1029 = vector.shape_cast %swap3A_1028 : vector<1x1x16xi32> to vector<16xi32>
    %swap3A_1030 = vector.shape_cast %mul3A_1022 : vector<16xi32> to vector<1x1x16xi32>
    tpu.vector_store %arg5[%swap3A_1025, %swap3A_1026, %swap3A_1027], %swap3A_1030 {strides = array<i32>} : memref<2x4x128xi32, #tpu.memory_space<vmem>>, vector<1x1x16xi32>,
    %get3A_1031 = arith.constant 1 : i32
    %get3A_1032 = arith.constant 2 : i32
    %get3A_1033 = arith.index_cast %get3A_1031 : i32 to index
    %get3A_1034 = arith.index_cast %get3A_1032 : i32 to index
    %get3A_1035 = arith.constant 96 : index
    %get3A_1036 = tpu.vector_load %arg5[%get3A_1033, %get3A_1034, %get3A_1035] {strides = array<i32>} : memref<2x4x128xi32, #tpu.memory_space<vmem>>, vector<1x1x16xi32>,
    %get3A_1037 = vector.shape_cast %get3A_1036 : vector<1x1x16xi32> to vector<16xi32>
    %mul3A_1038 = arith.constant 2 : i32
    %mul3A_1039 = vector.broadcast %mul3A_1038 : i32 to vector<16xi32>
    %mul3A_1040 = arith.muli %get3A_1037, %mul3A_1039 : vector<16xi32>
    %swap3A_1041 = arith.constant 1 : i32
    %swap3A_1042 = arith.constant 2 : i32
    %swap3A_1043 = arith.index_cast %swap3A_1041 : i32 to index
    %swap3A_1044 = arith.index_cast %swap3A_1042 : i32 to index
    %swap3A_1045 = arith.constant 96 : index
    %swap3A_1046 = tpu.vector_load %arg5[%swap3A_1043, %swap3A_1044, %swap3A_1045] {strides = array<i32>} : memref<2x4x128xi32, #tpu.memory_space<vmem>>, vector<1x1x16xi32>,
    %swap3A_1047 = vector.shape_cast %swap3A_1046 : vector<1x1x16xi32> to vector<16xi32>
    %swap3A_1048 = vector.shape_cast %mul3A_1040 : vector<16xi32> to vector<1x1x16xi32>
    tpu.vector_store %arg5[%swap3A_1043, %swap3A_1044, %swap3A_1045], %swap3A_1048 {strides = array<i32>} : memref<2x4x128xi32, #tpu.memory_space<vmem>>, vector<1x1x16xi32>,
    %get3A_1049 = arith.constant 1 : i32
    %get3A_1050 = arith.constant 2 : i32
    %get3A_1051 = arith.index_cast %get3A_1049 : i32 to index
    %get3A_1052 = arith.index_cast %get3A_1050 : i32 to index
    %get3A_1053 = arith.constant 112 : index
    %get3A_1054 = tpu.vector_load %arg5[%get3A_1051, %get3A_1052, %get3A_1053] {strides = array<i32>} : memref<2x4x128xi32, #tpu.memory_space<vmem>>, vector<1x1x16xi32>,
    %get3A_1055 = vector.shape_cast %get3A_1054 : vector<1x1x16xi32> to vector<16xi32>
    %mul3A_1056 = arith.constant 2 : i32
    %mul3A_1057 = vector.broadcast %mul3A_1056 : i32 to vector<16xi32>
    %mul3A_1058 = arith.muli %get3A_1055, %mul3A_1057 : vector<16xi32>
    %swap3A_1059 = arith.constant 1 : i32
    %swap3A_1060 = arith.constant 2 : i32
    %swap3A_1061 = arith.index_cast %swap3A_1059 : i32 to index
    %swap3A_1062 = arith.index_cast %swap3A_1060 : i32 to index
    %swap3A_1063 = arith.constant 112 : index
    %swap3A_1064 = tpu.vector_load %arg5[%swap3A_1061, %swap3A_1062, %swap3A_1063] {strides = array<i32>} : memref<2x4x128xi32, #tpu.memory_space<vmem>>, vector<1x1x16xi32>,
    %swap3A_1065 = vector.shape_cast %swap3A_1064 : vector<1x1x16xi32> to vector<16xi32>
    %swap3A_1066 = vector.shape_cast %mul3A_1058 : vector<16xi32> to vector<1x1x16xi32>
    tpu.vector_store %arg5[%swap3A_1061, %swap3A_1062, %swap3A_1063], %swap3A_1066 {strides = array<i32>} : memref<2x4x128xi32, #tpu.memory_space<vmem>>, vector<1x1x16xi32>,
    %get3A_1067 = arith.constant 1 : i32
    %get3A_1068 = arith.constant 3 : i32
    %get3A_1069 = arith.index_cast %get3A_1067 : i32 to index
    %get3A_1070 = arith.index_cast %get3A_1068 : i32 to index
    %get3A_1071 = arith.constant 0 : index
    %get3A_1072 = tpu.vector_load %arg5[%get3A_1069, %get3A_1070, %get3A_1071] {strides = array<i32>} : memref<2x4x128xi32, #tpu.memory_space<vmem>>, vector<1x1x16xi32>,
    %get3A_1073 = vector.shape_cast %get3A_1072 : vector<1x1x16xi32> to vector<16xi32>
    %mul3A_1074 = arith.constant 2 : i32
    %mul3A_1075 = vector.broadcast %mul3A_1074 : i32 to vector<16xi32>
    %mul3A_1076 = arith.muli %get3A_1073, %mul3A_1075 : vector<16xi32>
    %swap3A_1077 = arith.constant 1 : i32
    %swap3A_1078 = arith.constant 3 : i32
    %swap3A_1079 = arith.index_cast %swap3A_1077 : i32 to index
    %swap3A_1080 = arith.index_cast %swap3A_1078 : i32 to index
    %swap3A_1081 = arith.constant 0 : index
    %swap3A_1082 = tpu.vector_load %arg5[%swap3A_1079, %swap3A_1080, %swap3A_1081] {strides = array<i32>} : memref<2x4x128xi32, #tpu.memory_space<vmem>>, vector<1x1x16xi32>,
    %swap3A_1083 = vector.shape_cast %swap3A_1082 : vector<1x1x16xi32> to vector<16xi32>
    %swap3A_1084 = vector.shape_cast %mul3A_1076 : vector<16xi32> to vector<1x1x16xi32>
    tpu.vector_store %arg5[%swap3A_1079, %swap3A_1080, %swap3A_1081], %swap3A_1084 {strides = array<i32>} : memref<2x4x128xi32, #tpu.memory_space<vmem>>, vector<1x1x16xi32>,
    %get3A_1085 = arith.constant 1 : i32
    %get3A_1086 = arith.constant 3 : i32
    %get3A_1087 = arith.index_cast %get3A_1085 : i32 to index
    %get3A_1088 = arith.index_cast %get3A_1086 : i32 to index
    %get3A_1089 = arith.constant 16 : index
    %get3A_1090 = tpu.vector_load %arg5[%get3A_1087, %get3A_1088, %get3A_1089] {strides = array<i32>} : memref<2x4x128xi32, #tpu.memory_space<vmem>>, vector<1x1x16xi32>,
    %get3A_1091 = vector.shape_cast %get3A_1090 : vector<1x1x16xi32> to vector<16xi32>
    %mul3A_1092 = arith.constant 2 : i32
    %mul3A_1093 = vector.broadcast %mul3A_1092 : i32 to vector<16xi32>
    %mul3A_1094 = arith.muli %get3A_1091, %mul3A_1093 : vector<16xi32>
    %swap3A_1095 = arith.constant 1 : i32
    %swap3A_1096 = arith.constant 3 : i32
    %swap3A_1097 = arith.index_cast %swap3A_1095 : i32 to index
    %swap3A_1098 = arith.index_cast %swap3A_1096 : i32 to index
    %swap3A_1099 = arith.constant 16 : index
    %swap3A_1100 = tpu.vector_load %arg5[%swap3A_1097, %swap3A_1098, %swap3A_1099] {strides = array<i32>} : memref<2x4x128xi32, #tpu.memory_space<vmem>>, vector<1x1x16xi32>,
    %swap3A_1101 = vector.shape_cast %swap3A_1100 : vector<1x1x16xi32> to vector<16xi32>
    %swap3A_1102 = vector.shape_cast %mul3A_1094 : vector<16xi32> to vector<1x1x16xi32>
    tpu.vector_store %arg5[%swap3A_1097, %swap3A_1098, %swap3A_1099], %swap3A_1102 {strides = array<i32>} : memref<2x4x128xi32, #tpu.memory_space<vmem>>, vector<1x1x16xi32>,
    %get3A_1103 = arith.constant 1 : i32
    %get3A_1104 = arith.constant 3 : i32
    %get3A_1105 = arith.index_cast %get3A_1103 : i32 to index
    %get3A_1106 = arith.index_cast %get3A_1104 : i32 to index
    %get3A_1107 = arith.constant 32 : index
    %get3A_1108 = tpu.vector_load %arg5[%get3A_1105, %get3A_1106, %get3A_1107] {strides = array<i32>} : memref<2x4x128xi32, #tpu.memory_space<vmem>>, vector<1x1x16xi32>,
    %get3A_1109 = vector.shape_cast %get3A_1108 : vector<1x1x16xi32> to vector<16xi32>
    %mul3A_1110 = arith.constant 2 : i32
    %mul3A_1111 = vector.broadcast %mul3A_1110 : i32 to vector<16xi32>
    %mul3A_1112 = arith.muli %get3A_1109, %mul3A_1111 : vector<16xi32>
    %swap3A_1113 = arith.constant 1 : i32
    %swap3A_1114 = arith.constant 3 : i32
    %swap3A_1115 = arith.index_cast %swap3A_1113 : i32 to index
    %swap3A_1116 = arith.index_cast %swap3A_1114 : i32 to index
    %swap3A_1117 = arith.constant 32 : index
    %swap3A_1118 = tpu.vector_load %arg5[%swap3A_1115, %swap3A_1116, %swap3A_1117] {strides = array<i32>} : memref<2x4x128xi32, #tpu.memory_space<vmem>>, vector<1x1x16xi32>,
    %swap3A_1119 = vector.shape_cast %swap3A_1118 : vector<1x1x16xi32> to vector<16xi32>
    %swap3A_1120 = vector.shape_cast %mul3A_1112 : vector<16xi32> to vector<1x1x16xi32>
    tpu.vector_store %arg5[%swap3A_1115, %swap3A_1116, %swap3A_1117], %swap3A_1120 {strides = array<i32>} : memref<2x4x128xi32, #tpu.memory_space<vmem>>, vector<1x1x16xi32>,
    %get3A_1121 = arith.constant 1 : i32
    %get3A_1122 = arith.constant 3 : i32
    %get3A_1123 = arith.index_cast %get3A_1121 : i32 to index
    %get3A_1124 = arith.index_cast %get3A_1122 : i32 to index
    %get3A_1125 = arith.constant 48 : index
    %get3A_1126 = tpu.vector_load %arg5[%get3A_1123, %get3A_1124, %get3A_1125] {strides = array<i32>} : memref<2x4x128xi32, #tpu.memory_space<vmem>>, vector<1x1x16xi32>,
    %get3A_1127 = vector.shape_cast %get3A_1126 : vector<1x1x16xi32> to vector<16xi32>
    %mul3A_1128 = arith.constant 2 : i32
    %mul3A_1129 = vector.broadcast %mul3A_1128 : i32 to vector<16xi32>
    %mul3A_1130 = arith.muli %get3A_1127, %mul3A_1129 : vector<16xi32>
    %swap3A_1131 = arith.constant 1 : i32
    %swap3A_1132 = arith.constant 3 : i32
    %swap3A_1133 = arith.index_cast %swap3A_1131 : i32 to index
    %swap3A_1134 = arith.index_cast %swap3A_1132 : i32 to index
    %swap3A_1135 = arith.constant 48 : index
    %swap3A_1136 = tpu.vector_load %arg5[%swap3A_1133, %swap3A_1134, %swap3A_1135] {strides = array<i32>} : memref<2x4x128xi32, #tpu.memory_space<vmem>>, vector<1x1x16xi32>,
    %swap3A_1137 = vector.shape_cast %swap3A_1136 : vector<1x1x16xi32> to vector<16xi32>
    %swap3A_1138 = vector.shape_cast %mul3A_1130 : vector<16xi32> to vector<1x1x16xi32>
    tpu.vector_store %arg5[%swap3A_1133, %swap3A_1134, %swap3A_1135], %swap3A_1138 {strides = array<i32>} : memref<2x4x128xi32, #tpu.memory_space<vmem>>, vector<1x1x16xi32>,
    %get3A_1139 = arith.constant 1 : i32
    %get3A_1140 = arith.constant 3 : i32
    %get3A_1141 = arith.index_cast %get3A_1139 : i32 to index
    %get3A_1142 = arith.index_cast %get3A_1140 : i32 to index
    %get3A_1143 = arith.constant 64 : index
    %get3A_1144 = tpu.vector_load %arg5[%get3A_1141, %get3A_1142, %get3A_1143] {strides = array<i32>} : memref<2x4x128xi32, #tpu.memory_space<vmem>>, vector<1x1x16xi32>,
    %get3A_1145 = vector.shape_cast %get3A_1144 : vector<1x1x16xi32> to vector<16xi32>
    %mul3A_1146 = arith.constant 2 : i32
    %mul3A_1147 = vector.broadcast %mul3A_1146 : i32 to vector<16xi32>
    %mul3A_1148 = arith.muli %get3A_1145, %mul3A_1147 : vector<16xi32>
    %swap3A_1149 = arith.constant 1 : i32
    %swap3A_1150 = arith.constant 3 : i32
    %swap3A_1151 = arith.index_cast %swap3A_1149 : i32 to index
    %swap3A_1152 = arith.index_cast %swap3A_1150 : i32 to index
    %swap3A_1153 = arith.constant 64 : index
    %swap3A_1154 = tpu.vector_load %arg5[%swap3A_1151, %swap3A_1152, %swap3A_1153] {strides = array<i32>} : memref<2x4x128xi32, #tpu.memory_space<vmem>>, vector<1x1x16xi32>,
    %swap3A_1155 = vector.shape_cast %swap3A_1154 : vector<1x1x16xi32> to vector<16xi32>
    %swap3A_1156 = vector.shape_cast %mul3A_1148 : vector<16xi32> to vector<1x1x16xi32>
    tpu.vector_store %arg5[%swap3A_1151, %swap3A_1152, %swap3A_1153], %swap3A_1156 {strides = array<i32>} : memref<2x4x128xi32, #tpu.memory_space<vmem>>, vector<1x1x16xi32>,
    %get3A_1157 = arith.constant 1 : i32
    %get3A_1158 = arith.constant 3 : i32
    %get3A_1159 = arith.index_cast %get3A_1157 : i32 to index
    %get3A_1160 = arith.index_cast %get3A_1158 : i32 to index
    %get3A_1161 = arith.constant 80 : index
    %get3A_1162 = tpu.vector_load %arg5[%get3A_1159, %get3A_1160, %get3A_1161] {strides = array<i32>} : memref<2x4x128xi32, #tpu.memory_space<vmem>>, vector<1x1x16xi32>,
    %get3A_1163 = vector.shape_cast %get3A_1162 : vector<1x1x16xi32> to vector<16xi32>
    %mul3A_1164 = arith.constant 2 : i32
    %mul3A_1165 = vector.broadcast %mul3A_1164 : i32 to vector<16xi32>
    %mul3A_1166 = arith.muli %get3A_1163, %mul3A_1165 : vector<16xi32>
    %swap3A_1167 = arith.constant 1 : i32
    %swap3A_1168 = arith.constant 3 : i32
    %swap3A_1169 = arith.index_cast %swap3A_1167 : i32 to index
    %swap3A_1170 = arith.index_cast %swap3A_1168 : i32 to index
    %swap3A_1171 = arith.constant 80 : index
    %swap3A_1172 = tpu.vector_load %arg5[%swap3A_1169, %swap3A_1170, %swap3A_1171] {strides = array<i32>} : memref<2x4x128xi32, #tpu.memory_space<vmem>>, vector<1x1x16xi32>,
    %swap3A_1173 = vector.shape_cast %swap3A_1172 : vector<1x1x16xi32> to vector<16xi32>
    %swap3A_1174 = vector.shape_cast %mul3A_1166 : vector<16xi32> to vector<1x1x16xi32>
    tpu.vector_store %arg5[%swap3A_1169, %swap3A_1170, %swap3A_1171], %swap3A_1174 {strides = array<i32>} : memref<2x4x128xi32, #tpu.memory_space<vmem>>, vector<1x1x16xi32>,
    %get3A_1175 = arith.constant 1 : i32
    %get3A_1176 = arith.constant 3 : i32
    %get3A_1177 = arith.index_cast %get3A_1175 : i32 to index
    %get3A_1178 = arith.index_cast %get3A_1176 : i32 to index
    %get3A_1179 = arith.constant 96 : index
    %get3A_1180 = tpu.vector_load %arg5[%get3A_1177, %get3A_1178, %get3A_1179] {strides = array<i32>} : memref<2x4x128xi32, #tpu.memory_space<vmem>>, vector<1x1x16xi32>,
    %get3A_1181 = vector.shape_cast %get3A_1180 : vector<1x1x16xi32> to vector<16xi32>
    %mul3A_1182 = arith.constant 2 : i32
    %mul3A_1183 = vector.broadcast %mul3A_1182 : i32 to vector<16xi32>
    %mul3A_1184 = arith.muli %get3A_1181, %mul3A_1183 : vector<16xi32>
    %swap3A_1185 = arith.constant 1 : i32
    %swap3A_1186 = arith.constant 3 : i32
    %swap3A_1187 = arith.index_cast %swap3A_1185 : i32 to index
    %swap3A_1188 = arith.index_cast %swap3A_1186 : i32 to index
    %swap3A_1189 = arith.constant 96 : index
    %swap3A_1190 = tpu.vector_load %arg5[%swap3A_1187, %swap3A_1188, %swap3A_1189] {strides = array<i32>} : memref<2x4x128xi32, #tpu.memory_space<vmem>>, vector<1x1x16xi32>,
    %swap3A_1191 = vector.shape_cast %swap3A_1190 : vector<1x1x16xi32> to vector<16xi32>
    %swap3A_1192 = vector.shape_cast %mul3A_1184 : vector<16xi32> to vector<1x1x16xi32>
    tpu.vector_store %arg5[%swap3A_1187, %swap3A_1188, %swap3A_1189], %swap3A_1192 {strides = array<i32>} : memref<2x4x128xi32, #tpu.memory_space<vmem>>, vector<1x1x16xi32>,
    %get3A_1193 = arith.constant 1 : i32
    %get3A_1194 = arith.constant 3 : i32
    %get3A_1195 = arith.index_cast %get3A_1193 : i32 to index
    %get3A_1196 = arith.index_cast %get3A_1194 : i32 to index
    %get3A_1197 = arith.constant 112 : index
    %get3A_1198 = tpu.vector_load %arg5[%get3A_1195, %get3A_1196, %get3A_1197] {strides = array<i32>} : memref<2x4x128xi32, #tpu.memory_space<vmem>>, vector<1x1x16xi32>,
    %get3A_1199 = vector.shape_cast %get3A_1198 : vector<1x1x16xi32> to vector<16xi32>
    %mul3A_1200 = arith.constant 2 : i32
    %mul3A_1201 = vector.broadcast %mul3A_1200 : i32 to vector<16xi32>
    %mul3A_1202 = arith.muli %get3A_1199, %mul3A_1201 : vector<16xi32>
    %swap3A_1203 = arith.constant 1 : i32
    %swap3A_1204 = arith.constant 3 : i32
    %swap3A_1205 = arith.index_cast %swap3A_1203 : i32 to index
    %swap3A_1206 = arith.index_cast %swap3A_1204 : i32 to index
    %swap3A_1207 = arith.constant 112 : index
    %swap3A_1208 = tpu.vector_load %arg5[%swap3A_1205, %swap3A_1206, %swap3A_1207] {strides = array<i32>} : memref<2x4x128xi32, #tpu.memory_space<vmem>>, vector<1x1x16xi32>,
    %swap3A_1209 = vector.shape_cast %swap3A_1208 : vector<1x1x16xi32> to vector<16xi32>
    %swap3A_1210 = vector.shape_cast %mul3A_1202 : vector<16xi32> to vector<1x1x16xi32>
    tpu.vector_store %arg5[%swap3A_1205, %swap3A_1206, %swap3A_1207], %swap3A_1210 {strides = array<i32>} : memref<2x4x128xi32, #tpu.memory_space<vmem>>, vector<1x1x16xi32>,
    %dma_start3A_1211 = arith.constant 1 : i32
    %dma_start3A_1212 = arith.constant 0 : i32
    %dma_start3A_1213 = arith.constant 1 : i32
    %dma_start3A_1214 = arith.constant 0 : i32
    %dma_start3A_1215 = arith.constant 0 : i32
    %dma_start3A_1216 = tpu.memref_slice %arg6[%dma_start3A_1213, %dma_start3A_1214, %dma_start3A_1215] : memref<2x512x64xf32, #tpu.memory_space<vmem>> -> memref<1x128x64xf32, #tpu.memory_space<vmem>>
    %dma_start3A_1217 = tpu.memref_squeeze %dma_start3A_1216 : memref<1x128x64xf32, #tpu.memory_space<vmem>> -> memref<128x64xf32, #tpu.memory_space<vmem>>
    %dma_start3A_1218 = arith.constant 0 : i32
    %dma_start3A_1219 = tpu.memref_slice %arg5[%dma_start3A_1211, %dma_start3A_1212, %dma_start3A_1218] : memref<2x4x128xi32, #tpu.memory_space<vmem>> -> memref<1x1x128xi32, #tpu.memory_space<vmem>>
    %dma_start3A_1220 = tpu.memref_squeeze %dma_start3A_1219 : memref<1x1x128xi32, #tpu.memory_space<vmem>> -> memref<128xi32, #tpu.memory_space<vmem>>
    %dma_start3A_1221 = arith.constant 0 : i32
    %dma_start3A_1222 = arith.constant 0 : i32
    %dma_start3A_1223 = tpu.memref_slice %arg3[%dma_start3A_1221, %dma_start3A_1222] : memref<2000000x64xf32, #tpu.memory_space<hbm>> -> memref<2000000x64xf32, #tpu.memory_space<hbm>>
    tpu.enqueue_indirect_dma source(%dma_start3A_1223 : memref<2000000x64xf32, #tpu.memory_space<hbm>>) target(%dma_start3A_1217 : memref<128x64xf32, #tpu.memory_space<vmem>>) offsets(%dma_start3A_1220 : memref<128xi32, #tpu.memory_space<vmem>>) semaphore(%arg8 : memref<!tpu.dma_semaphore, #tpu.memory_space<semaphore_mem>>)
    %dma_start3A_1224 = arith.constant 1 : i32
    %dma_start3A_1225 = arith.constant 1 : i32
    %dma_start3A_1226 = arith.constant 1 : i32
    %dma_start3A_1227 = arith.constant 128 : i32
    %dma_start3A_1228 = arith.constant 0 : i32
    %dma_start3A_1229 = tpu.memref_slice %arg6[%dma_start3A_1226, %dma_start3A_1227, %dma_start3A_1228] : memref<2x512x64xf32, #tpu.memory_space<vmem>> -> memref<1x128x64xf32, #tpu.memory_space<vmem>>
    %dma_start3A_1230 = tpu.memref_squeeze %dma_start3A_1229 : memref<1x128x64xf32, #tpu.memory_space<vmem>> -> memref<128x64xf32, #tpu.memory_space<vmem>>
    %dma_start3A_1231 = arith.constant 0 : i32
    %dma_start3A_1232 = tpu.memref_slice %arg5[%dma_start3A_1224, %dma_start3A_1225, %dma_start3A_1231] : memref<2x4x128xi32, #tpu.memory_space<vmem>> -> memref<1x1x128xi32, #tpu.memory_space<vmem>>
    %dma_start3A_1233 = tpu.memref_squeeze %dma_start3A_1232 : memref<1x1x128xi32, #tpu.memory_space<vmem>> -> memref<128xi32, #tpu.memory_space<vmem>>
    %dma_start3A_1234 = arith.constant 0 : i32
    %dma_start3A_1235 = arith.constant 0 : i32
    %dma_start3A_1236 = tpu.memref_slice %arg3[%dma_start3A_1234, %dma_start3A_1235] : memref<2000000x64xf32, #tpu.memory_space<hbm>> -> memref<2000000x64xf32, #tpu.memory_space<hbm>>
    tpu.enqueue_indirect_dma source(%dma_start3A_1236 : memref<2000000x64xf32, #tpu.memory_space<hbm>>) target(%dma_start3A_1230 : memref<128x64xf32, #tpu.memory_space<vmem>>) offsets(%dma_start3A_1233 : memref<128xi32, #tpu.memory_space<vmem>>) semaphore(%arg8 : memref<!tpu.dma_semaphore, #tpu.memory_space<semaphore_mem>>)
    %dma_start3A_1237 = arith.constant 1 : i32
    %dma_start3A_1238 = arith.constant 2 : i32
    %dma_start3A_1239 = arith.constant 1 : i32
    %dma_start3A_1240 = arith.constant 256 : i32
    %dma_start3A_1241 = arith.constant 0 : i32
    %dma_start3A_1242 = tpu.memref_slice %arg6[%dma_start3A_1239, %dma_start3A_1240, %dma_start3A_1241] : memref<2x512x64xf32, #tpu.memory_space<vmem>> -> memref<1x128x64xf32, #tpu.memory_space<vmem>>
    %dma_start3A_1243 = tpu.memref_squeeze %dma_start3A_1242 : memref<1x128x64xf32, #tpu.memory_space<vmem>> -> memref<128x64xf32, #tpu.memory_space<vmem>>
    %dma_start3A_1244 = arith.constant 0 : i32
    %dma_start3A_1245 = tpu.memref_slice %arg5[%dma_start3A_1237, %dma_start3A_1238, %dma_start3A_1244] : memref<2x4x128xi32, #tpu.memory_space<vmem>> -> memref<1x1x128xi32, #tpu.memory_space<vmem>>
    %dma_start3A_1246 = tpu.memref_squeeze %dma_start3A_1245 : memref<1x1x128xi32, #tpu.memory_space<vmem>> -> memref<128xi32, #tpu.memory_space<vmem>>
    %dma_start3A_1247 = arith.constant 0 : i32
    %dma_start3A_1248 = arith.constant 0 : i32
    %dma_start3A_1249 = tpu.memref_slice %arg3[%dma_start3A_1247, %dma_start3A_1248] : memref<2000000x64xf32, #tpu.memory_space<hbm>> -> memref<2000000x64xf32, #tpu.memory_space<hbm>>
    tpu.enqueue_indirect_dma source(%dma_start3A_1249 : memref<2000000x64xf32, #tpu.memory_space<hbm>>) target(%dma_start3A_1243 : memref<128x64xf32, #tpu.memory_space<vmem>>) offsets(%dma_start3A_1246 : memref<128xi32, #tpu.memory_space<vmem>>) semaphore(%arg8 : memref<!tpu.dma_semaphore, #tpu.memory_space<semaphore_mem>>)
    %dma_start3A_1250 = arith.constant 1 : i32
    %dma_start3A_1251 = arith.constant 3 : i32
    %dma_start3A_1252 = arith.constant 1 : i32
    %dma_start3A_1253 = arith.constant 384 : i32
    %dma_start3A_1254 = arith.constant 0 : i32
    %dma_start3A_1255 = tpu.memref_slice %arg6[%dma_start3A_1252, %dma_start3A_1253, %dma_start3A_1254] : memref<2x512x64xf32, #tpu.memory_space<vmem>> -> memref<1x128x64xf32, #tpu.memory_space<vmem>>
    %dma_start3A_1256 = tpu.memref_squeeze %dma_start3A_1255 : memref<1x128x64xf32, #tpu.memory_space<vmem>> -> memref<128x64xf32, #tpu.memory_space<vmem>>
    %dma_start3A_1257 = arith.constant 0 : i32
    %dma_start3A_1258 = tpu.memref_slice %arg5[%dma_start3A_1250, %dma_start3A_1251, %dma_start3A_1257] : memref<2x4x128xi32, #tpu.memory_space<vmem>> -> memref<1x1x128xi32, #tpu.memory_space<vmem>>
    %dma_start3A_1259 = tpu.memref_squeeze %dma_start3A_1258 : memref<1x1x128xi32, #tpu.memory_space<vmem>> -> memref<128xi32, #tpu.memory_space<vmem>>
    %dma_start3A_1260 = arith.constant 0 : i32
    %dma_start3A_1261 = arith.constant 0 : i32
    %dma_start3A_1262 = tpu.memref_slice %arg3[%dma_start3A_1260, %dma_start3A_1261] : memref<2000000x64xf32, #tpu.memory_space<hbm>> -> memref<2000000x64xf32, #tpu.memory_space<hbm>>
    tpu.enqueue_indirect_dma source(%dma_start3A_1262 : memref<2000000x64xf32, #tpu.memory_space<hbm>>) target(%dma_start3A_1256 : memref<128x64xf32, #tpu.memory_space<vmem>>) offsets(%dma_start3A_1259 : memref<128xi32, #tpu.memory_space<vmem>>) semaphore(%arg8 : memref<!tpu.dma_semaphore, #tpu.memory_space<semaphore_mem>>)
    %scan3A = arith.constant 0 : i32
    %scan3A_1263 = arith.constant 0 : i32
    %scan3A_1264 = arith.constant 24 : i32
    %scan3A_1265 = arith.addi %scan3A_1263, %scan3A_1264 : i32
    %scan3A_1266 = arith.constant 1 : i32
    scf.for %scan3A_1444 = %scan3A_1263 to %scan3A_1265 step %scan3A_1266  : i32 {
      %mul3A_1445 = arith.constant 2 : i32
      %mul3A_1446 = arith.muli %scan3A_1444, %mul3A_1445 : i32
      %add3A_1447 = arith.constant 0 : i32
      %add3A_1448 = arith.addi %mul3A_1446, %add3A_1447 : i32
      %dma_wait3A_1449 = arith.constant 0 : i32
      %dma_wait3A_1450 = arith.constant 0 : i32
      %dma_wait3A_1451 = arith.constant 0 : i32
      %dma_wait3A_1452 = arith.constant 0 : i32
      %dma_wait3A_1453 = arith.constant 0 : i32
      %dma_wait3A_1454 = tpu.memref_slice %arg6[%dma_wait3A_1451, %dma_wait3A_1452, %dma_wait3A_1453] : memref<2x512x64xf32, #tpu.memory_space<vmem>> -> memref<1x128x64xf32, #tpu.memory_space<vmem>>
      %dma_wait3A_1455 = tpu.memref_squeeze %dma_wait3A_1454 : memref<1x128x64xf32, #tpu.memory_space<vmem>> -> memref<128x64xf32, #tpu.memory_space<vmem>>
      %dma_wait3A_1456 = arith.constant 0 : i32
      %dma_wait3A_1457 = tpu.memref_slice %arg5[%dma_wait3A_1449, %dma_wait3A_1450, %dma_wait3A_1456] : memref<2x4x128xi32, #tpu.memory_space<vmem>> -> memref<1x1x128xi32, #tpu.memory_space<vmem>>
      %dma_wait3A_1458 = tpu.memref_squeeze %dma_wait3A_1457 : memref<1x1x128xi32, #tpu.memory_space<vmem>> -> memref<128xi32, #tpu.memory_space<vmem>>
      %dma_wait3A_1459 = arith.constant 0 : i32
      %dma_wait3A_1460 = arith.constant 0 : i32
      %dma_wait3A_1461 = tpu.memref_slice %arg3[%dma_wait3A_1459, %dma_wait3A_1460] : memref<2000000x64xf32, #tpu.memory_space<hbm>> -> memref<2000000x64xf32, #tpu.memory_space<hbm>>
      tpu.wait_indirect_dma semaphore(%arg7 : memref<!tpu.dma_semaphore, #tpu.memory_space<semaphore_mem>>) src(%dma_wait3A_1461 : memref<2000000x64xf32, #tpu.memory_space<hbm>>) dst(%dma_wait3A_1455 : memref<128x64xf32, #tpu.memory_space<vmem>>)
      %dma_wait3A_1462 = arith.constant 0 : i32
      %dma_wait3A_1463 = arith.constant 1 : i32
      %dma_wait3A_1464 = arith.constant 0 : i32
      %dma_wait3A_1465 = arith.constant 128 : i32
      %dma_wait3A_1466 = arith.constant 0 : i32
      %dma_wait3A_1467 = tpu.memref_slice %arg6[%dma_wait3A_1464, %dma_wait3A_1465, %dma_wait3A_1466] : memref<2x512x64xf32, #tpu.memory_space<vmem>> -> memref<1x128x64xf32, #tpu.memory_space<vmem>>
      %dma_wait3A_1468 = tpu.memref_squeeze %dma_wait3A_1467 : memref<1x128x64xf32, #tpu.memory_space<vmem>> -> memref<128x64xf32, #tpu.memory_space<vmem>>
      %dma_wait3A_1469 = arith.constant 0 : i32
      %dma_wait3A_1470 = tpu.memref_slice %arg5[%dma_wait3A_1462, %dma_wait3A_1463, %dma_wait3A_1469] : memref<2x4x128xi32, #tpu.memory_space<vmem>> -> memref<1x1x128xi32, #tpu.memory_space<vmem>>
      %dma_wait3A_1471 = tpu.memref_squeeze %dma_wait3A_1470 : memref<1x1x128xi32, #tpu.memory_space<vmem>> -> memref<128xi32, #tpu.memory_space<vmem>>
      %dma_wait3A_1472 = arith.constant 0 : i32
      %dma_wait3A_1473 = arith.constant 0 : i32
      %dma_wait3A_1474 = tpu.memref_slice %arg3[%dma_wait3A_1472, %dma_wait3A_1473] : memref<2000000x64xf32, #tpu.memory_space<hbm>> -> memref<2000000x64xf32, #tpu.memory_space<hbm>>
      tpu.wait_indirect_dma semaphore(%arg7 : memref<!tpu.dma_semaphore, #tpu.memory_space<semaphore_mem>>) src(%dma_wait3A_1474 : memref<2000000x64xf32, #tpu.memory_space<hbm>>) dst(%dma_wait3A_1468 : memref<128x64xf32, #tpu.memory_space<vmem>>)
      %dma_wait3A_1475 = arith.constant 0 : i32
      %dma_wait3A_1476 = arith.constant 2 : i32
      %dma_wait3A_1477 = arith.constant 0 : i32
      %dma_wait3A_1478 = arith.constant 256 : i32
      %dma_wait3A_1479 = arith.constant 0 : i32
      %dma_wait3A_1480 = tpu.memref_slice %arg6[%dma_wait3A_1477, %dma_wait3A_1478, %dma_wait3A_1479] : memref<2x512x64xf32, #tpu.memory_space<vmem>> -> memref<1x128x64xf32, #tpu.memory_space<vmem>>
      %dma_wait3A_1481 = tpu.memref_squeeze %dma_wait3A_1480 : memref<1x128x64xf32, #tpu.memory_space<vmem>> -> memref<128x64xf32, #tpu.memory_space<vmem>>
      %dma_wait3A_1482 = arith.constant 0 : i32
      %dma_wait3A_1483 = tpu.memref_slice %arg5[%dma_wait3A_1475, %dma_wait3A_1476, %dma_wait3A_1482] : memref<2x4x128xi32, #tpu.memory_space<vmem>> -> memref<1x1x128xi32, #tpu.memory_space<vmem>>
      %dma_wait3A_1484 = tpu.memref_squeeze %dma_wait3A_1483 : memref<1x1x128xi32, #tpu.memory_space<vmem>> -> memref<128xi32, #tpu.memory_space<vmem>>
      %dma_wait3A_1485 = arith.constant 0 : i32
      %dma_wait3A_1486 = arith.constant 0 : i32
      %dma_wait3A_1487 = tpu.memref_slice %arg3[%dma_wait3A_1485, %dma_wait3A_1486] : memref<2000000x64xf32, #tpu.memory_space<hbm>> -> memref<2000000x64xf32, #tpu.memory_space<hbm>>
      tpu.wait_indirect_dma semaphore(%arg7 : memref<!tpu.dma_semaphore, #tpu.memory_space<semaphore_mem>>) src(%dma_wait3A_1487 : memref<2000000x64xf32, #tpu.memory_space<hbm>>) dst(%dma_wait3A_1481 : memref<128x64xf32, #tpu.memory_space<vmem>>)
      %dma_wait3A_1488 = arith.constant 0 : i32
      %dma_wait3A_1489 = arith.constant 3 : i32
      %dma_wait3A_1490 = arith.constant 0 : i32
      %dma_wait3A_1491 = arith.constant 384 : i32
      %dma_wait3A_1492 = arith.constant 0 : i32
      %dma_wait3A_1493 = tpu.memref_slice %arg6[%dma_wait3A_1490, %dma_wait3A_1491, %dma_wait3A_1492] : memref<2x512x64xf32, #tpu.memory_space<vmem>> -> memref<1x128x64xf32, #tpu.memory_space<vmem>>
      %dma_wait3A_1494 = tpu.memref_squeeze %dma_wait3A_1493 : memref<1x128x64xf32, #tpu.memory_space<vmem>> -> memref<128x64xf32, #tpu.memory_space<vmem>>
      %dma_wait3A_1495 = arith.constant 0 : i32
      %dma_wait3A_1496 = tpu.memref_slice %arg5[%dma_wait3A_1488, %dma_wait3A_1489, %dma_wait3A_1495] : memref<2x4x128xi32, #tpu.memory_space<vmem>> -> memref<1x1x128xi32, #tpu.memory_space<vmem>>
      %dma_wait3A_1497 = tpu.memref_squeeze %dma_wait3A_1496 : memref<1x1x128xi32, #tpu.memory_space<vmem>> -> memref<128xi32, #tpu.memory_space<vmem>>
      %dma_wait3A_1498 = arith.constant 0 : i32
      %dma_wait3A_1499 = arith.constant 0 : i32
      %dma_wait3A_1500 = tpu.memref_slice %arg3[%dma_wait3A_1498, %dma_wait3A_1499] : memref<2000000x64xf32, #tpu.memory_space<hbm>> -> memref<2000000x64xf32, #tpu.memory_space<hbm>>
      tpu.wait_indirect_dma semaphore(%arg7 : memref<!tpu.dma_semaphore, #tpu.memory_space<semaphore_mem>>) src(%dma_wait3A_1500 : memref<2000000x64xf32, #tpu.memory_space<hbm>>) dst(%dma_wait3A_1494 : memref<128x64xf32, #tpu.memory_space<vmem>>)
      %parallel_loop3A_1501 = arith.constant 0 : i32
      %parallel_loop3A_1502 = arith.constant 512 : i32
      %parallel_loop3A_1503 = arith.constant 1 : i32
      scf.for %parallel_loop3A_2903 = %parallel_loop3A_1501 to %parallel_loop3A_1502 step %parallel_loop3A_1503  : i32 {
        %parallel_loop3A_2904 = arith.constant 0 : i32
        %parallel_loop3A_2905 = arith.index_cast %parallel_loop3A_2904 : i32 to index
        %parallel_loop3A_2906 = arith.index_cast %parallel_loop3A_2903 : i32 to index
        %parallel_loop3A_2907 = arith.constant 0 : index
        %parallel_loop3A_2908 = tpu.vector_load %arg6[%parallel_loop3A_2905, %parallel_loop3A_2906, %parallel_loop3A_2907] {strides = array<i32>} : memref<2x512x64xf32, #tpu.memory_space<vmem>>, vector<1x1x16xf32>,
        %parallel_loop3A_2909 = vector.shape_cast %parallel_loop3A_2908 : vector<1x1x16xf32> to vector<16xf32>
        %parallel_loop3A_2910 = arith.constant 8.000000e+00 : f32
        %parallel_loop3A_2911 = vector.broadcast %parallel_loop3A_2910 : f32 to vector<16xf32>
        %parallel_loop3A_2912 = arith.mulf %parallel_loop3A_2909, %parallel_loop3A_2911 : vector<16xf32>
        %parallel_loop3A_2913 = arith.constant 0 : i32
        %parallel_loop3A_2914 = arith.index_cast %parallel_loop3A_2913 : i32 to index
        %parallel_loop3A_2915 = arith.index_cast %parallel_loop3A_2903 : i32 to index
        %parallel_loop3A_2916 = arith.constant 0 : index
        %parallel_loop3A_2917 = tpu.vector_load %arg6[%parallel_loop3A_2914, %parallel_loop3A_2915, %parallel_loop3A_2916] {strides = array<i32>} : memref<2x512x64xf32, #tpu.memory_space<vmem>>, vector<1x1x16xf32>,
        %parallel_loop3A_2918 = vector.shape_cast %parallel_loop3A_2917 : vector<1x1x16xf32> to vector<16xf32>
        %parallel_loop3A_2919 = vector.shape_cast %parallel_loop3A_2912 : vector<16xf32> to vector<1x1x16xf32>
        tpu.vector_store %arg6[%parallel_loop3A_2914, %parallel_loop3A_2915, %parallel_loop3A_2916], %parallel_loop3A_2919 {strides = array<i32>} : memref<2x512x64xf32, #tpu.memory_space<vmem>>, vector<1x1x16xf32>,
        %parallel_loop3A_2920 = arith.constant 0 : i32
        %parallel_loop3A_2921 = arith.index_cast %parallel_loop3A_2920 : i32 to index
        %parallel_loop3A_2922 = arith.index_cast %parallel_loop3A_2903 : i32 to index
        %parallel_loop3A_2923 = arith.constant 16 : index
        %parallel_loop3A_2924 = tpu.vector_load %arg6[%parallel_loop3A_2921, %parallel_loop3A_2922, %parallel_loop3A_2923] {strides = array<i32>} : memref<2x512x64xf32, #tpu.memory_space<vmem>>, vector<1x1x16xf32>,
        %parallel_loop3A_2925 = vector.shape_cast %parallel_loop3A_2924 : vector<1x1x16xf32> to vector<16xf32>
        %parallel_loop3A_2926 = arith.constant 8.000000e+00 : f32
        %parallel_loop3A_2927 = vector.broadcast %parallel_loop3A_2926 : f32 to vector<16xf32>
        %parallel_loop3A_2928 = arith.mulf %parallel_loop3A_2925, %parallel_loop3A_2927 : vector<16xf32>
        %parallel_loop3A_2929 = arith.constant 0 : i32
        %parallel_loop3A_2930 = arith.index_cast %parallel_loop3A_2929 : i32 to index
        %parallel_loop3A_2931 = arith.index_cast %parallel_loop3A_2903 : i32 to index
        %parallel_loop3A_2932 = arith.constant 16 : index
        %parallel_loop3A_2933 = tpu.vector_load %arg6[%parallel_loop3A_2930, %parallel_loop3A_2931, %parallel_loop3A_2932] {strides = array<i32>} : memref<2x512x64xf32, #tpu.memory_space<vmem>>, vector<1x1x16xf32>,
        %parallel_loop3A_2934 = vector.shape_cast %parallel_loop3A_2933 : vector<1x1x16xf32> to vector<16xf32>
        %parallel_loop3A_2935 = vector.shape_cast %parallel_loop3A_2928 : vector<16xf32> to vector<1x1x16xf32>
        tpu.vector_store %arg6[%parallel_loop3A_2930, %parallel_loop3A_2931, %parallel_loop3A_2932], %parallel_loop3A_2935 {strides = array<i32>} : memref<2x512x64xf32, #tpu.memory_space<vmem>>, vector<1x1x16xf32>,
        %parallel_loop3A_2936 = arith.constant 0 : i32
        %parallel_loop3A_2937 = arith.index_cast %parallel_loop3A_2936 : i32 to index
        %parallel_loop3A_2938 = arith.index_cast %parallel_loop3A_2903 : i32 to index
        %parallel_loop3A_2939 = arith.constant 32 : index
        %parallel_loop3A_2940 = tpu.vector_load %arg6[%parallel_loop3A_2937, %parallel_loop3A_2938, %parallel_loop3A_2939] {strides = array<i32>} : memref<2x512x64xf32, #tpu.memory_space<vmem>>, vector<1x1x16xf32>,
        %parallel_loop3A_2941 = vector.shape_cast %parallel_loop3A_2940 : vector<1x1x16xf32> to vector<16xf32>
        %parallel_loop3A_2942 = arith.constant 8.000000e+00 : f32
        %parallel_loop3A_2943 = vector.broadcast %parallel_loop3A_2942 : f32 to vector<16xf32>
        %parallel_loop3A_2944 = arith.mulf %parallel_loop3A_2941, %parallel_loop3A_2943 : vector<16xf32>
        %parallel_loop3A_2945 = arith.constant 0 : i32
        %parallel_loop3A_2946 = arith.index_cast %parallel_loop3A_2945 : i32 to index
        %parallel_loop3A_2947 = arith.index_cast %parallel_loop3A_2903 : i32 to index
        %parallel_loop3A_2948 = arith.constant 32 : index
        %parallel_loop3A_2949 = tpu.vector_load %arg6[%parallel_loop3A_2946, %parallel_loop3A_2947, %parallel_loop3A_2948] {strides = array<i32>} : memref<2x512x64xf32, #tpu.memory_space<vmem>>, vector<1x1x16xf32>,
        %parallel_loop3A_2950 = vector.shape_cast %parallel_loop3A_2949 : vector<1x1x16xf32> to vector<16xf32>
        %parallel_loop3A_2951 = vector.shape_cast %parallel_loop3A_2944 : vector<16xf32> to vector<1x1x16xf32>
        tpu.vector_store %arg6[%parallel_loop3A_2946, %parallel_loop3A_2947, %parallel_loop3A_2948], %parallel_loop3A_2951 {strides = array<i32>} : memref<2x512x64xf32, #tpu.memory_space<vmem>>, vector<1x1x16xf32>,
        %parallel_loop3A_2952 = arith.constant 0 : i32
        %parallel_loop3A_2953 = arith.index_cast %parallel_loop3A_2952 : i32 to index
        %parallel_loop3A_2954 = arith.index_cast %parallel_loop3A_2903 : i32 to index
        %parallel_loop3A_2955 = arith.constant 48 : index
        %parallel_loop3A_2956 = tpu.vector_load %arg6[%parallel_loop3A_2953, %parallel_loop3A_2954, %parallel_loop3A_2955] {strides = array<i32>} : memref<2x512x64xf32, #tpu.memory_space<vmem>>, vector<1x1x16xf32>,
        %parallel_loop3A_2957 = vector.shape_cast %parallel_loop3A_2956 : vector<1x1x16xf32> to vector<16xf32>
        %parallel_loop3A_2958 = arith.constant 8.000000e+00 : f32
        %parallel_loop3A_2959 = vector.broadcast %parallel_loop3A_2958 : f32 to vector<16xf32>
        %parallel_loop3A_2960 = arith.mulf %parallel_loop3A_2957, %parallel_loop3A_2959 : vector<16xf32>
        %parallel_loop3A_2961 = arith.constant 0 : i32
        %parallel_loop3A_2962 = arith.index_cast %parallel_loop3A_2961 : i32 to index
        %parallel_loop3A_2963 = arith.index_cast %parallel_loop3A_2903 : i32 to index
        %parallel_loop3A_2964 = arith.constant 48 : index
        %parallel_loop3A_2965 = tpu.vector_load %arg6[%parallel_loop3A_2962, %parallel_loop3A_2963, %parallel_loop3A_2964] {strides = array<i32>} : memref<2x512x64xf32, #tpu.memory_space<vmem>>, vector<1x1x16xf32>,
        %parallel_loop3A_2966 = vector.shape_cast %parallel_loop3A_2965 : vector<1x1x16xf32> to vector<16xf32>
        %parallel_loop3A_2967 = vector.shape_cast %parallel_loop3A_2960 : vector<16xf32> to vector<1x1x16xf32>
        tpu.vector_store %arg6[%parallel_loop3A_2962, %parallel_loop3A_2963, %parallel_loop3A_2964], %parallel_loop3A_2967 {strides = array<i32>} : memref<2x512x64xf32, #tpu.memory_space<vmem>>, vector<1x1x16xf32>,
      } {sc.loop_unroll_factor = 8 : i64, sc.parallel_access}
      %mul3A_1504 = arith.constant 4 : i32
      %mul3A_1505 = arith.muli %add3A_1448, %mul3A_1504 : i32
      %add3A_1506 = arith.addi %mul3A_4, %mul3A_1505 : i32
      %mul3A_1507 = arith.constant 128 : i32
      %mul3A_1508 = arith.muli %add3A_1506, %mul3A_1507 : i32
      %dma_start3A_1509 = arith.constant 0 : i32
      %dma_start3A_1510 = arith.constant 0 : i32
      %dma_start3A_1511 = arith.constant 0 : i32
      %dma_start3A_1512 = tpu.memref_slice %arg6[%dma_start3A_1509, %dma_start3A_1510, %dma_start3A_1511] : memref<2x512x64xf32, #tpu.memory_space<vmem>> -> memref<1x512x64xf32, #tpu.memory_space<vmem>>
      %dma_start3A_1513 = tpu.memref_squeeze %dma_start3A_1512 : memref<1x512x64xf32, #tpu.memory_space<vmem>> -> memref<512x64xf32, #tpu.memory_space<vmem>>
      %dma_start3A_1514 = arith.constant 0 : i32
      %dma_start3A_1515 = tpu.memref_slice %arg4[%mul3A_1508, %dma_start3A_1514] : memref<819200x128xf32, #tpu.memory_space<hbm>> -> memref<512x64xf32, #tpu.memory_space<hbm>>
      %dma_start3A_1516 = arith.constant 0 : i32
      %dma_start3A_1517 = tpu.memref_slice %arg4[%mul3A_1508, %dma_start3A_1516] : memref<819200x128xf32, #tpu.memory_space<hbm>> -> memref<512x64xf32, #tpu.memory_space<hbm>>
      %dma_start3A_1518 = arith.constant 0 : i32
      %dma_start3A_1519 = arith.constant 0 : i32
      %dma_start3A_1520 = tpu.memref_slice %arg6[%dma_start3A_1509, %dma_start3A_1518, %dma_start3A_1519] : memref<2x512x64xf32, #tpu.memory_space<vmem>> -> memref<1x512x64xf32, #tpu.memory_space<vmem>>
      %dma_start3A_1521 = tpu.memref_squeeze %dma_start3A_1520 : memref<1x512x64xf32, #tpu.memory_space<vmem>> -> memref<512x64xf32, #tpu.memory_space<vmem>>
      tpu.enqueue_dma source(%dma_start3A_1521 : memref<512x64xf32, #tpu.memory_space<vmem>>) target(%dma_start3A_1517 : memref<512x64xf32, #tpu.memory_space<hbm>>) target_semaphore(%arg9 : memref<!tpu.dma_semaphore, #tpu.memory_space<semaphore_mem>>)
      %add3A_1522 = arith.constant 2 : i32
      %add3A_1523 = arith.addi %add3A_1448, %add3A_1522 : i32
      %mul3A_1524 = arith.constant 4 : i32
      %mul3A_1525 = arith.muli %add3A_1523, %mul3A_1524 : i32
      %add3A_1526 = arith.addi %mul3A_4, %mul3A_1525 : i32
      %run_scoped3A_1527 = arith.constant 0 : i32
      "tpu.region"() ({
        %run_scoped3A_2903 = tpu.sem_alloc : memref<!tpu.dma_semaphore, #tpu.memory_space<semaphore_mem>>
        %dma_start3A_2904 = arith.constant 0 : i32
        %dma_start3A_2905 = arith.constant 0 : i32
        %dma_start3A_2906 = tpu.memref_slice %arg5[%run_scoped3A_1527, %dma_start3A_2904, %dma_start3A_2905] : memref<2x4x128xi32, #tpu.memory_space<vmem>> -> memref<1x4x128xi32, #tpu.memory_space<vmem>>
        %dma_start3A_2907 = tpu.memref_squeeze %dma_start3A_2906 : memref<1x4x128xi32, #tpu.memory_space<vmem>> -> memref<4x128xi32, #tpu.memory_space<vmem>>
        %dma_start3A_2908 = arith.constant 0 : i32
        %dma_start3A_2909 = tpu.memref_slice %arg2[%add3A_1526, %dma_start3A_2908] : memref<6400x128xi32, #tpu.memory_space<hbm>> -> memref<4x128xi32, #tpu.memory_space<hbm>>
        %dma_start3A_2910 = arith.constant 0 : i32
        %dma_start3A_2911 = arith.constant 0 : i32
        %dma_start3A_2912 = tpu.memref_slice %arg5[%run_scoped3A_1527, %dma_start3A_2910, %dma_start3A_2911] : memref<2x4x128xi32, #tpu.memory_space<vmem>> -> memref<1x4x128xi32, #tpu.memory_space<vmem>>
        %dma_start3A_2913 = tpu.memref_squeeze %dma_start3A_2912 : memref<1x4x128xi32, #tpu.memory_space<vmem>> -> memref<4x128xi32, #tpu.memory_space<vmem>>
        %dma_start3A_2914 = arith.constant 0 : i32
        %dma_start3A_2915 = tpu.memref_slice %arg2[%add3A_1526, %dma_start3A_2914] : memref<6400x128xi32, #tpu.memory_space<hbm>> -> memref<4x128xi32, #tpu.memory_space<hbm>>
        tpu.enqueue_dma source(%dma_start3A_2915 : memref<4x128xi32, #tpu.memory_space<hbm>>) target(%dma_start3A_2913 : memref<4x128xi32, #tpu.memory_space<vmem>>) target_semaphore(%run_scoped3A_2903 : memref<!tpu.dma_semaphore, #tpu.memory_space<semaphore_mem>>)
        %dma_wait3A_2916 = arith.constant 0 : i32
        %dma_wait3A_2917 = arith.constant 0 : i32
        %dma_wait3A_2918 = tpu.memref_slice %arg5[%run_scoped3A_1527, %dma_wait3A_2916, %dma_wait3A_2917] : memref<2x4x128xi32, #tpu.memory_space<vmem>> -> memref<1x4x128xi32, #tpu.memory_space<vmem>>
        %dma_wait3A_2919 = tpu.memref_squeeze %dma_wait3A_2918 : memref<1x4x128xi32, #tpu.memory_space<vmem>> -> memref<4x128xi32, #tpu.memory_space<vmem>>
        %dma_wait3A_2920 = arith.constant 0 : i32
        %dma_wait3A_2921 = tpu.memref_slice %arg2[%add3A_1526, %dma_wait3A_2920] : memref<6400x128xi32, #tpu.memory_space<hbm>> -> memref<4x128xi32, #tpu.memory_space<hbm>>
        %dma_wait3A_2922 = arith.constant 0 : i32
        %dma_wait3A_2923 = arith.constant 0 : i32
        %dma_wait3A_2924 = tpu.memref_slice %arg5[%run_scoped3A_1527, %dma_wait3A_2922, %dma_wait3A_2923] : memref<2x4x128xi32, #tpu.memory_space<vmem>> -> memref<1x4x128xi32, #tpu.memory_space<vmem>>
        %dma_wait3A_2925 = tpu.memref_squeeze %dma_wait3A_2924 : memref<1x4x128xi32, #tpu.memory_space<vmem>> -> memref<4x128xi32, #tpu.memory_space<vmem>>
        %dma_wait3A_2926 = arith.constant 0 : i32
        %dma_wait3A_2927 = tpu.memref_slice %arg2[%add3A_1526, %dma_wait3A_2926] : memref<6400x128xi32, #tpu.memory_space<hbm>> -> memref<4x128xi32, #tpu.memory_space<hbm>>
        tpu.wait_dma2 semaphore(%run_scoped3A_2903 : memref<!tpu.dma_semaphore, #tpu.memory_space<semaphore_mem>>) src(%dma_wait3A_2927 : memref<4x128xi32, #tpu.memory_space<hbm>>) dst(%dma_wait3A_2925 : memref<4x128xi32, #tpu.memory_space<vmem>>)
        tpu.yield
      }) : () -> ()
      %get3A_1528 = arith.constant 0 : i32
      %get3A_1529 = arith.constant 0 : i32
      %get3A_1530 = arith.index_cast %get3A_1528 : i32 to index
      %get3A_1531 = arith.index_cast %get3A_1529 : i32 to index
      %get3A_1532 = arith.constant 0 : index
      %get3A_1533 = tpu.vector_load %arg5[%get3A_1530, %get3A_1531, %get3A_1532] {strides = array<i32>} : memref<2x4x128xi32, #tpu.memory_space<vmem>>, vector<1x1x16xi32>,
      %get3A_1534 = vector.shape_cast %get3A_1533 : vector<1x1x16xi32> to vector<16xi32>
      %mul3A_1535 = arith.constant 2 : i32
      %mul3A_1536 = vector.broadcast %mul3A_1535 : i32 to vector<16xi32>
      %mul3A_1537 = arith.muli %get3A_1534, %mul3A_1536 : vector<16xi32>
      %swap3A_1538 = arith.constant 0 : i32
      %swap3A_1539 = arith.constant 0 : i32
      %swap3A_1540 = arith.index_cast %swap3A_1538 : i32 to index
      %swap3A_1541 = arith.index_cast %swap3A_1539 : i32 to index
      %swap3A_1542 = arith.constant 0 : index
      %swap3A_1543 = tpu.vector_load %arg5[%swap3A_1540, %swap3A_1541, %swap3A_1542] {strides = array<i32>} : memref<2x4x128xi32, #tpu.memory_space<vmem>>, vector<1x1x16xi32>,
      %swap3A_1544 = vector.shape_cast %swap3A_1543 : vector<1x1x16xi32> to vector<16xi32>
      %swap3A_1545 = vector.shape_cast %mul3A_1537 : vector<16xi32> to vector<1x1x16xi32>
      tpu.vector_store %arg5[%swap3A_1540, %swap3A_1541, %swap3A_1542], %swap3A_1545 {strides = array<i32>} : memref<2x4x128xi32, #tpu.memory_space<vmem>>, vector<1x1x16xi32>,
      %get3A_1546 = arith.constant 0 : i32
      %get3A_1547 = arith.constant 0 : i32
      %get3A_1548 = arith.index_cast %get3A_1546 : i32 to index
      %get3A_1549 = arith.index_cast %get3A_1547 : i32 to index
      %get3A_1550 = arith.constant 16 : index
      %get3A_1551 = tpu.vector_load %arg5[%get3A_1548, %get3A_1549, %get3A_1550] {strides = array<i32>} : memref<2x4x128xi32, #tpu.memory_space<vmem>>, vector<1x1x16xi32>,
      %get3A_1552 = vector.shape_cast %get3A_1551 : vector<1x1x16xi32> to vector<16xi32>
      %mul3A_1553 = arith.constant 2 : i32
      %mul3A_1554 = vector.broadcast %mul3A_1553 : i32 to vector<16xi32>
      %mul3A_1555 = arith.muli %get3A_1552, %mul3A_1554 : vector<16xi32>
      %swap3A_1556 = arith.constant 0 : i32
      %swap3A_1557 = arith.constant 0 : i32
      %swap3A_1558 = arith.index_cast %swap3A_1556 : i32 to index
      %swap3A_1559 = arith.index_cast %swap3A_1557 : i32 to index
      %swap3A_1560 = arith.constant 16 : index
      %swap3A_1561 = tpu.vector_load %arg5[%swap3A_1558, %swap3A_1559, %swap3A_1560] {strides = array<i32>} : memref<2x4x128xi32, #tpu.memory_space<vmem>>, vector<1x1x16xi32>,
      %swap3A_1562 = vector.shape_cast %swap3A_1561 : vector<1x1x16xi32> to vector<16xi32>
      %swap3A_1563 = vector.shape_cast %mul3A_1555 : vector<16xi32> to vector<1x1x16xi32>
      tpu.vector_store %arg5[%swap3A_1558, %swap3A_1559, %swap3A_1560], %swap3A_1563 {strides = array<i32>} : memref<2x4x128xi32, #tpu.memory_space<vmem>>, vector<1x1x16xi32>,
      %get3A_1564 = arith.constant 0 : i32
      %get3A_1565 = arith.constant 0 : i32
      %get3A_1566 = arith.index_cast %get3A_1564 : i32 to index
      %get3A_1567 = arith.index_cast %get3A_1565 : i32 to index
      %get3A_1568 = arith.constant 32 : index
      %get3A_1569 = tpu.vector_load %arg5[%get3A_1566, %get3A_1567, %get3A_1568] {strides = array<i32>} : memref<2x4x128xi32, #tpu.memory_space<vmem>>, vector<1x1x16xi32>,
      %get3A_1570 = vector.shape_cast %get3A_1569 : vector<1x1x16xi32> to vector<16xi32>
      %mul3A_1571 = arith.constant 2 : i32
      %mul3A_1572 = vector.broadcast %mul3A_1571 : i32 to vector<16xi32>
      %mul3A_1573 = arith.muli %get3A_1570, %mul3A_1572 : vector<16xi32>
      %swap3A_1574 = arith.constant 0 : i32
      %swap3A_1575 = arith.constant 0 : i32
      %swap3A_1576 = arith.index_cast %swap3A_1574 : i32 to index
      %swap3A_1577 = arith.index_cast %swap3A_1575 : i32 to index
      %swap3A_1578 = arith.constant 32 : index
      %swap3A_1579 = tpu.vector_load %arg5[%swap3A_1576, %swap3A_1577, %swap3A_1578] {strides = array<i32>} : memref<2x4x128xi32, #tpu.memory_space<vmem>>, vector<1x1x16xi32>,
      %swap3A_1580 = vector.shape_cast %swap3A_1579 : vector<1x1x16xi32> to vector<16xi32>
      %swap3A_1581 = vector.shape_cast %mul3A_1573 : vector<16xi32> to vector<1x1x16xi32>
      tpu.vector_store %arg5[%swap3A_1576, %swap3A_1577, %swap3A_1578], %swap3A_1581 {strides = array<i32>} : memref<2x4x128xi32, #tpu.memory_space<vmem>>, vector<1x1x16xi32>,
      %get3A_1582 = arith.constant 0 : i32
      %get3A_1583 = arith.constant 0 : i32
      %get3A_1584 = arith.index_cast %get3A_1582 : i32 to index
      %get3A_1585 = arith.index_cast %get3A_1583 : i32 to index
      %get3A_1586 = arith.constant 48 : index
      %get3A_1587 = tpu.vector_load %arg5[%get3A_1584, %get3A_1585, %get3A_1586] {strides = array<i32>} : memref<2x4x128xi32, #tpu.memory_space<vmem>>, vector<1x1x16xi32>,
      %get3A_1588 = vector.shape_cast %get3A_1587 : vector<1x1x16xi32> to vector<16xi32>
      %mul3A_1589 = arith.constant 2 : i32
      %mul3A_1590 = vector.broadcast %mul3A_1589 : i32 to vector<16xi32>
      %mul3A_1591 = arith.muli %get3A_1588, %mul3A_1590 : vector<16xi32>
      %swap3A_1592 = arith.constant 0 : i32
      %swap3A_1593 = arith.constant 0 : i32
      %swap3A_1594 = arith.index_cast %swap3A_1592 : i32 to index
      %swap3A_1595 = arith.index_cast %swap3A_1593 : i32 to index
      %swap3A_1596 = arith.constant 48 : index
      %swap3A_1597 = tpu.vector_load %arg5[%swap3A_1594, %swap3A_1595, %swap3A_1596] {strides = array<i32>} : memref<2x4x128xi32, #tpu.memory_space<vmem>>, vector<1x1x16xi32>,
      %swap3A_1598 = vector.shape_cast %swap3A_1597 : vector<1x1x16xi32> to vector<16xi32>
      %swap3A_1599 = vector.shape_cast %mul3A_1591 : vector<16xi32> to vector<1x1x16xi32>
      tpu.vector_store %arg5[%swap3A_1594, %swap3A_1595, %swap3A_1596], %swap3A_1599 {strides = array<i32>} : memref<2x4x128xi32, #tpu.memory_space<vmem>>, vector<1x1x16xi32>,
      %get3A_1600 = arith.constant 0 : i32
      %get3A_1601 = arith.constant 0 : i32
      %get3A_1602 = arith.index_cast %get3A_1600 : i32 to index
      %get3A_1603 = arith.index_cast %get3A_1601 : i32 to index
      %get3A_1604 = arith.constant 64 : index
      %get3A_1605 = tpu.vector_load %arg5[%get3A_1602, %get3A_1603, %get3A_1604] {strides = array<i32>} : memref<2x4x128xi32, #tpu.memory_space<vmem>>, vector<1x1x16xi32>,
      %get3A_1606 = vector.shape_cast %get3A_1605 : vector<1x1x16xi32> to vector<16xi32>
      %mul3A_1607 = arith.constant 2 : i32
      %mul3A_1608 = vector.broadcast %mul3A_1607 : i32 to vector<16xi32>
      %mul3A_1609 = arith.muli %get3A_1606, %mul3A_1608 : vector<16xi32>
      %swap3A_1610 = arith.constant 0 : i32
      %swap3A_1611 = arith.constant 0 : i32
      %swap3A_1612 = arith.index_cast %swap3A_1610 : i32 to index
      %swap3A_1613 = arith.index_cast %swap3A_1611 : i32 to index
      %swap3A_1614 = arith.constant 64 : index
      %swap3A_1615 = tpu.vector_load %arg5[%swap3A_1612, %swap3A_1613, %swap3A_1614] {strides = array<i32>} : memref<2x4x128xi32, #tpu.memory_space<vmem>>, vector<1x1x16xi32>,
      %swap3A_1616 = vector.shape_cast %swap3A_1615 : vector<1x1x16xi32> to vector<16xi32>
      %swap3A_1617 = vector.shape_cast %mul3A_1609 : vector<16xi32> to vector<1x1x16xi32>
      tpu.vector_store %arg5[%swap3A_1612, %swap3A_1613, %swap3A_1614], %swap3A_1617 {strides = array<i32>} : memref<2x4x128xi32, #tpu.memory_space<vmem>>, vector<1x1x16xi32>,
      %get3A_1618 = arith.constant 0 : i32
      %get3A_1619 = arith.constant 0 : i32
      %get3A_1620 = arith.index_cast %get3A_1618 : i32 to index
      %get3A_1621 = arith.index_cast %get3A_1619 : i32 to index
      %get3A_1622 = arith.constant 80 : index
      %get3A_1623 = tpu.vector_load %arg5[%get3A_1620, %get3A_1621, %get3A_1622] {strides = array<i32>} : memref<2x4x128xi32, #tpu.memory_space<vmem>>, vector<1x1x16xi32>,
      %get3A_1624 = vector.shape_cast %get3A_1623 : vector<1x1x16xi32> to vector<16xi32>
      %mul3A_1625 = arith.constant 2 : i32
      %mul3A_1626 = vector.broadcast %mul3A_1625 : i32 to vector<16xi32>
      %mul3A_1627 = arith.muli %get3A_1624, %mul3A_1626 : vector<16xi32>
      %swap3A_1628 = arith.constant 0 : i32
      %swap3A_1629 = arith.constant 0 : i32
      %swap3A_1630 = arith.index_cast %swap3A_1628 : i32 to index
      %swap3A_1631 = arith.index_cast %swap3A_1629 : i32 to index
      %swap3A_1632 = arith.constant 80 : index
      %swap3A_1633 = tpu.vector_load %arg5[%swap3A_1630, %swap3A_1631, %swap3A_1632] {strides = array<i32>} : memref<2x4x128xi32, #tpu.memory_space<vmem>>, vector<1x1x16xi32>,
      %swap3A_1634 = vector.shape_cast %swap3A_1633 : vector<1x1x16xi32> to vector<16xi32>
      %swap3A_1635 = vector.shape_cast %mul3A_1627 : vector<16xi32> to vector<1x1x16xi32>
      tpu.vector_store %arg5[%swap3A_1630, %swap3A_1631, %swap3A_1632], %swap3A_1635 {strides = array<i32>} : memref<2x4x128xi32, #tpu.memory_space<vmem>>, vector<1x1x16xi32>,
      %get3A_1636 = arith.constant 0 : i32
      %get3A_1637 = arith.constant 0 : i32
      %get3A_1638 = arith.index_cast %get3A_1636 : i32 to index
      %get3A_1639 = arith.index_cast %get3A_1637 : i32 to index
      %get3A_1640 = arith.constant 96 : index
      %get3A_1641 = tpu.vector_load %arg5[%get3A_1638, %get3A_1639, %get3A_1640] {strides = array<i32>} : memref<2x4x128xi32, #tpu.memory_space<vmem>>, vector<1x1x16xi32>,
      %get3A_1642 = vector.shape_cast %get3A_1641 : vector<1x1x16xi32> to vector<16xi32>
      %mul3A_1643 = arith.constant 2 : i32
      %mul3A_1644 = vector.broadcast %mul3A_1643 : i32 to vector<16xi32>
      %mul3A_1645 = arith.muli %get3A_1642, %mul3A_1644 : vector<16xi32>
      %swap3A_1646 = arith.constant 0 : i32
      %swap3A_1647 = arith.constant 0 : i32
      %swap3A_1648 = arith.index_cast %swap3A_1646 : i32 to index
      %swap3A_1649 = arith.index_cast %swap3A_1647 : i32 to index
      %swap3A_1650 = arith.constant 96 : index
      %swap3A_1651 = tpu.vector_load %arg5[%swap3A_1648, %swap3A_1649, %swap3A_1650] {strides = array<i32>} : memref<2x4x128xi32, #tpu.memory_space<vmem>>, vector<1x1x16xi32>,
      %swap3A_1652 = vector.shape_cast %swap3A_1651 : vector<1x1x16xi32> to vector<16xi32>
      %swap3A_1653 = vector.shape_cast %mul3A_1645 : vector<16xi32> to vector<1x1x16xi32>
      tpu.vector_store %arg5[%swap3A_1648, %swap3A_1649, %swap3A_1650], %swap3A_1653 {strides = array<i32>} : memref<2x4x128xi32, #tpu.memory_space<vmem>>, vector<1x1x16xi32>,
      %get3A_1654 = arith.constant 0 : i32
      %get3A_1655 = arith.constant 0 : i32
      %get3A_1656 = arith.index_cast %get3A_1654 : i32 to index
      %get3A_1657 = arith.index_cast %get3A_1655 : i32 to index
      %get3A_1658 = arith.constant 112 : index
      %get3A_1659 = tpu.vector_load %arg5[%get3A_1656, %get3A_1657, %get3A_1658] {strides = array<i32>} : memref<2x4x128xi32, #tpu.memory_space<vmem>>, vector<1x1x16xi32>,
      %get3A_1660 = vector.shape_cast %get3A_1659 : vector<1x1x16xi32> to vector<16xi32>
      %mul3A_1661 = arith.constant 2 : i32
      %mul3A_1662 = vector.broadcast %mul3A_1661 : i32 to vector<16xi32>
      %mul3A_1663 = arith.muli %get3A_1660, %mul3A_1662 : vector<16xi32>
      %swap3A_1664 = arith.constant 0 : i32
      %swap3A_1665 = arith.constant 0 : i32
      %swap3A_1666 = arith.index_cast %swap3A_1664 : i32 to index
      %swap3A_1667 = arith.index_cast %swap3A_1665 : i32 to index
      %swap3A_1668 = arith.constant 112 : index
      %swap3A_1669 = tpu.vector_load %arg5[%swap3A_1666, %swap3A_1667, %swap3A_1668] {strides = array<i32>} : memref<2x4x128xi32, #tpu.memory_space<vmem>>, vector<1x1x16xi32>,
      %swap3A_1670 = vector.shape_cast %swap3A_1669 : vector<1x1x16xi32> to vector<16xi32>
      %swap3A_1671 = vector.shape_cast %mul3A_1663 : vector<16xi32> to vector<1x1x16xi32>
      tpu.vector_store %arg5[%swap3A_1666, %swap3A_1667, %swap3A_1668], %swap3A_1671 {strides = array<i32>} : memref<2x4x128xi32, #tpu.memory_space<vmem>>, vector<1x1x16xi32>,
      %get3A_1672 = arith.constant 0 : i32
      %get3A_1673 = arith.constant 1 : i32
      %get3A_1674 = arith.index_cast %get3A_1672 : i32 to index
      %get3A_1675 = arith.index_cast %get3A_1673 : i32 to index
      %get3A_1676 = arith.constant 0 : index
      %get3A_1677 = tpu.vector_load %arg5[%get3A_1674, %get3A_1675, %get3A_1676] {strides = array<i32>} : memref<2x4x128xi32, #tpu.memory_space<vmem>>, vector<1x1x16xi32>,
      %get3A_1678 = vector.shape_cast %get3A_1677 : vector<1x1x16xi32> to vector<16xi32>
      %mul3A_1679 = arith.constant 2 : i32
      %mul3A_1680 = vector.broadcast %mul3A_1679 : i32 to vector<16xi32>
      %mul3A_1681 = arith.muli %get3A_1678, %mul3A_1680 : vector<16xi32>
      %swap3A_1682 = arith.constant 0 : i32
      %swap3A_1683 = arith.constant 1 : i32
      %swap3A_1684 = arith.index_cast %swap3A_1682 : i32 to index
      %swap3A_1685 = arith.index_cast %swap3A_1683 : i32 to index
      %swap3A_1686 = arith.constant 0 : index
      %swap3A_1687 = tpu.vector_load %arg5[%swap3A_1684, %swap3A_1685, %swap3A_1686] {strides = array<i32>} : memref<2x4x128xi32, #tpu.memory_space<vmem>>, vector<1x1x16xi32>,
      %swap3A_1688 = vector.shape_cast %swap3A_1687 : vector<1x1x16xi32> to vector<16xi32>
      %swap3A_1689 = vector.shape_cast %mul3A_1681 : vector<16xi32> to vector<1x1x16xi32>
      tpu.vector_store %arg5[%swap3A_1684, %swap3A_1685, %swap3A_1686], %swap3A_1689 {strides = array<i32>} : memref<2x4x128xi32, #tpu.memory_space<vmem>>, vector<1x1x16xi32>,
      %get3A_1690 = arith.constant 0 : i32
      %get3A_1691 = arith.constant 1 : i32
      %get3A_1692 = arith.index_cast %get3A_1690 : i32 to index
      %get3A_1693 = arith.index_cast %get3A_1691 : i32 to index
      %get3A_1694 = arith.constant 16 : index
      %get3A_1695 = tpu.vector_load %arg5[%get3A_1692, %get3A_1693, %get3A_1694] {strides = array<i32>} : memref<2x4x128xi32, #tpu.memory_space<vmem>>, vector<1x1x16xi32>,
      %get3A_1696 = vector.shape_cast %get3A_1695 : vector<1x1x16xi32> to vector<16xi32>
      %mul3A_1697 = arith.constant 2 : i32
      %mul3A_1698 = vector.broadcast %mul3A_1697 : i32 to vector<16xi32>
      %mul3A_1699 = arith.muli %get3A_1696, %mul3A_1698 : vector<16xi32>
      %swap3A_1700 = arith.constant 0 : i32
      %swap3A_1701 = arith.constant 1 : i32
      %swap3A_1702 = arith.index_cast %swap3A_1700 : i32 to index
      %swap3A_1703 = arith.index_cast %swap3A_1701 : i32 to index
      %swap3A_1704 = arith.constant 16 : index
      %swap3A_1705 = tpu.vector_load %arg5[%swap3A_1702, %swap3A_1703, %swap3A_1704] {strides = array<i32>} : memref<2x4x128xi32, #tpu.memory_space<vmem>>, vector<1x1x16xi32>,
      %swap3A_1706 = vector.shape_cast %swap3A_1705 : vector<1x1x16xi32> to vector<16xi32>
      %swap3A_1707 = vector.shape_cast %mul3A_1699 : vector<16xi32> to vector<1x1x16xi32>
      tpu.vector_store %arg5[%swap3A_1702, %swap3A_1703, %swap3A_1704], %swap3A_1707 {strides = array<i32>} : memref<2x4x128xi32, #tpu.memory_space<vmem>>, vector<1x1x16xi32>,
      %get3A_1708 = arith.constant 0 : i32
      %get3A_1709 = arith.constant 1 : i32
      %get3A_1710 = arith.index_cast %get3A_1708 : i32 to index
      %get3A_1711 = arith.index_cast %get3A_1709 : i32 to index
      %get3A_1712 = arith.constant 32 : index
      %get3A_1713 = tpu.vector_load %arg5[%get3A_1710, %get3A_1711, %get3A_1712] {strides = array<i32>} : memref<2x4x128xi32, #tpu.memory_space<vmem>>, vector<1x1x16xi32>,
      %get3A_1714 = vector.shape_cast %get3A_1713 : vector<1x1x16xi32> to vector<16xi32>
      %mul3A_1715 = arith.constant 2 : i32
      %mul3A_1716 = vector.broadcast %mul3A_1715 : i32 to vector<16xi32>
      %mul3A_1717 = arith.muli %get3A_1714, %mul3A_1716 : vector<16xi32>
      %swap3A_1718 = arith.constant 0 : i32
      %swap3A_1719 = arith.constant 1 : i32
      %swap3A_1720 = arith.index_cast %swap3A_1718 : i32 to index
      %swap3A_1721 = arith.index_cast %swap3A_1719 : i32 to index
      %swap3A_1722 = arith.constant 32 : index
      %swap3A_1723 = tpu.vector_load %arg5[%swap3A_1720, %swap3A_1721, %swap3A_1722] {strides = array<i32>} : memref<2x4x128xi32, #tpu.memory_space<vmem>>, vector<1x1x16xi32>,
      %swap3A_1724 = vector.shape_cast %swap3A_1723 : vector<1x1x16xi32> to vector<16xi32>
      %swap3A_1725 = vector.shape_cast %mul3A_1717 : vector<16xi32> to vector<1x1x16xi32>
      tpu.vector_store %arg5[%swap3A_1720, %swap3A_1721, %swap3A_1722], %swap3A_1725 {strides = array<i32>} : memref<2x4x128xi32, #tpu.memory_space<vmem>>, vector<1x1x16xi32>,
      %get3A_1726 = arith.constant 0 : i32
      %get3A_1727 = arith.constant 1 : i32
      %get3A_1728 = arith.index_cast %get3A_1726 : i32 to index
      %get3A_1729 = arith.index_cast %get3A_1727 : i32 to index
      %get3A_1730 = arith.constant 48 : index
      %get3A_1731 = tpu.vector_load %arg5[%get3A_1728, %get3A_1729, %get3A_1730] {strides = array<i32>} : memref<2x4x128xi32, #tpu.memory_space<vmem>>, vector<1x1x16xi32>,
      %get3A_1732 = vector.shape_cast %get3A_1731 : vector<1x1x16xi32> to vector<16xi32>
      %mul3A_1733 = arith.constant 2 : i32
      %mul3A_1734 = vector.broadcast %mul3A_1733 : i32 to vector<16xi32>
      %mul3A_1735 = arith.muli %get3A_1732, %mul3A_1734 : vector<16xi32>
      %swap3A_1736 = arith.constant 0 : i32
      %swap3A_1737 = arith.constant 1 : i32
      %swap3A_1738 = arith.index_cast %swap3A_1736 : i32 to index
      %swap3A_1739 = arith.index_cast %swap3A_1737 : i32 to index
      %swap3A_1740 = arith.constant 48 : index
      %swap3A_1741 = tpu.vector_load %arg5[%swap3A_1738, %swap3A_1739, %swap3A_1740] {strides = array<i32>} : memref<2x4x128xi32, #tpu.memory_space<vmem>>, vector<1x1x16xi32>,
      %swap3A_1742 = vector.shape_cast %swap3A_1741 : vector<1x1x16xi32> to vector<16xi32>
      %swap3A_1743 = vector.shape_cast %mul3A_1735 : vector<16xi32> to vector<1x1x16xi32>
      tpu.vector_store %arg5[%swap3A_1738, %swap3A_1739, %swap3A_1740], %swap3A_1743 {strides = array<i32>} : memref<2x4x128xi32, #tpu.memory_space<vmem>>, vector<1x1x16xi32>,
      %get3A_1744 = arith.constant 0 : i32
      %get3A_1745 = arith.constant 1 : i32
      %get3A_1746 = arith.index_cast %get3A_1744 : i32 to index
      %get3A_1747 = arith.index_cast %get3A_1745 : i32 to index
      %get3A_1748 = arith.constant 64 : index
      %get3A_1749 = tpu.vector_load %arg5[%get3A_1746, %get3A_1747, %get3A_1748] {strides = array<i32>} : memref<2x4x128xi32, #tpu.memory_space<vmem>>, vector<1x1x16xi32>,
      %get3A_1750 = vector.shape_cast %get3A_1749 : vector<1x1x16xi32> to vector<16xi32>
      %mul3A_1751 = arith.constant 2 : i32
      %mul3A_1752 = vector.broadcast %mul3A_1751 : i32 to vector<16xi32>
      %mul3A_1753 = arith.muli %get3A_1750, %mul3A_1752 : vector<16xi32>
      %swap3A_1754 = arith.constant 0 : i32
      %swap3A_1755 = arith.constant 1 : i32
      %swap3A_1756 = arith.index_cast %swap3A_1754 : i32 to index
      %swap3A_1757 = arith.index_cast %swap3A_1755 : i32 to index
      %swap3A_1758 = arith.constant 64 : index
      %swap3A_1759 = tpu.vector_load %arg5[%swap3A_1756, %swap3A_1757, %swap3A_1758] {strides = array<i32>} : memref<2x4x128xi32, #tpu.memory_space<vmem>>, vector<1x1x16xi32>,
      %swap3A_1760 = vector.shape_cast %swap3A_1759 : vector<1x1x16xi32> to vector<16xi32>
      %swap3A_1761 = vector.shape_cast %mul3A_1753 : vector<16xi32> to vector<1x1x16xi32>
      tpu.vector_store %arg5[%swap3A_1756, %swap3A_1757, %swap3A_1758], %swap3A_1761 {strides = array<i32>} : memref<2x4x128xi32, #tpu.memory_space<vmem>>, vector<1x1x16xi32>,
      %get3A_1762 = arith.constant 0 : i32
      %get3A_1763 = arith.constant 1 : i32
      %get3A_1764 = arith.index_cast %get3A_1762 : i32 to index
      %get3A_1765 = arith.index_cast %get3A_1763 : i32 to index
      %get3A_1766 = arith.constant 80 : index
      %get3A_1767 = tpu.vector_load %arg5[%get3A_1764, %get3A_1765, %get3A_1766] {strides = array<i32>} : memref<2x4x128xi32, #tpu.memory_space<vmem>>, vector<1x1x16xi32>,
      %get3A_1768 = vector.shape_cast %get3A_1767 : vector<1x1x16xi32> to vector<16xi32>
      %mul3A_1769 = arith.constant 2 : i32
      %mul3A_1770 = vector.broadcast %mul3A_1769 : i32 to vector<16xi32>
      %mul3A_1771 = arith.muli %get3A_1768, %mul3A_1770 : vector<16xi32>
      %swap3A_1772 = arith.constant 0 : i32
      %swap3A_1773 = arith.constant 1 : i32
      %swap3A_1774 = arith.index_cast %swap3A_1772 : i32 to index
      %swap3A_1775 = arith.index_cast %swap3A_1773 : i32 to index
      %swap3A_1776 = arith.constant 80 : index
      %swap3A_1777 = tpu.vector_load %arg5[%swap3A_1774, %swap3A_1775, %swap3A_1776] {strides = array<i32>} : memref<2x4x128xi32, #tpu.memory_space<vmem>>, vector<1x1x16xi32>,
      %swap3A_1778 = vector.shape_cast %swap3A_1777 : vector<1x1x16xi32> to vector<16xi32>
      %swap3A_1779 = vector.shape_cast %mul3A_1771 : vector<16xi32> to vector<1x1x16xi32>
      tpu.vector_store %arg5[%swap3A_1774, %swap3A_1775, %swap3A_1776], %swap3A_1779 {strides = array<i32>} : memref<2x4x128xi32, #tpu.memory_space<vmem>>, vector<1x1x16xi32>,
      %get3A_1780 = arith.constant 0 : i32
      %get3A_1781 = arith.constant 1 : i32
      %get3A_1782 = arith.index_cast %get3A_1780 : i32 to index
      %get3A_1783 = arith.index_cast %get3A_1781 : i32 to index
      %get3A_1784 = arith.constant 96 : index
      %get3A_1785 = tpu.vector_load %arg5[%get3A_1782, %get3A_1783, %get3A_1784] {strides = array<i32>} : memref<2x4x128xi32, #tpu.memory_space<vmem>>, vector<1x1x16xi32>,
      %get3A_1786 = vector.shape_cast %get3A_1785 : vector<1x1x16xi32> to vector<16xi32>
      %mul3A_1787 = arith.constant 2 : i32
      %mul3A_1788 = vector.broadcast %mul3A_1787 : i32 to vector<16xi32>
      %mul3A_1789 = arith.muli %get3A_1786, %mul3A_1788 : vector<16xi32>
      %swap3A_1790 = arith.constant 0 : i32
      %swap3A_1791 = arith.constant 1 : i32
      %swap3A_1792 = arith.index_cast %swap3A_1790 : i32 to index
      %swap3A_1793 = arith.index_cast %swap3A_1791 : i32 to index
      %swap3A_1794 = arith.constant 96 : index
      %swap3A_1795 = tpu.vector_load %arg5[%swap3A_1792, %swap3A_1793, %swap3A_1794] {strides = array<i32>} : memref<2x4x128xi32, #tpu.memory_space<vmem>>, vector<1x1x16xi32>,
      %swap3A_1796 = vector.shape_cast %swap3A_1795 : vector<1x1x16xi32> to vector<16xi32>
      %swap3A_1797 = vector.shape_cast %mul3A_1789 : vector<16xi32> to vector<1x1x16xi32>
      tpu.vector_store %arg5[%swap3A_1792, %swap3A_1793, %swap3A_1794], %swap3A_1797 {strides = array<i32>} : memref<2x4x128xi32, #tpu.memory_space<vmem>>, vector<1x1x16xi32>,
      %get3A_1798 = arith.constant 0 : i32
      %get3A_1799 = arith.constant 1 : i32
      %get3A_1800 = arith.index_cast %get3A_1798 : i32 to index
      %get3A_1801 = arith.index_cast %get3A_1799 : i32 to index
      %get3A_1802 = arith.constant 112 : index
      %get3A_1803 = tpu.vector_load %arg5[%get3A_1800, %get3A_1801, %get3A_1802] {strides = array<i32>} : memref<2x4x128xi32, #tpu.memory_space<vmem>>, vector<1x1x16xi32>,
      %get3A_1804 = vector.shape_cast %get3A_1803 : vector<1x1x16xi32> to vector<16xi32>
      %mul3A_1805 = arith.constant 2 : i32
      %mul3A_1806 = vector.broadcast %mul3A_1805 : i32 to vector<16xi32>
      %mul3A_1807 = arith.muli %get3A_1804, %mul3A_1806 : vector<16xi32>
      %swap3A_1808 = arith.constant 0 : i32
      %swap3A_1809 = arith.constant 1 : i32
      %swap3A_1810 = arith.index_cast %swap3A_1808 : i32 to index
      %swap3A_1811 = arith.index_cast %swap3A_1809 : i32 to index
      %swap3A_1812 = arith.constant 112 : index
      %swap3A_1813 = tpu.vector_load %arg5[%swap3A_1810, %swap3A_1811, %swap3A_1812] {strides = array<i32>} : memref<2x4x128xi32, #tpu.memory_space<vmem>>, vector<1x1x16xi32>,
      %swap3A_1814 = vector.shape_cast %swap3A_1813 : vector<1x1x16xi32> to vector<16xi32>
      %swap3A_1815 = vector.shape_cast %mul3A_1807 : vector<16xi32> to vector<1x1x16xi32>
      tpu.vector_store %arg5[%swap3A_1810, %swap3A_1811, %swap3A_1812], %swap3A_1815 {strides = array<i32>} : memref<2x4x128xi32, #tpu.memory_space<vmem>>, vector<1x1x16xi32>,
      %get3A_1816 = arith.constant 0 : i32
      %get3A_1817 = arith.constant 2 : i32
      %get3A_1818 = arith.index_cast %get3A_1816 : i32 to index
      %get3A_1819 = arith.index_cast %get3A_1817 : i32 to index
      %get3A_1820 = arith.constant 0 : index
      %get3A_1821 = tpu.vector_load %arg5[%get3A_1818, %get3A_1819, %get3A_1820] {strides = array<i32>} : memref<2x4x128xi32, #tpu.memory_space<vmem>>, vector<1x1x16xi32>,
      %get3A_1822 = vector.shape_cast %get3A_1821 : vector<1x1x16xi32> to vector<16xi32>
      %mul3A_1823 = arith.constant 2 : i32
      %mul3A_1824 = vector.broadcast %mul3A_1823 : i32 to vector<16xi32>
      %mul3A_1825 = arith.muli %get3A_1822, %mul3A_1824 : vector<16xi32>
      %swap3A_1826 = arith.constant 0 : i32
      %swap3A_1827 = arith.constant 2 : i32
      %swap3A_1828 = arith.index_cast %swap3A_1826 : i32 to index
      %swap3A_1829 = arith.index_cast %swap3A_1827 : i32 to index
      %swap3A_1830 = arith.constant 0 : index
      %swap3A_1831 = tpu.vector_load %arg5[%swap3A_1828, %swap3A_1829, %swap3A_1830] {strides = array<i32>} : memref<2x4x128xi32, #tpu.memory_space<vmem>>, vector<1x1x16xi32>,
      %swap3A_1832 = vector.shape_cast %swap3A_1831 : vector<1x1x16xi32> to vector<16xi32>
      %swap3A_1833 = vector.shape_cast %mul3A_1825 : vector<16xi32> to vector<1x1x16xi32>
      tpu.vector_store %arg5[%swap3A_1828, %swap3A_1829, %swap3A_1830], %swap3A_1833 {strides = array<i32>} : memref<2x4x128xi32, #tpu.memory_space<vmem>>, vector<1x1x16xi32>,
      %get3A_1834 = arith.constant 0 : i32
      %get3A_1835 = arith.constant 2 : i32
      %get3A_1836 = arith.index_cast %get3A_1834 : i32 to index
      %get3A_1837 = arith.index_cast %get3A_1835 : i32 to index
      %get3A_1838 = arith.constant 16 : index
      %get3A_1839 = tpu.vector_load %arg5[%get3A_1836, %get3A_1837, %get3A_1838] {strides = array<i32>} : memref<2x4x128xi32, #tpu.memory_space<vmem>>, vector<1x1x16xi32>,
      %get3A_1840 = vector.shape_cast %get3A_1839 : vector<1x1x16xi32> to vector<16xi32>
      %mul3A_1841 = arith.constant 2 : i32
      %mul3A_1842 = vector.broadcast %mul3A_1841 : i32 to vector<16xi32>
      %mul3A_1843 = arith.muli %get3A_1840, %mul3A_1842 : vector<16xi32>
      %swap3A_1844 = arith.constant 0 : i32
      %swap3A_1845 = arith.constant 2 : i32
      %swap3A_1846 = arith.index_cast %swap3A_1844 : i32 to index
      %swap3A_1847 = arith.index_cast %swap3A_1845 : i32 to index
      %swap3A_1848 = arith.constant 16 : index
      %swap3A_1849 = tpu.vector_load %arg5[%swap3A_1846, %swap3A_1847, %swap3A_1848] {strides = array<i32>} : memref<2x4x128xi32, #tpu.memory_space<vmem>>, vector<1x1x16xi32>,
      %swap3A_1850 = vector.shape_cast %swap3A_1849 : vector<1x1x16xi32> to vector<16xi32>
      %swap3A_1851 = vector.shape_cast %mul3A_1843 : vector<16xi32> to vector<1x1x16xi32>
      tpu.vector_store %arg5[%swap3A_1846, %swap3A_1847, %swap3A_1848], %swap3A_1851 {strides = array<i32>} : memref<2x4x128xi32, #tpu.memory_space<vmem>>, vector<1x1x16xi32>,
      %get3A_1852 = arith.constant 0 : i32
      %get3A_1853 = arith.constant 2 : i32
      %get3A_1854 = arith.index_cast %get3A_1852 : i32 to index
      %get3A_1855 = arith.index_cast %get3A_1853 : i32 to index
      %get3A_1856 = arith.constant 32 : index
      %get3A_1857 = tpu.vector_load %arg5[%get3A_1854, %get3A_1855, %get3A_1856] {strides = array<i32>} : memref<2x4x128xi32, #tpu.memory_space<vmem>>, vector<1x1x16xi32>,
      %get3A_1858 = vector.shape_cast %get3A_1857 : vector<1x1x16xi32> to vector<16xi32>
      %mul3A_1859 = arith.constant 2 : i32
      %mul3A_1860 = vector.broadcast %mul3A_1859 : i32 to vector<16xi32>
      %mul3A_1861 = arith.muli %get3A_1858, %mul3A_1860 : vector<16xi32>
      %swap3A_1862 = arith.constant 0 : i32
      %swap3A_1863 = arith.constant 2 : i32
      %swap3A_1864 = arith.index_cast %swap3A_1862 : i32 to index
      %swap3A_1865 = arith.index_cast %swap3A_1863 : i32 to index
      %swap3A_1866 = arith.constant 32 : index
      %swap3A_1867 = tpu.vector_load %arg5[%swap3A_1864, %swap3A_1865, %swap3A_1866] {strides = array<i32>} : memref<2x4x128xi32, #tpu.memory_space<vmem>>, vector<1x1x16xi32>,
      %swap3A_1868 = vector.shape_cast %swap3A_1867 : vector<1x1x16xi32> to vector<16xi32>
      %swap3A_1869 = vector.shape_cast %mul3A_1861 : vector<16xi32> to vector<1x1x16xi32>
      tpu.vector_store %arg5[%swap3A_1864, %swap3A_1865, %swap3A_1866], %swap3A_1869 {strides = array<i32>} : memref<2x4x128xi32, #tpu.memory_space<vmem>>, vector<1x1x16xi32>,
      %get3A_1870 = arith.constant 0 : i32
      %get3A_1871 = arith.constant 2 : i32
      %get3A_1872 = arith.index_cast %get3A_1870 : i32 to index
      %get3A_1873 = arith.index_cast %get3A_1871 : i32 to index
      %get3A_1874 = arith.constant 48 : index
      %get3A_1875 = tpu.vector_load %arg5[%get3A_1872, %get3A_1873, %get3A_1874] {strides = array<i32>} : memref<2x4x128xi32, #tpu.memory_space<vmem>>, vector<1x1x16xi32>,
      %get3A_1876 = vector.shape_cast %get3A_1875 : vector<1x1x16xi32> to vector<16xi32>
      %mul3A_1877 = arith.constant 2 : i32
      %mul3A_1878 = vector.broadcast %mul3A_1877 : i32 to vector<16xi32>
      %mul3A_1879 = arith.muli %get3A_1876, %mul3A_1878 : vector<16xi32>
      %swap3A_1880 = arith.constant 0 : i32
      %swap3A_1881 = arith.constant 2 : i32
      %swap3A_1882 = arith.index_cast %swap3A_1880 : i32 to index
      %swap3A_1883 = arith.index_cast %swap3A_1881 : i32 to index
      %swap3A_1884 = arith.constant 48 : index
      %swap3A_1885 = tpu.vector_load %arg5[%swap3A_1882, %swap3A_1883, %swap3A_1884] {strides = array<i32>} : memref<2x4x128xi32, #tpu.memory_space<vmem>>, vector<1x1x16xi32>,
      %swap3A_1886 = vector.shape_cast %swap3A_1885 : vector<1x1x16xi32> to vector<16xi32>
      %swap3A_1887 = vector.shape_cast %mul3A_1879 : vector<16xi32> to vector<1x1x16xi32>
      tpu.vector_store %arg5[%swap3A_1882, %swap3A_1883, %swap3A_1884], %swap3A_1887 {strides = array<i32>} : memref<2x4x128xi32, #tpu.memory_space<vmem>>, vector<1x1x16xi32>,
      %get3A_1888 = arith.constant 0 : i32
      %get3A_1889 = arith.constant 2 : i32
      %get3A_1890 = arith.index_cast %get3A_1888 : i32 to index
      %get3A_1891 = arith.index_cast %get3A_1889 : i32 to index
      %get3A_1892 = arith.constant 64 : index
      %get3A_1893 = tpu.vector_load %arg5[%get3A_1890, %get3A_1891, %get3A_1892] {strides = array<i32>} : memref<2x4x128xi32, #tpu.memory_space<vmem>>, vector<1x1x16xi32>,
      %get3A_1894 = vector.shape_cast %get3A_1893 : vector<1x1x16xi32> to vector<16xi32>
      %mul3A_1895 = arith.constant 2 : i32
      %mul3A_1896 = vector.broadcast %mul3A_1895 : i32 to vector<16xi32>
      %mul3A_1897 = arith.muli %get3A_1894, %mul3A_1896 : vector<16xi32>
      %swap3A_1898 = arith.constant 0 : i32
      %swap3A_1899 = arith.constant 2 : i32
      %swap3A_1900 = arith.index_cast %swap3A_1898 : i32 to index
      %swap3A_1901 = arith.index_cast %swap3A_1899 : i32 to index
      %swap3A_1902 = arith.constant 64 : index
      %swap3A_1903 = tpu.vector_load %arg5[%swap3A_1900, %swap3A_1901, %swap3A_1902] {strides = array<i32>} : memref<2x4x128xi32, #tpu.memory_space<vmem>>, vector<1x1x16xi32>,
      %swap3A_1904 = vector.shape_cast %swap3A_1903 : vector<1x1x16xi32> to vector<16xi32>
      %swap3A_1905 = vector.shape_cast %mul3A_1897 : vector<16xi32> to vector<1x1x16xi32>
      tpu.vector_store %arg5[%swap3A_1900, %swap3A_1901, %swap3A_1902], %swap3A_1905 {strides = array<i32>} : memref<2x4x128xi32, #tpu.memory_space<vmem>>, vector<1x1x16xi32>,
      %get3A_1906 = arith.constant 0 : i32
      %get3A_1907 = arith.constant 2 : i32
      %get3A_1908 = arith.index_cast %get3A_1906 : i32 to index
      %get3A_1909 = arith.index_cast %get3A_1907 : i32 to index
      %get3A_1910 = arith.constant 80 : index
      %get3A_1911 = tpu.vector_load %arg5[%get3A_1908, %get3A_1909, %get3A_1910] {strides = array<i32>} : memref<2x4x128xi32, #tpu.memory_space<vmem>>, vector<1x1x16xi32>,
      %get3A_1912 = vector.shape_cast %get3A_1911 : vector<1x1x16xi32> to vector<16xi32>
      %mul3A_1913 = arith.constant 2 : i32
      %mul3A_1914 = vector.broadcast %mul3A_1913 : i32 to vector<16xi32>
      %mul3A_1915 = arith.muli %get3A_1912, %mul3A_1914 : vector<16xi32>
      %swap3A_1916 = arith.constant 0 : i32
      %swap3A_1917 = arith.constant 2 : i32
      %swap3A_1918 = arith.index_cast %swap3A_1916 : i32 to index
      %swap3A_1919 = arith.index_cast %swap3A_1917 : i32 to index
      %swap3A_1920 = arith.constant 80 : index
      %swap3A_1921 = tpu.vector_load %arg5[%swap3A_1918, %swap3A_1919, %swap3A_1920] {strides = array<i32>} : memref<2x4x128xi32, #tpu.memory_space<vmem>>, vector<1x1x16xi32>,
      %swap3A_1922 = vector.shape_cast %swap3A_1921 : vector<1x1x16xi32> to vector<16xi32>
      %swap3A_1923 = vector.shape_cast %mul3A_1915 : vector<16xi32> to vector<1x1x16xi32>
      tpu.vector_store %arg5[%swap3A_1918, %swap3A_1919, %swap3A_1920], %swap3A_1923 {strides = array<i32>} : memref<2x4x128xi32, #tpu.memory_space<vmem>>, vector<1x1x16xi32>,
      %get3A_1924 = arith.constant 0 : i32
      %get3A_1925 = arith.constant 2 : i32
      %get3A_1926 = arith.index_cast %get3A_1924 : i32 to index
      %get3A_1927 = arith.index_cast %get3A_1925 : i32 to index
      %get3A_1928 = arith.constant 96 : index
      %get3A_1929 = tpu.vector_load %arg5[%get3A_1926, %get3A_1927, %get3A_1928] {strides = array<i32>} : memref<2x4x128xi32, #tpu.memory_space<vmem>>, vector<1x1x16xi32>,
      %get3A_1930 = vector.shape_cast %get3A_1929 : vector<1x1x16xi32> to vector<16xi32>
      %mul3A_1931 = arith.constant 2 : i32
      %mul3A_1932 = vector.broadcast %mul3A_1931 : i32 to vector<16xi32>
      %mul3A_1933 = arith.muli %get3A_1930, %mul3A_1932 : vector<16xi32>
      %swap3A_1934 = arith.constant 0 : i32
      %swap3A_1935 = arith.constant 2 : i32
      %swap3A_1936 = arith.index_cast %swap3A_1934 : i32 to index
      %swap3A_1937 = arith.index_cast %swap3A_1935 : i32 to index
      %swap3A_1938 = arith.constant 96 : index
      %swap3A_1939 = tpu.vector_load %arg5[%swap3A_1936, %swap3A_1937, %swap3A_1938] {strides = array<i32>} : memref<2x4x128xi32, #tpu.memory_space<vmem>>, vector<1x1x16xi32>,
      %swap3A_1940 = vector.shape_cast %swap3A_1939 : vector<1x1x16xi32> to vector<16xi32>
      %swap3A_1941 = vector.shape_cast %mul3A_1933 : vector<16xi32> to vector<1x1x16xi32>
      tpu.vector_store %arg5[%swap3A_1936, %swap3A_1937, %swap3A_1938], %swap3A_1941 {strides = array<i32>} : memref<2x4x128xi32, #tpu.memory_space<vmem>>, vector<1x1x16xi32>,
      %get3A_1942 = arith.constant 0 : i32
      %get3A_1943 = arith.constant 2 : i32
      %get3A_1944 = arith.index_cast %get3A_1942 : i32 to index
      %get3A_1945 = arith.index_cast %get3A_1943 : i32 to index
      %get3A_1946 = arith.constant 112 : index
      %get3A_1947 = tpu.vector_load %arg5[%get3A_1944, %get3A_1945, %get3A_1946] {strides = array<i32>} : memref<2x4x128xi32, #tpu.memory_space<vmem>>, vector<1x1x16xi32>,
      %get3A_1948 = vector.shape_cast %get3A_1947 : vector<1x1x16xi32> to vector<16xi32>
      %mul3A_1949 = arith.constant 2 : i32
      %mul3A_1950 = vector.broadcast %mul3A_1949 : i32 to vector<16xi32>
      %mul3A_1951 = arith.muli %get3A_1948, %mul3A_1950 : vector<16xi32>
      %swap3A_1952 = arith.constant 0 : i32
      %swap3A_1953 = arith.constant 2 : i32
      %swap3A_1954 = arith.index_cast %swap3A_1952 : i32 to index
      %swap3A_1955 = arith.index_cast %swap3A_1953 : i32 to index
      %swap3A_1956 = arith.constant 112 : index
      %swap3A_1957 = tpu.vector_load %arg5[%swap3A_1954, %swap3A_1955, %swap3A_1956] {strides = array<i32>} : memref<2x4x128xi32, #tpu.memory_space<vmem>>, vector<1x1x16xi32>,
      %swap3A_1958 = vector.shape_cast %swap3A_1957 : vector<1x1x16xi32> to vector<16xi32>
      %swap3A_1959 = vector.shape_cast %mul3A_1951 : vector<16xi32> to vector<1x1x16xi32>
      tpu.vector_store %arg5[%swap3A_1954, %swap3A_1955, %swap3A_1956], %swap3A_1959 {strides = array<i32>} : memref<2x4x128xi32, #tpu.memory_space<vmem>>, vector<1x1x16xi32>,
      %get3A_1960 = arith.constant 0 : i32
      %get3A_1961 = arith.constant 3 : i32
      %get3A_1962 = arith.index_cast %get3A_1960 : i32 to index
      %get3A_1963 = arith.index_cast %get3A_1961 : i32 to index
      %get3A_1964 = arith.constant 0 : index
      %get3A_1965 = tpu.vector_load %arg5[%get3A_1962, %get3A_1963, %get3A_1964] {strides = array<i32>} : memref<2x4x128xi32, #tpu.memory_space<vmem>>, vector<1x1x16xi32>,
      %get3A_1966 = vector.shape_cast %get3A_1965 : vector<1x1x16xi32> to vector<16xi32>
      %mul3A_1967 = arith.constant 2 : i32
      %mul3A_1968 = vector.broadcast %mul3A_1967 : i32 to vector<16xi32>
      %mul3A_1969 = arith.muli %get3A_1966, %mul3A_1968 : vector<16xi32>
      %swap3A_1970 = arith.constant 0 : i32
      %swap3A_1971 = arith.constant 3 : i32
      %swap3A_1972 = arith.index_cast %swap3A_1970 : i32 to index
      %swap3A_1973 = arith.index_cast %swap3A_1971 : i32 to index
      %swap3A_1974 = arith.constant 0 : index
      %swap3A_1975 = tpu.vector_load %arg5[%swap3A_1972, %swap3A_1973, %swap3A_1974] {strides = array<i32>} : memref<2x4x128xi32, #tpu.memory_space<vmem>>, vector<1x1x16xi32>,
      %swap3A_1976 = vector.shape_cast %swap3A_1975 : vector<1x1x16xi32> to vector<16xi32>
      %swap3A_1977 = vector.shape_cast %mul3A_1969 : vector<16xi32> to vector<1x1x16xi32>
      tpu.vector_store %arg5[%swap3A_1972, %swap3A_1973, %swap3A_1974], %swap3A_1977 {strides = array<i32>} : memref<2x4x128xi32, #tpu.memory_space<vmem>>, vector<1x1x16xi32>,
      %get3A_1978 = arith.constant 0 : i32
      %get3A_1979 = arith.constant 3 : i32
      %get3A_1980 = arith.index_cast %get3A_1978 : i32 to index
      %get3A_1981 = arith.index_cast %get3A_1979 : i32 to index
      %get3A_1982 = arith.constant 16 : index
      %get3A_1983 = tpu.vector_load %arg5[%get3A_1980, %get3A_1981, %get3A_1982] {strides = array<i32>} : memref<2x4x128xi32, #tpu.memory_space<vmem>>, vector<1x1x16xi32>,
      %get3A_1984 = vector.shape_cast %get3A_1983 : vector<1x1x16xi32> to vector<16xi32>
      %mul3A_1985 = arith.constant 2 : i32
      %mul3A_1986 = vector.broadcast %mul3A_1985 : i32 to vector<16xi32>
      %mul3A_1987 = arith.muli %get3A_1984, %mul3A_1986 : vector<16xi32>
      %swap3A_1988 = arith.constant 0 : i32
      %swap3A_1989 = arith.constant 3 : i32
      %swap3A_1990 = arith.index_cast %swap3A_1988 : i32 to index
      %swap3A_1991 = arith.index_cast %swap3A_1989 : i32 to index
      %swap3A_1992 = arith.constant 16 : index
      %swap3A_1993 = tpu.vector_load %arg5[%swap3A_1990, %swap3A_1991, %swap3A_1992] {strides = array<i32>} : memref<2x4x128xi32, #tpu.memory_space<vmem>>, vector<1x1x16xi32>,
      %swap3A_1994 = vector.shape_cast %swap3A_1993 : vector<1x1x16xi32> to vector<16xi32>
      %swap3A_1995 = vector.shape_cast %mul3A_1987 : vector<16xi32> to vector<1x1x16xi32>
      tpu.vector_store %arg5[%swap3A_1990, %swap3A_1991, %swap3A_1992], %swap3A_1995 {strides = array<i32>} : memref<2x4x128xi32, #tpu.memory_space<vmem>>, vector<1x1x16xi32>,
      %get3A_1996 = arith.constant 0 : i32
      %get3A_1997 = arith.constant 3 : i32
      %get3A_1998 = arith.index_cast %get3A_1996 : i32 to index
      %get3A_1999 = arith.index_cast %get3A_1997 : i32 to index
      %get3A_2000 = arith.constant 32 : index
      %get3A_2001 = tpu.vector_load %arg5[%get3A_1998, %get3A_1999, %get3A_2000] {strides = array<i32>} : memref<2x4x128xi32, #tpu.memory_space<vmem>>, vector<1x1x16xi32>,
      %get3A_2002 = vector.shape_cast %get3A_2001 : vector<1x1x16xi32> to vector<16xi32>
      %mul3A_2003 = arith.constant 2 : i32
      %mul3A_2004 = vector.broadcast %mul3A_2003 : i32 to vector<16xi32>
      %mul3A_2005 = arith.muli %get3A_2002, %mul3A_2004 : vector<16xi32>
      %swap3A_2006 = arith.constant 0 : i32
      %swap3A_2007 = arith.constant 3 : i32
      %swap3A_2008 = arith.index_cast %swap3A_2006 : i32 to index
      %swap3A_2009 = arith.index_cast %swap3A_2007 : i32 to index
      %swap3A_2010 = arith.constant 32 : index
      %swap3A_2011 = tpu.vector_load %arg5[%swap3A_2008, %swap3A_2009, %swap3A_2010] {strides = array<i32>} : memref<2x4x128xi32, #tpu.memory_space<vmem>>, vector<1x1x16xi32>,
      %swap3A_2012 = vector.shape_cast %swap3A_2011 : vector<1x1x16xi32> to vector<16xi32>
      %swap3A_2013 = vector.shape_cast %mul3A_2005 : vector<16xi32> to vector<1x1x16xi32>
      tpu.vector_store %arg5[%swap3A_2008, %swap3A_2009, %swap3A_2010], %swap3A_2013 {strides = array<i32>} : memref<2x4x128xi32, #tpu.memory_space<vmem>>, vector<1x1x16xi32>,
      %get3A_2014 = arith.constant 0 : i32
      %get3A_2015 = arith.constant 3 : i32
      %get3A_2016 = arith.index_cast %get3A_2014 : i32 to index
      %get3A_2017 = arith.index_cast %get3A_2015 : i32 to index
      %get3A_2018 = arith.constant 48 : index
      %get3A_2019 = tpu.vector_load %arg5[%get3A_2016, %get3A_2017, %get3A_2018] {strides = array<i32>} : memref<2x4x128xi32, #tpu.memory_space<vmem>>, vector<1x1x16xi32>,
      %get3A_2020 = vector.shape_cast %get3A_2019 : vector<1x1x16xi32> to vector<16xi32>
      %mul3A_2021 = arith.constant 2 : i32
      %mul3A_2022 = vector.broadcast %mul3A_2021 : i32 to vector<16xi32>
      %mul3A_2023 = arith.muli %get3A_2020, %mul3A_2022 : vector<16xi32>
      %swap3A_2024 = arith.constant 0 : i32
      %swap3A_2025 = arith.constant 3 : i32
      %swap3A_2026 = arith.index_cast %swap3A_2024 : i32 to index
      %swap3A_2027 = arith.index_cast %swap3A_2025 : i32 to index
      %swap3A_2028 = arith.constant 48 : index
      %swap3A_2029 = tpu.vector_load %arg5[%swap3A_2026, %swap3A_2027, %swap3A_2028] {strides = array<i32>} : memref<2x4x128xi32, #tpu.memory_space<vmem>>, vector<1x1x16xi32>,
      %swap3A_2030 = vector.shape_cast %swap3A_2029 : vector<1x1x16xi32> to vector<16xi32>
      %swap3A_2031 = vector.shape_cast %mul3A_2023 : vector<16xi32> to vector<1x1x16xi32>
      tpu.vector_store %arg5[%swap3A_2026, %swap3A_2027, %swap3A_2028], %swap3A_2031 {strides = array<i32>} : memref<2x4x128xi32, #tpu.memory_space<vmem>>, vector<1x1x16xi32>,
      %get3A_2032 = arith.constant 0 : i32
      %get3A_2033 = arith.constant 3 : i32
      %get3A_2034 = arith.index_cast %get3A_2032 : i32 to index
      %get3A_2035 = arith.index_cast %get3A_2033 : i32 to index
      %get3A_2036 = arith.constant 64 : index
      %get3A_2037 = tpu.vector_load %arg5[%get3A_2034, %get3A_2035, %get3A_2036] {strides = array<i32>} : memref<2x4x128xi32, #tpu.memory_space<vmem>>, vector<1x1x16xi32>,
      %get3A_2038 = vector.shape_cast %get3A_2037 : vector<1x1x16xi32> to vector<16xi32>
      %mul3A_2039 = arith.constant 2 : i32
      %mul3A_2040 = vector.broadcast %mul3A_2039 : i32 to vector<16xi32>
      %mul3A_2041 = arith.muli %get3A_2038, %mul3A_2040 : vector<16xi32>
      %swap3A_2042 = arith.constant 0 : i32
      %swap3A_2043 = arith.constant 3 : i32
      %swap3A_2044 = arith.index_cast %swap3A_2042 : i32 to index
      %swap3A_2045 = arith.index_cast %swap3A_2043 : i32 to index
      %swap3A_2046 = arith.constant 64 : index
      %swap3A_2047 = tpu.vector_load %arg5[%swap3A_2044, %swap3A_2045, %swap3A_2046] {strides = array<i32>} : memref<2x4x128xi32, #tpu.memory_space<vmem>>, vector<1x1x16xi32>,
      %swap3A_2048 = vector.shape_cast %swap3A_2047 : vector<1x1x16xi32> to vector<16xi32>
      %swap3A_2049 = vector.shape_cast %mul3A_2041 : vector<16xi32> to vector<1x1x16xi32>
      tpu.vector_store %arg5[%swap3A_2044, %swap3A_2045, %swap3A_2046], %swap3A_2049 {strides = array<i32>} : memref<2x4x128xi32, #tpu.memory_space<vmem>>, vector<1x1x16xi32>,
      %get3A_2050 = arith.constant 0 : i32
      %get3A_2051 = arith.constant 3 : i32
      %get3A_2052 = arith.index_cast %get3A_2050 : i32 to index
      %get3A_2053 = arith.index_cast %get3A_2051 : i32 to index
      %get3A_2054 = arith.constant 80 : index
      %get3A_2055 = tpu.vector_load %arg5[%get3A_2052, %get3A_2053, %get3A_2054] {strides = array<i32>} : memref<2x4x128xi32, #tpu.memory_space<vmem>>, vector<1x1x16xi32>,
      %get3A_2056 = vector.shape_cast %get3A_2055 : vector<1x1x16xi32> to vector<16xi32>
      %mul3A_2057 = arith.constant 2 : i32
      %mul3A_2058 = vector.broadcast %mul3A_2057 : i32 to vector<16xi32>
      %mul3A_2059 = arith.muli %get3A_2056, %mul3A_2058 : vector<16xi32>
      %swap3A_2060 = arith.constant 0 : i32
      %swap3A_2061 = arith.constant 3 : i32
      %swap3A_2062 = arith.index_cast %swap3A_2060 : i32 to index
      %swap3A_2063 = arith.index_cast %swap3A_2061 : i32 to index
      %swap3A_2064 = arith.constant 80 : index
      %swap3A_2065 = tpu.vector_load %arg5[%swap3A_2062, %swap3A_2063, %swap3A_2064] {strides = array<i32>} : memref<2x4x128xi32, #tpu.memory_space<vmem>>, vector<1x1x16xi32>,
      %swap3A_2066 = vector.shape_cast %swap3A_2065 : vector<1x1x16xi32> to vector<16xi32>
      %swap3A_2067 = vector.shape_cast %mul3A_2059 : vector<16xi32> to vector<1x1x16xi32>
      tpu.vector_store %arg5[%swap3A_2062, %swap3A_2063, %swap3A_2064], %swap3A_2067 {strides = array<i32>} : memref<2x4x128xi32, #tpu.memory_space<vmem>>, vector<1x1x16xi32>,
      %get3A_2068 = arith.constant 0 : i32
      %get3A_2069 = arith.constant 3 : i32
      %get3A_2070 = arith.index_cast %get3A_2068 : i32 to index
      %get3A_2071 = arith.index_cast %get3A_2069 : i32 to index
      %get3A_2072 = arith.constant 96 : index
      %get3A_2073 = tpu.vector_load %arg5[%get3A_2070, %get3A_2071, %get3A_2072] {strides = array<i32>} : memref<2x4x128xi32, #tpu.memory_space<vmem>>, vector<1x1x16xi32>,
      %get3A_2074 = vector.shape_cast %get3A_2073 : vector<1x1x16xi32> to vector<16xi32>
      %mul3A_2075 = arith.constant 2 : i32
      %mul3A_2076 = vector.broadcast %mul3A_2075 : i32 to vector<16xi32>
      %mul3A_2077 = arith.muli %get3A_2074, %mul3A_2076 : vector<16xi32>
      %swap3A_2078 = arith.constant 0 : i32
      %swap3A_2079 = arith.constant 3 : i32
      %swap3A_2080 = arith.index_cast %swap3A_2078 : i32 to index
      %swap3A_2081 = arith.index_cast %swap3A_2079 : i32 to index
      %swap3A_2082 = arith.constant 96 : index
      %swap3A_2083 = tpu.vector_load %arg5[%swap3A_2080, %swap3A_2081, %swap3A_2082] {strides = array<i32>} : memref<2x4x128xi32, #tpu.memory_space<vmem>>, vector<1x1x16xi32>,
      %swap3A_2084 = vector.shape_cast %swap3A_2083 : vector<1x1x16xi32> to vector<16xi32>
      %swap3A_2085 = vector.shape_cast %mul3A_2077 : vector<16xi32> to vector<1x1x16xi32>
      tpu.vector_store %arg5[%swap3A_2080, %swap3A_2081, %swap3A_2082], %swap3A_2085 {strides = array<i32>} : memref<2x4x128xi32, #tpu.memory_space<vmem>>, vector<1x1x16xi32>,
      %get3A_2086 = arith.constant 0 : i32
      %get3A_2087 = arith.constant 3 : i32
      %get3A_2088 = arith.index_cast %get3A_2086 : i32 to index
      %get3A_2089 = arith.index_cast %get3A_2087 : i32 to index
      %get3A_2090 = arith.constant 112 : index
      %get3A_2091 = tpu.vector_load %arg5[%get3A_2088, %get3A_2089, %get3A_2090] {strides = array<i32>} : memref<2x4x128xi32, #tpu.memory_space<vmem>>, vector<1x1x16xi32>,
      %get3A_2092 = vector.shape_cast %get3A_2091 : vector<1x1x16xi32> to vector<16xi32>
      %mul3A_2093 = arith.constant 2 : i32
      %mul3A_2094 = vector.broadcast %mul3A_2093 : i32 to vector<16xi32>
      %mul3A_2095 = arith.muli %get3A_2092, %mul3A_2094 : vector<16xi32>
      %swap3A_2096 = arith.constant 0 : i32
      %swap3A_2097 = arith.constant 3 : i32
      %swap3A_2098 = arith.index_cast %swap3A_2096 : i32 to index
      %swap3A_2099 = arith.index_cast %swap3A_2097 : i32 to index
      %swap3A_2100 = arith.constant 112 : index
      %swap3A_2101 = tpu.vector_load %arg5[%swap3A_2098, %swap3A_2099, %swap3A_2100] {strides = array<i32>} : memref<2x4x128xi32, #tpu.memory_space<vmem>>, vector<1x1x16xi32>,
      %swap3A_2102 = vector.shape_cast %swap3A_2101 : vector<1x1x16xi32> to vector<16xi32>
      %swap3A_2103 = vector.shape_cast %mul3A_2095 : vector<16xi32> to vector<1x1x16xi32>
      tpu.vector_store %arg5[%swap3A_2098, %swap3A_2099, %swap3A_2100], %swap3A_2103 {strides = array<i32>} : memref<2x4x128xi32, #tpu.memory_space<vmem>>, vector<1x1x16xi32>,
      %mul3A_2104 = arith.constant 4 : i32
      %mul3A_2105 = arith.muli %add3A_1448, %mul3A_2104 : i32
      %add3A_2106 = arith.addi %mul3A_4, %mul3A_2105 : i32
      %mul3A_2107 = arith.constant 128 : i32
      %mul3A_2108 = arith.muli %add3A_2106, %mul3A_2107 : i32
      %dma_wait3A_2109 = arith.constant 0 : i32
      %dma_wait3A_2110 = arith.constant 0 : i32
      %dma_wait3A_2111 = arith.constant 0 : i32
      %dma_wait3A_2112 = tpu.memref_slice %arg6[%dma_wait3A_2109, %dma_wait3A_2110, %dma_wait3A_2111] : memref<2x512x64xf32, #tpu.memory_space<vmem>> -> memref<1x512x64xf32, #tpu.memory_space<vmem>>
      %dma_wait3A_2113 = tpu.memref_squeeze %dma_wait3A_2112 : memref<1x512x64xf32, #tpu.memory_space<vmem>> -> memref<512x64xf32, #tpu.memory_space<vmem>>
      %dma_wait3A_2114 = arith.constant 0 : i32
      %dma_wait3A_2115 = tpu.memref_slice %arg4[%mul3A_2108, %dma_wait3A_2114] : memref<819200x128xf32, #tpu.memory_space<hbm>> -> memref<512x64xf32, #tpu.memory_space<hbm>>
      %dma_wait3A_2116 = arith.constant 0 : i32
      %dma_wait3A_2117 = tpu.memref_slice %arg4[%mul3A_2108, %dma_wait3A_2116] : memref<819200x128xf32, #tpu.memory_space<hbm>> -> memref<512x64xf32, #tpu.memory_space<hbm>>
      %dma_wait3A_2118 = arith.constant 0 : i32
      %dma_wait3A_2119 = arith.constant 0 : i32
      %dma_wait3A_2120 = tpu.memref_slice %arg6[%dma_wait3A_2109, %dma_wait3A_2118, %dma_wait3A_2119] : memref<2x512x64xf32, #tpu.memory_space<vmem>> -> memref<1x512x64xf32, #tpu.memory_space<vmem>>
      %dma_wait3A_2121 = tpu.memref_squeeze %dma_wait3A_2120 : memref<1x512x64xf32, #tpu.memory_space<vmem>> -> memref<512x64xf32, #tpu.memory_space<vmem>>
      tpu.wait_dma2 semaphore(%arg9 : memref<!tpu.dma_semaphore, #tpu.memory_space<semaphore_mem>>) src(%dma_wait3A_2121 : memref<512x64xf32, #tpu.memory_space<vmem>>) dst(%dma_wait3A_2117 : memref<512x64xf32, #tpu.memory_space<hbm>>)
      %dma_start3A_2122 = arith.constant 0 : i32
      %dma_start3A_2123 = arith.constant 0 : i32
      %dma_start3A_2124 = arith.constant 0 : i32
      %dma_start3A_2125 = arith.constant 0 : i32
      %dma_start3A_2126 = arith.constant 0 : i32
      %dma_start3A_2127 = tpu.memref_slice %arg6[%dma_start3A_2124, %dma_start3A_2125, %dma_start3A_2126] : memref<2x512x64xf32, #tpu.memory_space<vmem>> -> memref<1x128x64xf32, #tpu.memory_space<vmem>>
      %dma_start3A_2128 = tpu.memref_squeeze %dma_start3A_2127 : memref<1x128x64xf32, #tpu.memory_space<vmem>> -> memref<128x64xf32, #tpu.memory_space<vmem>>
      %dma_start3A_2129 = arith.constant 0 : i32
      %dma_start3A_2130 = tpu.memref_slice %arg5[%dma_start3A_2122, %dma_start3A_2123, %dma_start3A_2129] : memref<2x4x128xi32, #tpu.memory_space<vmem>> -> memref<1x1x128xi32, #tpu.memory_space<vmem>>
      %dma_start3A_2131 = tpu.memref_squeeze %dma_start3A_2130 : memref<1x1x128xi32, #tpu.memory_space<vmem>> -> memref<128xi32, #tpu.memory_space<vmem>>
      %dma_start3A_2132 = arith.constant 0 : i32
      %dma_start3A_2133 = arith.constant 0 : i32
      %dma_start3A_2134 = tpu.memref_slice %arg3[%dma_start3A_2132, %dma_start3A_2133] : memref<2000000x64xf32, #tpu.memory_space<hbm>> -> memref<2000000x64xf32, #tpu.memory_space<hbm>>
      tpu.enqueue_indirect_dma source(%dma_start3A_2134 : memref<2000000x64xf32, #tpu.memory_space<hbm>>) target(%dma_start3A_2128 : memref<128x64xf32, #tpu.memory_space<vmem>>) offsets(%dma_start3A_2131 : memref<128xi32, #tpu.memory_space<vmem>>) semaphore(%arg7 : memref<!tpu.dma_semaphore, #tpu.memory_space<semaphore_mem>>)
      %dma_start3A_2135 = arith.constant 0 : i32
      %dma_start3A_2136 = arith.constant 1 : i32
      %dma_start3A_2137 = arith.constant 0 : i32
      %dma_start3A_2138 = arith.constant 128 : i32
      %dma_start3A_2139 = arith.constant 0 : i32
      %dma_start3A_2140 = tpu.memref_slice %arg6[%dma_start3A_2137, %dma_start3A_2138, %dma_start3A_2139] : memref<2x512x64xf32, #tpu.memory_space<vmem>> -> memref<1x128x64xf32, #tpu.memory_space<vmem>>
      %dma_start3A_2141 = tpu.memref_squeeze %dma_start3A_2140 : memref<1x128x64xf32, #tpu.memory_space<vmem>> -> memref<128x64xf32, #tpu.memory_space<vmem>>
      %dma_start3A_2142 = arith.constant 0 : i32
      %dma_start3A_2143 = tpu.memref_slice %arg5[%dma_start3A_2135, %dma_start3A_2136, %dma_start3A_2142] : memref<2x4x128xi32, #tpu.memory_space<vmem>> -> memref<1x1x128xi32, #tpu.memory_space<vmem>>
      %dma_start3A_2144 = tpu.memref_squeeze %dma_start3A_2143 : memref<1x1x128xi32, #tpu.memory_space<vmem>> -> memref<128xi32, #tpu.memory_space<vmem>>
      %dma_start3A_2145 = arith.constant 0 : i32
      %dma_start3A_2146 = arith.constant 0 : i32
      %dma_start3A_2147 = tpu.memref_slice %arg3[%dma_start3A_2145, %dma_start3A_2146] : memref<2000000x64xf32, #tpu.memory_space<hbm>> -> memref<2000000x64xf32, #tpu.memory_space<hbm>>
      tpu.enqueue_indirect_dma source(%dma_start3A_2147 : memref<2000000x64xf32, #tpu.memory_space<hbm>>) target(%dma_start3A_2141 : memref<128x64xf32, #tpu.memory_space<vmem>>) offsets(%dma_start3A_2144 : memref<128xi32, #tpu.memory_space<vmem>>) semaphore(%arg7 : memref<!tpu.dma_semaphore, #tpu.memory_space<semaphore_mem>>)
      %dma_start3A_2148 = arith.constant 0 : i32
      %dma_start3A_2149 = arith.constant 2 : i32
      %dma_start3A_2150 = arith.constant 0 : i32
      %dma_start3A_2151 = arith.constant 256 : i32
      %dma_start3A_2152 = arith.constant 0 : i32
      %dma_start3A_2153 = tpu.memref_slice %arg6[%dma_start3A_2150, %dma_start3A_2151, %dma_start3A_2152] : memref<2x512x64xf32, #tpu.memory_space<vmem>> -> memref<1x128x64xf32, #tpu.memory_space<vmem>>
      %dma_start3A_2154 = tpu.memref_squeeze %dma_start3A_2153 : memref<1x128x64xf32, #tpu.memory_space<vmem>> -> memref<128x64xf32, #tpu.memory_space<vmem>>
      %dma_start3A_2155 = arith.constant 0 : i32
      %dma_start3A_2156 = tpu.memref_slice %arg5[%dma_start3A_2148, %dma_start3A_2149, %dma_start3A_2155] : memref<2x4x128xi32, #tpu.memory_space<vmem>> -> memref<1x1x128xi32, #tpu.memory_space<vmem>>
      %dma_start3A_2157 = tpu.memref_squeeze %dma_start3A_2156 : memref<1x1x128xi32, #tpu.memory_space<vmem>> -> memref<128xi32, #tpu.memory_space<vmem>>
      %dma_start3A_2158 = arith.constant 0 : i32
      %dma_start3A_2159 = arith.constant 0 : i32
      %dma_start3A_2160 = tpu.memref_slice %arg3[%dma_start3A_2158, %dma_start3A_2159] : memref<2000000x64xf32, #tpu.memory_space<hbm>> -> memref<2000000x64xf32, #tpu.memory_space<hbm>>
      tpu.enqueue_indirect_dma source(%dma_start3A_2160 : memref<2000000x64xf32, #tpu.memory_space<hbm>>) target(%dma_start3A_2154 : memref<128x64xf32, #tpu.memory_space<vmem>>) offsets(%dma_start3A_2157 : memref<128xi32, #tpu.memory_space<vmem>>) semaphore(%arg7 : memref<!tpu.dma_semaphore, #tpu.memory_space<semaphore_mem>>)
      %dma_start3A_2161 = arith.constant 0 : i32
      %dma_start3A_2162 = arith.constant 3 : i32
      %dma_start3A_2163 = arith.constant 0 : i32
      %dma_start3A_2164 = arith.constant 384 : i32
      %dma_start3A_2165 = arith.constant 0 : i32
      %dma_start3A_2166 = tpu.memref_slice %arg6[%dma_start3A_2163, %dma_start3A_2164, %dma_start3A_2165] : memref<2x512x64xf32, #tpu.memory_space<vmem>> -> memref<1x128x64xf32, #tpu.memory_space<vmem>>
      %dma_start3A_2167 = tpu.memref_squeeze %dma_start3A_2166 : memref<1x128x64xf32, #tpu.memory_space<vmem>> -> memref<128x64xf32, #tpu.memory_space<vmem>>
      %dma_start3A_2168 = arith.constant 0 : i32
      %dma_start3A_2169 = tpu.memref_slice %arg5[%dma_start3A_2161, %dma_start3A_2162, %dma_start3A_2168] : memref<2x4x128xi32, #tpu.memory_space<vmem>> -> memref<1x1x128xi32, #tpu.memory_space<vmem>>
      %dma_start3A_2170 = tpu.memref_squeeze %dma_start3A_2169 : memref<1x1x128xi32, #tpu.memory_space<vmem>> -> memref<128xi32, #tpu.memory_space<vmem>>
      %dma_start3A_2171 = arith.constant 0 : i32
      %dma_start3A_2172 = arith.constant 0 : i32
      %dma_start3A_2173 = tpu.memref_slice %arg3[%dma_start3A_2171, %dma_start3A_2172] : memref<2000000x64xf32, #tpu.memory_space<hbm>> -> memref<2000000x64xf32, #tpu.memory_space<hbm>>
      tpu.enqueue_indirect_dma source(%dma_start3A_2173 : memref<2000000x64xf32, #tpu.memory_space<hbm>>) target(%dma_start3A_2167 : memref<128x64xf32, #tpu.memory_space<vmem>>) offsets(%dma_start3A_2170 : memref<128xi32, #tpu.memory_space<vmem>>) semaphore(%arg7 : memref<!tpu.dma_semaphore, #tpu.memory_space<semaphore_mem>>)
      %mul3A_2174 = arith.constant 2 : i32
      %mul3A_2175 = arith.muli %scan3A_1444, %mul3A_2174 : i32
      %add3A_2176 = arith.constant 1 : i32
      %add3A_2177 = arith.addi %mul3A_2175, %add3A_2176 : i32
      %dma_wait3A_2178 = arith.constant 1 : i32
      %dma_wait3A_2179 = arith.constant 0 : i32
      %dma_wait3A_2180 = arith.constant 1 : i32
      %dma_wait3A_2181 = arith.constant 0 : i32
      %dma_wait3A_2182 = arith.constant 0 : i32
      %dma_wait3A_2183 = tpu.memref_slice %arg6[%dma_wait3A_2180, %dma_wait3A_2181, %dma_wait3A_2182] : memref<2x512x64xf32, #tpu.memory_space<vmem>> -> memref<1x128x64xf32, #tpu.memory_space<vmem>>
      %dma_wait3A_2184 = tpu.memref_squeeze %dma_wait3A_2183 : memref<1x128x64xf32, #tpu.memory_space<vmem>> -> memref<128x64xf32, #tpu.memory_space<vmem>>
      %dma_wait3A_2185 = arith.constant 0 : i32
      %dma_wait3A_2186 = tpu.memref_slice %arg5[%dma_wait3A_2178, %dma_wait3A_2179, %dma_wait3A_2185] : memref<2x4x128xi32, #tpu.memory_space<vmem>> -> memref<1x1x128xi32, #tpu.memory_space<vmem>>
      %dma_wait3A_2187 = tpu.memref_squeeze %dma_wait3A_2186 : memref<1x1x128xi32, #tpu.memory_space<vmem>> -> memref<128xi32, #tpu.memory_space<vmem>>
      %dma_wait3A_2188 = arith.constant 0 : i32
      %dma_wait3A_2189 = arith.constant 0 : i32
      %dma_wait3A_2190 = tpu.memref_slice %arg3[%dma_wait3A_2188, %dma_wait3A_2189] : memref<2000000x64xf32, #tpu.memory_space<hbm>> -> memref<2000000x64xf32, #tpu.memory_space<hbm>>
      tpu.wait_indirect_dma semaphore(%arg8 : memref<!tpu.dma_semaphore, #tpu.memory_space<semaphore_mem>>) src(%dma_wait3A_2190 : memref<2000000x64xf32, #tpu.memory_space<hbm>>) dst(%dma_wait3A_2184 : memref<128x64xf32, #tpu.memory_space<vmem>>)
      %dma_wait3A_2191 = arith.constant 1 : i32
      %dma_wait3A_2192 = arith.constant 1 : i32
      %dma_wait3A_2193 = arith.constant 1 : i32
      %dma_wait3A_2194 = arith.constant 128 : i32
      %dma_wait3A_2195 = arith.constant 0 : i32
      %dma_wait3A_2196 = tpu.memref_slice %arg6[%dma_wait3A_2193, %dma_wait3A_2194, %dma_wait3A_2195] : memref<2x512x64xf32, #tpu.memory_space<vmem>> -> memref<1x128x64xf32, #tpu.memory_space<vmem>>
      %dma_wait3A_2197 = tpu.memref_squeeze %dma_wait3A_2196 : memref<1x128x64xf32, #tpu.memory_space<vmem>> -> memref<128x64xf32, #tpu.memory_space<vmem>>
      %dma_wait3A_2198 = arith.constant 0 : i32
      %dma_wait3A_2199 = tpu.memref_slice %arg5[%dma_wait3A_2191, %dma_wait3A_2192, %dma_wait3A_2198] : memref<2x4x128xi32, #tpu.memory_space<vmem>> -> memref<1x1x128xi32, #tpu.memory_space<vmem>>
      %dma_wait3A_2200 = tpu.memref_squeeze %dma_wait3A_2199 : memref<1x1x128xi32, #tpu.memory_space<vmem>> -> memref<128xi32, #tpu.memory_space<vmem>>
      %dma_wait3A_2201 = arith.constant 0 : i32
      %dma_wait3A_2202 = arith.constant 0 : i32
      %dma_wait3A_2203 = tpu.memref_slice %arg3[%dma_wait3A_2201, %dma_wait3A_2202] : memref<2000000x64xf32, #tpu.memory_space<hbm>> -> memref<2000000x64xf32, #tpu.memory_space<hbm>>
      tpu.wait_indirect_dma semaphore(%arg8 : memref<!tpu.dma_semaphore, #tpu.memory_space<semaphore_mem>>) src(%dma_wait3A_2203 : memref<2000000x64xf32, #tpu.memory_space<hbm>>) dst(%dma_wait3A_2197 : memref<128x64xf32, #tpu.memory_space<vmem>>)
      %dma_wait3A_2204 = arith.constant 1 : i32
      %dma_wait3A_2205 = arith.constant 2 : i32
      %dma_wait3A_2206 = arith.constant 1 : i32
      %dma_wait3A_2207 = arith.constant 256 : i32
      %dma_wait3A_2208 = arith.constant 0 : i32
      %dma_wait3A_2209 = tpu.memref_slice %arg6[%dma_wait3A_2206, %dma_wait3A_2207, %dma_wait3A_2208] : memref<2x512x64xf32, #tpu.memory_space<vmem>> -> memref<1x128x64xf32, #tpu.memory_space<vmem>>
      %dma_wait3A_2210 = tpu.memref_squeeze %dma_wait3A_2209 : memref<1x128x64xf32, #tpu.memory_space<vmem>> -> memref<128x64xf32, #tpu.memory_space<vmem>>
      %dma_wait3A_2211 = arith.constant 0 : i32
      %dma_wait3A_2212 = tpu.memref_slice %arg5[%dma_wait3A_2204, %dma_wait3A_2205, %dma_wait3A_2211] : memref<2x4x128xi32, #tpu.memory_space<vmem>> -> memref<1x1x128xi32, #tpu.memory_space<vmem>>
      %dma_wait3A_2213 = tpu.memref_squeeze %dma_wait3A_2212 : memref<1x1x128xi32, #tpu.memory_space<vmem>> -> memref<128xi32, #tpu.memory_space<vmem>>
      %dma_wait3A_2214 = arith.constant 0 : i32
      %dma_wait3A_2215 = arith.constant 0 : i32
      %dma_wait3A_2216 = tpu.memref_slice %arg3[%dma_wait3A_2214, %dma_wait3A_2215] : memref<2000000x64xf32, #tpu.memory_space<hbm>> -> memref<2000000x64xf32, #tpu.memory_space<hbm>>
      tpu.wait_indirect_dma semaphore(%arg8 : memref<!tpu.dma_semaphore, #tpu.memory_space<semaphore_mem>>) src(%dma_wait3A_2216 : memref<2000000x64xf32, #tpu.memory_space<hbm>>) dst(%dma_wait3A_2210 : memref<128x64xf32, #tpu.memory_space<vmem>>)
      %dma_wait3A_2217 = arith.constant 1 : i32
      %dma_wait3A_2218 = arith.constant 3 : i32
      %dma_wait3A_2219 = arith.constant 1 : i32
      %dma_wait3A_2220 = arith.constant 384 : i32
      %dma_wait3A_2221 = arith.constant 0 : i32
      %dma_wait3A_2222 = tpu.memref_slice %arg6[%dma_wait3A_2219, %dma_wait3A_2220, %dma_wait3A_2221] : memref<2x512x64xf32, #tpu.memory_space<vmem>> -> memref<1x128x64xf32, #tpu.memory_space<vmem>>
      %dma_wait3A_2223 = tpu.memref_squeeze %dma_wait3A_2222 : memref<1x128x64xf32, #tpu.memory_space<vmem>> -> memref<128x64xf32, #tpu.memory_space<vmem>>
      %dma_wait3A_2224 = arith.constant 0 : i32
      %dma_wait3A_2225 = tpu.memref_slice %arg5[%dma_wait3A_2217, %dma_wait3A_2218, %dma_wait3A_2224] : memref<2x4x128xi32, #tpu.memory_space<vmem>> -> memref<1x1x128xi32, #tpu.memory_space<vmem>>
      %dma_wait3A_2226 = tpu.memref_squeeze %dma_wait3A_2225 : memref<1x1x128xi32, #tpu.memory_space<vmem>> -> memref<128xi32, #tpu.memory_space<vmem>>
      %dma_wait3A_2227 = arith.constant 0 : i32
      %dma_wait3A_2228 = arith.constant 0 : i32
      %dma_wait3A_2229 = tpu.memref_slice %arg3[%dma_wait3A_2227, %dma_wait3A_2228] : memref<2000000x64xf32, #tpu.memory_space<hbm>> -> memref<2000000x64xf32, #tpu.memory_space<hbm>>
      tpu.wait_indirect_dma semaphore(%arg8 : memref<!tpu.dma_semaphore, #tpu.memory_space<semaphore_mem>>) src(%dma_wait3A_2229 : memref<2000000x64xf32, #tpu.memory_space<hbm>>) dst(%dma_wait3A_2223 : memref<128x64xf32, #tpu.memory_space<vmem>>)
      %parallel_loop3A_2230 = arith.constant 0 : i32
      %parallel_loop3A_2231 = arith.constant 512 : i32
      %parallel_loop3A_2232 = arith.constant 1 : i32
      scf.for %parallel_loop3A_2903 = %parallel_loop3A_2230 to %parallel_loop3A_2231 step %parallel_loop3A_2232  : i32 {
        %parallel_loop3A_2904 = arith.constant 1 : i32
        %parallel_loop3A_2905 = arith.index_cast %parallel_loop3A_2904 : i32 to index
        %parallel_loop3A_2906 = arith.index_cast %parallel_loop3A_2903 : i32 to index
        %parallel_loop3A_2907 = arith.constant 0 : index
        %parallel_loop3A_2908 = tpu.vector_load %arg6[%parallel_loop3A_2905, %parallel_loop3A_2906, %parallel_loop3A_2907] {strides = array<i32>} : memref<2x512x64xf32, #tpu.memory_space<vmem>>, vector<1x1x16xf32>,
        %parallel_loop3A_2909 = vector.shape_cast %parallel_loop3A_2908 : vector<1x1x16xf32> to vector<16xf32>
        %parallel_loop3A_2910 = arith.constant 8.000000e+00 : f32
        %parallel_loop3A_2911 = vector.broadcast %parallel_loop3A_2910 : f32 to vector<16xf32>
        %parallel_loop3A_2912 = arith.mulf %parallel_loop3A_2909, %parallel_loop3A_2911 : vector<16xf32>
        %parallel_loop3A_2913 = arith.constant 1 : i32
        %parallel_loop3A_2914 = arith.index_cast %parallel_loop3A_2913 : i32 to index
        %parallel_loop3A_2915 = arith.index_cast %parallel_loop3A_2903 : i32 to index
        %parallel_loop3A_2916 = arith.constant 0 : index
        %parallel_loop3A_2917 = tpu.vector_load %arg6[%parallel_loop3A_2914, %parallel_loop3A_2915, %parallel_loop3A_2916] {strides = array<i32>} : memref<2x512x64xf32, #tpu.memory_space<vmem>>, vector<1x1x16xf32>,
        %parallel_loop3A_2918 = vector.shape_cast %parallel_loop3A_2917 : vector<1x1x16xf32> to vector<16xf32>
        %parallel_loop3A_2919 = vector.shape_cast %parallel_loop3A_2912 : vector<16xf32> to vector<1x1x16xf32>
        tpu.vector_store %arg6[%parallel_loop3A_2914, %parallel_loop3A_2915, %parallel_loop3A_2916], %parallel_loop3A_2919 {strides = array<i32>} : memref<2x512x64xf32, #tpu.memory_space<vmem>>, vector<1x1x16xf32>,
        %parallel_loop3A_2920 = arith.constant 1 : i32
        %parallel_loop3A_2921 = arith.index_cast %parallel_loop3A_2920 : i32 to index
        %parallel_loop3A_2922 = arith.index_cast %parallel_loop3A_2903 : i32 to index
        %parallel_loop3A_2923 = arith.constant 16 : index
        %parallel_loop3A_2924 = tpu.vector_load %arg6[%parallel_loop3A_2921, %parallel_loop3A_2922, %parallel_loop3A_2923] {strides = array<i32>} : memref<2x512x64xf32, #tpu.memory_space<vmem>>, vector<1x1x16xf32>,
        %parallel_loop3A_2925 = vector.shape_cast %parallel_loop3A_2924 : vector<1x1x16xf32> to vector<16xf32>
        %parallel_loop3A_2926 = arith.constant 8.000000e+00 : f32
        %parallel_loop3A_2927 = vector.broadcast %parallel_loop3A_2926 : f32 to vector<16xf32>
        %parallel_loop3A_2928 = arith.mulf %parallel_loop3A_2925, %parallel_loop3A_2927 : vector<16xf32>
        %parallel_loop3A_2929 = arith.constant 1 : i32
        %parallel_loop3A_2930 = arith.index_cast %parallel_loop3A_2929 : i32 to index
        %parallel_loop3A_2931 = arith.index_cast %parallel_loop3A_2903 : i32 to index
        %parallel_loop3A_2932 = arith.constant 16 : index
        %parallel_loop3A_2933 = tpu.vector_load %arg6[%parallel_loop3A_2930, %parallel_loop3A_2931, %parallel_loop3A_2932] {strides = array<i32>} : memref<2x512x64xf32, #tpu.memory_space<vmem>>, vector<1x1x16xf32>,
        %parallel_loop3A_2934 = vector.shape_cast %parallel_loop3A_2933 : vector<1x1x16xf32> to vector<16xf32>
        %parallel_loop3A_2935 = vector.shape_cast %parallel_loop3A_2928 : vector<16xf32> to vector<1x1x16xf32>
        tpu.vector_store %arg6[%parallel_loop3A_2930, %parallel_loop3A_2931, %parallel_loop3A_2932], %parallel_loop3A_2935 {strides = array<i32>} : memref<2x512x64xf32, #tpu.memory_space<vmem>>, vector<1x1x16xf32>,
        %parallel_loop3A_2936 = arith.constant 1 : i32
        %parallel_loop3A_2937 = arith.index_cast %parallel_loop3A_2936 : i32 to index
        %parallel_loop3A_2938 = arith.index_cast %parallel_loop3A_2903 : i32 to index
        %parallel_loop3A_2939 = arith.constant 32 : index
        %parallel_loop3A_2940 = tpu.vector_load %arg6[%parallel_loop3A_2937, %parallel_loop3A_2938, %parallel_loop3A_2939] {strides = array<i32>} : memref<2x512x64xf32, #tpu.memory_space<vmem>>, vector<1x1x16xf32>,
        %parallel_loop3A_2941 = vector.shape_cast %parallel_loop3A_2940 : vector<1x1x16xf32> to vector<16xf32>
        %parallel_loop3A_2942 = arith.constant 8.000000e+00 : f32
        %parallel_loop3A_2943 = vector.broadcast %parallel_loop3A_2942 : f32 to vector<16xf32>
        %parallel_loop3A_2944 = arith.mulf %parallel_loop3A_2941, %parallel_loop3A_2943 : vector<16xf32>
        %parallel_loop3A_2945 = arith.constant 1 : i32
        %parallel_loop3A_2946 = arith.index_cast %parallel_loop3A_2945 : i32 to index
        %parallel_loop3A_2947 = arith.index_cast %parallel_loop3A_2903 : i32 to index
        %parallel_loop3A_2948 = arith.constant 32 : index
        %parallel_loop3A_2949 = tpu.vector_load %arg6[%parallel_loop3A_2946, %parallel_loop3A_2947, %parallel_loop3A_2948] {strides = array<i32>} : memref<2x512x64xf32, #tpu.memory_space<vmem>>, vector<1x1x16xf32>,
        %parallel_loop3A_2950 = vector.shape_cast %parallel_loop3A_2949 : vector<1x1x16xf32> to vector<16xf32>
        %parallel_loop3A_2951 = vector.shape_cast %parallel_loop3A_2944 : vector<16xf32> to vector<1x1x16xf32>
        tpu.vector_store %arg6[%parallel_loop3A_2946, %parallel_loop3A_2947, %parallel_loop3A_2948], %parallel_loop3A_2951 {strides = array<i32>} : memref<2x512x64xf32, #tpu.memory_space<vmem>>, vector<1x1x16xf32>,
        %parallel_loop3A_2952 = arith.constant 1 : i32
        %parallel_loop3A_2953 = arith.index_cast %parallel_loop3A_2952 : i32 to index
        %parallel_loop3A_2954 = arith.index_cast %parallel_loop3A_2903 : i32 to index
        %parallel_loop3A_2955 = arith.constant 48 : index
        %parallel_loop3A_2956 = tpu.vector_load %arg6[%parallel_loop3A_2953, %parallel_loop3A_2954, %parallel_loop3A_2955] {strides = array<i32>} : memref<2x512x64xf32, #tpu.memory_space<vmem>>, vector<1x1x16xf32>,
        %parallel_loop3A_2957 = vector.shape_cast %parallel_loop3A_2956 : vector<1x1x16xf32> to vector<16xf32>
        %parallel_loop3A_2958 = arith.constant 8.000000e+00 : f32
        %parallel_loop3A_2959 = vector.broadcast %parallel_loop3A_2958 : f32 to vector<16xf32>
        %parallel_loop3A_2960 = arith.mulf %parallel_loop3A_2957, %parallel_loop3A_2959 : vector<16xf32>
        %parallel_loop3A_2961 = arith.constant 1 : i32
        %parallel_loop3A_2962 = arith.index_cast %parallel_loop3A_2961 : i32 to index
        %parallel_loop3A_2963 = arith.index_cast %parallel_loop3A_2903 : i32 to index
        %parallel_loop3A_2964 = arith.constant 48 : index
        %parallel_loop3A_2965 = tpu.vector_load %arg6[%parallel_loop3A_2962, %parallel_loop3A_2963, %parallel_loop3A_2964] {strides = array<i32>} : memref<2x512x64xf32, #tpu.memory_space<vmem>>, vector<1x1x16xf32>,
        %parallel_loop3A_2966 = vector.shape_cast %parallel_loop3A_2965 : vector<1x1x16xf32> to vector<16xf32>
        %parallel_loop3A_2967 = vector.shape_cast %parallel_loop3A_2960 : vector<16xf32> to vector<1x1x16xf32>
        tpu.vector_store %arg6[%parallel_loop3A_2962, %parallel_loop3A_2963, %parallel_loop3A_2964], %parallel_loop3A_2967 {strides = array<i32>} : memref<2x512x64xf32, #tpu.memory_space<vmem>>, vector<1x1x16xf32>,
      } {sc.loop_unroll_factor = 8 : i64, sc.parallel_access}
      %mul3A_2233 = arith.constant 4 : i32
      %mul3A_2234 = arith.muli %add3A_2177, %mul3A_2233 : i32
      %add3A_2235 = arith.addi %mul3A_4, %mul3A_2234 : i32
      %mul3A_2236 = arith.constant 128 : i32
      %mul3A_2237 = arith.muli %add3A_2235, %mul3A_2236 : i32
      %dma_start3A_2238 = arith.constant 1 : i32
      %dma_start3A_2239 = arith.constant 0 : i32
      %dma_start3A_2240 = arith.constant 0 : i32
      %dma_start3A_2241 = tpu.memref_slice %arg6[%dma_start3A_2238, %dma_start3A_2239, %dma_start3A_2240] : memref<2x512x64xf32, #tpu.memory_space<vmem>> -> memref<1x512x64xf32, #tpu.memory_space<vmem>>
      %dma_start3A_2242 = tpu.memref_squeeze %dma_start3A_2241 : memref<1x512x64xf32, #tpu.memory_space<vmem>> -> memref<512x64xf32, #tpu.memory_space<vmem>>
      %dma_start3A_2243 = arith.constant 0 : i32
      %dma_start3A_2244 = tpu.memref_slice %arg4[%mul3A_2237, %dma_start3A_2243] : memref<819200x128xf32, #tpu.memory_space<hbm>> -> memref<512x64xf32, #tpu.memory_space<hbm>>
      %dma_start3A_2245 = arith.constant 0 : i32
      %dma_start3A_2246 = tpu.memref_slice %arg4[%mul3A_2237, %dma_start3A_2245] : memref<819200x128xf32, #tpu.memory_space<hbm>> -> memref<512x64xf32, #tpu.memory_space<hbm>>
      %dma_start3A_2247 = arith.constant 0 : i32
      %dma_start3A_2248 = arith.constant 0 : i32
      %dma_start3A_2249 = tpu.memref_slice %arg6[%dma_start3A_2238, %dma_start3A_2247, %dma_start3A_2248] : memref<2x512x64xf32, #tpu.memory_space<vmem>> -> memref<1x512x64xf32, #tpu.memory_space<vmem>>
      %dma_start3A_2250 = tpu.memref_squeeze %dma_start3A_2249 : memref<1x512x64xf32, #tpu.memory_space<vmem>> -> memref<512x64xf32, #tpu.memory_space<vmem>>
      tpu.enqueue_dma source(%dma_start3A_2250 : memref<512x64xf32, #tpu.memory_space<vmem>>) target(%dma_start3A_2246 : memref<512x64xf32, #tpu.memory_space<hbm>>) target_semaphore(%arg10 : memref<!tpu.dma_semaphore, #tpu.memory_space<semaphore_mem>>)
      %add3A_2251 = arith.constant 2 : i32
      %add3A_2252 = arith.addi %add3A_2177, %add3A_2251 : i32
      %mul3A_2253 = arith.constant 4 : i32
      %mul3A_2254 = arith.muli %add3A_2252, %mul3A_2253 : i32
      %add3A_2255 = arith.addi %mul3A_4, %mul3A_2254 : i32
      %run_scoped3A_2256 = arith.constant 1 : i32
      "tpu.region"() ({
        %run_scoped3A_2903 = tpu.sem_alloc : memref<!tpu.dma_semaphore, #tpu.memory_space<semaphore_mem>>
        %dma_start3A_2904 = arith.constant 0 : i32
        %dma_start3A_2905 = arith.constant 0 : i32
        %dma_start3A_2906 = tpu.memref_slice %arg5[%run_scoped3A_2256, %dma_start3A_2904, %dma_start3A_2905] : memref<2x4x128xi32, #tpu.memory_space<vmem>> -> memref<1x4x128xi32, #tpu.memory_space<vmem>>
        %dma_start3A_2907 = tpu.memref_squeeze %dma_start3A_2906 : memref<1x4x128xi32, #tpu.memory_space<vmem>> -> memref<4x128xi32, #tpu.memory_space<vmem>>
        %dma_start3A_2908 = arith.constant 0 : i32
        %dma_start3A_2909 = tpu.memref_slice %arg2[%add3A_2255, %dma_start3A_2908] : memref<6400x128xi32, #tpu.memory_space<hbm>> -> memref<4x128xi32, #tpu.memory_space<hbm>>
        %dma_start3A_2910 = arith.constant 0 : i32
        %dma_start3A_2911 = arith.constant 0 : i32
        %dma_start3A_2912 = tpu.memref_slice %arg5[%run_scoped3A_2256, %dma_start3A_2910, %dma_start3A_2911] : memref<2x4x128xi32, #tpu.memory_space<vmem>> -> memref<1x4x128xi32, #tpu.memory_space<vmem>>
        %dma_start3A_2913 = tpu.memref_squeeze %dma_start3A_2912 : memref<1x4x128xi32, #tpu.memory_space<vmem>> -> memref<4x128xi32, #tpu.memory_space<vmem>>
        %dma_start3A_2914 = arith.constant 0 : i32
        %dma_start3A_2915 = tpu.memref_slice %arg2[%add3A_2255, %dma_start3A_2914] : memref<6400x128xi32, #tpu.memory_space<hbm>> -> memref<4x128xi32, #tpu.memory_space<hbm>>
        tpu.enqueue_dma source(%dma_start3A_2915 : memref<4x128xi32, #tpu.memory_space<hbm>>) target(%dma_start3A_2913 : memref<4x128xi32, #tpu.memory_space<vmem>>) target_semaphore(%run_scoped3A_2903 : memref<!tpu.dma_semaphore, #tpu.memory_space<semaphore_mem>>)
        %dma_wait3A_2916 = arith.constant 0 : i32
        %dma_wait3A_2917 = arith.constant 0 : i32
        %dma_wait3A_2918 = tpu.memref_slice %arg5[%run_scoped3A_2256, %dma_wait3A_2916, %dma_wait3A_2917] : memref<2x4x128xi32, #tpu.memory_space<vmem>> -> memref<1x4x128xi32, #tpu.memory_space<vmem>>
        %dma_wait3A_2919 = tpu.memref_squeeze %dma_wait3A_2918 : memref<1x4x128xi32, #tpu.memory_space<vmem>> -> memref<4x128xi32, #tpu.memory_space<vmem>>
        %dma_wait3A_2920 = arith.constant 0 : i32
        %dma_wait3A_2921 = tpu.memref_slice %arg2[%add3A_2255, %dma_wait3A_2920] : memref<6400x128xi32, #tpu.memory_space<hbm>> -> memref<4x128xi32, #tpu.memory_space<hbm>>
        %dma_wait3A_2922 = arith.constant 0 : i32
        %dma_wait3A_2923 = arith.constant 0 : i32
        %dma_wait3A_2924 = tpu.memref_slice %arg5[%run_scoped3A_2256, %dma_wait3A_2922, %dma_wait3A_2923] : memref<2x4x128xi32, #tpu.memory_space<vmem>> -> memref<1x4x128xi32, #tpu.memory_space<vmem>>
        %dma_wait3A_2925 = tpu.memref_squeeze %dma_wait3A_2924 : memref<1x4x128xi32, #tpu.memory_space<vmem>> -> memref<4x128xi32, #tpu.memory_space<vmem>>
        %dma_wait3A_2926 = arith.constant 0 : i32
        %dma_wait3A_2927 = tpu.memref_slice %arg2[%add3A_2255, %dma_wait3A_2926] : memref<6400x128xi32, #tpu.memory_space<hbm>> -> memref<4x128xi32, #tpu.memory_space<hbm>>
        tpu.wait_dma2 semaphore(%run_scoped3A_2903 : memref<!tpu.dma_semaphore, #tpu.memory_space<semaphore_mem>>) src(%dma_wait3A_2927 : memref<4x128xi32, #tpu.memory_space<hbm>>) dst(%dma_wait3A_2925 : memref<4x128xi32, #tpu.memory_space<vmem>>)
        tpu.yield
      }) : () -> ()
      %get3A_2257 = arith.constant 1 : i32
      %get3A_2258 = arith.constant 0 : i32
      %get3A_2259 = arith.index_cast %get3A_2257 : i32 to index
      %get3A_2260 = arith.index_cast %get3A_2258 : i32 to index
      %get3A_2261 = arith.constant 0 : index
      %get3A_2262 = tpu.vector_load %arg5[%get3A_2259, %get3A_2260, %get3A_2261] {strides = array<i32>} : memref<2x4x128xi32, #tpu.memory_space<vmem>>, vector<1x1x16xi32>,
      %get3A_2263 = vector.shape_cast %get3A_2262 : vector<1x1x16xi32> to vector<16xi32>
      %mul3A_2264 = arith.constant 2 : i32
      %mul3A_2265 = vector.broadcast %mul3A_2264 : i32 to vector<16xi32>
      %mul3A_2266 = arith.muli %get3A_2263, %mul3A_2265 : vector<16xi32>
      %swap3A_2267 = arith.constant 1 : i32
      %swap3A_2268 = arith.constant 0 : i32
      %swap3A_2269 = arith.index_cast %swap3A_2267 : i32 to index
      %swap3A_2270 = arith.index_cast %swap3A_2268 : i32 to index
      %swap3A_2271 = arith.constant 0 : index
      %swap3A_2272 = tpu.vector_load %arg5[%swap3A_2269, %swap3A_2270, %swap3A_2271] {strides = array<i32>} : memref<2x4x128xi32, #tpu.memory_space<vmem>>, vector<1x1x16xi32>,
      %swap3A_2273 = vector.shape_cast %swap3A_2272 : vector<1x1x16xi32> to vector<16xi32>
      %swap3A_2274 = vector.shape_cast %mul3A_2266 : vector<16xi32> to vector<1x1x16xi32>
      tpu.vector_store %arg5[%swap3A_2269, %swap3A_2270, %swap3A_2271], %swap3A_2274 {strides = array<i32>} : memref<2x4x128xi32, #tpu.memory_space<vmem>>, vector<1x1x16xi32>,
      %get3A_2275 = arith.constant 1 : i32
      %get3A_2276 = arith.constant 0 : i32
      %get3A_2277 = arith.index_cast %get3A_2275 : i32 to index
      %get3A_2278 = arith.index_cast %get3A_2276 : i32 to index
      %get3A_2279 = arith.constant 16 : index
      %get3A_2280 = tpu.vector_load %arg5[%get3A_2277, %get3A_2278, %get3A_2279] {strides = array<i32>} : memref<2x4x128xi32, #tpu.memory_space<vmem>>, vector<1x1x16xi32>,
      %get3A_2281 = vector.shape_cast %get3A_2280 : vector<1x1x16xi32> to vector<16xi32>
      %mul3A_2282 = arith.constant 2 : i32
      %mul3A_2283 = vector.broadcast %mul3A_2282 : i32 to vector<16xi32>
      %mul3A_2284 = arith.muli %get3A_2281, %mul3A_2283 : vector<16xi32>
      %swap3A_2285 = arith.constant 1 : i32
      %swap3A_2286 = arith.constant 0 : i32
      %swap3A_2287 = arith.index_cast %swap3A_2285 : i32 to index
      %swap3A_2288 = arith.index_cast %swap3A_2286 : i32 to index
      %swap3A_2289 = arith.constant 16 : index
      %swap3A_2290 = tpu.vector_load %arg5[%swap3A_2287, %swap3A_2288, %swap3A_2289] {strides = array<i32>} : memref<2x4x128xi32, #tpu.memory_space<vmem>>, vector<1x1x16xi32>,
      %swap3A_2291 = vector.shape_cast %swap3A_2290 : vector<1x1x16xi32> to vector<16xi32>
      %swap3A_2292 = vector.shape_cast %mul3A_2284 : vector<16xi32> to vector<1x1x16xi32>
      tpu.vector_store %arg5[%swap3A_2287, %swap3A_2288, %swap3A_2289], %swap3A_2292 {strides = array<i32>} : memref<2x4x128xi32, #tpu.memory_space<vmem>>, vector<1x1x16xi32>,
      %get3A_2293 = arith.constant 1 : i32
      %get3A_2294 = arith.constant 0 : i32
      %get3A_2295 = arith.index_cast %get3A_2293 : i32 to index
      %get3A_2296 = arith.index_cast %get3A_2294 : i32 to index
      %get3A_2297 = arith.constant 32 : index
      %get3A_2298 = tpu.vector_load %arg5[%get3A_2295, %get3A_2296, %get3A_2297] {strides = array<i32>} : memref<2x4x128xi32, #tpu.memory_space<vmem>>, vector<1x1x16xi32>,
      %get3A_2299 = vector.shape_cast %get3A_2298 : vector<1x1x16xi32> to vector<16xi32>
      %mul3A_2300 = arith.constant 2 : i32
      %mul3A_2301 = vector.broadcast %mul3A_2300 : i32 to vector<16xi32>
      %mul3A_2302 = arith.muli %get3A_2299, %mul3A_2301 : vector<16xi32>
      %swap3A_2303 = arith.constant 1 : i32
      %swap3A_2304 = arith.constant 0 : i32
      %swap3A_2305 = arith.index_cast %swap3A_2303 : i32 to index
      %swap3A_2306 = arith.index_cast %swap3A_2304 : i32 to index
      %swap3A_2307 = arith.constant 32 : index
      %swap3A_2308 = tpu.vector_load %arg5[%swap3A_2305, %swap3A_2306, %swap3A_2307] {strides = array<i32>} : memref<2x4x128xi32, #tpu.memory_space<vmem>>, vector<1x1x16xi32>,
      %swap3A_2309 = vector.shape_cast %swap3A_2308 : vector<1x1x16xi32> to vector<16xi32>
      %swap3A_2310 = vector.shape_cast %mul3A_2302 : vector<16xi32> to vector<1x1x16xi32>
      tpu.vector_store %arg5[%swap3A_2305, %swap3A_2306, %swap3A_2307], %swap3A_2310 {strides = array<i32>} : memref<2x4x128xi32, #tpu.memory_space<vmem>>, vector<1x1x16xi32>,
      %get3A_2311 = arith.constant 1 : i32
      %get3A_2312 = arith.constant 0 : i32
      %get3A_2313 = arith.index_cast %get3A_2311 : i32 to index
      %get3A_2314 = arith.index_cast %get3A_2312 : i32 to index
      %get3A_2315 = arith.constant 48 : index
      %get3A_2316 = tpu.vector_load %arg5[%get3A_2313, %get3A_2314, %get3A_2315] {strides = array<i32>} : memref<2x4x128xi32, #tpu.memory_space<vmem>>, vector<1x1x16xi32>,
      %get3A_2317 = vector.shape_cast %get3A_2316 : vector<1x1x16xi32> to vector<16xi32>
      %mul3A_2318 = arith.constant 2 : i32
      %mul3A_2319 = vector.broadcast %mul3A_2318 : i32 to vector<16xi32>
      %mul3A_2320 = arith.muli %get3A_2317, %mul3A_2319 : vector<16xi32>
      %swap3A_2321 = arith.constant 1 : i32
      %swap3A_2322 = arith.constant 0 : i32
      %swap3A_2323 = arith.index_cast %swap3A_2321 : i32 to index
      %swap3A_2324 = arith.index_cast %swap3A_2322 : i32 to index
      %swap3A_2325 = arith.constant 48 : index
      %swap3A_2326 = tpu.vector_load %arg5[%swap3A_2323, %swap3A_2324, %swap3A_2325] {strides = array<i32>} : memref<2x4x128xi32, #tpu.memory_space<vmem>>, vector<1x1x16xi32>,
      %swap3A_2327 = vector.shape_cast %swap3A_2326 : vector<1x1x16xi32> to vector<16xi32>
      %swap3A_2328 = vector.shape_cast %mul3A_2320 : vector<16xi32> to vector<1x1x16xi32>
      tpu.vector_store %arg5[%swap3A_2323, %swap3A_2324, %swap3A_2325], %swap3A_2328 {strides = array<i32>} : memref<2x4x128xi32, #tpu.memory_space<vmem>>, vector<1x1x16xi32>,
      %get3A_2329 = arith.constant 1 : i32
      %get3A_2330 = arith.constant 0 : i32
      %get3A_2331 = arith.index_cast %get3A_2329 : i32 to index
      %get3A_2332 = arith.index_cast %get3A_2330 : i32 to index
      %get3A_2333 = arith.constant 64 : index
      %get3A_2334 = tpu.vector_load %arg5[%get3A_2331, %get3A_2332, %get3A_2333] {strides = array<i32>} : memref<2x4x128xi32, #tpu.memory_space<vmem>>, vector<1x1x16xi32>,
      %get3A_2335 = vector.shape_cast %get3A_2334 : vector<1x1x16xi32> to vector<16xi32>
      %mul3A_2336 = arith.constant 2 : i32
      %mul3A_2337 = vector.broadcast %mul3A_2336 : i32 to vector<16xi32>
      %mul3A_2338 = arith.muli %get3A_2335, %mul3A_2337 : vector<16xi32>
      %swap3A_2339 = arith.constant 1 : i32
      %swap3A_2340 = arith.constant 0 : i32
      %swap3A_2341 = arith.index_cast %swap3A_2339 : i32 to index
      %swap3A_2342 = arith.index_cast %swap3A_2340 : i32 to index
      %swap3A_2343 = arith.constant 64 : index
      %swap3A_2344 = tpu.vector_load %arg5[%swap3A_2341, %swap3A_2342, %swap3A_2343] {strides = array<i32>} : memref<2x4x128xi32, #tpu.memory_space<vmem>>, vector<1x1x16xi32>,
      %swap3A_2345 = vector.shape_cast %swap3A_2344 : vector<1x1x16xi32> to vector<16xi32>
      %swap3A_2346 = vector.shape_cast %mul3A_2338 : vector<16xi32> to vector<1x1x16xi32>
      tpu.vector_store %arg5[%swap3A_2341, %swap3A_2342, %swap3A_2343], %swap3A_2346 {strides = array<i32>} : memref<2x4x128xi32, #tpu.memory_space<vmem>>, vector<1x1x16xi32>,
      %get3A_2347 = arith.constant 1 : i32
      %get3A_2348 = arith.constant 0 : i32
      %get3A_2349 = arith.index_cast %get3A_2347 : i32 to index
      %get3A_2350 = arith.index_cast %get3A_2348 : i32 to index
      %get3A_2351 = arith.constant 80 : index
      %get3A_2352 = tpu.vector_load %arg5[%get3A_2349, %get3A_2350, %get3A_2351] {strides = array<i32>} : memref<2x4x128xi32, #tpu.memory_space<vmem>>, vector<1x1x16xi32>,
      %get3A_2353 = vector.shape_cast %get3A_2352 : vector<1x1x16xi32> to vector<16xi32>
      %mul3A_2354 = arith.constant 2 : i32
      %mul3A_2355 = vector.broadcast %mul3A_2354 : i32 to vector<16xi32>
      %mul3A_2356 = arith.muli %get3A_2353, %mul3A_2355 : vector<16xi32>
      %swap3A_2357 = arith.constant 1 : i32
      %swap3A_2358 = arith.constant 0 : i32
      %swap3A_2359 = arith.index_cast %swap3A_2357 : i32 to index
      %swap3A_2360 = arith.index_cast %swap3A_2358 : i32 to index
      %swap3A_2361 = arith.constant 80 : index
      %swap3A_2362 = tpu.vector_load %arg5[%swap3A_2359, %swap3A_2360, %swap3A_2361] {strides = array<i32>} : memref<2x4x128xi32, #tpu.memory_space<vmem>>, vector<1x1x16xi32>,
      %swap3A_2363 = vector.shape_cast %swap3A_2362 : vector<1x1x16xi32> to vector<16xi32>
      %swap3A_2364 = vector.shape_cast %mul3A_2356 : vector<16xi32> to vector<1x1x16xi32>
      tpu.vector_store %arg5[%swap3A_2359, %swap3A_2360, %swap3A_2361], %swap3A_2364 {strides = array<i32>} : memref<2x4x128xi32, #tpu.memory_space<vmem>>, vector<1x1x16xi32>,
      %get3A_2365 = arith.constant 1 : i32
      %get3A_2366 = arith.constant 0 : i32
      %get3A_2367 = arith.index_cast %get3A_2365 : i32 to index
      %get3A_2368 = arith.index_cast %get3A_2366 : i32 to index
      %get3A_2369 = arith.constant 96 : index
      %get3A_2370 = tpu.vector_load %arg5[%get3A_2367, %get3A_2368, %get3A_2369] {strides = array<i32>} : memref<2x4x128xi32, #tpu.memory_space<vmem>>, vector<1x1x16xi32>,
      %get3A_2371 = vector.shape_cast %get3A_2370 : vector<1x1x16xi32> to vector<16xi32>
      %mul3A_2372 = arith.constant 2 : i32
      %mul3A_2373 = vector.broadcast %mul3A_2372 : i32 to vector<16xi32>
      %mul3A_2374 = arith.muli %get3A_2371, %mul3A_2373 : vector<16xi32>
      %swap3A_2375 = arith.constant 1 : i32
      %swap3A_2376 = arith.constant 0 : i32
      %swap3A_2377 = arith.index_cast %swap3A_2375 : i32 to index
      %swap3A_2378 = arith.index_cast %swap3A_2376 : i32 to index
      %swap3A_2379 = arith.constant 96 : index
      %swap3A_2380 = tpu.vector_load %arg5[%swap3A_2377, %swap3A_2378, %swap3A_2379] {strides = array<i32>} : memref<2x4x128xi32, #tpu.memory_space<vmem>>, vector<1x1x16xi32>,
      %swap3A_2381 = vector.shape_cast %swap3A_2380 : vector<1x1x16xi32> to vector<16xi32>
      %swap3A_2382 = vector.shape_cast %mul3A_2374 : vector<16xi32> to vector<1x1x16xi32>
      tpu.vector_store %arg5[%swap3A_2377, %swap3A_2378, %swap3A_2379], %swap3A_2382 {strides = array<i32>} : memref<2x4x128xi32, #tpu.memory_space<vmem>>, vector<1x1x16xi32>,
      %get3A_2383 = arith.constant 1 : i32
      %get3A_2384 = arith.constant 0 : i32
      %get3A_2385 = arith.index_cast %get3A_2383 : i32 to index
      %get3A_2386 = arith.index_cast %get3A_2384 : i32 to index
      %get3A_2387 = arith.constant 112 : index
      %get3A_2388 = tpu.vector_load %arg5[%get3A_2385, %get3A_2386, %get3A_2387] {strides = array<i32>} : memref<2x4x128xi32, #tpu.memory_space<vmem>>, vector<1x1x16xi32>,
      %get3A_2389 = vector.shape_cast %get3A_2388 : vector<1x1x16xi32> to vector<16xi32>
      %mul3A_2390 = arith.constant 2 : i32
      %mul3A_2391 = vector.broadcast %mul3A_2390 : i32 to vector<16xi32>
      %mul3A_2392 = arith.muli %get3A_2389, %mul3A_2391 : vector<16xi32>
      %swap3A_2393 = arith.constant 1 : i32
      %swap3A_2394 = arith.constant 0 : i32
      %swap3A_2395 = arith.index_cast %swap3A_2393 : i32 to index
      %swap3A_2396 = arith.index_cast %swap3A_2394 : i32 to index
      %swap3A_2397 = arith.constant 112 : index
      %swap3A_2398 = tpu.vector_load %arg5[%swap3A_2395, %swap3A_2396, %swap3A_2397] {strides = array<i32>} : memref<2x4x128xi32, #tpu.memory_space<vmem>>, vector<1x1x16xi32>,
      %swap3A_2399 = vector.shape_cast %swap3A_2398 : vector<1x1x16xi32> to vector<16xi32>
      %swap3A_2400 = vector.shape_cast %mul3A_2392 : vector<16xi32> to vector<1x1x16xi32>
      tpu.vector_store %arg5[%swap3A_2395, %swap3A_2396, %swap3A_2397], %swap3A_2400 {strides = array<i32>} : memref<2x4x128xi32, #tpu.memory_space<vmem>>, vector<1x1x16xi32>,
      %get3A_2401 = arith.constant 1 : i32
      %get3A_2402 = arith.constant 1 : i32
      %get3A_2403 = arith.index_cast %get3A_2401 : i32 to index
      %get3A_2404 = arith.index_cast %get3A_2402 : i32 to index
      %get3A_2405 = arith.constant 0 : index
      %get3A_2406 = tpu.vector_load %arg5[%get3A_2403, %get3A_2404, %get3A_2405] {strides = array<i32>} : memref<2x4x128xi32, #tpu.memory_space<vmem>>, vector<1x1x16xi32>,
      %get3A_2407 = vector.shape_cast %get3A_2406 : vector<1x1x16xi32> to vector<16xi32>
      %mul3A_2408 = arith.constant 2 : i32
      %mul3A_2409 = vector.broadcast %mul3A_2408 : i32 to vector<16xi32>
      %mul3A_2410 = arith.muli %get3A_2407, %mul3A_2409 : vector<16xi32>
      %swap3A_2411 = arith.constant 1 : i32
      %swap3A_2412 = arith.constant 1 : i32
      %swap3A_2413 = arith.index_cast %swap3A_2411 : i32 to index
      %swap3A_2414 = arith.index_cast %swap3A_2412 : i32 to index
      %swap3A_2415 = arith.constant 0 : index
      %swap3A_2416 = tpu.vector_load %arg5[%swap3A_2413, %swap3A_2414, %swap3A_2415] {strides = array<i32>} : memref<2x4x128xi32, #tpu.memory_space<vmem>>, vector<1x1x16xi32>,
      %swap3A_2417 = vector.shape_cast %swap3A_2416 : vector<1x1x16xi32> to vector<16xi32>
      %swap3A_2418 = vector.shape_cast %mul3A_2410 : vector<16xi32> to vector<1x1x16xi32>
      tpu.vector_store %arg5[%swap3A_2413, %swap3A_2414, %swap3A_2415], %swap3A_2418 {strides = array<i32>} : memref<2x4x128xi32, #tpu.memory_space<vmem>>, vector<1x1x16xi32>,
      %get3A_2419 = arith.constant 1 : i32
      %get3A_2420 = arith.constant 1 : i32
      %get3A_2421 = arith.index_cast %get3A_2419 : i32 to index
      %get3A_2422 = arith.index_cast %get3A_2420 : i32 to index
      %get3A_2423 = arith.constant 16 : index
      %get3A_2424 = tpu.vector_load %arg5[%get3A_2421, %get3A_2422, %get3A_2423] {strides = array<i32>} : memref<2x4x128xi32, #tpu.memory_space<vmem>>, vector<1x1x16xi32>,
      %get3A_2425 = vector.shape_cast %get3A_2424 : vector<1x1x16xi32> to vector<16xi32>
      %mul3A_2426 = arith.constant 2 : i32
      %mul3A_2427 = vector.broadcast %mul3A_2426 : i32 to vector<16xi32>
      %mul3A_2428 = arith.muli %get3A_2425, %mul3A_2427 : vector<16xi32>
      %swap3A_2429 = arith.constant 1 : i32
      %swap3A_2430 = arith.constant 1 : i32
      %swap3A_2431 = arith.index_cast %swap3A_2429 : i32 to index
      %swap3A_2432 = arith.index_cast %swap3A_2430 : i32 to index
      %swap3A_2433 = arith.constant 16 : index
      %swap3A_2434 = tpu.vector_load %arg5[%swap3A_2431, %swap3A_2432, %swap3A_2433] {strides = array<i32>} : memref<2x4x128xi32, #tpu.memory_space<vmem>>, vector<1x1x16xi32>,
      %swap3A_2435 = vector.shape_cast %swap3A_2434 : vector<1x1x16xi32> to vector<16xi32>
      %swap3A_2436 = vector.shape_cast %mul3A_2428 : vector<16xi32> to vector<1x1x16xi32>
      tpu.vector_store %arg5[%swap3A_2431, %swap3A_2432, %swap3A_2433], %swap3A_2436 {strides = array<i32>} : memref<2x4x128xi32, #tpu.memory_space<vmem>>, vector<1x1x16xi32>,
      %get3A_2437 = arith.constant 1 : i32
      %get3A_2438 = arith.constant 1 : i32
      %get3A_2439 = arith.index_cast %get3A_2437 : i32 to index
      %get3A_2440 = arith.index_cast %get3A_2438 : i32 to index
      %get3A_2441 = arith.constant 32 : index
      %get3A_2442 = tpu.vector_load %arg5[%get3A_2439, %get3A_2440, %get3A_2441] {strides = array<i32>} : memref<2x4x128xi32, #tpu.memory_space<vmem>>, vector<1x1x16xi32>,
      %get3A_2443 = vector.shape_cast %get3A_2442 : vector<1x1x16xi32> to vector<16xi32>
      %mul3A_2444 = arith.constant 2 : i32
      %mul3A_2445 = vector.broadcast %mul3A_2444 : i32 to vector<16xi32>
      %mul3A_2446 = arith.muli %get3A_2443, %mul3A_2445 : vector<16xi32>
      %swap3A_2447 = arith.constant 1 : i32
      %swap3A_2448 = arith.constant 1 : i32
      %swap3A_2449 = arith.index_cast %swap3A_2447 : i32 to index
      %swap3A_2450 = arith.index_cast %swap3A_2448 : i32 to index
      %swap3A_2451 = arith.constant 32 : index
      %swap3A_2452 = tpu.vector_load %arg5[%swap3A_2449, %swap3A_2450, %swap3A_2451] {strides = array<i32>} : memref<2x4x128xi32, #tpu.memory_space<vmem>>, vector<1x1x16xi32>,
      %swap3A_2453 = vector.shape_cast %swap3A_2452 : vector<1x1x16xi32> to vector<16xi32>
      %swap3A_2454 = vector.shape_cast %mul3A_2446 : vector<16xi32> to vector<1x1x16xi32>
      tpu.vector_store %arg5[%swap3A_2449, %swap3A_2450, %swap3A_2451], %swap3A_2454 {strides = array<i32>} : memref<2x4x128xi32, #tpu.memory_space<vmem>>, vector<1x1x16xi32>,
      %get3A_2455 = arith.constant 1 : i32
      %get3A_2456 = arith.constant 1 : i32
      %get3A_2457 = arith.index_cast %get3A_2455 : i32 to index
      %get3A_2458 = arith.index_cast %get3A_2456 : i32 to index
      %get3A_2459 = arith.constant 48 : index
      %get3A_2460 = tpu.vector_load %arg5[%get3A_2457, %get3A_2458, %get3A_2459] {strides = array<i32>} : memref<2x4x128xi32, #tpu.memory_space<vmem>>, vector<1x1x16xi32>,
      %get3A_2461 = vector.shape_cast %get3A_2460 : vector<1x1x16xi32> to vector<16xi32>
      %mul3A_2462 = arith.constant 2 : i32
      %mul3A_2463 = vector.broadcast %mul3A_2462 : i32 to vector<16xi32>
      %mul3A_2464 = arith.muli %get3A_2461, %mul3A_2463 : vector<16xi32>
      %swap3A_2465 = arith.constant 1 : i32
      %swap3A_2466 = arith.constant 1 : i32
      %swap3A_2467 = arith.index_cast %swap3A_2465 : i32 to index
      %swap3A_2468 = arith.index_cast %swap3A_2466 : i32 to index
      %swap3A_2469 = arith.constant 48 : index
      %swap3A_2470 = tpu.vector_load %arg5[%swap3A_2467, %swap3A_2468, %swap3A_2469] {strides = array<i32>} : memref<2x4x128xi32, #tpu.memory_space<vmem>>, vector<1x1x16xi32>,
      %swap3A_2471 = vector.shape_cast %swap3A_2470 : vector<1x1x16xi32> to vector<16xi32>
      %swap3A_2472 = vector.shape_cast %mul3A_2464 : vector<16xi32> to vector<1x1x16xi32>
      tpu.vector_store %arg5[%swap3A_2467, %swap3A_2468, %swap3A_2469], %swap3A_2472 {strides = array<i32>} : memref<2x4x128xi32, #tpu.memory_space<vmem>>, vector<1x1x16xi32>,
      %get3A_2473 = arith.constant 1 : i32
      %get3A_2474 = arith.constant 1 : i32
      %get3A_2475 = arith.index_cast %get3A_2473 : i32 to index
      %get3A_2476 = arith.index_cast %get3A_2474 : i32 to index
      %get3A_2477 = arith.constant 64 : index
      %get3A_2478 = tpu.vector_load %arg5[%get3A_2475, %get3A_2476, %get3A_2477] {strides = array<i32>} : memref<2x4x128xi32, #tpu.memory_space<vmem>>, vector<1x1x16xi32>,
      %get3A_2479 = vector.shape_cast %get3A_2478 : vector<1x1x16xi32> to vector<16xi32>
      %mul3A_2480 = arith.constant 2 : i32
      %mul3A_2481 = vector.broadcast %mul3A_2480 : i32 to vector<16xi32>
      %mul3A_2482 = arith.muli %get3A_2479, %mul3A_2481 : vector<16xi32>
      %swap3A_2483 = arith.constant 1 : i32
      %swap3A_2484 = arith.constant 1 : i32
      %swap3A_2485 = arith.index_cast %swap3A_2483 : i32 to index
      %swap3A_2486 = arith.index_cast %swap3A_2484 : i32 to index
      %swap3A_2487 = arith.constant 64 : index
      %swap3A_2488 = tpu.vector_load %arg5[%swap3A_2485, %swap3A_2486, %swap3A_2487] {strides = array<i32>} : memref<2x4x128xi32, #tpu.memory_space<vmem>>, vector<1x1x16xi32>,
      %swap3A_2489 = vector.shape_cast %swap3A_2488 : vector<1x1x16xi32> to vector<16xi32>
      %swap3A_2490 = vector.shape_cast %mul3A_2482 : vector<16xi32> to vector<1x1x16xi32>
      tpu.vector_store %arg5[%swap3A_2485, %swap3A_2486, %swap3A_2487], %swap3A_2490 {strides = array<i32>} : memref<2x4x128xi32, #tpu.memory_space<vmem>>, vector<1x1x16xi32>,
      %get3A_2491 = arith.constant 1 : i32
      %get3A_2492 = arith.constant 1 : i32
      %get3A_2493 = arith.index_cast %get3A_2491 : i32 to index
      %get3A_2494 = arith.index_cast %get3A_2492 : i32 to index
      %get3A_2495 = arith.constant 80 : index
      %get3A_2496 = tpu.vector_load %arg5[%get3A_2493, %get3A_2494, %get3A_2495] {strides = array<i32>} : memref<2x4x128xi32, #tpu.memory_space<vmem>>, vector<1x1x16xi32>,
      %get3A_2497 = vector.shape_cast %get3A_2496 : vector<1x1x16xi32> to vector<16xi32>
      %mul3A_2498 = arith.constant 2 : i32
      %mul3A_2499 = vector.broadcast %mul3A_2498 : i32 to vector<16xi32>
      %mul3A_2500 = arith.muli %get3A_2497, %mul3A_2499 : vector<16xi32>
      %swap3A_2501 = arith.constant 1 : i32
      %swap3A_2502 = arith.constant 1 : i32
      %swap3A_2503 = arith.index_cast %swap3A_2501 : i32 to index
      %swap3A_2504 = arith.index_cast %swap3A_2502 : i32 to index
      %swap3A_2505 = arith.constant 80 : index
      %swap3A_2506 = tpu.vector_load %arg5[%swap3A_2503, %swap3A_2504, %swap3A_2505] {strides = array<i32>} : memref<2x4x128xi32, #tpu.memory_space<vmem>>, vector<1x1x16xi32>,
      %swap3A_2507 = vector.shape_cast %swap3A_2506 : vector<1x1x16xi32> to vector<16xi32>
      %swap3A_2508 = vector.shape_cast %mul3A_2500 : vector<16xi32> to vector<1x1x16xi32>
      tpu.vector_store %arg5[%swap3A_2503, %swap3A_2504, %swap3A_2505], %swap3A_2508 {strides = array<i32>} : memref<2x4x128xi32, #tpu.memory_space<vmem>>, vector<1x1x16xi32>,
      %get3A_2509 = arith.constant 1 : i32
      %get3A_2510 = arith.constant 1 : i32
      %get3A_2511 = arith.index_cast %get3A_2509 : i32 to index
      %get3A_2512 = arith.index_cast %get3A_2510 : i32 to index
      %get3A_2513 = arith.constant 96 : index
      %get3A_2514 = tpu.vector_load %arg5[%get3A_2511, %get3A_2512, %get3A_2513] {strides = array<i32>} : memref<2x4x128xi32, #tpu.memory_space<vmem>>, vector<1x1x16xi32>,
      %get3A_2515 = vector.shape_cast %get3A_2514 : vector<1x1x16xi32> to vector<16xi32>
      %mul3A_2516 = arith.constant 2 : i32
      %mul3A_2517 = vector.broadcast %mul3A_2516 : i32 to vector<16xi32>
      %mul3A_2518 = arith.muli %get3A_2515, %mul3A_2517 : vector<16xi32>
      %swap3A_2519 = arith.constant 1 : i32
      %swap3A_2520 = arith.constant 1 : i32
      %swap3A_2521 = arith.index_cast %swap3A_2519 : i32 to index
      %swap3A_2522 = arith.index_cast %swap3A_2520 : i32 to index
      %swap3A_2523 = arith.constant 96 : index
      %swap3A_2524 = tpu.vector_load %arg5[%swap3A_2521, %swap3A_2522, %swap3A_2523] {strides = array<i32>} : memref<2x4x128xi32, #tpu.memory_space<vmem>>, vector<1x1x16xi32>,
      %swap3A_2525 = vector.shape_cast %swap3A_2524 : vector<1x1x16xi32> to vector<16xi32>
      %swap3A_2526 = vector.shape_cast %mul3A_2518 : vector<16xi32> to vector<1x1x16xi32>
      tpu.vector_store %arg5[%swap3A_2521, %swap3A_2522, %swap3A_2523], %swap3A_2526 {strides = array<i32>} : memref<2x4x128xi32, #tpu.memory_space<vmem>>, vector<1x1x16xi32>,
      %get3A_2527 = arith.constant 1 : i32
      %get3A_2528 = arith.constant 1 : i32
      %get3A_2529 = arith.index_cast %get3A_2527 : i32 to index
      %get3A_2530 = arith.index_cast %get3A_2528 : i32 to index
      %get3A_2531 = arith.constant 112 : index
      %get3A_2532 = tpu.vector_load %arg5[%get3A_2529, %get3A_2530, %get3A_2531] {strides = array<i32>} : memref<2x4x128xi32, #tpu.memory_space<vmem>>, vector<1x1x16xi32>,
      %get3A_2533 = vector.shape_cast %get3A_2532 : vector<1x1x16xi32> to vector<16xi32>
      %mul3A_2534 = arith.constant 2 : i32
      %mul3A_2535 = vector.broadcast %mul3A_2534 : i32 to vector<16xi32>
      %mul3A_2536 = arith.muli %get3A_2533, %mul3A_2535 : vector<16xi32>
      %swap3A_2537 = arith.constant 1 : i32
      %swap3A_2538 = arith.constant 1 : i32
      %swap3A_2539 = arith.index_cast %swap3A_2537 : i32 to index
      %swap3A_2540 = arith.index_cast %swap3A_2538 : i32 to index
      %swap3A_2541 = arith.constant 112 : index
      %swap3A_2542 = tpu.vector_load %arg5[%swap3A_2539, %swap3A_2540, %swap3A_2541] {strides = array<i32>} : memref<2x4x128xi32, #tpu.memory_space<vmem>>, vector<1x1x16xi32>,
      %swap3A_2543 = vector.shape_cast %swap3A_2542 : vector<1x1x16xi32> to vector<16xi32>
      %swap3A_2544 = vector.shape_cast %mul3A_2536 : vector<16xi32> to vector<1x1x16xi32>
      tpu.vector_store %arg5[%swap3A_2539, %swap3A_2540, %swap3A_2541], %swap3A_2544 {strides = array<i32>} : memref<2x4x128xi32, #tpu.memory_space<vmem>>, vector<1x1x16xi32>,
      %get3A_2545 = arith.constant 1 : i32
      %get3A_2546 = arith.constant 2 : i32
      %get3A_2547 = arith.index_cast %get3A_2545 : i32 to index
      %get3A_2548 = arith.index_cast %get3A_2546 : i32 to index
      %get3A_2549 = arith.constant 0 : index
      %get3A_2550 = tpu.vector_load %arg5[%get3A_2547, %get3A_2548, %get3A_2549] {strides = array<i32>} : memref<2x4x128xi32, #tpu.memory_space<vmem>>, vector<1x1x16xi32>,
      %get3A_2551 = vector.shape_cast %get3A_2550 : vector<1x1x16xi32> to vector<16xi32>
      %mul3A_2552 = arith.constant 2 : i32
      %mul3A_2553 = vector.broadcast %mul3A_2552 : i32 to vector<16xi32>
      %mul3A_2554 = arith.muli %get3A_2551, %mul3A_2553 : vector<16xi32>
      %swap3A_2555 = arith.constant 1 : i32
      %swap3A_2556 = arith.constant 2 : i32
      %swap3A_2557 = arith.index_cast %swap3A_2555 : i32 to index
      %swap3A_2558 = arith.index_cast %swap3A_2556 : i32 to index
      %swap3A_2559 = arith.constant 0 : index
      %swap3A_2560 = tpu.vector_load %arg5[%swap3A_2557, %swap3A_2558, %swap3A_2559] {strides = array<i32>} : memref<2x4x128xi32, #tpu.memory_space<vmem>>, vector<1x1x16xi32>,
      %swap3A_2561 = vector.shape_cast %swap3A_2560 : vector<1x1x16xi32> to vector<16xi32>
      %swap3A_2562 = vector.shape_cast %mul3A_2554 : vector<16xi32> to vector<1x1x16xi32>
      tpu.vector_store %arg5[%swap3A_2557, %swap3A_2558, %swap3A_2559], %swap3A_2562 {strides = array<i32>} : memref<2x4x128xi32, #tpu.memory_space<vmem>>, vector<1x1x16xi32>,
      %get3A_2563 = arith.constant 1 : i32
      %get3A_2564 = arith.constant 2 : i32
      %get3A_2565 = arith.index_cast %get3A_2563 : i32 to index
      %get3A_2566 = arith.index_cast %get3A_2564 : i32 to index
      %get3A_2567 = arith.constant 16 : index
      %get3A_2568 = tpu.vector_load %arg5[%get3A_2565, %get3A_2566, %get3A_2567] {strides = array<i32>} : memref<2x4x128xi32, #tpu.memory_space<vmem>>, vector<1x1x16xi32>,
      %get3A_2569 = vector.shape_cast %get3A_2568 : vector<1x1x16xi32> to vector<16xi32>
      %mul3A_2570 = arith.constant 2 : i32
      %mul3A_2571 = vector.broadcast %mul3A_2570 : i32 to vector<16xi32>
      %mul3A_2572 = arith.muli %get3A_2569, %mul3A_2571 : vector<16xi32>
      %swap3A_2573 = arith.constant 1 : i32
      %swap3A_2574 = arith.constant 2 : i32
      %swap3A_2575 = arith.index_cast %swap3A_2573 : i32 to index
      %swap3A_2576 = arith.index_cast %swap3A_2574 : i32 to index
      %swap3A_2577 = arith.constant 16 : index
      %swap3A_2578 = tpu.vector_load %arg5[%swap3A_2575, %swap3A_2576, %swap3A_2577] {strides = array<i32>} : memref<2x4x128xi32, #tpu.memory_space<vmem>>, vector<1x1x16xi32>,
      %swap3A_2579 = vector.shape_cast %swap3A_2578 : vector<1x1x16xi32> to vector<16xi32>
      %swap3A_2580 = vector.shape_cast %mul3A_2572 : vector<16xi32> to vector<1x1x16xi32>
      tpu.vector_store %arg5[%swap3A_2575, %swap3A_2576, %swap3A_2577], %swap3A_2580 {strides = array<i32>} : memref<2x4x128xi32, #tpu.memory_space<vmem>>, vector<1x1x16xi32>,
      %get3A_2581 = arith.constant 1 : i32
      %get3A_2582 = arith.constant 2 : i32
      %get3A_2583 = arith.index_cast %get3A_2581 : i32 to index
      %get3A_2584 = arith.index_cast %get3A_2582 : i32 to index
      %get3A_2585 = arith.constant 32 : index
      %get3A_2586 = tpu.vector_load %arg5[%get3A_2583, %get3A_2584, %get3A_2585] {strides = array<i32>} : memref<2x4x128xi32, #tpu.memory_space<vmem>>, vector<1x1x16xi32>,
      %get3A_2587 = vector.shape_cast %get3A_2586 : vector<1x1x16xi32> to vector<16xi32>
      %mul3A_2588 = arith.constant 2 : i32
      %mul3A_2589 = vector.broadcast %mul3A_2588 : i32 to vector<16xi32>
      %mul3A_2590 = arith.muli %get3A_2587, %mul3A_2589 : vector<16xi32>
      %swap3A_2591 = arith.constant 1 : i32
      %swap3A_2592 = arith.constant 2 : i32
      %swap3A_2593 = arith.index_cast %swap3A_2591 : i32 to index
      %swap3A_2594 = arith.index_cast %swap3A_2592 : i32 to index
      %swap3A_2595 = arith.constant 32 : index
      %swap3A_2596 = tpu.vector_load %arg5[%swap3A_2593, %swap3A_2594, %swap3A_2595] {strides = array<i32>} : memref<2x4x128xi32, #tpu.memory_space<vmem>>, vector<1x1x16xi32>,
      %swap3A_2597 = vector.shape_cast %swap3A_2596 : vector<1x1x16xi32> to vector<16xi32>
      %swap3A_2598 = vector.shape_cast %mul3A_2590 : vector<16xi32> to vector<1x1x16xi32>
      tpu.vector_store %arg5[%swap3A_2593, %swap3A_2594, %swap3A_2595], %swap3A_2598 {strides = array<i32>} : memref<2x4x128xi32, #tpu.memory_space<vmem>>, vector<1x1x16xi32>,
      %get3A_2599 = arith.constant 1 : i32
      %get3A_2600 = arith.constant 2 : i32
      %get3A_2601 = arith.index_cast %get3A_2599 : i32 to index
      %get3A_2602 = arith.index_cast %get3A_2600 : i32 to index
      %get3A_2603 = arith.constant 48 : index
      %get3A_2604 = tpu.vector_load %arg5[%get3A_2601, %get3A_2602, %get3A_2603] {strides = array<i32>} : memref<2x4x128xi32, #tpu.memory_space<vmem>>, vector<1x1x16xi32>,
      %get3A_2605 = vector.shape_cast %get3A_2604 : vector<1x1x16xi32> to vector<16xi32>
      %mul3A_2606 = arith.constant 2 : i32
      %mul3A_2607 = vector.broadcast %mul3A_2606 : i32 to vector<16xi32>
      %mul3A_2608 = arith.muli %get3A_2605, %mul3A_2607 : vector<16xi32>
      %swap3A_2609 = arith.constant 1 : i32
      %swap3A_2610 = arith.constant 2 : i32
      %swap3A_2611 = arith.index_cast %swap3A_2609 : i32 to index
      %swap3A_2612 = arith.index_cast %swap3A_2610 : i32 to index
      %swap3A_2613 = arith.constant 48 : index
      %swap3A_2614 = tpu.vector_load %arg5[%swap3A_2611, %swap3A_2612, %swap3A_2613] {strides = array<i32>} : memref<2x4x128xi32, #tpu.memory_space<vmem>>, vector<1x1x16xi32>,
      %swap3A_2615 = vector.shape_cast %swap3A_2614 : vector<1x1x16xi32> to vector<16xi32>
      %swap3A_2616 = vector.shape_cast %mul3A_2608 : vector<16xi32> to vector<1x1x16xi32>
      tpu.vector_store %arg5[%swap3A_2611, %swap3A_2612, %swap3A_2613], %swap3A_2616 {strides = array<i32>} : memref<2x4x128xi32, #tpu.memory_space<vmem>>, vector<1x1x16xi32>,
      %get3A_2617 = arith.constant 1 : i32
      %get3A_2618 = arith.constant 2 : i32
      %get3A_2619 = arith.index_cast %get3A_2617 : i32 to index
      %get3A_2620 = arith.index_cast %get3A_2618 : i32 to index
      %get3A_2621 = arith.constant 64 : index
      %get3A_2622 = tpu.vector_load %arg5[%get3A_2619, %get3A_2620, %get3A_2621] {strides = array<i32>} : memref<2x4x128xi32, #tpu.memory_space<vmem>>, vector<1x1x16xi32>,
      %get3A_2623 = vector.shape_cast %get3A_2622 : vector<1x1x16xi32> to vector<16xi32>
      %mul3A_2624 = arith.constant 2 : i32
      %mul3A_2625 = vector.broadcast %mul3A_2624 : i32 to vector<16xi32>
      %mul3A_2626 = arith.muli %get3A_2623, %mul3A_2625 : vector<16xi32>
      %swap3A_2627 = arith.constant 1 : i32
      %swap3A_2628 = arith.constant 2 : i32
      %swap3A_2629 = arith.index_cast %swap3A_2627 : i32 to index
      %swap3A_2630 = arith.index_cast %swap3A_2628 : i32 to index
      %swap3A_2631 = arith.constant 64 : index
      %swap3A_2632 = tpu.vector_load %arg5[%swap3A_2629, %swap3A_2630, %swap3A_2631] {strides = array<i32>} : memref<2x4x128xi32, #tpu.memory_space<vmem>>, vector<1x1x16xi32>,
      %swap3A_2633 = vector.shape_cast %swap3A_2632 : vector<1x1x16xi32> to vector<16xi32>
      %swap3A_2634 = vector.shape_cast %mul3A_2626 : vector<16xi32> to vector<1x1x16xi32>
      tpu.vector_store %arg5[%swap3A_2629, %swap3A_2630, %swap3A_2631], %swap3A_2634 {strides = array<i32>} : memref<2x4x128xi32, #tpu.memory_space<vmem>>, vector<1x1x16xi32>,
      %get3A_2635 = arith.constant 1 : i32
      %get3A_2636 = arith.constant 2 : i32
      %get3A_2637 = arith.index_cast %get3A_2635 : i32 to index
      %get3A_2638 = arith.index_cast %get3A_2636 : i32 to index
      %get3A_2639 = arith.constant 80 : index
      %get3A_2640 = tpu.vector_load %arg5[%get3A_2637, %get3A_2638, %get3A_2639] {strides = array<i32>} : memref<2x4x128xi32, #tpu.memory_space<vmem>>, vector<1x1x16xi32>,
      %get3A_2641 = vector.shape_cast %get3A_2640 : vector<1x1x16xi32> to vector<16xi32>
      %mul3A_2642 = arith.constant 2 : i32
      %mul3A_2643 = vector.broadcast %mul3A_2642 : i32 to vector<16xi32>
      %mul3A_2644 = arith.muli %get3A_2641, %mul3A_2643 : vector<16xi32>
      %swap3A_2645 = arith.constant 1 : i32
      %swap3A_2646 = arith.constant 2 : i32
      %swap3A_2647 = arith.index_cast %swap3A_2645 : i32 to index
      %swap3A_2648 = arith.index_cast %swap3A_2646 : i32 to index
      %swap3A_2649 = arith.constant 80 : index
      %swap3A_2650 = tpu.vector_load %arg5[%swap3A_2647, %swap3A_2648, %swap3A_2649] {strides = array<i32>} : memref<2x4x128xi32, #tpu.memory_space<vmem>>, vector<1x1x16xi32>,
      %swap3A_2651 = vector.shape_cast %swap3A_2650 : vector<1x1x16xi32> to vector<16xi32>
      %swap3A_2652 = vector.shape_cast %mul3A_2644 : vector<16xi32> to vector<1x1x16xi32>
      tpu.vector_store %arg5[%swap3A_2647, %swap3A_2648, %swap3A_2649], %swap3A_2652 {strides = array<i32>} : memref<2x4x128xi32, #tpu.memory_space<vmem>>, vector<1x1x16xi32>,
      %get3A_2653 = arith.constant 1 : i32
      %get3A_2654 = arith.constant 2 : i32
      %get3A_2655 = arith.index_cast %get3A_2653 : i32 to index
      %get3A_2656 = arith.index_cast %get3A_2654 : i32 to index
      %get3A_2657 = arith.constant 96 : index
      %get3A_2658 = tpu.vector_load %arg5[%get3A_2655, %get3A_2656, %get3A_2657] {strides = array<i32>} : memref<2x4x128xi32, #tpu.memory_space<vmem>>, vector<1x1x16xi32>,
      %get3A_2659 = vector.shape_cast %get3A_2658 : vector<1x1x16xi32> to vector<16xi32>
      %mul3A_2660 = arith.constant 2 : i32
      %mul3A_2661 = vector.broadcast %mul3A_2660 : i32 to vector<16xi32>
      %mul3A_2662 = arith.muli %get3A_2659, %mul3A_2661 : vector<16xi32>
      %swap3A_2663 = arith.constant 1 : i32
      %swap3A_2664 = arith.constant 2 : i32
      %swap3A_2665 = arith.index_cast %swap3A_2663 : i32 to index
      %swap3A_2666 = arith.index_cast %swap3A_2664 : i32 to index
      %swap3A_2667 = arith.constant 96 : index
      %swap3A_2668 = tpu.vector_load %arg5[%swap3A_2665, %swap3A_2666, %swap3A_2667] {strides = array<i32>} : memref<2x4x128xi32, #tpu.memory_space<vmem>>, vector<1x1x16xi32>,
      %swap3A_2669 = vector.shape_cast %swap3A_2668 : vector<1x1x16xi32> to vector<16xi32>
      %swap3A_2670 = vector.shape_cast %mul3A_2662 : vector<16xi32> to vector<1x1x16xi32>
      tpu.vector_store %arg5[%swap3A_2665, %swap3A_2666, %swap3A_2667], %swap3A_2670 {strides = array<i32>} : memref<2x4x128xi32, #tpu.memory_space<vmem>>, vector<1x1x16xi32>,
      %get3A_2671 = arith.constant 1 : i32
      %get3A_2672 = arith.constant 2 : i32
      %get3A_2673 = arith.index_cast %get3A_2671 : i32 to index
      %get3A_2674 = arith.index_cast %get3A_2672 : i32 to index
      %get3A_2675 = arith.constant 112 : index
      %get3A_2676 = tpu.vector_load %arg5[%get3A_2673, %get3A_2674, %get3A_2675] {strides = array<i32>} : memref<2x4x128xi32, #tpu.memory_space<vmem>>, vector<1x1x16xi32>,
      %get3A_2677 = vector.shape_cast %get3A_2676 : vector<1x1x16xi32> to vector<16xi32>
      %mul3A_2678 = arith.constant 2 : i32
      %mul3A_2679 = vector.broadcast %mul3A_2678 : i32 to vector<16xi32>
      %mul3A_2680 = arith.muli %get3A_2677, %mul3A_2679 : vector<16xi32>
      %swap3A_2681 = arith.constant 1 : i32
      %swap3A_2682 = arith.constant 2 : i32
      %swap3A_2683 = arith.index_cast %swap3A_2681 : i32 to index
      %swap3A_2684 = arith.index_cast %swap3A_2682 : i32 to index
      %swap3A_2685 = arith.constant 112 : index
      %swap3A_2686 = tpu.vector_load %arg5[%swap3A_2683, %swap3A_2684, %swap3A_2685] {strides = array<i32>} : memref<2x4x128xi32, #tpu.memory_space<vmem>>, vector<1x1x16xi32>,
      %swap3A_2687 = vector.shape_cast %swap3A_2686 : vector<1x1x16xi32> to vector<16xi32>
      %swap3A_2688 = vector.shape_cast %mul3A_2680 : vector<16xi32> to vector<1x1x16xi32>
      tpu.vector_store %arg5[%swap3A_2683, %swap3A_2684, %swap3A_2685], %swap3A_2688 {strides = array<i32>} : memref<2x4x128xi32, #tpu.memory_space<vmem>>, vector<1x1x16xi32>,
      %get3A_2689 = arith.constant 1 : i32
      %get3A_2690 = arith.constant 3 : i32
      %get3A_2691 = arith.index_cast %get3A_2689 : i32 to index
      %get3A_2692 = arith.index_cast %get3A_2690 : i32 to index
      %get3A_2693 = arith.constant 0 : index
      %get3A_2694 = tpu.vector_load %arg5[%get3A_2691, %get3A_2692, %get3A_2693] {strides = array<i32>} : memref<2x4x128xi32, #tpu.memory_space<vmem>>, vector<1x1x16xi32>,
      %get3A_2695 = vector.shape_cast %get3A_2694 : vector<1x1x16xi32> to vector<16xi32>
      %mul3A_2696 = arith.constant 2 : i32
      %mul3A_2697 = vector.broadcast %mul3A_2696 : i32 to vector<16xi32>
      %mul3A_2698 = arith.muli %get3A_2695, %mul3A_2697 : vector<16xi32>
      %swap3A_2699 = arith.constant 1 : i32
      %swap3A_2700 = arith.constant 3 : i32
      %swap3A_2701 = arith.index_cast %swap3A_2699 : i32 to index
      %swap3A_2702 = arith.index_cast %swap3A_2700 : i32 to index
      %swap3A_2703 = arith.constant 0 : index
      %swap3A_2704 = tpu.vector_load %arg5[%swap3A_2701, %swap3A_2702, %swap3A_2703] {strides = array<i32>} : memref<2x4x128xi32, #tpu.memory_space<vmem>>, vector<1x1x16xi32>,
      %swap3A_2705 = vector.shape_cast %swap3A_2704 : vector<1x1x16xi32> to vector<16xi32>
      %swap3A_2706 = vector.shape_cast %mul3A_2698 : vector<16xi32> to vector<1x1x16xi32>
      tpu.vector_store %arg5[%swap3A_2701, %swap3A_2702, %swap3A_2703], %swap3A_2706 {strides = array<i32>} : memref<2x4x128xi32, #tpu.memory_space<vmem>>, vector<1x1x16xi32>,
      %get3A_2707 = arith.constant 1 : i32
      %get3A_2708 = arith.constant 3 : i32
      %get3A_2709 = arith.index_cast %get3A_2707 : i32 to index
      %get3A_2710 = arith.index_cast %get3A_2708 : i32 to index
      %get3A_2711 = arith.constant 16 : index
      %get3A_2712 = tpu.vector_load %arg5[%get3A_2709, %get3A_2710, %get3A_2711] {strides = array<i32>} : memref<2x4x128xi32, #tpu.memory_space<vmem>>, vector<1x1x16xi32>,
      %get3A_2713 = vector.shape_cast %get3A_2712 : vector<1x1x16xi32> to vector<16xi32>
      %mul3A_2714 = arith.constant 2 : i32
      %mul3A_2715 = vector.broadcast %mul3A_2714 : i32 to vector<16xi32>
      %mul3A_2716 = arith.muli %get3A_2713, %mul3A_2715 : vector<16xi32>
      %swap3A_2717 = arith.constant 1 : i32
      %swap3A_2718 = arith.constant 3 : i32
      %swap3A_2719 = arith.index_cast %swap3A_2717 : i32 to index
      %swap3A_2720 = arith.index_cast %swap3A_2718 : i32 to index
      %swap3A_2721 = arith.constant 16 : index
      %swap3A_2722 = tpu.vector_load %arg5[%swap3A_2719, %swap3A_2720, %swap3A_2721] {strides = array<i32>} : memref<2x4x128xi32, #tpu.memory_space<vmem>>, vector<1x1x16xi32>,
      %swap3A_2723 = vector.shape_cast %swap3A_2722 : vector<1x1x16xi32> to vector<16xi32>
      %swap3A_2724 = vector.shape_cast %mul3A_2716 : vector<16xi32> to vector<1x1x16xi32>
      tpu.vector_store %arg5[%swap3A_2719, %swap3A_2720, %swap3A_2721], %swap3A_2724 {strides = array<i32>} : memref<2x4x128xi32, #tpu.memory_space<vmem>>, vector<1x1x16xi32>,
      %get3A_2725 = arith.constant 1 : i32
      %get3A_2726 = arith.constant 3 : i32
      %get3A_2727 = arith.index_cast %get3A_2725 : i32 to index
      %get3A_2728 = arith.index_cast %get3A_2726 : i32 to index
      %get3A_2729 = arith.constant 32 : index
      %get3A_2730 = tpu.vector_load %arg5[%get3A_2727, %get3A_2728, %get3A_2729] {strides = array<i32>} : memref<2x4x128xi32, #tpu.memory_space<vmem>>, vector<1x1x16xi32>,
      %get3A_2731 = vector.shape_cast %get3A_2730 : vector<1x1x16xi32> to vector<16xi32>
      %mul3A_2732 = arith.constant 2 : i32
      %mul3A_2733 = vector.broadcast %mul3A_2732 : i32 to vector<16xi32>
      %mul3A_2734 = arith.muli %get3A_2731, %mul3A_2733 : vector<16xi32>
      %swap3A_2735 = arith.constant 1 : i32
      %swap3A_2736 = arith.constant 3 : i32
      %swap3A_2737 = arith.index_cast %swap3A_2735 : i32 to index
      %swap3A_2738 = arith.index_cast %swap3A_2736 : i32 to index
      %swap3A_2739 = arith.constant 32 : index
      %swap3A_2740 = tpu.vector_load %arg5[%swap3A_2737, %swap3A_2738, %swap3A_2739] {strides = array<i32>} : memref<2x4x128xi32, #tpu.memory_space<vmem>>, vector<1x1x16xi32>,
      %swap3A_2741 = vector.shape_cast %swap3A_2740 : vector<1x1x16xi32> to vector<16xi32>
      %swap3A_2742 = vector.shape_cast %mul3A_2734 : vector<16xi32> to vector<1x1x16xi32>
      tpu.vector_store %arg5[%swap3A_2737, %swap3A_2738, %swap3A_2739], %swap3A_2742 {strides = array<i32>} : memref<2x4x128xi32, #tpu.memory_space<vmem>>, vector<1x1x16xi32>,
      %get3A_2743 = arith.constant 1 : i32
      %get3A_2744 = arith.constant 3 : i32
      %get3A_2745 = arith.index_cast %get3A_2743 : i32 to index
      %get3A_2746 = arith.index_cast %get3A_2744 : i32 to index
      %get3A_2747 = arith.constant 48 : index
      %get3A_2748 = tpu.vector_load %arg5[%get3A_2745, %get3A_2746, %get3A_2747] {strides = array<i32>} : memref<2x4x128xi32, #tpu.memory_space<vmem>>, vector<1x1x16xi32>,
      %get3A_2749 = vector.shape_cast %get3A_2748 : vector<1x1x16xi32> to vector<16xi32>
      %mul3A_2750 = arith.constant 2 : i32
      %mul3A_2751 = vector.broadcast %mul3A_2750 : i32 to vector<16xi32>
      %mul3A_2752 = arith.muli %get3A_2749, %mul3A_2751 : vector<16xi32>
      %swap3A_2753 = arith.constant 1 : i32
      %swap3A_2754 = arith.constant 3 : i32
      %swap3A_2755 = arith.index_cast %swap3A_2753 : i32 to index
      %swap3A_2756 = arith.index_cast %swap3A_2754 : i32 to index
      %swap3A_2757 = arith.constant 48 : index
      %swap3A_2758 = tpu.vector_load %arg5[%swap3A_2755, %swap3A_2756, %swap3A_2757] {strides = array<i32>} : memref<2x4x128xi32, #tpu.memory_space<vmem>>, vector<1x1x16xi32>,
      %swap3A_2759 = vector.shape_cast %swap3A_2758 : vector<1x1x16xi32> to vector<16xi32>
      %swap3A_2760 = vector.shape_cast %mul3A_2752 : vector<16xi32> to vector<1x1x16xi32>
      tpu.vector_store %arg5[%swap3A_2755, %swap3A_2756, %swap3A_2757], %swap3A_2760 {strides = array<i32>} : memref<2x4x128xi32, #tpu.memory_space<vmem>>, vector<1x1x16xi32>,
      %get3A_2761 = arith.constant 1 : i32
      %get3A_2762 = arith.constant 3 : i32
      %get3A_2763 = arith.index_cast %get3A_2761 : i32 to index
      %get3A_2764 = arith.index_cast %get3A_2762 : i32 to index
      %get3A_2765 = arith.constant 64 : index
      %get3A_2766 = tpu.vector_load %arg5[%get3A_2763, %get3A_2764, %get3A_2765] {strides = array<i32>} : memref<2x4x128xi32, #tpu.memory_space<vmem>>, vector<1x1x16xi32>,
      %get3A_2767 = vector.shape_cast %get3A_2766 : vector<1x1x16xi32> to vector<16xi32>
      %mul3A_2768 = arith.constant 2 : i32
      %mul3A_2769 = vector.broadcast %mul3A_2768 : i32 to vector<16xi32>
      %mul3A_2770 = arith.muli %get3A_2767, %mul3A_2769 : vector<16xi32>
      %swap3A_2771 = arith.constant 1 : i32
      %swap3A_2772 = arith.constant 3 : i32
      %swap3A_2773 = arith.index_cast %swap3A_2771 : i32 to index
      %swap3A_2774 = arith.index_cast %swap3A_2772 : i32 to index
      %swap3A_2775 = arith.constant 64 : index
      %swap3A_2776 = tpu.vector_load %arg5[%swap3A_2773, %swap3A_2774, %swap3A_2775] {strides = array<i32>} : memref<2x4x128xi32, #tpu.memory_space<vmem>>, vector<1x1x16xi32>,
      %swap3A_2777 = vector.shape_cast %swap3A_2776 : vector<1x1x16xi32> to vector<16xi32>
      %swap3A_2778 = vector.shape_cast %mul3A_2770 : vector<16xi32> to vector<1x1x16xi32>
      tpu.vector_store %arg5[%swap3A_2773, %swap3A_2774, %swap3A_2775], %swap3A_2778 {strides = array<i32>} : memref<2x4x128xi32, #tpu.memory_space<vmem>>, vector<1x1x16xi32>,
      %get3A_2779 = arith.constant 1 : i32
      %get3A_2780 = arith.constant 3 : i32
      %get3A_2781 = arith.index_cast %get3A_2779 : i32 to index
      %get3A_2782 = arith.index_cast %get3A_2780 : i32 to index
      %get3A_2783 = arith.constant 80 : index
      %get3A_2784 = tpu.vector_load %arg5[%get3A_2781, %get3A_2782, %get3A_2783] {strides = array<i32>} : memref<2x4x128xi32, #tpu.memory_space<vmem>>, vector<1x1x16xi32>,
      %get3A_2785 = vector.shape_cast %get3A_2784 : vector<1x1x16xi32> to vector<16xi32>
      %mul3A_2786 = arith.constant 2 : i32
      %mul3A_2787 = vector.broadcast %mul3A_2786 : i32 to vector<16xi32>
      %mul3A_2788 = arith.muli %get3A_2785, %mul3A_2787 : vector<16xi32>
      %swap3A_2789 = arith.constant 1 : i32
      %swap3A_2790 = arith.constant 3 : i32
      %swap3A_2791 = arith.index_cast %swap3A_2789 : i32 to index
      %swap3A_2792 = arith.index_cast %swap3A_2790 : i32 to index
      %swap3A_2793 = arith.constant 80 : index
      %swap3A_2794 = tpu.vector_load %arg5[%swap3A_2791, %swap3A_2792, %swap3A_2793] {strides = array<i32>} : memref<2x4x128xi32, #tpu.memory_space<vmem>>, vector<1x1x16xi32>,
      %swap3A_2795 = vector.shape_cast %swap3A_2794 : vector<1x1x16xi32> to vector<16xi32>
      %swap3A_2796 = vector.shape_cast %mul3A_2788 : vector<16xi32> to vector<1x1x16xi32>
      tpu.vector_store %arg5[%swap3A_2791, %swap3A_2792, %swap3A_2793], %swap3A_2796 {strides = array<i32>} : memref<2x4x128xi32, #tpu.memory_space<vmem>>, vector<1x1x16xi32>,
      %get3A_2797 = arith.constant 1 : i32
      %get3A_2798 = arith.constant 3 : i32
      %get3A_2799 = arith.index_cast %get3A_2797 : i32 to index
      %get3A_2800 = arith.index_cast %get3A_2798 : i32 to index
      %get3A_2801 = arith.constant 96 : index
      %get3A_2802 = tpu.vector_load %arg5[%get3A_2799, %get3A_2800, %get3A_2801] {strides = array<i32>} : memref<2x4x128xi32, #tpu.memory_space<vmem>>, vector<1x1x16xi32>,
      %get3A_2803 = vector.shape_cast %get3A_2802 : vector<1x1x16xi32> to vector<16xi32>
      %mul3A_2804 = arith.constant 2 : i32
      %mul3A_2805 = vector.broadcast %mul3A_2804 : i32 to vector<16xi32>
      %mul3A_2806 = arith.muli %get3A_2803, %mul3A_2805 : vector<16xi32>
      %swap3A_2807 = arith.constant 1 : i32
      %swap3A_2808 = arith.constant 3 : i32
      %swap3A_2809 = arith.index_cast %swap3A_2807 : i32 to index
      %swap3A_2810 = arith.index_cast %swap3A_2808 : i32 to index
      %swap3A_2811 = arith.constant 96 : index
      %swap3A_2812 = tpu.vector_load %arg5[%swap3A_2809, %swap3A_2810, %swap3A_2811] {strides = array<i32>} : memref<2x4x128xi32, #tpu.memory_space<vmem>>, vector<1x1x16xi32>,
      %swap3A_2813 = vector.shape_cast %swap3A_2812 : vector<1x1x16xi32> to vector<16xi32>
      %swap3A_2814 = vector.shape_cast %mul3A_2806 : vector<16xi32> to vector<1x1x16xi32>
      tpu.vector_store %arg5[%swap3A_2809, %swap3A_2810, %swap3A_2811], %swap3A_2814 {strides = array<i32>} : memref<2x4x128xi32, #tpu.memory_space<vmem>>, vector<1x1x16xi32>,
      %get3A_2815 = arith.constant 1 : i32
      %get3A_2816 = arith.constant 3 : i32
      %get3A_2817 = arith.index_cast %get3A_2815 : i32 to index
      %get3A_2818 = arith.index_cast %get3A_2816 : i32 to index
      %get3A_2819 = arith.constant 112 : index
      %get3A_2820 = tpu.vector_load %arg5[%get3A_2817, %get3A_2818, %get3A_2819] {strides = array<i32>} : memref<2x4x128xi32, #tpu.memory_space<vmem>>, vector<1x1x16xi32>,
      %get3A_2821 = vector.shape_cast %get3A_2820 : vector<1x1x16xi32> to vector<16xi32>
      %mul3A_2822 = arith.constant 2 : i32
      %mul3A_2823 = vector.broadcast %mul3A_2822 : i32 to vector<16xi32>
      %mul3A_2824 = arith.muli %get3A_2821, %mul3A_2823 : vector<16xi32>
      %swap3A_2825 = arith.constant 1 : i32
      %swap3A_2826 = arith.constant 3 : i32
      %swap3A_2827 = arith.index_cast %swap3A_2825 : i32 to index
      %swap3A_2828 = arith.index_cast %swap3A_2826 : i32 to index
      %swap3A_2829 = arith.constant 112 : index
      %swap3A_2830 = tpu.vector_load %arg5[%swap3A_2827, %swap3A_2828, %swap3A_2829] {strides = array<i32>} : memref<2x4x128xi32, #tpu.memory_space<vmem>>, vector<1x1x16xi32>,
      %swap3A_2831 = vector.shape_cast %swap3A_2830 : vector<1x1x16xi32> to vector<16xi32>
      %swap3A_2832 = vector.shape_cast %mul3A_2824 : vector<16xi32> to vector<1x1x16xi32>
      tpu.vector_store %arg5[%swap3A_2827, %swap3A_2828, %swap3A_2829], %swap3A_2832 {strides = array<i32>} : memref<2x4x128xi32, #tpu.memory_space<vmem>>, vector<1x1x16xi32>,
      %mul3A_2833 = arith.constant 4 : i32
      %mul3A_2834 = arith.muli %add3A_2177, %mul3A_2833 : i32
      %add3A_2835 = arith.addi %mul3A_4, %mul3A_2834 : i32
      %mul3A_2836 = arith.constant 128 : i32
      %mul3A_2837 = arith.muli %add3A_2835, %mul3A_2836 : i32
      %dma_wait3A_2838 = arith.constant 1 : i32
      %dma_wait3A_2839 = arith.constant 0 : i32
      %dma_wait3A_2840 = arith.constant 0 : i32
      %dma_wait3A_2841 = tpu.memref_slice %arg6[%dma_wait3A_2838, %dma_wait3A_2839, %dma_wait3A_2840] : memref<2x512x64xf32, #tpu.memory_space<vmem>> -> memref<1x512x64xf32, #tpu.memory_space<vmem>>
      %dma_wait3A_2842 = tpu.memref_squeeze %dma_wait3A_2841 : memref<1x512x64xf32, #tpu.memory_space<vmem>> -> memref<512x64xf32, #tpu.memory_space<vmem>>
      %dma_wait3A_2843 = arith.constant 0 : i32
      %dma_wait3A_2844 = tpu.memref_slice %arg4[%mul3A_2837, %dma_wait3A_2843] : memref<819200x128xf32, #tpu.memory_space<hbm>> -> memref<512x64xf32, #tpu.memory_space<hbm>>
      %dma_wait3A_2845 = arith.constant 0 : i32
      %dma_wait3A_2846 = tpu.memref_slice %arg4[%mul3A_2837, %dma_wait3A_2845] : memref<819200x128xf32, #tpu.memory_space<hbm>> -> memref<512x64xf32, #tpu.memory_space<hbm>>
      %dma_wait3A_2847 = arith.constant 0 : i32
      %dma_wait3A_2848 = arith.constant 0 : i32
      %dma_wait3A_2849 = tpu.memref_slice %arg6[%dma_wait3A_2838, %dma_wait3A_2847, %dma_wait3A_2848] : memref<2x512x64xf32, #tpu.memory_space<vmem>> -> memref<1x512x64xf32, #tpu.memory_space<vmem>>
      %dma_wait3A_2850 = tpu.memref_squeeze %dma_wait3A_2849 : memref<1x512x64xf32, #tpu.memory_space<vmem>> -> memref<512x64xf32, #tpu.memory_space<vmem>>
      tpu.wait_dma2 semaphore(%arg10 : memref<!tpu.dma_semaphore, #tpu.memory_space<semaphore_mem>>) src(%dma_wait3A_2850 : memref<512x64xf32, #tpu.memory_space<vmem>>) dst(%dma_wait3A_2846 : memref<512x64xf32, #tpu.memory_space<hbm>>)
      %dma_start3A_2851 = arith.constant 1 : i32
      %dma_start3A_2852 = arith.constant 0 : i32
      %dma_start3A_2853 = arith.constant 1 : i32
      %dma_start3A_2854 = arith.constant 0 : i32
      %dma_start3A_2855 = arith.constant 0 : i32
      %dma_start3A_2856 = tpu.memref_slice %arg6[%dma_start3A_2853, %dma_start3A_2854, %dma_start3A_2855] : memref<2x512x64xf32, #tpu.memory_space<vmem>> -> memref<1x128x64xf32, #tpu.memory_space<vmem>>
      %dma_start3A_2857 = tpu.memref_squeeze %dma_start3A_2856 : memref<1x128x64xf32, #tpu.memory_space<vmem>> -> memref<128x64xf32, #tpu.memory_space<vmem>>
      %dma_start3A_2858 = arith.constant 0 : i32
      %dma_start3A_2859 = tpu.memref_slice %arg5[%dma_start3A_2851, %dma_start3A_2852, %dma_start3A_2858] : memref<2x4x128xi32, #tpu.memory_space<vmem>> -> memref<1x1x128xi32, #tpu.memory_space<vmem>>
      %dma_start3A_2860 = tpu.memref_squeeze %dma_start3A_2859 : memref<1x1x128xi32, #tpu.memory_space<vmem>> -> memref<128xi32, #tpu.memory_space<vmem>>
      %dma_start3A_2861 = arith.constant 0 : i32
      %dma_start3A_2862 = arith.constant 0 : i32
      %dma_start3A_2863 = tpu.memref_slice %arg3[%dma_start3A_2861, %dma_start3A_2862] : memref<2000000x64xf32, #tpu.memory_space<hbm>> -> memref<2000000x64xf32, #tpu.memory_space<hbm>>
      tpu.enqueue_indirect_dma source(%dma_start3A_2863 : memref<2000000x64xf32, #tpu.memory_space<hbm>>) target(%dma_start3A_2857 : memref<128x64xf32, #tpu.memory_space<vmem>>) offsets(%dma_start3A_2860 : memref<128xi32, #tpu.memory_space<vmem>>) semaphore(%arg8 : memref<!tpu.dma_semaphore, #tpu.memory_space<semaphore_mem>>)
      %dma_start3A_2864 = arith.constant 1 : i32
      %dma_start3A_2865 = arith.constant 1 : i32
      %dma_start3A_2866 = arith.constant 1 : i32
      %dma_start3A_2867 = arith.constant 128 : i32
      %dma_start3A_2868 = arith.constant 0 : i32
      %dma_start3A_2869 = tpu.memref_slice %arg6[%dma_start3A_2866, %dma_start3A_2867, %dma_start3A_2868] : memref<2x512x64xf32, #tpu.memory_space<vmem>> -> memref<1x128x64xf32, #tpu.memory_space<vmem>>
      %dma_start3A_2870 = tpu.memref_squeeze %dma_start3A_2869 : memref<1x128x64xf32, #tpu.memory_space<vmem>> -> memref<128x64xf32, #tpu.memory_space<vmem>>
      %dma_start3A_2871 = arith.constant 0 : i32
      %dma_start3A_2872 = tpu.memref_slice %arg5[%dma_start3A_2864, %dma_start3A_2865, %dma_start3A_2871] : memref<2x4x128xi32, #tpu.memory_space<vmem>> -> memref<1x1x128xi32, #tpu.memory_space<vmem>>
      %dma_start3A_2873 = tpu.memref_squeeze %dma_start3A_2872 : memref<1x1x128xi32, #tpu.memory_space<vmem>> -> memref<128xi32, #tpu.memory_space<vmem>>
      %dma_start3A_2874 = arith.constant 0 : i32
      %dma_start3A_2875 = arith.constant 0 : i32
      %dma_start3A_2876 = tpu.memref_slice %arg3[%dma_start3A_2874, %dma_start3A_2875] : memref<2000000x64xf32, #tpu.memory_space<hbm>> -> memref<2000000x64xf32, #tpu.memory_space<hbm>>
      tpu.enqueue_indirect_dma source(%dma_start3A_2876 : memref<2000000x64xf32, #tpu.memory_space<hbm>>) target(%dma_start3A_2870 : memref<128x64xf32, #tpu.memory_space<vmem>>) offsets(%dma_start3A_2873 : memref<128xi32, #tpu.memory_space<vmem>>) semaphore(%arg8 : memref<!tpu.dma_semaphore, #tpu.memory_space<semaphore_mem>>)
      %dma_start3A_2877 = arith.constant 1 : i32
      %dma_start3A_2878 = arith.constant 2 : i32
      %dma_start3A_2879 = arith.constant 1 : i32
      %dma_start3A_2880 = arith.constant 256 : i32
      %dma_start3A_2881 = arith.constant 0 : i32
      %dma_start3A_2882 = tpu.memref_slice %arg6[%dma_start3A_2879, %dma_start3A_2880, %dma_start3A_2881] : memref<2x512x64xf32, #tpu.memory_space<vmem>> -> memref<1x128x64xf32, #tpu.memory_space<vmem>>
      %dma_start3A_2883 = tpu.memref_squeeze %dma_start3A_2882 : memref<1x128x64xf32, #tpu.memory_space<vmem>> -> memref<128x64xf32, #tpu.memory_space<vmem>>
      %dma_start3A_2884 = arith.constant 0 : i32
      %dma_start3A_2885 = tpu.memref_slice %arg5[%dma_start3A_2877, %dma_start3A_2878, %dma_start3A_2884] : memref<2x4x128xi32, #tpu.memory_space<vmem>> -> memref<1x1x128xi32, #tpu.memory_space<vmem>>
      %dma_start3A_2886 = tpu.memref_squeeze %dma_start3A_2885 : memref<1x1x128xi32, #tpu.memory_space<vmem>> -> memref<128xi32, #tpu.memory_space<vmem>>
      %dma_start3A_2887 = arith.constant 0 : i32
      %dma_start3A_2888 = arith.constant 0 : i32
      %dma_start3A_2889 = tpu.memref_slice %arg3[%dma_start3A_2887, %dma_start3A_2888] : memref<2000000x64xf32, #tpu.memory_space<hbm>> -> memref<2000000x64xf32, #tpu.memory_space<hbm>>
      tpu.enqueue_indirect_dma source(%dma_start3A_2889 : memref<2000000x64xf32, #tpu.memory_space<hbm>>) target(%dma_start3A_2883 : memref<128x64xf32, #tpu.memory_space<vmem>>) offsets(%dma_start3A_2886 : memref<128xi32, #tpu.memory_space<vmem>>) semaphore(%arg8 : memref<!tpu.dma_semaphore, #tpu.memory_space<semaphore_mem>>)
      %dma_start3A_2890 = arith.constant 1 : i32
      %dma_start3A_2891 = arith.constant 3 : i32
      %dma_start3A_2892 = arith.constant 1 : i32
      %dma_start3A_2893 = arith.constant 384 : i32
      %dma_start3A_2894 = arith.constant 0 : i32
      %dma_start3A_2895 = tpu.memref_slice %arg6[%dma_start3A_2892, %dma_start3A_2893, %dma_start3A_2894] : memref<2x512x64xf32, #tpu.memory_space<vmem>> -> memref<1x128x64xf32, #tpu.memory_space<vmem>>
      %dma_start3A_2896 = tpu.memref_squeeze %dma_start3A_2895 : memref<1x128x64xf32, #tpu.memory_space<vmem>> -> memref<128x64xf32, #tpu.memory_space<vmem>>
      %dma_start3A_2897 = arith.constant 0 : i32
      %dma_start3A_2898 = tpu.memref_slice %arg5[%dma_start3A_2890, %dma_start3A_2891, %dma_start3A_2897] : memref<2x4x128xi32, #tpu.memory_space<vmem>> -> memref<1x1x128xi32, #tpu.memory_space<vmem>>
      %dma_start3A_2899 = tpu.memref_squeeze %dma_start3A_2898 : memref<1x1x128xi32, #tpu.memory_space<vmem>> -> memref<128xi32, #tpu.memory_space<vmem>>
      %dma_start3A_2900 = arith.constant 0 : i32
      %dma_start3A_2901 = arith.constant 0 : i32
      %dma_start3A_2902 = tpu.memref_slice %arg3[%dma_start3A_2900, %dma_start3A_2901] : memref<2000000x64xf32, #tpu.memory_space<hbm>> -> memref<2000000x64xf32, #tpu.memory_space<hbm>>
      tpu.enqueue_indirect_dma source(%dma_start3A_2902 : memref<2000000x64xf32, #tpu.memory_space<hbm>>) target(%dma_start3A_2896 : memref<128x64xf32, #tpu.memory_space<vmem>>) offsets(%dma_start3A_2899 : memref<128xi32, #tpu.memory_space<vmem>>) semaphore(%arg8 : memref<!tpu.dma_semaphore, #tpu.memory_space<semaphore_mem>>)
    }
    %scan3A_1267 = arith.constant 24 : i32
    %dma_wait3A = arith.constant 0 : i32
    %dma_wait3A_1268 = arith.constant 0 : i32
    %dma_wait3A_1269 = arith.constant 0 : i32
    %dma_wait3A_1270 = arith.constant 0 : i32
    %dma_wait3A_1271 = arith.constant 0 : i32
    %dma_wait3A_1272 = tpu.memref_slice %arg6[%dma_wait3A_1269, %dma_wait3A_1270, %dma_wait3A_1271] : memref<2x512x64xf32, #tpu.memory_space<vmem>> -> memref<1x128x64xf32, #tpu.memory_space<vmem>>
    %dma_wait3A_1273 = tpu.memref_squeeze %dma_wait3A_1272 : memref<1x128x64xf32, #tpu.memory_space<vmem>> -> memref<128x64xf32, #tpu.memory_space<vmem>>
    %dma_wait3A_1274 = arith.constant 0 : i32
    %dma_wait3A_1275 = tpu.memref_slice %arg5[%dma_wait3A, %dma_wait3A_1268, %dma_wait3A_1274] : memref<2x4x128xi32, #tpu.memory_space<vmem>> -> memref<1x1x128xi32, #tpu.memory_space<vmem>>
    %dma_wait3A_1276 = tpu.memref_squeeze %dma_wait3A_1275 : memref<1x1x128xi32, #tpu.memory_space<vmem>> -> memref<128xi32, #tpu.memory_space<vmem>>
    %dma_wait3A_1277 = arith.constant 0 : i32
    %dma_wait3A_1278 = arith.constant 0 : i32
    %dma_wait3A_1279 = tpu.memref_slice %arg3[%dma_wait3A_1277, %dma_wait3A_1278] : memref<2000000x64xf32, #tpu.memory_space<hbm>> -> memref<2000000x64xf32, #tpu.memory_space<hbm>>
    tpu.wait_indirect_dma semaphore(%arg7 : memref<!tpu.dma_semaphore, #tpu.memory_space<semaphore_mem>>) src(%dma_wait3A_1279 : memref<2000000x64xf32, #tpu.memory_space<hbm>>) dst(%dma_wait3A_1273 : memref<128x64xf32, #tpu.memory_space<vmem>>)
    %dma_wait3A_1280 = arith.constant 0 : i32
    %dma_wait3A_1281 = arith.constant 1 : i32
    %dma_wait3A_1282 = arith.constant 0 : i32
    %dma_wait3A_1283 = arith.constant 128 : i32
    %dma_wait3A_1284 = arith.constant 0 : i32
    %dma_wait3A_1285 = tpu.memref_slice %arg6[%dma_wait3A_1282, %dma_wait3A_1283, %dma_wait3A_1284] : memref<2x512x64xf32, #tpu.memory_space<vmem>> -> memref<1x128x64xf32, #tpu.memory_space<vmem>>
    %dma_wait3A_1286 = tpu.memref_squeeze %dma_wait3A_1285 : memref<1x128x64xf32, #tpu.memory_space<vmem>> -> memref<128x64xf32, #tpu.memory_space<vmem>>
    %dma_wait3A_1287 = arith.constant 0 : i32
    %dma_wait3A_1288 = tpu.memref_slice %arg5[%dma_wait3A_1280, %dma_wait3A_1281, %dma_wait3A_1287] : memref<2x4x128xi32, #tpu.memory_space<vmem>> -> memref<1x1x128xi32, #tpu.memory_space<vmem>>
    %dma_wait3A_1289 = tpu.memref_squeeze %dma_wait3A_1288 : memref<1x1x128xi32, #tpu.memory_space<vmem>> -> memref<128xi32, #tpu.memory_space<vmem>>
    %dma_wait3A_1290 = arith.constant 0 : i32
    %dma_wait3A_1291 = arith.constant 0 : i32
    %dma_wait3A_1292 = tpu.memref_slice %arg3[%dma_wait3A_1290, %dma_wait3A_1291] : memref<2000000x64xf32, #tpu.memory_space<hbm>> -> memref<2000000x64xf32, #tpu.memory_space<hbm>>
    tpu.wait_indirect_dma semaphore(%arg7 : memref<!tpu.dma_semaphore, #tpu.memory_space<semaphore_mem>>) src(%dma_wait3A_1292 : memref<2000000x64xf32, #tpu.memory_space<hbm>>) dst(%dma_wait3A_1286 : memref<128x64xf32, #tpu.memory_space<vmem>>)
    %dma_wait3A_1293 = arith.constant 0 : i32
    %dma_wait3A_1294 = arith.constant 2 : i32
    %dma_wait3A_1295 = arith.constant 0 : i32
    %dma_wait3A_1296 = arith.constant 256 : i32
    %dma_wait3A_1297 = arith.constant 0 : i32
    %dma_wait3A_1298 = tpu.memref_slice %arg6[%dma_wait3A_1295, %dma_wait3A_1296, %dma_wait3A_1297] : memref<2x512x64xf32, #tpu.memory_space<vmem>> -> memref<1x128x64xf32, #tpu.memory_space<vmem>>
    %dma_wait3A_1299 = tpu.memref_squeeze %dma_wait3A_1298 : memref<1x128x64xf32, #tpu.memory_space<vmem>> -> memref<128x64xf32, #tpu.memory_space<vmem>>
    %dma_wait3A_1300 = arith.constant 0 : i32
    %dma_wait3A_1301 = tpu.memref_slice %arg5[%dma_wait3A_1293, %dma_wait3A_1294, %dma_wait3A_1300] : memref<2x4x128xi32, #tpu.memory_space<vmem>> -> memref<1x1x128xi32, #tpu.memory_space<vmem>>
    %dma_wait3A_1302 = tpu.memref_squeeze %dma_wait3A_1301 : memref<1x1x128xi32, #tpu.memory_space<vmem>> -> memref<128xi32, #tpu.memory_space<vmem>>
    %dma_wait3A_1303 = arith.constant 0 : i32
    %dma_wait3A_1304 = arith.constant 0 : i32
    %dma_wait3A_1305 = tpu.memref_slice %arg3[%dma_wait3A_1303, %dma_wait3A_1304] : memref<2000000x64xf32, #tpu.memory_space<hbm>> -> memref<2000000x64xf32, #tpu.memory_space<hbm>>
    tpu.wait_indirect_dma semaphore(%arg7 : memref<!tpu.dma_semaphore, #tpu.memory_space<semaphore_mem>>) src(%dma_wait3A_1305 : memref<2000000x64xf32, #tpu.memory_space<hbm>>) dst(%dma_wait3A_1299 : memref<128x64xf32, #tpu.memory_space<vmem>>)
    %dma_wait3A_1306 = arith.constant 0 : i32
    %dma_wait3A_1307 = arith.constant 3 : i32
    %dma_wait3A_1308 = arith.constant 0 : i32
    %dma_wait3A_1309 = arith.constant 384 : i32
    %dma_wait3A_1310 = arith.constant 0 : i32
    %dma_wait3A_1311 = tpu.memref_slice %arg6[%dma_wait3A_1308, %dma_wait3A_1309, %dma_wait3A_1310] : memref<2x512x64xf32, #tpu.memory_space<vmem>> -> memref<1x128x64xf32, #tpu.memory_space<vmem>>
    %dma_wait3A_1312 = tpu.memref_squeeze %dma_wait3A_1311 : memref<1x128x64xf32, #tpu.memory_space<vmem>> -> memref<128x64xf32, #tpu.memory_space<vmem>>
    %dma_wait3A_1313 = arith.constant 0 : i32
    %dma_wait3A_1314 = tpu.memref_slice %arg5[%dma_wait3A_1306, %dma_wait3A_1307, %dma_wait3A_1313] : memref<2x4x128xi32, #tpu.memory_space<vmem>> -> memref<1x1x128xi32, #tpu.memory_space<vmem>>
    %dma_wait3A_1315 = tpu.memref_squeeze %dma_wait3A_1314 : memref<1x1x128xi32, #tpu.memory_space<vmem>> -> memref<128xi32, #tpu.memory_space<vmem>>
    %dma_wait3A_1316 = arith.constant 0 : i32
    %dma_wait3A_1317 = arith.constant 0 : i32
    %dma_wait3A_1318 = tpu.memref_slice %arg3[%dma_wait3A_1316, %dma_wait3A_1317] : memref<2000000x64xf32, #tpu.memory_space<hbm>> -> memref<2000000x64xf32, #tpu.memory_space<hbm>>
    tpu.wait_indirect_dma semaphore(%arg7 : memref<!tpu.dma_semaphore, #tpu.memory_space<semaphore_mem>>) src(%dma_wait3A_1318 : memref<2000000x64xf32, #tpu.memory_space<hbm>>) dst(%dma_wait3A_1312 : memref<128x64xf32, #tpu.memory_space<vmem>>)
    %parallel_loop3A = arith.constant 0 : i32
    %parallel_loop3A_1319 = arith.constant 512 : i32
    %parallel_loop3A_1320 = arith.constant 1 : i32
    scf.for %parallel_loop3A_1444 = %parallel_loop3A to %parallel_loop3A_1319 step %parallel_loop3A_1320  : i32 {
      %parallel_loop3A_1445 = arith.constant 0 : i32
      %parallel_loop3A_1446 = arith.index_cast %parallel_loop3A_1445 : i32 to index
      %parallel_loop3A_1447 = arith.index_cast %parallel_loop3A_1444 : i32 to index
      %parallel_loop3A_1448 = arith.constant 0 : index
      %parallel_loop3A_1449 = tpu.vector_load %arg6[%parallel_loop3A_1446, %parallel_loop3A_1447, %parallel_loop3A_1448] {strides = array<i32>} : memref<2x512x64xf32, #tpu.memory_space<vmem>>, vector<1x1x16xf32>,
      %parallel_loop3A_1450 = vector.shape_cast %parallel_loop3A_1449 : vector<1x1x16xf32> to vector<16xf32>
      %parallel_loop3A_1451 = arith.constant 8.000000e+00 : f32
      %parallel_loop3A_1452 = vector.broadcast %parallel_loop3A_1451 : f32 to vector<16xf32>
      %parallel_loop3A_1453 = arith.mulf %parallel_loop3A_1450, %parallel_loop3A_1452 : vector<16xf32>
      %parallel_loop3A_1454 = arith.constant 0 : i32
      %parallel_loop3A_1455 = arith.index_cast %parallel_loop3A_1454 : i32 to index
      %parallel_loop3A_1456 = arith.index_cast %parallel_loop3A_1444 : i32 to index
      %parallel_loop3A_1457 = arith.constant 0 : index
      %parallel_loop3A_1458 = tpu.vector_load %arg6[%parallel_loop3A_1455, %parallel_loop3A_1456, %parallel_loop3A_1457] {strides = array<i32>} : memref<2x512x64xf32, #tpu.memory_space<vmem>>, vector<1x1x16xf32>,
      %parallel_loop3A_1459 = vector.shape_cast %parallel_loop3A_1458 : vector<1x1x16xf32> to vector<16xf32>
      %parallel_loop3A_1460 = vector.shape_cast %parallel_loop3A_1453 : vector<16xf32> to vector<1x1x16xf32>
      tpu.vector_store %arg6[%parallel_loop3A_1455, %parallel_loop3A_1456, %parallel_loop3A_1457], %parallel_loop3A_1460 {strides = array<i32>} : memref<2x512x64xf32, #tpu.memory_space<vmem>>, vector<1x1x16xf32>,
      %parallel_loop3A_1461 = arith.constant 0 : i32
      %parallel_loop3A_1462 = arith.index_cast %parallel_loop3A_1461 : i32 to index
      %parallel_loop3A_1463 = arith.index_cast %parallel_loop3A_1444 : i32 to index
      %parallel_loop3A_1464 = arith.constant 16 : index
      %parallel_loop3A_1465 = tpu.vector_load %arg6[%parallel_loop3A_1462, %parallel_loop3A_1463, %parallel_loop3A_1464] {strides = array<i32>} : memref<2x512x64xf32, #tpu.memory_space<vmem>>, vector<1x1x16xf32>,
      %parallel_loop3A_1466 = vector.shape_cast %parallel_loop3A_1465 : vector<1x1x16xf32> to vector<16xf32>
      %parallel_loop3A_1467 = arith.constant 8.000000e+00 : f32
      %parallel_loop3A_1468 = vector.broadcast %parallel_loop3A_1467 : f32 to vector<16xf32>
      %parallel_loop3A_1469 = arith.mulf %parallel_loop3A_1466, %parallel_loop3A_1468 : vector<16xf32>
      %parallel_loop3A_1470 = arith.constant 0 : i32
      %parallel_loop3A_1471 = arith.index_cast %parallel_loop3A_1470 : i32 to index
      %parallel_loop3A_1472 = arith.index_cast %parallel_loop3A_1444 : i32 to index
      %parallel_loop3A_1473 = arith.constant 16 : index
      %parallel_loop3A_1474 = tpu.vector_load %arg6[%parallel_loop3A_1471, %parallel_loop3A_1472, %parallel_loop3A_1473] {strides = array<i32>} : memref<2x512x64xf32, #tpu.memory_space<vmem>>, vector<1x1x16xf32>,
      %parallel_loop3A_1475 = vector.shape_cast %parallel_loop3A_1474 : vector<1x1x16xf32> to vector<16xf32>
      %parallel_loop3A_1476 = vector.shape_cast %parallel_loop3A_1469 : vector<16xf32> to vector<1x1x16xf32>
      tpu.vector_store %arg6[%parallel_loop3A_1471, %parallel_loop3A_1472, %parallel_loop3A_1473], %parallel_loop3A_1476 {strides = array<i32>} : memref<2x512x64xf32, #tpu.memory_space<vmem>>, vector<1x1x16xf32>,
      %parallel_loop3A_1477 = arith.constant 0 : i32
      %parallel_loop3A_1478 = arith.index_cast %parallel_loop3A_1477 : i32 to index
      %parallel_loop3A_1479 = arith.index_cast %parallel_loop3A_1444 : i32 to index
      %parallel_loop3A_1480 = arith.constant 32 : index
      %parallel_loop3A_1481 = tpu.vector_load %arg6[%parallel_loop3A_1478, %parallel_loop3A_1479, %parallel_loop3A_1480] {strides = array<i32>} : memref<2x512x64xf32, #tpu.memory_space<vmem>>, vector<1x1x16xf32>,
      %parallel_loop3A_1482 = vector.shape_cast %parallel_loop3A_1481 : vector<1x1x16xf32> to vector<16xf32>
      %parallel_loop3A_1483 = arith.constant 8.000000e+00 : f32
      %parallel_loop3A_1484 = vector.broadcast %parallel_loop3A_1483 : f32 to vector<16xf32>
      %parallel_loop3A_1485 = arith.mulf %parallel_loop3A_1482, %parallel_loop3A_1484 : vector<16xf32>
      %parallel_loop3A_1486 = arith.constant 0 : i32
      %parallel_loop3A_1487 = arith.index_cast %parallel_loop3A_1486 : i32 to index
      %parallel_loop3A_1488 = arith.index_cast %parallel_loop3A_1444 : i32 to index
      %parallel_loop3A_1489 = arith.constant 32 : index
      %parallel_loop3A_1490 = tpu.vector_load %arg6[%parallel_loop3A_1487, %parallel_loop3A_1488, %parallel_loop3A_1489] {strides = array<i32>} : memref<2x512x64xf32, #tpu.memory_space<vmem>>, vector<1x1x16xf32>,
      %parallel_loop3A_1491 = vector.shape_cast %parallel_loop3A_1490 : vector<1x1x16xf32> to vector<16xf32>
      %parallel_loop3A_1492 = vector.shape_cast %parallel_loop3A_1485 : vector<16xf32> to vector<1x1x16xf32>
      tpu.vector_store %arg6[%parallel_loop3A_1487, %parallel_loop3A_1488, %parallel_loop3A_1489], %parallel_loop3A_1492 {strides = array<i32>} : memref<2x512x64xf32, #tpu.memory_space<vmem>>, vector<1x1x16xf32>,
      %parallel_loop3A_1493 = arith.constant 0 : i32
      %parallel_loop3A_1494 = arith.index_cast %parallel_loop3A_1493 : i32 to index
      %parallel_loop3A_1495 = arith.index_cast %parallel_loop3A_1444 : i32 to index
      %parallel_loop3A_1496 = arith.constant 48 : index
      %parallel_loop3A_1497 = tpu.vector_load %arg6[%parallel_loop3A_1494, %parallel_loop3A_1495, %parallel_loop3A_1496] {strides = array<i32>} : memref<2x512x64xf32, #tpu.memory_space<vmem>>, vector<1x1x16xf32>,
      %parallel_loop3A_1498 = vector.shape_cast %parallel_loop3A_1497 : vector<1x1x16xf32> to vector<16xf32>
      %parallel_loop3A_1499 = arith.constant 8.000000e+00 : f32
      %parallel_loop3A_1500 = vector.broadcast %parallel_loop3A_1499 : f32 to vector<16xf32>
      %parallel_loop3A_1501 = arith.mulf %parallel_loop3A_1498, %parallel_loop3A_1500 : vector<16xf32>
      %parallel_loop3A_1502 = arith.constant 0 : i32
      %parallel_loop3A_1503 = arith.index_cast %parallel_loop3A_1502 : i32 to index
      %parallel_loop3A_1504 = arith.index_cast %parallel_loop3A_1444 : i32 to index
      %parallel_loop3A_1505 = arith.constant 48 : index
      %parallel_loop3A_1506 = tpu.vector_load %arg6[%parallel_loop3A_1503, %parallel_loop3A_1504, %parallel_loop3A_1505] {strides = array<i32>} : memref<2x512x64xf32, #tpu.memory_space<vmem>>, vector<1x1x16xf32>,
      %parallel_loop3A_1507 = vector.shape_cast %parallel_loop3A_1506 : vector<1x1x16xf32> to vector<16xf32>
      %parallel_loop3A_1508 = vector.shape_cast %parallel_loop3A_1501 : vector<16xf32> to vector<1x1x16xf32>
      tpu.vector_store %arg6[%parallel_loop3A_1503, %parallel_loop3A_1504, %parallel_loop3A_1505], %parallel_loop3A_1508 {strides = array<i32>} : memref<2x512x64xf32, #tpu.memory_space<vmem>>, vector<1x1x16xf32>,
    } {sc.loop_unroll_factor = 8 : i64, sc.parallel_access}
    %add3A_1321 = arith.constant 192 : i32
    %add3A_1322 = arith.addi %mul3A_4, %add3A_1321 : i32
    %mul3A_1323 = arith.constant 128 : i32
    %mul3A_1324 = arith.muli %add3A_1322, %mul3A_1323 : i32
    %dma_start3A_1325 = arith.constant 0 : i32
    %dma_start3A_1326 = arith.constant 0 : i32
    %dma_start3A_1327 = arith.constant 0 : i32
    %dma_start3A_1328 = tpu.memref_slice %arg6[%dma_start3A_1325, %dma_start3A_1326, %dma_start3A_1327] : memref<2x512x64xf32, #tpu.memory_space<vmem>> -> memref<1x512x64xf32, #tpu.memory_space<vmem>>
    %dma_start3A_1329 = tpu.memref_squeeze %dma_start3A_1328 : memref<1x512x64xf32, #tpu.memory_space<vmem>> -> memref<512x64xf32, #tpu.memory_space<vmem>>
    %dma_start3A_1330 = arith.constant 0 : i32
    %dma_start3A_1331 = tpu.memref_slice %arg4[%mul3A_1324, %dma_start3A_1330] : memref<819200x128xf32, #tpu.memory_space<hbm>> -> memref<512x64xf32, #tpu.memory_space<hbm>>
    %dma_start3A_1332 = arith.constant 0 : i32
    %dma_start3A_1333 = tpu.memref_slice %arg4[%mul3A_1324, %dma_start3A_1332] : memref<819200x128xf32, #tpu.memory_space<hbm>> -> memref<512x64xf32, #tpu.memory_space<hbm>>
    %dma_start3A_1334 = arith.constant 0 : i32
    %dma_start3A_1335 = arith.constant 0 : i32
    %dma_start3A_1336 = tpu.memref_slice %arg6[%dma_start3A_1325, %dma_start3A_1334, %dma_start3A_1335] : memref<2x512x64xf32, #tpu.memory_space<vmem>> -> memref<1x512x64xf32, #tpu.memory_space<vmem>>
    %dma_start3A_1337 = tpu.memref_squeeze %dma_start3A_1336 : memref<1x512x64xf32, #tpu.memory_space<vmem>> -> memref<512x64xf32, #tpu.memory_space<vmem>>
    tpu.enqueue_dma source(%dma_start3A_1337 : memref<512x64xf32, #tpu.memory_space<vmem>>) target(%dma_start3A_1333 : memref<512x64xf32, #tpu.memory_space<hbm>>) target_semaphore(%arg9 : memref<!tpu.dma_semaphore, #tpu.memory_space<semaphore_mem>>)
    %dma_wait3A_1338 = arith.constant 1 : i32
    %dma_wait3A_1339 = arith.constant 0 : i32
    %dma_wait3A_1340 = arith.constant 1 : i32
    %dma_wait3A_1341 = arith.constant 0 : i32
    %dma_wait3A_1342 = arith.constant 0 : i32
    %dma_wait3A_1343 = tpu.memref_slice %arg6[%dma_wait3A_1340, %dma_wait3A_1341, %dma_wait3A_1342] : memref<2x512x64xf32, #tpu.memory_space<vmem>> -> memref<1x128x64xf32, #tpu.memory_space<vmem>>
    %dma_wait3A_1344 = tpu.memref_squeeze %dma_wait3A_1343 : memref<1x128x64xf32, #tpu.memory_space<vmem>> -> memref<128x64xf32, #tpu.memory_space<vmem>>
    %dma_wait3A_1345 = arith.constant 0 : i32
    %dma_wait3A_1346 = tpu.memref_slice %arg5[%dma_wait3A_1338, %dma_wait3A_1339, %dma_wait3A_1345] : memref<2x4x128xi32, #tpu.memory_space<vmem>> -> memref<1x1x128xi32, #tpu.memory_space<vmem>>
    %dma_wait3A_1347 = tpu.memref_squeeze %dma_wait3A_1346 : memref<1x1x128xi32, #tpu.memory_space<vmem>> -> memref<128xi32, #tpu.memory_space<vmem>>
    %dma_wait3A_1348 = arith.constant 0 : i32
    %dma_wait3A_1349 = arith.constant 0 : i32
    %dma_wait3A_1350 = tpu.memref_slice %arg3[%dma_wait3A_1348, %dma_wait3A_1349] : memref<2000000x64xf32, #tpu.memory_space<hbm>> -> memref<2000000x64xf32, #tpu.memory_space<hbm>>
    tpu.wait_indirect_dma semaphore(%arg8 : memref<!tpu.dma_semaphore, #tpu.memory_space<semaphore_mem>>) src(%dma_wait3A_1350 : memref<2000000x64xf32, #tpu.memory_space<hbm>>) dst(%dma_wait3A_1344 : memref<128x64xf32, #tpu.memory_space<vmem>>)
    %dma_wait3A_1351 = arith.constant 1 : i32
    %dma_wait3A_1352 = arith.constant 1 : i32
    %dma_wait3A_1353 = arith.constant 1 : i32
    %dma_wait3A_1354 = arith.constant 128 : i32
    %dma_wait3A_1355 = arith.constant 0 : i32
    %dma_wait3A_1356 = tpu.memref_slice %arg6[%dma_wait3A_1353, %dma_wait3A_1354, %dma_wait3A_1355] : memref<2x512x64xf32, #tpu.memory_space<vmem>> -> memref<1x128x64xf32, #tpu.memory_space<vmem>>
    %dma_wait3A_1357 = tpu.memref_squeeze %dma_wait3A_1356 : memref<1x128x64xf32, #tpu.memory_space<vmem>> -> memref<128x64xf32, #tpu.memory_space<vmem>>
    %dma_wait3A_1358 = arith.constant 0 : i32
    %dma_wait3A_1359 = tpu.memref_slice %arg5[%dma_wait3A_1351, %dma_wait3A_1352, %dma_wait3A_1358] : memref<2x4x128xi32, #tpu.memory_space<vmem>> -> memref<1x1x128xi32, #tpu.memory_space<vmem>>
    %dma_wait3A_1360 = tpu.memref_squeeze %dma_wait3A_1359 : memref<1x1x128xi32, #tpu.memory_space<vmem>> -> memref<128xi32, #tpu.memory_space<vmem>>
    %dma_wait3A_1361 = arith.constant 0 : i32
    %dma_wait3A_1362 = arith.constant 0 : i32
    %dma_wait3A_1363 = tpu.memref_slice %arg3[%dma_wait3A_1361, %dma_wait3A_1362] : memref<2000000x64xf32, #tpu.memory_space<hbm>> -> memref<2000000x64xf32, #tpu.memory_space<hbm>>
    tpu.wait_indirect_dma semaphore(%arg8 : memref<!tpu.dma_semaphore, #tpu.memory_space<semaphore_mem>>) src(%dma_wait3A_1363 : memref<2000000x64xf32, #tpu.memory_space<hbm>>) dst(%dma_wait3A_1357 : memref<128x64xf32, #tpu.memory_space<vmem>>)
    %dma_wait3A_1364 = arith.constant 1 : i32
    %dma_wait3A_1365 = arith.constant 2 : i32
    %dma_wait3A_1366 = arith.constant 1 : i32
    %dma_wait3A_1367 = arith.constant 256 : i32
    %dma_wait3A_1368 = arith.constant 0 : i32
    %dma_wait3A_1369 = tpu.memref_slice %arg6[%dma_wait3A_1366, %dma_wait3A_1367, %dma_wait3A_1368] : memref<2x512x64xf32, #tpu.memory_space<vmem>> -> memref<1x128x64xf32, #tpu.memory_space<vmem>>
    %dma_wait3A_1370 = tpu.memref_squeeze %dma_wait3A_1369 : memref<1x128x64xf32, #tpu.memory_space<vmem>> -> memref<128x64xf32, #tpu.memory_space<vmem>>
    %dma_wait3A_1371 = arith.constant 0 : i32
    %dma_wait3A_1372 = tpu.memref_slice %arg5[%dma_wait3A_1364, %dma_wait3A_1365, %dma_wait3A_1371] : memref<2x4x128xi32, #tpu.memory_space<vmem>> -> memref<1x1x128xi32, #tpu.memory_space<vmem>>
    %dma_wait3A_1373 = tpu.memref_squeeze %dma_wait3A_1372 : memref<1x1x128xi32, #tpu.memory_space<vmem>> -> memref<128xi32, #tpu.memory_space<vmem>>
    %dma_wait3A_1374 = arith.constant 0 : i32
    %dma_wait3A_1375 = arith.constant 0 : i32
    %dma_wait3A_1376 = tpu.memref_slice %arg3[%dma_wait3A_1374, %dma_wait3A_1375] : memref<2000000x64xf32, #tpu.memory_space<hbm>> -> memref<2000000x64xf32, #tpu.memory_space<hbm>>
    tpu.wait_indirect_dma semaphore(%arg8 : memref<!tpu.dma_semaphore, #tpu.memory_space<semaphore_mem>>) src(%dma_wait3A_1376 : memref<2000000x64xf32, #tpu.memory_space<hbm>>) dst(%dma_wait3A_1370 : memref<128x64xf32, #tpu.memory_space<vmem>>)
    %dma_wait3A_1377 = arith.constant 1 : i32
    %dma_wait3A_1378 = arith.constant 3 : i32
    %dma_wait3A_1379 = arith.constant 1 : i32
    %dma_wait3A_1380 = arith.constant 384 : i32
    %dma_wait3A_1381 = arith.constant 0 : i32
    %dma_wait3A_1382 = tpu.memref_slice %arg6[%dma_wait3A_1379, %dma_wait3A_1380, %dma_wait3A_1381] : memref<2x512x64xf32, #tpu.memory_space<vmem>> -> memref<1x128x64xf32, #tpu.memory_space<vmem>>
    %dma_wait3A_1383 = tpu.memref_squeeze %dma_wait3A_1382 : memref<1x128x64xf32, #tpu.memory_space<vmem>> -> memref<128x64xf32, #tpu.memory_space<vmem>>
    %dma_wait3A_1384 = arith.constant 0 : i32
    %dma_wait3A_1385 = tpu.memref_slice %arg5[%dma_wait3A_1377, %dma_wait3A_1378, %dma_wait3A_1384] : memref<2x4x128xi32, #tpu.memory_space<vmem>> -> memref<1x1x128xi32, #tpu.memory_space<vmem>>
    %dma_wait3A_1386 = tpu.memref_squeeze %dma_wait3A_1385 : memref<1x1x128xi32, #tpu.memory_space<vmem>> -> memref<128xi32, #tpu.memory_space<vmem>>
    %dma_wait3A_1387 = arith.constant 0 : i32
    %dma_wait3A_1388 = arith.constant 0 : i32
    %dma_wait3A_1389 = tpu.memref_slice %arg3[%dma_wait3A_1387, %dma_wait3A_1388] : memref<2000000x64xf32, #tpu.memory_space<hbm>> -> memref<2000000x64xf32, #tpu.memory_space<hbm>>
    tpu.wait_indirect_dma semaphore(%arg8 : memref<!tpu.dma_semaphore, #tpu.memory_space<semaphore_mem>>) src(%dma_wait3A_1389 : memref<2000000x64xf32, #tpu.memory_space<hbm>>) dst(%dma_wait3A_1383 : memref<128x64xf32, #tpu.memory_space<vmem>>)
    %parallel_loop3A_1390 = arith.constant 0 : i32
    %parallel_loop3A_1391 = arith.constant 512 : i32
    %parallel_loop3A_1392 = arith.constant 1 : i32
    scf.for %parallel_loop3A_1444 = %parallel_loop3A_1390 to %parallel_loop3A_1391 step %parallel_loop3A_1392  : i32 {
      %parallel_loop3A_1445 = arith.constant 1 : i32
      %parallel_loop3A_1446 = arith.index_cast %parallel_loop3A_1445 : i32 to index
      %parallel_loop3A_1447 = arith.index_cast %parallel_loop3A_1444 : i32 to index
      %parallel_loop3A_1448 = arith.constant 0 : index
      %parallel_loop3A_1449 = tpu.vector_load %arg6[%parallel_loop3A_1446, %parallel_loop3A_1447, %parallel_loop3A_1448] {strides = array<i32>} : memref<2x512x64xf32, #tpu.memory_space<vmem>>, vector<1x1x16xf32>,
      %parallel_loop3A_1450 = vector.shape_cast %parallel_loop3A_1449 : vector<1x1x16xf32> to vector<16xf32>
      %parallel_loop3A_1451 = arith.constant 8.000000e+00 : f32
      %parallel_loop3A_1452 = vector.broadcast %parallel_loop3A_1451 : f32 to vector<16xf32>
      %parallel_loop3A_1453 = arith.mulf %parallel_loop3A_1450, %parallel_loop3A_1452 : vector<16xf32>
      %parallel_loop3A_1454 = arith.constant 1 : i32
      %parallel_loop3A_1455 = arith.index_cast %parallel_loop3A_1454 : i32 to index
      %parallel_loop3A_1456 = arith.index_cast %parallel_loop3A_1444 : i32 to index
      %parallel_loop3A_1457 = arith.constant 0 : index
      %parallel_loop3A_1458 = tpu.vector_load %arg6[%parallel_loop3A_1455, %parallel_loop3A_1456, %parallel_loop3A_1457] {strides = array<i32>} : memref<2x512x64xf32, #tpu.memory_space<vmem>>, vector<1x1x16xf32>,
      %parallel_loop3A_1459 = vector.shape_cast %parallel_loop3A_1458 : vector<1x1x16xf32> to vector<16xf32>
      %parallel_loop3A_1460 = vector.shape_cast %parallel_loop3A_1453 : vector<16xf32> to vector<1x1x16xf32>
      tpu.vector_store %arg6[%parallel_loop3A_1455, %parallel_loop3A_1456, %parallel_loop3A_1457], %parallel_loop3A_1460 {strides = array<i32>} : memref<2x512x64xf32, #tpu.memory_space<vmem>>, vector<1x1x16xf32>,
      %parallel_loop3A_1461 = arith.constant 1 : i32
      %parallel_loop3A_1462 = arith.index_cast %parallel_loop3A_1461 : i32 to index
      %parallel_loop3A_1463 = arith.index_cast %parallel_loop3A_1444 : i32 to index
      %parallel_loop3A_1464 = arith.constant 16 : index
      %parallel_loop3A_1465 = tpu.vector_load %arg6[%parallel_loop3A_1462, %parallel_loop3A_1463, %parallel_loop3A_1464] {strides = array<i32>} : memref<2x512x64xf32, #tpu.memory_space<vmem>>, vector<1x1x16xf32>,
      %parallel_loop3A_1466 = vector.shape_cast %parallel_loop3A_1465 : vector<1x1x16xf32> to vector<16xf32>
      %parallel_loop3A_1467 = arith.constant 8.000000e+00 : f32
      %parallel_loop3A_1468 = vector.broadcast %parallel_loop3A_1467 : f32 to vector<16xf32>
      %parallel_loop3A_1469 = arith.mulf %parallel_loop3A_1466, %parallel_loop3A_1468 : vector<16xf32>
      %parallel_loop3A_1470 = arith.constant 1 : i32
      %parallel_loop3A_1471 = arith.index_cast %parallel_loop3A_1470 : i32 to index
      %parallel_loop3A_1472 = arith.index_cast %parallel_loop3A_1444 : i32 to index
      %parallel_loop3A_1473 = arith.constant 16 : index
      %parallel_loop3A_1474 = tpu.vector_load %arg6[%parallel_loop3A_1471, %parallel_loop3A_1472, %parallel_loop3A_1473] {strides = array<i32>} : memref<2x512x64xf32, #tpu.memory_space<vmem>>, vector<1x1x16xf32>,
      %parallel_loop3A_1475 = vector.shape_cast %parallel_loop3A_1474 : vector<1x1x16xf32> to vector<16xf32>
      %parallel_loop3A_1476 = vector.shape_cast %parallel_loop3A_1469 : vector<16xf32> to vector<1x1x16xf32>
      tpu.vector_store %arg6[%parallel_loop3A_1471, %parallel_loop3A_1472, %parallel_loop3A_1473], %parallel_loop3A_1476 {strides = array<i32>} : memref<2x512x64xf32, #tpu.memory_space<vmem>>, vector<1x1x16xf32>,
      %parallel_loop3A_1477 = arith.constant 1 : i32
      %parallel_loop3A_1478 = arith.index_cast %parallel_loop3A_1477 : i32 to index
      %parallel_loop3A_1479 = arith.index_cast %parallel_loop3A_1444 : i32 to index
      %parallel_loop3A_1480 = arith.constant 32 : index
      %parallel_loop3A_1481 = tpu.vector_load %arg6[%parallel_loop3A_1478, %parallel_loop3A_1479, %parallel_loop3A_1480] {strides = array<i32>} : memref<2x512x64xf32, #tpu.memory_space<vmem>>, vector<1x1x16xf32>,
      %parallel_loop3A_1482 = vector.shape_cast %parallel_loop3A_1481 : vector<1x1x16xf32> to vector<16xf32>
      %parallel_loop3A_1483 = arith.constant 8.000000e+00 : f32
      %parallel_loop3A_1484 = vector.broadcast %parallel_loop3A_1483 : f32 to vector<16xf32>
      %parallel_loop3A_1485 = arith.mulf %parallel_loop3A_1482, %parallel_loop3A_1484 : vector<16xf32>
      %parallel_loop3A_1486 = arith.constant 1 : i32
      %parallel_loop3A_1487 = arith.index_cast %parallel_loop3A_1486 : i32 to index
      %parallel_loop3A_1488 = arith.index_cast %parallel_loop3A_1444 : i32 to index
      %parallel_loop3A_1489 = arith.constant 32 : index
      %parallel_loop3A_1490 = tpu.vector_load %arg6[%parallel_loop3A_1487, %parallel_loop3A_1488, %parallel_loop3A_1489] {strides = array<i32>} : memref<2x512x64xf32, #tpu.memory_space<vmem>>, vector<1x1x16xf32>,
      %parallel_loop3A_1491 = vector.shape_cast %parallel_loop3A_1490 : vector<1x1x16xf32> to vector<16xf32>
      %parallel_loop3A_1492 = vector.shape_cast %parallel_loop3A_1485 : vector<16xf32> to vector<1x1x16xf32>
      tpu.vector_store %arg6[%parallel_loop3A_1487, %parallel_loop3A_1488, %parallel_loop3A_1489], %parallel_loop3A_1492 {strides = array<i32>} : memref<2x512x64xf32, #tpu.memory_space<vmem>>, vector<1x1x16xf32>,
      %parallel_loop3A_1493 = arith.constant 1 : i32
      %parallel_loop3A_1494 = arith.index_cast %parallel_loop3A_1493 : i32 to index
      %parallel_loop3A_1495 = arith.index_cast %parallel_loop3A_1444 : i32 to index
      %parallel_loop3A_1496 = arith.constant 48 : index
      %parallel_loop3A_1497 = tpu.vector_load %arg6[%parallel_loop3A_1494, %parallel_loop3A_1495, %parallel_loop3A_1496] {strides = array<i32>} : memref<2x512x64xf32, #tpu.memory_space<vmem>>, vector<1x1x16xf32>,
      %parallel_loop3A_1498 = vector.shape_cast %parallel_loop3A_1497 : vector<1x1x16xf32> to vector<16xf32>
      %parallel_loop3A_1499 = arith.constant 8.000000e+00 : f32
      %parallel_loop3A_1500 = vector.broadcast %parallel_loop3A_1499 : f32 to vector<16xf32>
      %parallel_loop3A_1501 = arith.mulf %parallel_loop3A_1498, %parallel_loop3A_1500 : vector<16xf32>
      %parallel_loop3A_1502 = arith.constant 1 : i32
      %parallel_loop3A_1503 = arith.index_cast %parallel_loop3A_1502 : i32 to index
      %parallel_loop3A_1504 = arith.index_cast %parallel_loop3A_1444 : i32 to index
      %parallel_loop3A_1505 = arith.constant 48 : index
      %parallel_loop3A_1506 = tpu.vector_load %arg6[%parallel_loop3A_1503, %parallel_loop3A_1504, %parallel_loop3A_1505] {strides = array<i32>} : memref<2x512x64xf32, #tpu.memory_space<vmem>>, vector<1x1x16xf32>,
      %parallel_loop3A_1507 = vector.shape_cast %parallel_loop3A_1506 : vector<1x1x16xf32> to vector<16xf32>
      %parallel_loop3A_1508 = vector.shape_cast %parallel_loop3A_1501 : vector<16xf32> to vector<1x1x16xf32>
      tpu.vector_store %arg6[%parallel_loop3A_1503, %parallel_loop3A_1504, %parallel_loop3A_1505], %parallel_loop3A_1508 {strides = array<i32>} : memref<2x512x64xf32, #tpu.memory_space<vmem>>, vector<1x1x16xf32>,
    } {sc.loop_unroll_factor = 8 : i64, sc.parallel_access}
    %add3A_1393 = arith.constant 196 : i32
    %add3A_1394 = arith.addi %mul3A_4, %add3A_1393 : i32
    %mul3A_1395 = arith.constant 128 : i32
    %mul3A_1396 = arith.muli %add3A_1394, %mul3A_1395 : i32
    %dma_start3A_1397 = arith.constant 1 : i32
    %dma_start3A_1398 = arith.constant 0 : i32
    %dma_start3A_1399 = arith.constant 0 : i32
    %dma_start3A_1400 = tpu.memref_slice %arg6[%dma_start3A_1397, %dma_start3A_1398, %dma_start3A_1399] : memref<2x512x64xf32, #tpu.memory_space<vmem>> -> memref<1x512x64xf32, #tpu.memory_space<vmem>>
    %dma_start3A_1401 = tpu.memref_squeeze %dma_start3A_1400 : memref<1x512x64xf32, #tpu.memory_space<vmem>> -> memref<512x64xf32, #tpu.memory_space<vmem>>
    %dma_start3A_1402 = arith.constant 0 : i32
    %dma_start3A_1403 = tpu.memref_slice %arg4[%mul3A_1396, %dma_start3A_1402] : memref<819200x128xf32, #tpu.memory_space<hbm>> -> memref<512x64xf32, #tpu.memory_space<hbm>>
    %dma_start3A_1404 = arith.constant 0 : i32
    %dma_start3A_1405 = tpu.memref_slice %arg4[%mul3A_1396, %dma_start3A_1404] : memref<819200x128xf32, #tpu.memory_space<hbm>> -> memref<512x64xf32, #tpu.memory_space<hbm>>
    %dma_start3A_1406 = arith.constant 0 : i32
    %dma_start3A_1407 = arith.constant 0 : i32
    %dma_start3A_1408 = tpu.memref_slice %arg6[%dma_start3A_1397, %dma_start3A_1406, %dma_start3A_1407] : memref<2x512x64xf32, #tpu.memory_space<vmem>> -> memref<1x512x64xf32, #tpu.memory_space<vmem>>
    %dma_start3A_1409 = tpu.memref_squeeze %dma_start3A_1408 : memref<1x512x64xf32, #tpu.memory_space<vmem>> -> memref<512x64xf32, #tpu.memory_space<vmem>>
    tpu.enqueue_dma source(%dma_start3A_1409 : memref<512x64xf32, #tpu.memory_space<vmem>>) target(%dma_start3A_1405 : memref<512x64xf32, #tpu.memory_space<hbm>>) target_semaphore(%arg10 : memref<!tpu.dma_semaphore, #tpu.memory_space<semaphore_mem>>)
    %add3A_1410 = arith.constant 192 : i32
    %add3A_1411 = arith.addi %mul3A_4, %add3A_1410 : i32
    %mul3A_1412 = arith.constant 128 : i32
    %mul3A_1413 = arith.muli %add3A_1411, %mul3A_1412 : i32
    %dma_wait3A_1414 = arith.constant 0 : i32
    %dma_wait3A_1415 = arith.constant 0 : i32
    %dma_wait3A_1416 = arith.constant 0 : i32
    %dma_wait3A_1417 = tpu.memref_slice %arg6[%dma_wait3A_1414, %dma_wait3A_1415, %dma_wait3A_1416] : memref<2x512x64xf32, #tpu.memory_space<vmem>> -> memref<1x512x64xf32, #tpu.memory_space<vmem>>
    %dma_wait3A_1418 = tpu.memref_squeeze %dma_wait3A_1417 : memref<1x512x64xf32, #tpu.memory_space<vmem>> -> memref<512x64xf32, #tpu.memory_space<vmem>>
    %dma_wait3A_1419 = arith.constant 0 : i32
    %dma_wait3A_1420 = tpu.memref_slice %arg4[%mul3A_1413, %dma_wait3A_1419] : memref<819200x128xf32, #tpu.memory_space<hbm>> -> memref<512x64xf32, #tpu.memory_space<hbm>>
    %dma_wait3A_1421 = arith.constant 0 : i32
    %dma_wait3A_1422 = tpu.memref_slice %arg4[%mul3A_1413, %dma_wait3A_1421] : memref<819200x128xf32, #tpu.memory_space<hbm>> -> memref<512x64xf32, #tpu.memory_space<hbm>>
    %dma_wait3A_1423 = arith.constant 0 : i32
    %dma_wait3A_1424 = arith.constant 0 : i32
    %dma_wait3A_1425 = tpu.memref_slice %arg6[%dma_wait3A_1414, %dma_wait3A_1423, %dma_wait3A_1424] : memref<2x512x64xf32, #tpu.memory_space<vmem>> -> memref<1x512x64xf32, #tpu.memory_space<vmem>>
    %dma_wait3A_1426 = tpu.memref_squeeze %dma_wait3A_1425 : memref<1x512x64xf32, #tpu.memory_space<vmem>> -> memref<512x64xf32, #tpu.memory_space<vmem>>
    tpu.wait_dma2 semaphore(%arg9 : memref<!tpu.dma_semaphore, #tpu.memory_space<semaphore_mem>>) src(%dma_wait3A_1426 : memref<512x64xf32, #tpu.memory_space<vmem>>) dst(%dma_wait3A_1422 : memref<512x64xf32, #tpu.memory_space<hbm>>)
    %add3A_1427 = arith.constant 196 : i32
    %add3A_1428 = arith.addi %mul3A_4, %add3A_1427 : i32
    %mul3A_1429 = arith.constant 128 : i32
    %mul3A_1430 = arith.muli %add3A_1428, %mul3A_1429 : i32
    %dma_wait3A_1431 = arith.constant 1 : i32
    %dma_wait3A_1432 = arith.constant 0 : i32
    %dma_wait3A_1433 = arith.constant 0 : i32
    %dma_wait3A_1434 = tpu.memref_slice %arg6[%dma_wait3A_1431, %dma_wait3A_1432, %dma_wait3A_1433] : memref<2x512x64xf32, #tpu.memory_space<vmem>> -> memref<1x512x64xf32, #tpu.memory_space<vmem>>
    %dma_wait3A_1435 = tpu.memref_squeeze %dma_wait3A_1434 : memref<1x512x64xf32, #tpu.memory_space<vmem>> -> memref<512x64xf32, #tpu.memory_space<vmem>>
    %dma_wait3A_1436 = arith.constant 0 : i32
    %dma_wait3A_1437 = tpu.memref_slice %arg4[%mul3A_1430, %dma_wait3A_1436] : memref<819200x128xf32, #tpu.memory_space<hbm>> -> memref<512x64xf32, #tpu.memory_space<hbm>>
    %dma_wait3A_1438 = arith.constant 0 : i32
    %dma_wait3A_1439 = tpu.memref_slice %arg4[%mul3A_1430, %dma_wait3A_1438] : memref<819200x128xf32, #tpu.memory_space<hbm>> -> memref<512x64xf32, #tpu.memory_space<hbm>>
    %dma_wait3A_1440 = arith.constant 0 : i32
    %dma_wait3A_1441 = arith.constant 0 : i32
    %dma_wait3A_1442 = tpu.memref_slice %arg6[%dma_wait3A_1431, %dma_wait3A_1440, %dma_wait3A_1441] : memref<2x512x64xf32, #tpu.memory_space<vmem>> -> memref<1x512x64xf32, #tpu.memory_space<vmem>>
    %dma_wait3A_1443 = tpu.memref_squeeze %dma_wait3A_1442 : memref<1x512x64xf32, #tpu.memory_space<vmem>> -> memref<512x64xf32, #tpu.memory_space<vmem>>
    tpu.wait_dma2 semaphore(%arg10 : memref<!tpu.dma_semaphore, #tpu.memory_space<semaphore_mem>>) src(%dma_wait3A_1443 : memref<512x64xf32, #tpu.memory_space<vmem>>) dst(%dma_wait3A_1439 : memref<512x64xf32, #tpu.memory_space<hbm>>)
    return
  }
}

</mosaic_0001>

<sc_bundles>
// kernel: kernel.3.cloned.1.call-start
scs
__scs_entry_jumppad:
0x0: {  	(pc) =	sbr.rel $0x88, $3  }
0x1: {  	(tag) =	ssettag $0x0;
	lr =	simm.s32 $0x1  }
0x2: {  	[smem:$0x3F9F] =	sst lr;
	_ =	strace $0xD0000000  }
0x3: {  	_ = 	snop  }
0x4: {  	_ = 	snop  }
0x5: {  	_ = 	snop  }
0x6: {  	_ = 	snop  }
0x7: {  	_ = 	snop  }
__scs_overlays_trampoline_lowered:
0x8: {  	[smem:$0x3FAE] =	sst s0  }
0x9: {  	[smem:$0x3FAF] =	sst s1  }
0xa: {  	[smem:$0x3FB0] =	sst s2  }
0xb: {  	[smem:$0x3FB1] =	sst s3  }
0xc: {  	[smem:$0x3FB2] =	sst s4  }
0xd: {  	[smem:$0x3FB3] =	sst s5  }
0xe: {  	[smem:$0x3FB4] =	sst s6  }
0xf: {  	[smem:$0x3FB5] =	sst s7  }
0x10: {  	[smem:$0x3FB6] =	sst s8  }
0x11: {  	[smem:$0x3FB7] =	sst s9;
	s0 =	simm.s32 @!p0 $0x0  }
0x12: {  	s1 =	sld [smem:$0x3F9D];
	s0 =	simm.s32 @p0 $0x1  }
0x13: {  	[smem:$0x3FB8] =	sst s0;
	s0 =	simm.s32 @!p1 $0x0  }
0x14: {  	s2 =	sld [smem:$0x3F9C];
	s0 =	simm.s32 @p1 $0x1  }
0x15: {  	[smem:$0x3FB9] =	sst s0;
	s0 =	simm.s32 @!p2 $0x0  }
0x16: {  	s3 =	sld [smem:$0x3FDB];
	s0 =	simm.s32 @p2 $0x1  }
0x17: {  	s4 =	simm.s32 $0x1BF5;
	[smem:$0x3FBB] =	sst s0  }
0x18: {  	s0 =	sld [smem:$0x3F9E];
	_ =	swait.ge [sflag:s4], $0x0  }
0x19: {  	s7 =	sld [smem:$0x3F9F]  }
0x1a: {  	s8 =	sadd.s32 $0xFFFFE003, lr  }
0x1b: {  	s9 =	sadd.s32 $0xFFFFFEF7, lr;
	s5 =	simm.s32 $0xFFFFFFFF;
	p2 =	slt.u32 s8, $0xFFFFF086  }
0x1c: {  	p1 =	slt.u32 s9, $0xF7A;
	s5 =	simm.s32 @!p2 $0x0  }
0x1d: {  	s5 =	simm.s32 @p1 $0x1;
	p0 =	seq.s32 s7, s2  }
0x1e: {  	s7 =	smul.u32 @!p0 $0xF7A, s2;
	p2 =	seq.s32 @!p0 s5, $0x0  }
0x1f: {  	s9 =	smul.u32 $0xF7A, s1;
	s8 =	simm.s32 @!p0 $0x1BF5;
	p2 =	por !p2, p0  }
0x20: {  	[sflag:s8] =	ssyncset.s32 @!p0 $0xFFFFF086;
	s6 =	sadd.s32 @!p0 s3, s7;
	s7 =	simm.s32 @!p0 $0x108  }
0x21: {  	s3 =	sadd.s32 s3, s9;
	s6 =	sadd.s32 @!p0 $0x88, s6;
	s7 =	simm.s32 @p2 $0x1082  }
0x22: {  	[simem:s7], [sflag:s8] =	dma.local @!p0 [hbm:s6], $0xF7A  }
0x23: {  	s9 =	sor.u32 $0xD0000000, s2;
	s6 =	simm.s32 $0x108;
	_ =	swait.ge @!p0 [sflag:s8], $0x0  }
0x24: {  	s3 =	sadd.s32 $0x88, s3;
	s6 =	simm.s32 @!p1 $0x1082;
	[sflag:s4] =	ssyncset.s32 $0xFFFFF086  }
0x25: {  	[simem:s6], [sflag:s4] =	dma.local [hbm:s3], $0xF7A  }
0x26: {  	[smem:$0x3F9F] =	sst s1;
	(tag) =	ssettag s2;
	_ =	strace s9  }
0x27: {  	s1 =	sld [smem:$0x3FAF]  }
0x28: {  	s2 =	sld [smem:$0x3FB0]  }
0x29: {  	s4 =	sld [smem:$0x3FB2]  }
0x2a: {  	p0 =	seq.s32 s5, $0x0;
	s5 =	sld [smem:$0x3FB3]  }
0x2b: {  	s6 =	sld [smem:$0x3FB4]  }
0x2c: {  	s7 =	sld [smem:$0x3FB5]  }
0x2d: {  	s3 =	simm.s32 $0x108;
	s8 =	sld [smem:$0x3FB6]  }
0x2e: {  	s3 =	simm.s32 @!p0 $0x1082;
	s9 =	sld [smem:$0x3FB7]  }
0x2f: {  	lr =	sadd.s32 s0, s3;
	s0 =	sld [smem:$0x3FAE]  }
0x30: {  	s3 =	sld [smem:$0x3FB1]  }
0x31: {  	[smem:$0x3FBA] =	sst s10  }
0x32: {  	s10 =	sld [smem:$0x3FB8];
	_ =	sdelay $0x3  }
0x33: {  	p0 =	seq.s32 s10, $0x1;
	s10 =	sld [smem:$0x3FBA];
	_ =	sdelay $0x3  }
0x34: {  	[smem:$0x3FBA] =	sst s10  }
0x35: {  	s10 =	sld [smem:$0x3FB9];
	_ =	sdelay $0x3  }
0x36: {  	p1 =	seq.s32 s10, $0x1;
	s10 =	sld [smem:$0x3FBA];
	_ =	sdelay $0x3  }
0x37: {  	[smem:$0x3FBA] =	sst s10  }
0x38: {  	s10 =	sld [smem:$0x3FBB]  }
0x39: {  	_ = 	snop;
	(pc) =	sbr.ind lr, $3  }
0x3a: {  	_ = 	snop  }
0x3b: {  	_ = 	snop  }
0x3c: {  	p2 =	seq.s32 s10, $0x1;
	s10 =	sld [smem:$0x3FBA]  }
0x3d: {  	_ =	shalt  }
0x3e: {  	_ =	shalt  }
0x3f: {  	_ =	shalt  }
0x40: {  	_ =	shalt  }
0x41: {  	_ =	shalt  }
0x42: {  	_ =	shalt  }
0x43: {  	_ =	shalt  }
0x44: {  	_ =	shalt  }
0x45: {  	_ =	shalt  }
0x46: {  	_ =	shalt  }
0x47: {  	_ =	shalt  }
0x48: {  	_ =	shalt  }
0x49: {  	_ =	shalt  }
0x4a: {  	_ =	shalt  }
0x4b: {  	_ =	shalt  }
0x4c: {  	_ =	shalt  }
0x4d: {  	_ =	shalt  }
0x4e: {  	_ =	shalt  }
0x4f: {  	_ =	shalt  }
0x50: {  	_ =	shalt  }
0x51: {  	_ =	shalt  }
0x52: {  	_ =	shalt  }
0x53: {  	_ =	shalt  }
0x54: {  	_ =	shalt  }
0x55: {  	_ =	shalt  }
0x56: {  	_ =	shalt  }
0x57: {  	_ =	shalt  }
0x58: {  	_ =	shalt  }
0x59: {  	_ =	shalt  }
0x5a: {  	_ =	shalt  }
0x5b: {  	_ =	shalt  }
0x5c: {  	_ =	shalt  }
0x5d: {  	_ =	shalt  }
0x5e: {  	_ =	shalt  }
0x5f: {  	_ =	shalt  }
0x60: {  	_ =	shalt  }
0x61: {  	_ =	shalt  }
0x62: {  	_ =	shalt  }
0x63: {  	_ =	shalt  }
0x64: {  	_ =	shalt  }
0x65: {  	_ =	shalt  }
0x66: {  	_ =	shalt  }
0x67: {  	_ =	shalt  }
0x68: {  	_ =	shalt  }
0x69: {  	_ =	shalt  }
0x6a: {  	_ =	shalt  }
0x6b: {  	_ =	shalt  }
0x6c: {  	_ =	shalt  }
0x6d: {  	_ =	shalt  }
0x6e: {  	_ =	shalt  }
0x6f: {  	_ =	shalt  }
0x70: {  	_ =	shalt  }
0x71: {  	_ =	shalt  }
0x72: {  	_ =	shalt  }
0x73: {  	_ =	shalt  }
0x74: {  	_ =	shalt  }
0x75: {  	_ =	shalt  }
0x76: {  	_ =	shalt  }
0x77: {  	_ =	shalt  }
0x78: {  	_ =	shalt  }
0x79: {  	_ =	shalt  }
0x7a: {  	_ =	shalt  }
0x7b: {  	_ =	shalt  }
0x7c: {  	_ =	shalt  }
0x7d: {  	_ =	shalt  }
0x7e: {  	_ =	shalt  }
0x7f: {  	_ =	shalt  }
0x80: {  	_ =	shalt  }
0x81: {  	_ =	shalt  }
0x82: {  	_ =	shalt  }
0x83: {  	_ =	shalt  }
0x84: {  	_ =	shalt  }
0x85: {  	_ =	shalt  }
0x86: {  	_ =	shalt  }
0x87: {  	_ =	shalt  }
.Lfunc_end0:
.L_simem_size_0:
called_computation.2_lowered:
.L_overlay_start_0:
0x88: {  	s2 =	sld [smem:$0x3FD9]  }
0x89: {  	s3 =	sld [smem:$0x3FFE];
	_ =	sdelay $0x1  }
0x8a: {  	s1 =	srdreg.scid  }
0x8b: {  	s0 =	sand.u32 $0x1, s1  }
0x8c: {  	s17 =	sshll.u32 s0, $0xA;
	s2 =	sadd.s32 s3, s2  }
0x8d: {  	s2 =	sadd.s32 s2, s17  }
0x8e: {  	[smem:$0x3FC6] =	sst s2  }
0x8f: {  	_ = 	snop  }
0x90: {  	s2 =	sld [smem:$0x3FD0];
	(tm) =	ssettm $0x1  }
0x91: {  	s18 =	sld [smem:$0x3FFB];
	_ =	sdelay $0x3  }
0x92: {  	_ =	strace s18  }
0x93: {  	s3 =	sld [smem:$0x3FFC];
	_ =	sdelay $0x3  }
0x94: {  	_ =	strace s3  }
0x95: {  	s3 =	sld [smem:$0x3FFD];
	_ =	sdelay $0x3  }
0x96: {  	_ =	strace s3  }
0x97: {  	_ =	strace $0x8FFFFFFF  }
0x98: {  	s19 =	sld [smem:$0x3FDB];
	_ =	sdelay $0x1  }
0x99: {  	s4 =	simm.s32 $_scs_section_size  }
0x9a: {  	s5 =	simm.s32 $_size__tile_overlayer_lowered;
	s6 =	simm.s32 $_tile_overlayer_lowered  }
0x9b: {  	s22 =	simm.s32 $0x1BFF;
	s21 =	sshll.u32 s6, $0x1;
	s3 =	sadd.s32 s4, s19  }
0x9c: {  	s7 =	simm.s32 $0x0;
	s20 =	sshll.u32 s5, $0x1;
	s5 =	sadd.s32 s21, s3  }
0x9d: {  	[timem:s7], [sflag:s22] =	dma.local [hbm:s5], s20  }
0x9e: {  	_ =	swait.ge [sflag:s22], s20  }
0x9f: {  	s4 =	ssub.s32 $0x0, s20;
	[sflag:s22] =	ssyncset.done $0x0  }
0xa0: {  	[sflag:s22] =	ssyncadd.s32 s4;
	_ =	sdelay $0x1  }
0xa1: {  	s23 =	simm.s32 $0x1B8B  }
0xa2: {  	_ =	swait.ge [sflag:s23], $0x1  }
0xa3: {  	[sflag:s23] =	ssyncset.done $0x0  }
0xa4: {  	s25 =	simm.s32 $0x1B8E;
	s24 =	sld [smem:$0x3FFE];
	[sflag:s23] =	ssyncadd.s32 $0xFFFFFFFF  }
0xa5: {  	s26 =	simm.s32 $execute0_lowered;
	[smem:$0x3FD2] =	sst s25  }
0xa6: {  	s5 =	sshll.u32 s26, $0x1;
	_ =	strace $0x80000049;
	[dreg:$0x1] =	wrdreg $0xFFFFFFFF  }
0xa7: {  	s28 =	simm.s32 $_size_execute0_lowered;
	s3 =	sadd.s32 s3, s5;
	[dreg:$0x0] =	wrdreg $0x0  }
0xa8: {  	s5 =	sshll.u32 s28, $0x1;
	[dreg:$0x2] =	wrdreg s3  }
0xa9: {  	[dreg:$0x3] =	wrdreg s5  }
0xaa: {  	[dreg:$0x4] =	wrdreg $0xC0  }
0xab: {  	_ =	task [dreg:s7], $0x5FFFF  }
0xac: {  	[dreg:$0x1] =	wrdreg $0xFFFFFFFF  }
0xad: {  	[dreg:$0x0] =	wrdreg $0x60  }
0xae: {  	[dreg:$0x2] =	wrdreg s2  }
0xaf: {  	[dreg:$0x3] =	wrdreg s24  }
0xb0: {  	[dreg:$0x4] =	wrdreg $0x9  }
0xb1: {  	_ =	task.clear_ibuf [dreg:s7], $0x5FFFF;
	_ =	strace $0x90000049  }
0xb2: {  	s29 =	simm.s32 $0x9;
	_ =	strace $0x8000004B  }
0xb3: {  	_ =	swait.ge [sflag:s29], $0x1  }
0xb4: {  	[sflag:s29] =	ssyncadd.s32 $0xFFFFFFFF  }
0xb5: {  	_ =	strace $0x9000004B  }
0xb6: {  	_ =	sfence  }
0xb7: {  	s30 =	sld [smem:$0x0];
	_ =	sdelay $0x2  }
0xb8: {  	s31 =	sshll.u32 s1, $0xD;
	s1 =	sshrl.u32 s1, $0x2  }
0xb9: {  	s3 =	sand.u32 $0x4000, s31;
	s1 =	sadd.s32 s1, s30  }
0xba: {  	s0 =	sor.u32 s3, s0;
	s1 =	sshll.u32 s1, $0x11  }
0xbb: {  	s0 =	sor.u32 s1, s0  }
0xbc: {  	s0 =	sadd.s32 $0x8F2B, s0  }
0xbd: {  	[sflag:s0] =	ssyncadd.remote.s32 $0x1  }
0xbe: {  	_ =	sfence.sel $0xFFFF  }
0xbf: {  	[dreg:$0x0] =	wrdreg $0xFFFFFFFF;
	(pc) =	sbr.abs _section_cstart, $3  }
0xc0: {  	[dreg:$0x1] =	wrdreg $0xFFFFFFFF  }
0xc1: {  	_ =	task.clear_ibuf [dreg:s7], $0x2FFFF;
	_ =	strace $0x9FFFFFFF  }
0xc2: {  	(tm) =	ssettm $0x7FFFFFFF  }
0xc3: {  	_ =	shalt  }
tec
execute0_lowered:
.L_overlay_start_1:
0x0: {  	(tag) =	ssettag $0x1  }
0x1: {  	s2 =	rddreg [dreg:$0x0]  }
0x2: {  	s0 =	rddreg [dreg:$0x1]  }
0x3: {  	s1 =	srdreg.scid;
	s4 =	stileid.u32  }
0x4: {  	s3 =	simm.s32 $0x0;
	s15 =	simm.s32 $0x5;
	s16 =	simm.s32 $0x80  }
0x5: {  	s17 =	simm.s32 $0x400;
	s21 =	simm.s32 $0x180;
	s22 =	simm.s32 $0x6400  }
0x6: {  	s23 =	simm.s32 $0x200;
	s28 =	simm.s32 $0x300;
	s29 =	simm.s32 $0xC400  }
0x7: {  	s30 =	simm.s32 $0x380;
	s31 =	simm.s32 $0xE400;
	s12 =	simm.s32 $0x2  }
0x8: {  	s13 =	simm.s32 $0x4;
	s1 =	sand.u32 $0x1, s1;
	s4 =	sshll.u32 s4, $0x1  }
0x9: {  	s14 =	simm.s32 $0x0;
	[smem:$0x7FF] =	sst s3;
	s7 =	sor.u32 s1, s4  }
0xa: {  	s6 =	sadd.s32 $0xE00, s0;
	s1 =	ssub.s32 $0x2, s1;
	s8 =	smul.u32 $0xC80, s7  }
0xb: {  	_ =	strace $0x8000004A;
	s5 =	smul.u32 $0x320000, s7;
	s24 =	sshrl.u32 s1, $0x1  }
0xc: {  	s4 =	sadd.s32 $0xF43200, s0;
	s7 =	smul.u32 $0xC8, s7;
	s0 =	ssub.s32 s1, s24  }
0xd: {  	s24 =	simm.s32 $0x8400;
	s8 =	sadd.s32 s2, s8;
	s25 =	sshrl.u32 s5, $0x3  }
0xe: {  	s9 =	sadd.s32 $0x8, s7;
	s10 =	sor.u32 $0x4, s7;
	s11 =	sadd.s32 $0xC, s7  }
0xf: {  	s0 =	smax.u32 s0, $0x1;
	[dreg:$0x3] =	wrdreg s8;
	s8 =	sadd.s32 $0x40, s8  }
0x10: {  	s1 =	sadd.s32 s6, s25;
	[dreg:$0x7] =	wrdreg s0;
	s25 =	simm.s32 $0x280  }
0x11: {  	s0 =	simm.s32 $0x1;
	[dreg:$0x4] =	wrdreg s8;
	s26 =	sadd.s32 $0x60000, s1  }
0x12: {  	s1 =	sadd.s32 $0x62000, s1;
	s8 =	simm.s32 $0x3;
	[dreg:$0x5] =	wrdreg s26  }
0x13: {  	[dreg:$0x6] =	wrdreg s1;
	s26 =	simm.s32 $0xA400;
	s1 =	simm.s32 $0x40  }
.LBB2_1:
0x14: {  	[dreg:$0x8] =	wrdreg s14  }
0x15: {  	s7 =	rddreg [dreg:$0x3]  }
0x16: {  	[tilespmem:s3], [sflag:$0x5] =	stream.linear.gather [hbm4b:s7+s3], $0x200, $0x38;
	[tilespmem:$0x10400] =	vst v63  }
0x17: {  	_ =	swait.ge [sflag:s15], $0x200  }
0x18: {  	[sflag:s15] =	ssyncset.done $0x0  }
0x19: {  	[sflag:s15] =	ssyncadd.s32 $0xFFFFFE00  }
0x1a: {  	v0 =	vld [tilespmem:$0x0]  }
0x1b: {  	v1 =	vld [tilespmem:$0x10]  }
0x1c: {  	v2 =	vld [tilespmem:$0x20]  }
0x1d: {  	v3 =	vld [tilespmem:$0x30]  }
0x1e: {  	v4 =	vld [tilespmem:$0x40]  }
0x1f: {  	v5 =	vld [tilespmem:$0x50];
	v0 =	vshll.u32 v0, $0x1  }
0x20: {  	v58 =	vld [tilespmem:$0x60];
	v57 =	vshll.u32 v1, $0x1;
	[tilespmem:$0x0] =	vst v0  }
0x21: {  	v60 =	vld [tilespmem:$0x70];
	v59 =	vshll.u32 v2, $0x1;
	[tilespmem:$0x10] =	vst v57  }
0x22: {  	v62 =	vld [tilespmem:$0x80];
	v61 =	vshll.u32 v3, $0x1;
	[tilespmem:$0x20] =	vst v59  }
0x23: {  	v8 =	vld [tilespmem:$0x90];
	v63 =	vshll.u32 v4, $0x1;
	[tilespmem:$0x30] =	vst v61  }
0x24: {  	v10 =	vld [tilespmem:$0xA0];
	v9 =	vshll.u32 v5, $0x1;
	[tilespmem:$0x40] =	vst v63  }
0x25: {  	v12 =	vld [tilespmem:$0xB0];
	v11 =	vshll.u32 v58, $0x1;
	[tilespmem:$0x50] =	vst v9  }
0x26: {  	v14 =	vld [tilespmem:$0xC0];
	v13 =	vshll.u32 v60, $0x1;
	[tilespmem:$0x60] =	vst v11  }
0x27: {  	v16 =	vld [tilespmem:$0xD0];
	v15 =	vshll.u32 v62, $0x1;
	[tilespmem:$0x70] =	vst v13  }
0x28: {  	v18 =	vld [tilespmem:$0xE0];
	v17 =	vshll.u32 v8, $0x1;
	[tilespmem:$0x80] =	vst v15  }
0x29: {  	v20 =	vld [tilespmem:$0xF0];
	v19 =	vshll.u32 v10, $0x1;
	[tilespmem:$0x90] =	vst v17  }
0x2a: {  	v22 =	vld [tilespmem:$0x100];
	v21 =	vshll.u32 v12, $0x1;
	[tilespmem:$0xA0] =	vst v19  }
0x2b: {  	v24 =	vld [tilespmem:$0x110];
	v23 =	vshll.u32 v14, $0x1;
	[tilespmem:$0xB0] =	vst v21  }
0x2c: {  	v26 =	vld [tilespmem:$0x120];
	v25 =	vshll.u32 v16, $0x1;
	[tilespmem:$0xC0] =	vst v23  }
0x2d: {  	v28 =	vld [tilespmem:$0x130];
	v27 =	vshll.u32 v18, $0x1;
	[tilespmem:$0xD0] =	vst v25  }
0x2e: {  	v30 =	vld [tilespmem:$0x140];
	v29 =	vshll.u32 v20, $0x1;
	[tilespmem:$0xE0] =	vst v27  }
0x2f: {  	v32 =	vld [tilespmem:$0x150];
	v31 =	vshll.u32 v22, $0x1;
	[tilespmem:$0xF0] =	vst v29  }
0x30: {  	v34 =	vld [tilespmem:$0x160];
	v33 =	vshll.u32 v24, $0x1;
	[tilespmem:$0x100] =	vst v31  }
0x31: {  	v36 =	vld [tilespmem:$0x170];
	v35 =	vshll.u32 v26, $0x1;
	[tilespmem:$0x110] =	vst v33  }
0x32: {  	v38 =	vld [tilespmem:$0x180];
	v37 =	vshll.u32 v28, $0x1;
	[tilespmem:$0x120] =	vst v35  }
0x33: {  	v40 =	vld [tilespmem:$0x190];
	v39 =	vshll.u32 v30, $0x1;
	[tilespmem:$0x130] =	vst v37  }
0x34: {  	v42 =	vld [tilespmem:$0x1A0];
	v41 =	vshll.u32 v32, $0x1;
	[tilespmem:$0x140] =	vst v39  }
0x35: {  	v44 =	vld [tilespmem:$0x1B0];
	v43 =	vshll.u32 v34, $0x1;
	[tilespmem:$0x150] =	vst v41  }
0x36: {  	v46 =	vld [tilespmem:$0x1C0];
	v45 =	vshll.u32 v36, $0x1;
	[tilespmem:$0x160] =	vst v43  }
0x37: {  	v48 =	vld [tilespmem:$0x1D0];
	v47 =	vshll.u32 v38, $0x1;
	[tilespmem:$0x170] =	vst v45  }
0x38: {  	v50 =	vld [tilespmem:$0x1E0];
	v49 =	vshll.u32 v40, $0x1;
	[tilespmem:$0x180] =	vst v47  }
0x39: {  	v52 =	vld [tilespmem:$0x1F0];
	v51 =	vshll.u32 v42, $0x1;
	[tilespmem:$0x190] =	vst v49  }
0x3a: {  	v53 =	vshll.u32 v44, $0x1;
	[tilespmem:$0x1A0] =	vst v51  }
0x3b: {  	v54 =	vshll.u32 v46, $0x1;
	[tilespmem:$0x1B0] =	vst v53  }
0x3c: {  	v55 =	vshll.u32 v48, $0x1;
	[tilespmem:$0x1C0] =	vst v54  }
0x3d: {  	v56 =	vshll.u32 v50, $0x1;
	[tilespmem:$0x1D0] =	vst v55  }
0x3e: {  	[tilespmem:$0x1E0] =	vst v56;
	v57 =	vshll.u32 v52, $0x1  }
0x3f: {  	[tilespmem:$0x1F0] =	vst v57  }
0x40: {  	[tilespmem:s17], [sflag:$0x1] =	stream.indirect.gather [hbm4b:s4+s16], $0x40, s3, s16, $0xb8;
	[tilespmem:$0x10400] =	vst v63  }
0x41: {  	s14 =	simm.s32 $0x2400  }
0x42: {  	[tilespmem:s14], [sflag:$0x1] =	stream.indirect.gather [hbm4b:s4+s16], $0x40, s16, s16, $0xb8;
	[tilespmem:$0x10400] =	vst v63  }
0x43: {  	s18 =	simm.s32 $0x100;
	s19 =	simm.s32 $0x4400  }
0x44: {  	[tilespmem:s19], [sflag:$0x1] =	stream.indirect.gather [hbm4b:s4+s16], $0x40, s18, s16, $0xb8;
	[tilespmem:$0x10400] =	vst v63  }
0x45: {  	_ = 	snop  }
0x46: {  	[tilespmem:s22], [sflag:$0x1] =	stream.indirect.gather [hbm4b:s4+s16], $0x40, s21, s16, $0xb8;
	[tilespmem:$0x10400] =	vst v63  }
0x47: {  	s20 =	rddreg [dreg:$0x4]  }
0x48: {  	[tilespmem:s23], [sflag:$0x5] =	stream.linear.gather [hbm4b:s20+s3], $0x200, $0x38;
	[tilespmem:$0x10400] =	vst v63  }
0x49: {  	_ =	swait.ge [sflag:s15], $0x200  }
0x4a: {  	[sflag:s15] =	ssyncset.done $0x0  }
0x4b: {  	[sflag:s15] =	ssyncadd.s32 $0xFFFFFE00  }
0x4c: {  	v58 =	vld [tilespmem:$0x200]  }
0x4d: {  	v59 =	vld [tilespmem:$0x210]  }
0x4e: {  	v60 =	vld [tilespmem:$0x220]  }
0x4f: {  	v61 =	vld [tilespmem:$0x230]  }
0x50: {  	v62 =	vld [tilespmem:$0x240]  }
0x51: {  	v63 =	vld [tilespmem:$0x250];
	v0 =	vshll.u32 v58, $0x1  }
0x52: {  	v8 =	vld [tilespmem:$0x260];
	v7 =	vshll.u32 v59, $0x1;
	[tilespmem:$0x200] =	vst v0  }
0x53: {  	v10 =	vld [tilespmem:$0x270];
	v9 =	vshll.u32 v60, $0x1;
	[tilespmem:$0x210] =	vst v7  }
0x54: {  	v12 =	vld [tilespmem:$0x280];
	v11 =	vshll.u32 v61, $0x1;
	[tilespmem:$0x220] =	vst v9  }
0x55: {  	v14 =	vld [tilespmem:$0x290];
	v13 =	vshll.u32 v62, $0x1;
	[tilespmem:$0x230] =	vst v11  }
0x56: {  	v16 =	vld [tilespmem:$0x2A0];
	v15 =	vshll.u32 v63, $0x1;
	[tilespmem:$0x240] =	vst v13  }
0x57: {  	v18 =	vld [tilespmem:$0x2B0];
	v17 =	vshll.u32 v8, $0x1;
	[tilespmem:$0x250] =	vst v15  }
0x58: {  	v20 =	vld [tilespmem:$0x2C0];
	v19 =	vshll.u32 v10, $0x1;
	[tilespmem:$0x260] =	vst v17  }
0x59: {  	v22 =	vld [tilespmem:$0x2D0];
	v21 =	vshll.u32 v12, $0x1;
	[tilespmem:$0x270] =	vst v19  }
0x5a: {  	v24 =	vld [tilespmem:$0x2E0];
	v23 =	vshll.u32 v14, $0x1;
	[tilespmem:$0x280] =	vst v21  }
0x5b: {  	v26 =	vld [tilespmem:$0x2F0];
	v25 =	vshll.u32 v16, $0x1;
	[tilespmem:$0x290] =	vst v23  }
0x5c: {  	v28 =	vld [tilespmem:$0x300];
	v27 =	vshll.u32 v18, $0x1;
	[tilespmem:$0x2A0] =	vst v25  }
0x5d: {  	v30 =	vld [tilespmem:$0x310];
	v29 =	vshll.u32 v20, $0x1;
	[tilespmem:$0x2B0] =	vst v27  }
0x5e: {  	v32 =	vld [tilespmem:$0x320];
	v31 =	vshll.u32 v22, $0x1;
	[tilespmem:$0x2C0] =	vst v29  }
0x5f: {  	v34 =	vld [tilespmem:$0x330];
	v33 =	vshll.u32 v24, $0x1;
	[tilespmem:$0x2D0] =	vst v31  }
0x60: {  	v36 =	vld [tilespmem:$0x340];
	v35 =	vshll.u32 v26, $0x1;
	[tilespmem:$0x2E0] =	vst v33  }
0x61: {  	v38 =	vld [tilespmem:$0x350];
	v37 =	vshll.u32 v28, $0x1;
	[tilespmem:$0x2F0] =	vst v35  }
0x62: {  	v40 =	vld [tilespmem:$0x360];
	v39 =	vshll.u32 v30, $0x1;
	[tilespmem:$0x300] =	vst v37  }
0x63: {  	v42 =	vld [tilespmem:$0x370];
	v41 =	vshll.u32 v32, $0x1;
	[tilespmem:$0x310] =	vst v39  }
0x64: {  	v44 =	vld [tilespmem:$0x380];
	v43 =	vshll.u32 v34, $0x1;
	[tilespmem:$0x320] =	vst v41  }
0x65: {  	v46 =	vld [tilespmem:$0x390];
	v45 =	vshll.u32 v36, $0x1;
	[tilespmem:$0x330] =	vst v43  }
0x66: {  	v48 =	vld [tilespmem:$0x3A0];
	v47 =	vshll.u32 v38, $0x1;
	[tilespmem:$0x340] =	vst v45  }
0x67: {  	v50 =	vld [tilespmem:$0x3B0];
	v49 =	vshll.u32 v40, $0x1;
	[tilespmem:$0x350] =	vst v47  }
0x68: {  	v52 =	vld [tilespmem:$0x3C0];
	v51 =	vshll.u32 v42, $0x1;
	[tilespmem:$0x360] =	vst v49  }
0x69: {  	v54 =	vld [tilespmem:$0x3D0];
	v53 =	vshll.u32 v44, $0x1;
	[tilespmem:$0x370] =	vst v51  }
0x6a: {  	v56 =	vld [tilespmem:$0x3E0];
	v55 =	vshll.u32 v46, $0x1;
	[tilespmem:$0x380] =	vst v53  }
0x6b: {  	v57 =	vshll.u32 v48, $0x1;
	v58 =	vld [tilespmem:$0x3F0];
	[tilespmem:$0x390] =	vst v55  }
0x6c: {  	v59 =	vshll.u32 v50, $0x1;
	[tilespmem:$0x3A0] =	vst v57  }
0x6d: {  	v60 =	vshll.u32 v52, $0x1;
	[tilespmem:$0x3B0] =	vst v59  }
0x6e: {  	v61 =	vshll.u32 v54, $0x1;
	[tilespmem:$0x3C0] =	vst v60  }
0x6f: {  	v62 =	vshll.u32 v56, $0x1;
	[tilespmem:$0x3D0] =	vst v61  }
0x70: {  	[tilespmem:$0x3E0] =	vst v62;
	v63 =	vshll.u32 v58, $0x1  }
0x71: {  	[tilespmem:$0x3F0] =	vst v63  }
0x72: {  	[tilespmem:s24], [sflag:$0x2] =	stream.indirect.gather [hbm4b:s4+s16], $0x40, s23, s16, $0xb8;
	[tilespmem:$0x10400] =	vst v63  }
0x73: {  	_ = 	snop  }
0x74: {  	[tilespmem:s26], [sflag:$0x2] =	stream.indirect.gather [hbm4b:s4+s16], $0x40, s25, s16, $0xb8;
	[tilespmem:$0x10400] =	vst v63  }
0x75: {  	_ = 	snop  }
0x76: {  	[tilespmem:s29], [sflag:$0x2] =	stream.indirect.gather [hbm4b:s4+s16], $0x40, s28, s16, $0xb8;
	[tilespmem:$0x10400] =	vst v63  }
0x77: {  	s7 =	simm.s32 $0x0  }
0x78: {  	[tilespmem:s31], [sflag:$0x2] =	stream.indirect.gather [hbm4b:s4+s16], $0x40, s30, s16, $0xb8;
	[tilespmem:$0x10400] =	vst v63  }
.LBB2_2:
0x79: {  	_ =	swait.ge [sflag:s0], $0x2000  }
0x7a: {  	[sflag:s0] =	ssyncset.done $0x0  }
0x7b: {  	[sflag:s0] =	ssyncadd.s32 $0xFFFFE000  }
0x7c: {  	_ =	swait.ge [sflag:s0], $0x2000  }
0x7d: {  	[sflag:s0] =	ssyncset.done $0x0  }
0x7e: {  	[sflag:s0] =	ssyncadd.s32 $0xFFFFE000  }
0x7f: {  	_ =	swait.ge [sflag:s0], $0x2000  }
0x80: {  	[sflag:s0] =	ssyncset.done $0x0  }
0x81: {  	[sflag:s0] =	ssyncadd.s32 $0xFFFFE000  }
0x82: {  	_ =	swait.ge [sflag:s0], $0x2000  }
0x83: {  	[sflag:s0] =	ssyncset.done $0x0  }
0x84: {  	s14 =	simm.s32 $0x500;
	[sflag:s0] =	ssyncadd.s32 $0xFFFFE000  }
0x85: {  	v0 =	vld [tilespmem:s14+$0xF0]  }
0x86: {  	v1 =	vld [tilespmem:s14+$0xFFFFFF10]  }
0x87: {  	v2 =	vld [tilespmem:s14+$0xFFFFFF20]  }
0x88: {  	v3 =	vld [tilespmem:s14+$0xFFFFFF30]  }
0x89: {  	v4 =	vld [tilespmem:s14+$0xFFFFFF40]  }
0x8a: {  	v5 =	vld [tilespmem:s14+$0xFFFFFF50];
	v0 =	vmul.f32 $8.000000000e+00, v0  }
0x8b: {  	v6 =	vld [tilespmem:s14+$0xFFFFFF60];
	v1 =	vmul.f32 $8.000000000e+00, v1  }
0x8c: {  	v7 =	vld [tilespmem:s14+$0xFFFFFF70];
	v2 =	vmul.f32 $8.000000000e+00, v2;
	[tilespmem:s14+$0xF0] =	vst v0  }
0x8d: {  	[tilespmem:s14+$0xFFFFFF10] =	vst v1;
	v0 =	vmul.f32 $8.000000000e+00, v3;
	v1 =	vld [tilespmem:s14+$0xFFFFFF80]  }
0x8e: {  	[tilespmem:s14+$0xFFFFFF20] =	vst v2;
	v2 =	vmul.f32 $8.000000000e+00, v4;
	v3 =	vld [tilespmem:s14+$0xFFFFFF90]  }
0x8f: {  	v4 =	vld [tilespmem:s14+$0xFFFFFFA0];
	[tilespmem:s14+$0xFFFFFF30] =	vst v0;
	v0 =	vmul.f32 $8.000000000e+00, v5  }
0x90: {  	[tilespmem:s14+$0xFFFFFF40] =	vst v2;
	v2 =	vmul.f32 $8.000000000e+00, v6;
	v5 =	vld [tilespmem:s14+$0xFFFFFFB0]  }
0x91: {  	v6 =	vld [tilespmem:s14+$0xFFFFFFC0];
	[tilespmem:s14+$0xFFFFFF50] =	vst v0;
	v0 =	vmul.f32 $8.000000000e+00, v7  }
0x92: {  	[tilespmem:s14+$0xFFFFFF60] =	vst v2;
	v2 =	vld [tilespmem:s14+$0xFFFFFFD0];
	v1 =	vmul.f32 $8.000000000e+00, v1  }
0x93: {  	[tilespmem:s14+$0xFFFFFF70] =	vst v0;
	v0 =	vmul.f32 $8.000000000e+00, v3;
	v3 =	vld [tilespmem:s14+$0xFFFFFFE0]  }
0x94: {  	[tilespmem:s14+$0xFFFFFF80] =	vst v1;
	v1 =	vmul.f32 $8.000000000e+00, v4;
	v4 =	vld [tilespmem:s14+$0xFFFFFFF0]  }
0x95: {  	[tilespmem:s14+$0xFFFFFF90] =	vst v0;
	v0 =	vmul.f32 $8.000000000e+00, v5;
	v5 =	vld [tilespmem:s14+$0x0]  }
0x96: {  	[tilespmem:s14+$0xFFFFFFA0] =	vst v1;
	v1 =	vmul.f32 $8.000000000e+00, v6;
	v6 =	vld [tilespmem:s14+$0x10]  }
0x97: {  	[tilespmem:s14+$0xFFFFFFB0] =	vst v0;
	v0 =	vmul.f32 $8.000000000e+00, v2;
	v2 =	vld [tilespmem:s14+$0x20]  }
0x98: {  	[tilespmem:s14+$0xFFFFFFC0] =	vst v1;
	v1 =	vmul.f32 $8.000000000e+00, v3;
	v3 =	vld [tilespmem:s14+$0x30]  }
0x99: {  	[tilespmem:s14+$0xFFFFFFD0] =	vst v0;
	v0 =	vmul.f32 $8.000000000e+00, v4;
	v4 =	vld [tilespmem:s14+$0x40]  }
0x9a: {  	[tilespmem:s14+$0xFFFFFFE0] =	vst v1;
	v1 =	vmul.f32 $8.000000000e+00, v5;
	v5 =	vld [tilespmem:s14+$0x50]  }
0x9b: {  	[tilespmem:s14+$0xFFFFFFF0] =	vst v0;
	v0 =	vmul.f32 $8.000000000e+00, v6;
	v6 =	vld [tilespmem:s14+$0x60]  }
0x9c: {  	[tilespmem:s14+$0x0] =	vst v1;
	v1 =	vmul.f32 $8.000000000e+00, v2;
	v2 =	vld [tilespmem:s14+$0x70]  }
0x9d: {  	[tilespmem:s14+$0x10] =	vst v0;
	v0 =	vmul.f32 $8.000000000e+00, v3;
	v3 =	vld [tilespmem:s14+$0x80]  }
0x9e: {  	[tilespmem:s14+$0x20] =	vst v1;
	v1 =	vmul.f32 $8.000000000e+00, v4;
	v4 =	vld [tilespmem:s14+$0x90]  }
0x9f: {  	v7 =	vld [tilespmem:s14+$0xA0];
	[tilespmem:s14+$0x30] =	vst v0;
	v5 =	vmul.f32 $8.000000000e+00, v5  }
0xa0: {  	v0 =	vld [tilespmem:s14+$0xB0];
	[tilespmem:s14+$0x40] =	vst v1;
	v6 =	vmul.f32 $8.000000000e+00, v6  }
0xa1: {  	v1 =	vld [tilespmem:s14+$0xC0];
	[tilespmem:s14+$0x50] =	vst v5;
	v5 =	vmul.f32 $8.000000000e+00, v2  }
0xa2: {  	v2 =	vld [tilespmem:s14+$0xD0];
	[tilespmem:s14+$0x60] =	vst v6;
	v6 =	vmul.f32 $8.000000000e+00, v3  }
0xa3: {  	v3 =	vld [tilespmem:s14+$0xE0];
	[tilespmem:s14+$0x70] =	vst v5;
	v5 =	vmul.f32 $8.000000000e+00, v4  }
0xa4: {  	s18 =	simm.s32 $0x0;
	s19 =	simm.s32 $0x700;
	v4 =	vld [tilespmem:s14+$0xFFFFFF00];
	[tilespmem:s14+$0x80] =	vst v6;
	v6 =	vmul.f32 $8.000000000e+00, v7  }
.LBB2_3:
0xa5: {  	v7 =	vld [tilespmem:s19+$0xF0];
	s18 =	sadd.s32 $0x8, s18;
	[tilespmem:s14+$0x90] =	vst v5;
	v0 =	vmul.f32 $8.000000000e+00, v0  }
0xa6: {  	v5 =	vld [tilespmem:s19+$0xFFFFFF10];
	p0 =	slt.u32 s18, $0x1F8;
	[tilespmem:s14+$0xA0] =	vst v6;
	v1 =	vmul.f32 $8.000000000e+00, v1  }
0xa7: {  	v6 =	vld [tilespmem:s19+$0xFFFFFF20];
	[tilespmem:s14+$0xB0] =	vst v0;
	v0 =	vmul.f32 $8.000000000e+00, v2  }
0xa8: {  	v2 =	vld [tilespmem:s19+$0xFFFFFF30];
	[tilespmem:s14+$0xC0] =	vst v1;
	v1 =	vmul.f32 $8.000000000e+00, v3  }
0xa9: {  	v3 =	vld [tilespmem:s19+$0xFFFFFF40];
	v4 =	vmul.f32 $8.000000000e+00, v4;
	[tilespmem:s14+$0xD0] =	vst v0  }
0xaa: {  	v0 =	vld [tilespmem:s19+$0xFFFFFF50];
	v7 =	vmul.f32 $8.000000000e+00, v7;
	[tilespmem:s14+$0xE0] =	vst v1  }
0xab: {  	v1 =	vmul.f32 $8.000000000e+00, v5;
	v5 =	vld [tilespmem:s19+$0xFFFFFF60];
	[tilespmem:s14+$0xFFFFFF00] =	vst v4;
	s14 =	smov.u32 s19  }
0xac: {  	v4 =	vmul.f32 $8.000000000e+00, v6;
	v6 =	vld [tilespmem:s19+$0xFFFFFF70];
	[tilespmem:s19+$0xF0] =	vst v7  }
0xad: {  	[tilespmem:s19+$0xFFFFFF10] =	vst v1;
	v1 =	vmul.f32 $8.000000000e+00, v2;
	v2 =	vld [tilespmem:s19+$0xFFFFFF80]  }
0xae: {  	[tilespmem:s19+$0xFFFFFF20] =	vst v4;
	v3 =	vmul.f32 $8.000000000e+00, v3;
	v4 =	vld [tilespmem:s19+$0xFFFFFF90]  }
0xaf: {  	[tilespmem:s19+$0xFFFFFF30] =	vst v1;
	v0 =	vmul.f32 $8.000000000e+00, v0;
	v1 =	vld [tilespmem:s19+$0xFFFFFFA0]  }
0xb0: {  	[tilespmem:s19+$0xFFFFFF40] =	vst v3;
	v3 =	vmul.f32 $8.000000000e+00, v5;
	v5 =	vld [tilespmem:s19+$0xFFFFFFB0]  }
0xb1: {  	[tilespmem:s19+$0xFFFFFF50] =	vst v0;
	v0 =	vmul.f32 $8.000000000e+00, v6;
	v6 =	vld [tilespmem:s19+$0xFFFFFFC0]  }
0xb2: {  	[tilespmem:s19+$0xFFFFFF60] =	vst v3;
	v2 =	vmul.f32 $8.000000000e+00, v2;
	v3 =	vld [tilespmem:s19+$0xFFFFFFD0]  }
0xb3: {  	[tilespmem:s19+$0xFFFFFF70] =	vst v0;
	v0 =	vmul.f32 $8.000000000e+00, v4;
	v4 =	vld [tilespmem:s19+$0xFFFFFFE0]  }
0xb4: {  	[tilespmem:s19+$0xFFFFFF80] =	vst v2;
	v1 =	vmul.f32 $8.000000000e+00, v1;
	v2 =	vld [tilespmem:s19+$0xFFFFFFF0]  }
0xb5: {  	[tilespmem:s19+$0xFFFFFF90] =	vst v0;
	v0 =	vmul.f32 $8.000000000e+00, v5;
	v5 =	vld [tilespmem:s19+$0x0]  }
0xb6: {  	[tilespmem:s19+$0xFFFFFFA0] =	vst v1;
	v1 =	vmul.f32 $8.000000000e+00, v6;
	v6 =	vld [tilespmem:s19+$0x10]  }
0xb7: {  	[tilespmem:s19+$0xFFFFFFB0] =	vst v0;
	v0 =	vmul.f32 $8.000000000e+00, v3;
	v3 =	vld [tilespmem:s19+$0x20]  }
0xb8: {  	[tilespmem:s19+$0xFFFFFFC0] =	vst v1;
	v1 =	vmul.f32 $8.000000000e+00, v4;
	v4 =	vld [tilespmem:s19+$0x30]  }
0xb9: {  	[tilespmem:s19+$0xFFFFFFD0] =	vst v0;
	v0 =	vmul.f32 $8.000000000e+00, v2;
	v2 =	vld [tilespmem:s19+$0x40]  }
0xba: {  	[tilespmem:s19+$0xFFFFFFE0] =	vst v1;
	v1 =	vmul.f32 $8.000000000e+00, v5;
	v5 =	vld [tilespmem:s19+$0x50]  }
0xbb: {  	[tilespmem:s19+$0xFFFFFFF0] =	vst v0;
	v0 =	vmul.f32 $8.000000000e+00, v6;
	v6 =	vld [tilespmem:s19+$0x60]  }
0xbc: {  	[tilespmem:s19+$0x0] =	vst v1;
	v1 =	vmul.f32 $8.000000000e+00, v3;
	v3 =	vld [tilespmem:s19+$0x70]  }
0xbd: {  	[tilespmem:s19+$0x10] =	vst v0;
	v0 =	vmul.f32 $8.000000000e+00, v4;
	v4 =	vld [tilespmem:s19+$0x80]  }
0xbe: {  	[tilespmem:s19+$0x20] =	vst v1;
	v1 =	vmul.f32 $8.000000000e+00, v2;
	v7 =	vld [tilespmem:s19+$0x90]  }
0xbf: {  	[tilespmem:s19+$0x30] =	vst v0;
	v2 =	vmul.f32 $8.000000000e+00, v5;
	v8 =	vld [tilespmem:s19+$0xA0]  }
.Ltmp0:
0xc0: {  	[tilespmem:s19+$0x40] =	vst v1;
	v5 =	vmul.f32 $8.000000000e+00, v6;
	v0 =	vld [tilespmem:s19+$0xB0];
	(pc) =	sbr.rel @p0 .LBB2_3-.Ltmp0, $4  }
0xc1: {  	[tilespmem:s19+$0x50] =	vst v2;
	v3 =	vmul.f32 $8.000000000e+00, v3;
	v1 =	vld [tilespmem:s19+$0xC0]  }
0xc2: {  	[tilespmem:s19+$0x60] =	vst v5;
	v6 =	vmul.f32 $8.000000000e+00, v4;
	v2 =	vld [tilespmem:s19+$0xD0]  }
0xc3: {  	[tilespmem:s19+$0x70] =	vst v3;
	v5 =	vmul.f32 $8.000000000e+00, v7;
	v3 =	vld [tilespmem:s19+$0xE0]  }
0xc4: {  	s19 =	sadd.s32 $0x200, s19;
	v4 =	vld [tilespmem:s14+$0xFFFFFF00];
	[tilespmem:s14+$0x80] =	vst v6;
	v6 =	vmul.f32 $8.000000000e+00, v8  }
0xc5: {  	[tilespmem:s14+$0x90] =	vst v5;
	v0 =	vmul.f32 $8.000000000e+00, v0  }
0xc6: {  	[tilespmem:s14+$0xA0] =	vst v6;
	v1 =	vmul.f32 $8.000000000e+00, v1  }
0xc7: {  	[tilespmem:s14+$0xB0] =	vst v0;
	v0 =	vmul.f32 $8.000000000e+00, v2  }
0xc8: {  	s18 =	sshll.u32 s7, $0x11;
	[tilespmem:s14+$0xC0] =	vst v1;
	v1 =	vmul.f32 $8.000000000e+00, v3  }
0xc9: {  	s18 =	sadd.s32 s5, s18;
	v2 =	vmul.f32 $8.000000000e+00, v4;
	[tilespmem:s14+$0xD0] =	vst v0  }
0xca: {  	s18 =	sshrl.u32 s18, $0x3;
	[tilespmem:s14+$0xE0] =	vst v1  }
0xcb: {  	s18 =	sadd.s32 s6, s18;
	[tilespmem:s14+$0xFFFFFF00] =	vst v2;
	s14 =	sshll.u32 s7, $0x3  }
0xcc: {  	[hbm4b:s18+s1] =	stream.strided.scatter [tilespmem:s17], [sflag:$0x3], $0x8000, s16, s1, $0x38;
	[tilespmem:$0x10400] =	vst v63  }
0xcd: {  	s20 =	sadd.s32 s14, s9  }
0xce: {  	s18 =	sshll.u32 s20, $0x4  }
0xcf: {  	s18 =	sand.u32 $0x1FFFFF80, s18  }
0xd0: {  	s18 =	sadd.s32 s2, s18  }
0xd1: {  	[tilespmem:s3], [sflag:$0x5] =	stream.linear.gather [hbm4b:s18+s3], $0x200, $0x38;
	[tilespmem:$0x10400] =	vst v63  }
0xd2: {  	_ =	swait.ge [sflag:s15], $0x200  }
0xd3: {  	[sflag:s15] =	ssyncset.done $0x0  }
0xd4: {  	[sflag:s15] =	ssyncadd.s32 $0xFFFFFE00  }
0xd5: {  	v0 =	vld [tilespmem:$0x0]  }
0xd6: {  	v1 =	vld [tilespmem:$0x10]  }
0xd7: {  	v2 =	vld [tilespmem:$0x20]  }
0xd8: {  	v3 =	vld [tilespmem:$0x30]  }
0xd9: {  	v4 =	vld [tilespmem:$0x40]  }
0xda: {  	v5 =	vld [tilespmem:$0x50];
	v0 =	vshll.u32 v0, $0x1  }
0xdb: {  	[tilespmem:$0x0] =	vst v0;
	v0 =	vshll.u32 v1, $0x1;
	v1 =	vld [tilespmem:$0x60]  }
0xdc: {  	[tilespmem:$0x10] =	vst v0;
	v0 =	vshll.u32 v2, $0x1;
	v2 =	vld [tilespmem:$0x70]  }
0xdd: {  	[tilespmem:$0x20] =	vst v0;
	v0 =	vshll.u32 v3, $0x1;
	v3 =	vld [tilespmem:$0x80]  }
0xde: {  	[tilespmem:$0x30] =	vst v0;
	v0 =	vshll.u32 v4, $0x1;
	v4 =	vld [tilespmem:$0x90]  }
0xdf: {  	[tilespmem:$0x40] =	vst v0;
	v0 =	vshll.u32 v5, $0x1;
	v5 =	vld [tilespmem:$0xA0]  }
0xe0: {  	[tilespmem:$0x50] =	vst v0;
	v0 =	vshll.u32 v1, $0x1;
	v1 =	vld [tilespmem:$0xB0]  }
0xe1: {  	[tilespmem:$0x60] =	vst v0;
	v0 =	vshll.u32 v2, $0x1;
	v2 =	vld [tilespmem:$0xC0]  }
0xe2: {  	[tilespmem:$0x70] =	vst v0;
	v0 =	vshll.u32 v3, $0x1;
	v3 =	vld [tilespmem:$0xD0]  }
0xe3: {  	[tilespmem:$0x80] =	vst v0;
	v0 =	vshll.u32 v4, $0x1;
	v4 =	vld [tilespmem:$0xE0]  }
0xe4: {  	[tilespmem:$0x90] =	vst v0;
	v0 =	vshll.u32 v5, $0x1;
	v5 =	vld [tilespmem:$0xF0]  }
0xe5: {  	[tilespmem:$0xA0] =	vst v0;
	v0 =	vshll.u32 v1, $0x1;
	v1 =	vld [tilespmem:$0x100]  }
0xe6: {  	[tilespmem:$0xB0] =	vst v0;
	v0 =	vshll.u32 v2, $0x1;
	v2 =	vld [tilespmem:$0x110]  }
0xe7: {  	[tilespmem:$0xC0] =	vst v0;
	v0 =	vshll.u32 v3, $0x1;
	v3 =	vld [tilespmem:$0x120]  }
0xe8: {  	[tilespmem:$0xD0] =	vst v0;
	v0 =	vshll.u32 v4, $0x1;
	v4 =	vld [tilespmem:$0x130]  }
0xe9: {  	[tilespmem:$0xE0] =	vst v0;
	v0 =	vshll.u32 v5, $0x1;
	v5 =	vld [tilespmem:$0x140]  }
0xea: {  	[tilespmem:$0xF0] =	vst v0;
	v0 =	vshll.u32 v1, $0x1;
	v1 =	vld [tilespmem:$0x150]  }
0xeb: {  	[tilespmem:$0x100] =	vst v0;
	v0 =	vshll.u32 v2, $0x1;
	v2 =	vld [tilespmem:$0x160]  }
0xec: {  	[tilespmem:$0x110] =	vst v0;
	v0 =	vshll.u32 v3, $0x1;
	v3 =	vld [tilespmem:$0x170]  }
0xed: {  	[tilespmem:$0x120] =	vst v0;
	v0 =	vshll.u32 v4, $0x1;
	v4 =	vld [tilespmem:$0x180]  }
0xee: {  	[tilespmem:$0x130] =	vst v0;
	v0 =	vshll.u32 v5, $0x1;
	v5 =	vld [tilespmem:$0x190]  }
0xef: {  	[tilespmem:$0x140] =	vst v0;
	v0 =	vshll.u32 v1, $0x1;
	v1 =	vld [tilespmem:$0x1A0]  }
0xf0: {  	[tilespmem:$0x150] =	vst v0;
	v0 =	vshll.u32 v2, $0x1;
	v2 =	vld [tilespmem:$0x1B0]  }
0xf1: {  	[tilespmem:$0x160] =	vst v0;
	v0 =	vshll.u32 v3, $0x1;
	v3 =	vld [tilespmem:$0x1C0]  }
0xf2: {  	[tilespmem:$0x170] =	vst v0;
	v0 =	vshll.u32 v4, $0x1;
	v4 =	vld [tilespmem:$0x1D0]  }
0xf3: {  	[tilespmem:$0x180] =	vst v0;
	v0 =	vshll.u32 v5, $0x1;
	v5 =	vld [tilespmem:$0x1E0]  }
0xf4: {  	[tilespmem:$0x190] =	vst v0;
	v0 =	vshll.u32 v1, $0x1;
	v1 =	vld [tilespmem:$0x1F0]  }
0xf5: {  	[tilespmem:$0x1A0] =	vst v0;
	v0 =	vshll.u32 v2, $0x1  }
0xf6: {  	[tilespmem:$0x1B0] =	vst v0;
	v0 =	vshll.u32 v3, $0x1  }
0xf7: {  	[tilespmem:$0x1C0] =	vst v0;
	v0 =	vshll.u32 v4, $0x1  }
0xf8: {  	[tilespmem:$0x1D0] =	vst v0;
	v0 =	vshll.u32 v5, $0x1  }
0xf9: {  	[tilespmem:$0x1E0] =	vst v0;
	v0 =	vshll.u32 v1, $0x1  }
0xfa: {  	[tilespmem:$0x1F0] =	vst v0  }
0xfb: {  	_ =	swait.ge [sflag:s8], $0x8000  }
0xfc: {  	[sflag:s8] =	ssyncset.done $0x0  }
0xfd: {  	[sflag:s8] =	ssyncadd.s32 $0xFFFF8000  }
0xfe: {  	[tilespmem:s17], [sflag:$0x1] =	stream.indirect.gather [hbm4b:s4+s16], $0x40, s3, s16, $0xb8;
	[tilespmem:$0x10400] =	vst v63  }
0xff: {  	s19 =	simm.s32 $0x2400  }
0x100: {  	[tilespmem:s19], [sflag:$0x1] =	stream.indirect.gather [hbm4b:s4+s16], $0x40, s16, s16, $0xb8;
	[tilespmem:$0x10400] =	vst v63  }
0x101: {  	s20 =	simm.s32 $0x100;
	s19 =	simm.s32 $0x4400  }
0x102: {  	[tilespmem:s19], [sflag:$0x1] =	stream.indirect.gather [hbm4b:s4+s16], $0x40, s20, s16, $0xb8;
	[tilespmem:$0x10400] =	vst v63  }
0x103: {  	_ = 	snop  }
0x104: {  	[tilespmem:s22], [sflag:$0x1] =	stream.indirect.gather [hbm4b:s4+s16], $0x40, s21, s16, $0xb8;
	[tilespmem:$0x10400] =	vst v63  }
0x105: {  	_ =	swait.ge [sflag:s12], $0x2000  }
0x106: {  	[sflag:s12] =	ssyncset.done $0x0  }
0x107: {  	[sflag:s12] =	ssyncadd.s32 $0xFFFFE000  }
0x108: {  	_ =	swait.ge [sflag:s12], $0x2000  }
0x109: {  	[sflag:s12] =	ssyncset.done $0x0  }
0x10a: {  	[sflag:s12] =	ssyncadd.s32 $0xFFFFE000  }
0x10b: {  	_ =	swait.ge [sflag:s12], $0x2000  }
0x10c: {  	[sflag:s12] =	ssyncset.done $0x0  }
0x10d: {  	[sflag:s12] =	ssyncadd.s32 $0xFFFFE000  }
0x10e: {  	_ =	swait.ge [sflag:s12], $0x2000  }
0x10f: {  	[sflag:s12] =	ssyncset.done $0x0  }
0x110: {  	s18 =	simm.s32 $0x8400;
	[sflag:s12] =	ssyncadd.s32 $0xFFFFE000  }
0x111: {  	v0 =	vld [tilespmem:s18+$0x1F0]  }
0x112: {  	v1 =	vld [tilespmem:s18+$0x10]  }
0x113: {  	v2 =	vld [tilespmem:s18+$0x20]  }
0x114: {  	v3 =	vld [tilespmem:s18+$0x30]  }
0x115: {  	v4 =	vld [tilespmem:s18+$0x40]  }
0x116: {  	v5 =	vld [tilespmem:s18+$0x50];
	v0 =	vmul.f32 $8.000000000e+00, v0  }
0x117: {  	v6 =	vld [tilespmem:s18+$0x60];
	v1 =	vmul.f32 $8.000000000e+00, v1  }
0x118: {  	v7 =	vld [tilespmem:s18+$0x70];
	v2 =	vmul.f32 $8.000000000e+00, v2;
	[tilespmem:s18+$0x1F0] =	vst v0  }
0x119: {  	[tilespmem:s18+$0x10] =	vst v1;
	v0 =	vmul.f32 $8.000000000e+00, v3;
	v1 =	vld [tilespmem:s18+$0x80]  }
0x11a: {  	[tilespmem:s18+$0x20] =	vst v2;
	v2 =	vmul.f32 $8.000000000e+00, v4;
	v3 =	vld [tilespmem:s18+$0x90]  }
0x11b: {  	v4 =	vld [tilespmem:s18+$0xA0];
	[tilespmem:s18+$0x30] =	vst v0;
	v0 =	vmul.f32 $8.000000000e+00, v5  }
0x11c: {  	[tilespmem:s18+$0x40] =	vst v2;
	v2 =	vmul.f32 $8.000000000e+00, v6;
	v5 =	vld [tilespmem:s18+$0xB0]  }
0x11d: {  	v6 =	vld [tilespmem:s18+$0xC0];
	[tilespmem:s18+$0x50] =	vst v0;
	v0 =	vmul.f32 $8.000000000e+00, v7  }
0x11e: {  	[tilespmem:s18+$0x60] =	vst v2;
	v2 =	vld [tilespmem:s18+$0xD0];
	v1 =	vmul.f32 $8.000000000e+00, v1  }
0x11f: {  	[tilespmem:s18+$0x70] =	vst v0;
	v0 =	vmul.f32 $8.000000000e+00, v3;
	v3 =	vld [tilespmem:s18+$0xE0]  }
0x120: {  	[tilespmem:s18+$0x80] =	vst v1;
	v1 =	vmul.f32 $8.000000000e+00, v4;
	v4 =	vld [tilespmem:s18+$0xF0]  }
0x121: {  	[tilespmem:s18+$0x90] =	vst v0;
	v0 =	vmul.f32 $8.000000000e+00, v5;
	v5 =	vld [tilespmem:s18+$0x100]  }
0x122: {  	[tilespmem:s18+$0xA0] =	vst v1;
	v1 =	vmul.f32 $8.000000000e+00, v6;
	v6 =	vld [tilespmem:s18+$0x110]  }
0x123: {  	[tilespmem:s18+$0xB0] =	vst v0;
	v0 =	vmul.f32 $8.000000000e+00, v2;
	v2 =	vld [tilespmem:s18+$0x120]  }
0x124: {  	[tilespmem:s18+$0xC0] =	vst v1;
	v1 =	vmul.f32 $8.000000000e+00, v3;
	v3 =	vld [tilespmem:s18+$0x130]  }
0x125: {  	[tilespmem:s18+$0xD0] =	vst v0;
	v0 =	vmul.f32 $8.000000000e+00, v4;
	v4 =	vld [tilespmem:s18+$0x140]  }
0x126: {  	[tilespmem:s18+$0xE0] =	vst v1;
	v1 =	vmul.f32 $8.000000000e+00, v5;
	v5 =	vld [tilespmem:s18+$0x150]  }
0x127: {  	[tilespmem:s18+$0xF0] =	vst v0;
	v0 =	vmul.f32 $8.000000000e+00, v6;
	v6 =	vld [tilespmem:s18+$0x160]  }
0x128: {  	[tilespmem:s18+$0x100] =	vst v1;
	v1 =	vmul.f32 $8.000000000e+00, v2;
	v2 =	vld [tilespmem:s18+$0x170]  }
0x129: {  	[tilespmem:s18+$0x110] =	vst v0;
	v0 =	vmul.f32 $8.000000000e+00, v3;
	v3 =	vld [tilespmem:s18+$0x180]  }
0x12a: {  	[tilespmem:s18+$0x120] =	vst v1;
	v1 =	vmul.f32 $8.000000000e+00, v4;
	v4 =	vld [tilespmem:s18+$0x190]  }
0x12b: {  	v7 =	vld [tilespmem:s18+$0x1A0];
	[tilespmem:s18+$0x130] =	vst v0;
	v5 =	vmul.f32 $8.000000000e+00, v5  }
0x12c: {  	v0 =	vld [tilespmem:s18+$0x1B0];
	[tilespmem:s18+$0x140] =	vst v1;
	v6 =	vmul.f32 $8.000000000e+00, v6  }
0x12d: {  	v1 =	vld [tilespmem:s18+$0x1C0];
	[tilespmem:s18+$0x150] =	vst v5;
	v5 =	vmul.f32 $8.000000000e+00, v2  }
0x12e: {  	v2 =	vld [tilespmem:s18+$0x1D0];
	[tilespmem:s18+$0x160] =	vst v6;
	v6 =	vmul.f32 $8.000000000e+00, v3  }
0x12f: {  	v3 =	vld [tilespmem:s18+$0x1E0];
	[tilespmem:s18+$0x170] =	vst v5;
	v5 =	vmul.f32 $8.000000000e+00, v4  }
0x130: {  	s19 =	simm.s32 $0x0;
	s20 =	simm.s32 $0x8600;
	v4 =	vld [tilespmem:s18+$0x0];
	[tilespmem:s18+$0x180] =	vst v6;
	v6 =	vmul.f32 $8.000000000e+00, v7  }
.LBB2_5:
0x131: {  	v7 =	vld [tilespmem:s20+$0x1F0];
	s19 =	sadd.s32 $0x8, s19;
	[tilespmem:s18+$0x190] =	vst v5;
	v0 =	vmul.f32 $8.000000000e+00, v0  }
0x132: {  	v5 =	vld [tilespmem:s20+$0x10];
	p0 =	slt.u32 s19, $0x1F8;
	[tilespmem:s18+$0x1A0] =	vst v6;
	v1 =	vmul.f32 $8.000000000e+00, v1  }
0x133: {  	v6 =	vld [tilespmem:s20+$0x20];
	[tilespmem:s18+$0x1B0] =	vst v0;
	v0 =	vmul.f32 $8.000000000e+00, v2  }
0x134: {  	v2 =	vld [tilespmem:s20+$0x30];
	[tilespmem:s18+$0x1C0] =	vst v1;
	v1 =	vmul.f32 $8.000000000e+00, v3  }
0x135: {  	v3 =	vld [tilespmem:s20+$0x40];
	v4 =	vmul.f32 $8.000000000e+00, v4;
	[tilespmem:s18+$0x1D0] =	vst v0  }
0x136: {  	v0 =	vld [tilespmem:s20+$0x50];
	v7 =	vmul.f32 $8.000000000e+00, v7;
	[tilespmem:s18+$0x1E0] =	vst v1  }
0x137: {  	v1 =	vmul.f32 $8.000000000e+00, v5;
	v5 =	vld [tilespmem:s20+$0x60];
	[tilespmem:s18+$0x0] =	vst v4;
	s18 =	smov.u32 s20  }
0x138: {  	v4 =	vmul.f32 $8.000000000e+00, v6;
	v6 =	vld [tilespmem:s20+$0x70];
	[tilespmem:s20+$0x1F0] =	vst v7  }
0x139: {  	[tilespmem:s20+$0x10] =	vst v1;
	v1 =	vmul.f32 $8.000000000e+00, v2;
	v2 =	vld [tilespmem:s20+$0x80]  }
0x13a: {  	[tilespmem:s20+$0x20] =	vst v4;
	v3 =	vmul.f32 $8.000000000e+00, v3;
	v4 =	vld [tilespmem:s20+$0x90]  }
0x13b: {  	[tilespmem:s20+$0x30] =	vst v1;
	v0 =	vmul.f32 $8.000000000e+00, v0;
	v1 =	vld [tilespmem:s20+$0xA0]  }
0x13c: {  	[tilespmem:s20+$0x40] =	vst v3;
	v3 =	vmul.f32 $8.000000000e+00, v5;
	v5 =	vld [tilespmem:s20+$0xB0]  }
0x13d: {  	[tilespmem:s20+$0x50] =	vst v0;
	v0 =	vmul.f32 $8.000000000e+00, v6;
	v6 =	vld [tilespmem:s20+$0xC0]  }
0x13e: {  	[tilespmem:s20+$0x60] =	vst v3;
	v2 =	vmul.f32 $8.000000000e+00, v2;
	v3 =	vld [tilespmem:s20+$0xD0]  }
0x13f: {  	[tilespmem:s20+$0x70] =	vst v0;
	v0 =	vmul.f32 $8.000000000e+00, v4;
	v4 =	vld [tilespmem:s20+$0xE0]  }
0x140: {  	[tilespmem:s20+$0x80] =	vst v2;
	v1 =	vmul.f32 $8.000000000e+00, v1;
	v2 =	vld [tilespmem:s20+$0xF0]  }
0x141: {  	[tilespmem:s20+$0x90] =	vst v0;
	v0 =	vmul.f32 $8.000000000e+00, v5;
	v5 =	vld [tilespmem:s20+$0x100]  }
0x142: {  	[tilespmem:s20+$0xA0] =	vst v1;
	v1 =	vmul.f32 $8.000000000e+00, v6;
	v6 =	vld [tilespmem:s20+$0x110]  }
0x143: {  	[tilespmem:s20+$0xB0] =	vst v0;
	v0 =	vmul.f32 $8.000000000e+00, v3;
	v3 =	vld [tilespmem:s20+$0x120]  }
0x144: {  	[tilespmem:s20+$0xC0] =	vst v1;
	v1 =	vmul.f32 $8.000000000e+00, v4;
	v4 =	vld [tilespmem:s20+$0x130]  }
0x145: {  	[tilespmem:s20+$0xD0] =	vst v0;
	v0 =	vmul.f32 $8.000000000e+00, v2;
	v2 =	vld [tilespmem:s20+$0x140]  }
0x146: {  	[tilespmem:s20+$0xE0] =	vst v1;
	v1 =	vmul.f32 $8.000000000e+00, v5;
	v5 =	vld [tilespmem:s20+$0x150]  }
0x147: {  	[tilespmem:s20+$0xF0] =	vst v0;
	v0 =	vmul.f32 $8.000000000e+00, v6;
	v6 =	vld [tilespmem:s20+$0x160]  }
0x148: {  	[tilespmem:s20+$0x100] =	vst v1;
	v1 =	vmul.f32 $8.000000000e+00, v3;
	v3 =	vld [tilespmem:s20+$0x170]  }
0x149: {  	[tilespmem:s20+$0x110] =	vst v0;
	v0 =	vmul.f32 $8.000000000e+00, v4;
	v4 =	vld [tilespmem:s20+$0x180]  }
0x14a: {  	[tilespmem:s20+$0x120] =	vst v1;
	v1 =	vmul.f32 $8.000000000e+00, v2;
	v7 =	vld [tilespmem:s20+$0x190]  }
0x14b: {  	[tilespmem:s20+$0x130] =	vst v0;
	v2 =	vmul.f32 $8.000000000e+00, v5;
	v8 =	vld [tilespmem:s20+$0x1A0]  }
.Ltmp1:
0x14c: {  	[tilespmem:s20+$0x140] =	vst v1;
	v5 =	vmul.f32 $8.000000000e+00, v6;
	v0 =	vld [tilespmem:s20+$0x1B0];
	(pc) =	sbr.rel @p0 .LBB2_5-.Ltmp1, $4  }
0x14d: {  	[tilespmem:s20+$0x150] =	vst v2;
	v3 =	vmul.f32 $8.000000000e+00, v3;
	v1 =	vld [tilespmem:s20+$0x1C0]  }
0x14e: {  	[tilespmem:s20+$0x160] =	vst v5;
	v6 =	vmul.f32 $8.000000000e+00, v4;
	v2 =	vld [tilespmem:s20+$0x1D0]  }
0x14f: {  	[tilespmem:s20+$0x170] =	vst v3;
	v5 =	vmul.f32 $8.000000000e+00, v7;
	v3 =	vld [tilespmem:s20+$0x1E0]  }
0x150: {  	s20 =	sadd.s32 $0x200, s20;
	v4 =	vld [tilespmem:s18+$0x0];
	[tilespmem:s18+$0x180] =	vst v6;
	v6 =	vmul.f32 $8.000000000e+00, v8  }
0x151: {  	[tilespmem:s18+$0x190] =	vst v5;
	v0 =	vmul.f32 $8.000000000e+00, v0  }
0x152: {  	[tilespmem:s18+$0x1A0] =	vst v6;
	v1 =	vmul.f32 $8.000000000e+00, v1  }
0x153: {  	[tilespmem:s18+$0x1B0] =	vst v0;
	v55 =	vmul.f32 $8.000000000e+00, v2  }
0x154: {  	s19 =	sadd.s32 s14, s10;
	[tilespmem:s18+$0x1C0] =	vst v1;
	v56 =	vmul.f32 $8.000000000e+00, v3  }
0x155: {  	s20 =	sadd.s32 s14, s11;
	s19 =	sshll.u32 s19, $0xB;
	v57 =	vmul.f32 $8.000000000e+00, v4;
	[tilespmem:s18+$0x1D0] =	vst v55  }
0x156: {  	s14 =	sshll.u32 s20, $0x4;
	s19 =	sand.u32 $0x1FFFE000, s19;
	[tilespmem:s18+$0x1E0] =	vst v56  }
0x157: {  	s14 =	sand.u32 $0x1FFFFFC0, s14;
	s19 =	sadd.s32 s6, s19;
	[tilespmem:s18+$0x0] =	vst v57  }
0x158: {  	[hbm4b:s19+s1] =	stream.strided.scatter [tilespmem:s24], [sflag:$0x4], $0x8000, s16, s1, $0x38;
	[tilespmem:$0x10400] =	vst v63  }
0x159: {  	s14 =	sadd.s32 s2, s14  }
0x15a: {  	[tilespmem:s23], [sflag:$0x5] =	stream.linear.gather [hbm4b:s14+s3], $0x200, $0x38;
	[tilespmem:$0x10400] =	vst v63  }
0x15b: {  	_ =	swait.ge [sflag:s15], $0x200  }
0x15c: {  	[sflag:s15] =	ssyncset.done $0x0  }
0x15d: {  	[sflag:s15] =	ssyncadd.s32 $0xFFFFFE00  }
0x15e: {  	v58 =	vld [tilespmem:$0x200]  }
0x15f: {  	v59 =	vld [tilespmem:$0x210]  }
0x160: {  	v60 =	vld [tilespmem:$0x220]  }
0x161: {  	v61 =	vld [tilespmem:$0x230]  }
0x162: {  	v62 =	vld [tilespmem:$0x240]  }
0x163: {  	v63 =	vld [tilespmem:$0x250];
	v0 =	vshll.u32 v58, $0x1  }
0x164: {  	v8 =	vld [tilespmem:$0x260];
	v7 =	vshll.u32 v59, $0x1;
	[tilespmem:$0x200] =	vst v0  }
0x165: {  	v10 =	vld [tilespmem:$0x270];
	v9 =	vshll.u32 v60, $0x1;
	[tilespmem:$0x210] =	vst v7  }
0x166: {  	v12 =	vld [tilespmem:$0x280];
	v11 =	vshll.u32 v61, $0x1;
	[tilespmem:$0x220] =	vst v9  }
0x167: {  	v14 =	vld [tilespmem:$0x290];
	v13 =	vshll.u32 v62, $0x1;
	[tilespmem:$0x230] =	vst v11  }
0x168: {  	v16 =	vld [tilespmem:$0x2A0];
	v15 =	vshll.u32 v63, $0x1;
	[tilespmem:$0x240] =	vst v13  }
0x169: {  	v18 =	vld [tilespmem:$0x2B0];
	v17 =	vshll.u32 v8, $0x1;
	[tilespmem:$0x250] =	vst v15  }
0x16a: {  	v20 =	vld [tilespmem:$0x2C0];
	v19 =	vshll.u32 v10, $0x1;
	[tilespmem:$0x260] =	vst v17  }
0x16b: {  	v22 =	vld [tilespmem:$0x2D0];
	v21 =	vshll.u32 v12, $0x1;
	[tilespmem:$0x270] =	vst v19  }
0x16c: {  	v24 =	vld [tilespmem:$0x2E0];
	v23 =	vshll.u32 v14, $0x1;
	[tilespmem:$0x280] =	vst v21  }
0x16d: {  	v26 =	vld [tilespmem:$0x2F0];
	v25 =	vshll.u32 v16, $0x1;
	[tilespmem:$0x290] =	vst v23  }
0x16e: {  	v28 =	vld [tilespmem:$0x300];
	v27 =	vshll.u32 v18, $0x1;
	[tilespmem:$0x2A0] =	vst v25  }
0x16f: {  	v30 =	vld [tilespmem:$0x310];
	v29 =	vshll.u32 v20, $0x1;
	[tilespmem:$0x2B0] =	vst v27  }
0x170: {  	v32 =	vld [tilespmem:$0x320];
	v31 =	vshll.u32 v22, $0x1;
	[tilespmem:$0x2C0] =	vst v29  }
0x171: {  	v34 =	vld [tilespmem:$0x330];
	v33 =	vshll.u32 v24, $0x1;
	[tilespmem:$0x2D0] =	vst v31  }
0x172: {  	v36 =	vld [tilespmem:$0x340];
	v35 =	vshll.u32 v26, $0x1;
	[tilespmem:$0x2E0] =	vst v33  }
0x173: {  	v38 =	vld [tilespmem:$0x350];
	v37 =	vshll.u32 v28, $0x1;
	[tilespmem:$0x2F0] =	vst v35  }
0x174: {  	v40 =	vld [tilespmem:$0x360];
	v39 =	vshll.u32 v30, $0x1;
	[tilespmem:$0x300] =	vst v37  }
0x175: {  	v42 =	vld [tilespmem:$0x370];
	v41 =	vshll.u32 v32, $0x1;
	[tilespmem:$0x310] =	vst v39  }
0x176: {  	v44 =	vld [tilespmem:$0x380];
	v43 =	vshll.u32 v34, $0x1;
	[tilespmem:$0x320] =	vst v41  }
0x177: {  	v46 =	vld [tilespmem:$0x390];
	v45 =	vshll.u32 v36, $0x1;
	[tilespmem:$0x330] =	vst v43  }
0x178: {  	v48 =	vld [tilespmem:$0x3A0];
	v47 =	vshll.u32 v38, $0x1;
	[tilespmem:$0x340] =	vst v45  }
0x179: {  	v50 =	vld [tilespmem:$0x3B0];
	v49 =	vshll.u32 v40, $0x1;
	[tilespmem:$0x350] =	vst v47  }
0x17a: {  	v52 =	vld [tilespmem:$0x3C0];
	v51 =	vshll.u32 v42, $0x1;
	[tilespmem:$0x360] =	vst v49  }
0x17b: {  	v54 =	vld [tilespmem:$0x3D0];
	v53 =	vshll.u32 v44, $0x1;
	[tilespmem:$0x370] =	vst v51  }
0x17c: {  	v56 =	vld [tilespmem:$0x3E0];
	v55 =	vshll.u32 v46, $0x1;
	[tilespmem:$0x380] =	vst v53  }
0x17d: {  	v57 =	vshll.u32 v48, $0x1;
	v58 =	vld [tilespmem:$0x3F0];
	[tilespmem:$0x390] =	vst v55  }
0x17e: {  	v59 =	vshll.u32 v50, $0x1;
	[tilespmem:$0x3A0] =	vst v57  }
0x17f: {  	v60 =	vshll.u32 v52, $0x1;
	[tilespmem:$0x3B0] =	vst v59  }
0x180: {  	v61 =	vshll.u32 v54, $0x1;
	[tilespmem:$0x3C0] =	vst v60  }
0x181: {  	v62 =	vshll.u32 v56, $0x1;
	[tilespmem:$0x3D0] =	vst v61  }
0x182: {  	[tilespmem:$0x3E0] =	vst v62;
	v63 =	vshll.u32 v58, $0x1  }
0x183: {  	[tilespmem:$0x3F0] =	vst v63  }
0x184: {  	_ =	swait.ge [sflag:s13], $0x8000  }
0x185: {  	[sflag:s13] =	ssyncset.done $0x0  }
0x186: {  	s7 =	sadd.s32 $0x1, s7;
	[sflag:s13] =	ssyncadd.s32 $0xFFFF8000  }
0x187: {  	[tilespmem:s24], [sflag:$0x2] =	stream.indirect.gather [hbm4b:s4+s16], $0x40, s23, s16, $0xb8;
	[tilespmem:$0x10400] =	vst v63  }
0x188: {  	p0 =	sne.s32 s7, $0x18  }
0x189: {  	[tilespmem:s26], [sflag:$0x2] =	stream.indirect.gather [hbm4b:s4+s16], $0x40, s25, s16, $0xb8;
	[tilespmem:$0x10400] =	vst v63  }
.Ltmp2:
0x18a: {  	_ = 	snop;
	(pc) =	sbr.rel @p0 .LBB2_2-.Ltmp2, $4  }
0x18b: {  	_ = 	snop  }
0x18c: {  	[tilespmem:s29], [sflag:$0x2] =	stream.indirect.gather [hbm4b:s4+s16], $0x40, s28, s16, $0xb8;
	[tilespmem:$0x10400] =	vst v63  }
0x18d: {  	_ = 	snop  }
0x18e: {  	[tilespmem:s31], [sflag:$0x2] =	stream.indirect.gather [hbm4b:s4+s16], $0x40, s30, s16, $0xb8;
	[tilespmem:$0x10400] =	vst v63  }
0x18f: {  	_ =	swait.ge [sflag:s0], $0x2000  }
0x190: {  	[sflag:s0] =	ssyncset.done $0x0  }
0x191: {  	[sflag:s0] =	ssyncadd.s32 $0xFFFFE000  }
0x192: {  	_ =	swait.ge [sflag:s0], $0x2000  }
0x193: {  	[sflag:s0] =	ssyncset.done $0x0  }
0x194: {  	[sflag:s0] =	ssyncadd.s32 $0xFFFFE000  }
0x195: {  	_ =	swait.ge [sflag:s0], $0x2000  }
0x196: {  	[sflag:s0] =	ssyncset.done $0x0  }
0x197: {  	[sflag:s0] =	ssyncadd.s32 $0xFFFFE000  }
0x198: {  	_ =	swait.ge [sflag:s0], $0x2000  }
0x199: {  	[sflag:s0] =	ssyncset.done $0x0  }
0x19a: {  	s7 =	simm.s32 $0x500;
	[sflag:s0] =	ssyncadd.s32 $0xFFFFE000  }
0x19b: {  	v0 =	vld [tilespmem:s7+$0xF0]  }
0x19c: {  	v1 =	vld [tilespmem:s7+$0xFFFFFF10]  }
0x19d: {  	v2 =	vld [tilespmem:s7+$0xFFFFFF20]  }
0x19e: {  	v3 =	vld [tilespmem:s7+$0xFFFFFF30]  }
0x19f: {  	v4 =	vld [tilespmem:s7+$0xFFFFFF40]  }
0x1a0: {  	v5 =	vld [tilespmem:s7+$0xFFFFFF50];
	v0 =	vmul.f32 $8.000000000e+00, v0  }
0x1a1: {  	v6 =	vld [tilespmem:s7+$0xFFFFFF60];
	v1 =	vmul.f32 $8.000000000e+00, v1  }
0x1a2: {  	v7 =	vld [tilespmem:s7+$0xFFFFFF70];
	v2 =	vmul.f32 $8.000000000e+00, v2;
	[tilespmem:s7+$0xF0] =	vst v0  }
0x1a3: {  	[tilespmem:s7+$0xFFFFFF10] =	vst v1;
	v0 =	vmul.f32 $8.000000000e+00, v3;
	v1 =	vld [tilespmem:s7+$0xFFFFFF80]  }
0x1a4: {  	[tilespmem:s7+$0xFFFFFF20] =	vst v2;
	v2 =	vmul.f32 $8.000000000e+00, v4;
	v3 =	vld [tilespmem:s7+$0xFFFFFF90]  }
0x1a5: {  	v4 =	vld [tilespmem:s7+$0xFFFFFFA0];
	[tilespmem:s7+$0xFFFFFF30] =	vst v0;
	v0 =	vmul.f32 $8.000000000e+00, v5  }
0x1a6: {  	[tilespmem:s7+$0xFFFFFF40] =	vst v2;
	v2 =	vmul.f32 $8.000000000e+00, v6;
	v5 =	vld [tilespmem:s7+$0xFFFFFFB0]  }
0x1a7: {  	v6 =	vld [tilespmem:s7+$0xFFFFFFC0];
	[tilespmem:s7+$0xFFFFFF50] =	vst v0;
	v0 =	vmul.f32 $8.000000000e+00, v7  }
0x1a8: {  	[tilespmem:s7+$0xFFFFFF60] =	vst v2;
	v2 =	vld [tilespmem:s7+$0xFFFFFFD0];
	v1 =	vmul.f32 $8.000000000e+00, v1  }
0x1a9: {  	[tilespmem:s7+$0xFFFFFF70] =	vst v0;
	v0 =	vmul.f32 $8.000000000e+00, v3;
	v3 =	vld [tilespmem:s7+$0xFFFFFFE0]  }
0x1aa: {  	[tilespmem:s7+$0xFFFFFF80] =	vst v1;
	v1 =	vmul.f32 $8.000000000e+00, v4;
	v4 =	vld [tilespmem:s7+$0xFFFFFFF0]  }
0x1ab: {  	[tilespmem:s7+$0xFFFFFF90] =	vst v0;
	v0 =	vmul.f32 $8.000000000e+00, v5;
	v5 =	vld [tilespmem:s7+$0x0]  }
0x1ac: {  	[tilespmem:s7+$0xFFFFFFA0] =	vst v1;
	v1 =	vmul.f32 $8.000000000e+00, v6;
	v6 =	vld [tilespmem:s7+$0x10]  }
0x1ad: {  	[tilespmem:s7+$0xFFFFFFB0] =	vst v0;
	v0 =	vmul.f32 $8.000000000e+00, v2;
	v2 =	vld [tilespmem:s7+$0x20]  }
0x1ae: {  	[tilespmem:s7+$0xFFFFFFC0] =	vst v1;
	v1 =	vmul.f32 $8.000000000e+00, v3;
	v3 =	vld [tilespmem:s7+$0x30]  }
0x1af: {  	[tilespmem:s7+$0xFFFFFFD0] =	vst v0;
	v0 =	vmul.f32 $8.000000000e+00, v4;
	v4 =	vld [tilespmem:s7+$0x40]  }
0x1b0: {  	[tilespmem:s7+$0xFFFFFFE0] =	vst v1;
	v1 =	vmul.f32 $8.000000000e+00, v5;
	v5 =	vld [tilespmem:s7+$0x50]  }
0x1b1: {  	[tilespmem:s7+$0xFFFFFFF0] =	vst v0;
	v0 =	vmul.f32 $8.000000000e+00, v6;
	v6 =	vld [tilespmem:s7+$0x60]  }
0x1b2: {  	[tilespmem:s7+$0x0] =	vst v1;
	v1 =	vmul.f32 $8.000000000e+00, v2;
	v2 =	vld [tilespmem:s7+$0x70]  }
0x1b3: {  	[tilespmem:s7+$0x10] =	vst v0;
	v0 =	vmul.f32 $8.000000000e+00, v3;
	v3 =	vld [tilespmem:s7+$0x80]  }
0x1b4: {  	[tilespmem:s7+$0x20] =	vst v1;
	v1 =	vmul.f32 $8.000000000e+00, v4;
	v4 =	vld [tilespmem:s7+$0x90]  }
0x1b5: {  	v7 =	vld [tilespmem:s7+$0xA0];
	[tilespmem:s7+$0x30] =	vst v0;
	v5 =	vmul.f32 $8.000000000e+00, v5  }
0x1b6: {  	v0 =	vld [tilespmem:s7+$0xB0];
	[tilespmem:s7+$0x40] =	vst v1;
	v6 =	vmul.f32 $8.000000000e+00, v6  }
0x1b7: {  	v1 =	vld [tilespmem:s7+$0xC0];
	[tilespmem:s7+$0x50] =	vst v5;
	v5 =	vmul.f32 $8.000000000e+00, v2  }
0x1b8: {  	v2 =	vld [tilespmem:s7+$0xD0];
	[tilespmem:s7+$0x60] =	vst v6;
	v6 =	vmul.f32 $8.000000000e+00, v3  }
0x1b9: {  	v3 =	vld [tilespmem:s7+$0xE0];
	[tilespmem:s7+$0x70] =	vst v5;
	v5 =	vmul.f32 $8.000000000e+00, v4  }
0x1ba: {  	s14 =	simm.s32 $0x0;
	s18 =	simm.s32 $0x700;
	v4 =	vld [tilespmem:s7+$0xFFFFFF00];
	[tilespmem:s7+$0x80] =	vst v6;
	v6 =	vmul.f32 $8.000000000e+00, v7  }
.LBB2_8:
0x1bb: {  	v7 =	vld [tilespmem:s18+$0xF0];
	s14 =	sadd.s32 $0x8, s14;
	[tilespmem:s7+$0x90] =	vst v5;
	v0 =	vmul.f32 $8.000000000e+00, v0  }
0x1bc: {  	v5 =	vld [tilespmem:s18+$0xFFFFFF10];
	p0 =	slt.u32 s14, $0x1F8;
	[tilespmem:s7+$0xA0] =	vst v6;
	v1 =	vmul.f32 $8.000000000e+00, v1  }
0x1bd: {  	v6 =	vld [tilespmem:s18+$0xFFFFFF20];
	[tilespmem:s7+$0xB0] =	vst v0;
	v0 =	vmul.f32 $8.000000000e+00, v2  }
0x1be: {  	v2 =	vld [tilespmem:s18+$0xFFFFFF30];
	[tilespmem:s7+$0xC0] =	vst v1;
	v1 =	vmul.f32 $8.000000000e+00, v3  }
0x1bf: {  	v3 =	vld [tilespmem:s18+$0xFFFFFF40];
	v4 =	vmul.f32 $8.000000000e+00, v4;
	[tilespmem:s7+$0xD0] =	vst v0  }
0x1c0: {  	v0 =	vld [tilespmem:s18+$0xFFFFFF50];
	v7 =	vmul.f32 $8.000000000e+00, v7;
	[tilespmem:s7+$0xE0] =	vst v1  }
0x1c1: {  	v1 =	vmul.f32 $8.000000000e+00, v5;
	v5 =	vld [tilespmem:s18+$0xFFFFFF60];
	[tilespmem:s7+$0xFFFFFF00] =	vst v4;
	s7 =	smov.u32 s18  }
0x1c2: {  	v4 =	vmul.f32 $8.000000000e+00, v6;
	v6 =	vld [tilespmem:s18+$0xFFFFFF70];
	[tilespmem:s18+$0xF0] =	vst v7  }
0x1c3: {  	[tilespmem:s18+$0xFFFFFF10] =	vst v1;
	v1 =	vmul.f32 $8.000000000e+00, v2;
	v2 =	vld [tilespmem:s18+$0xFFFFFF80]  }
0x1c4: {  	[tilespmem:s18+$0xFFFFFF20] =	vst v4;
	v3 =	vmul.f32 $8.000000000e+00, v3;
	v4 =	vld [tilespmem:s18+$0xFFFFFF90]  }
0x1c5: {  	[tilespmem:s18+$0xFFFFFF30] =	vst v1;
	v0 =	vmul.f32 $8.000000000e+00, v0;
	v1 =	vld [tilespmem:s18+$0xFFFFFFA0]  }
0x1c6: {  	[tilespmem:s18+$0xFFFFFF40] =	vst v3;
	v3 =	vmul.f32 $8.000000000e+00, v5;
	v5 =	vld [tilespmem:s18+$0xFFFFFFB0]  }
0x1c7: {  	[tilespmem:s18+$0xFFFFFF50] =	vst v0;
	v0 =	vmul.f32 $8.000000000e+00, v6;
	v6 =	vld [tilespmem:s18+$0xFFFFFFC0]  }
0x1c8: {  	[tilespmem:s18+$0xFFFFFF60] =	vst v3;
	v2 =	vmul.f32 $8.000000000e+00, v2;
	v3 =	vld [tilespmem:s18+$0xFFFFFFD0]  }
0x1c9: {  	[tilespmem:s18+$0xFFFFFF70] =	vst v0;
	v0 =	vmul.f32 $8.000000000e+00, v4;
	v4 =	vld [tilespmem:s18+$0xFFFFFFE0]  }
0x1ca: {  	[tilespmem:s18+$0xFFFFFF80] =	vst v2;
	v1 =	vmul.f32 $8.000000000e+00, v1;
	v2 =	vld [tilespmem:s18+$0xFFFFFFF0]  }
0x1cb: {  	[tilespmem:s18+$0xFFFFFF90] =	vst v0;
	v0 =	vmul.f32 $8.000000000e+00, v5;
	v5 =	vld [tilespmem:s18+$0x0]  }
0x1cc: {  	[tilespmem:s18+$0xFFFFFFA0] =	vst v1;
	v1 =	vmul.f32 $8.000000000e+00, v6;
	v6 =	vld [tilespmem:s18+$0x10]  }
0x1cd: {  	[tilespmem:s18+$0xFFFFFFB0] =	vst v0;
	v0 =	vmul.f32 $8.000000000e+00, v3;
	v3 =	vld [tilespmem:s18+$0x20]  }
0x1ce: {  	[tilespmem:s18+$0xFFFFFFC0] =	vst v1;
	v1 =	vmul.f32 $8.000000000e+00, v4;
	v4 =	vld [tilespmem:s18+$0x30]  }
0x1cf: {  	[tilespmem:s18+$0xFFFFFFD0] =	vst v0;
	v0 =	vmul.f32 $8.000000000e+00, v2;
	v2 =	vld [tilespmem:s18+$0x40]  }
0x1d0: {  	[tilespmem:s18+$0xFFFFFFE0] =	vst v1;
	v1 =	vmul.f32 $8.000000000e+00, v5;
	v5 =	vld [tilespmem:s18+$0x50]  }
0x1d1: {  	[tilespmem:s18+$0xFFFFFFF0] =	vst v0;
	v0 =	vmul.f32 $8.000000000e+00, v6;
	v6 =	vld [tilespmem:s18+$0x60]  }
0x1d2: {  	[tilespmem:s18+$0x0] =	vst v1;
	v1 =	vmul.f32 $8.000000000e+00, v3;
	v3 =	vld [tilespmem:s18+$0x70]  }
0x1d3: {  	[tilespmem:s18+$0x10] =	vst v0;
	v0 =	vmul.f32 $8.000000000e+00, v4;
	v4 =	vld [tilespmem:s18+$0x80]  }
0x1d4: {  	[tilespmem:s18+$0x20] =	vst v1;
	v1 =	vmul.f32 $8.000000000e+00, v2;
	v7 =	vld [tilespmem:s18+$0x90]  }
0x1d5: {  	[tilespmem:s18+$0x30] =	vst v0;
	v2 =	vmul.f32 $8.000000000e+00, v5;
	v8 =	vld [tilespmem:s18+$0xA0]  }
.Ltmp3:
0x1d6: {  	[tilespmem:s18+$0x40] =	vst v1;
	v5 =	vmul.f32 $8.000000000e+00, v6;
	v0 =	vld [tilespmem:s18+$0xB0];
	(pc) =	sbr.rel @p0 .LBB2_8-.Ltmp3, $4  }
0x1d7: {  	[tilespmem:s18+$0x50] =	vst v2;
	v3 =	vmul.f32 $8.000000000e+00, v3;
	v1 =	vld [tilespmem:s18+$0xC0]  }
0x1d8: {  	[tilespmem:s18+$0x60] =	vst v5;
	v6 =	vmul.f32 $8.000000000e+00, v4;
	v2 =	vld [tilespmem:s18+$0xD0]  }
0x1d9: {  	[tilespmem:s18+$0x70] =	vst v3;
	v5 =	vmul.f32 $8.000000000e+00, v7;
	v3 =	vld [tilespmem:s18+$0xE0]  }
0x1da: {  	s18 =	sadd.s32 $0x200, s18;
	v4 =	vld [tilespmem:s7+$0xFFFFFF00];
	[tilespmem:s7+$0x80] =	vst v6;
	v6 =	vmul.f32 $8.000000000e+00, v8  }
0x1db: {  	[tilespmem:s7+$0x90] =	vst v5;
	v0 =	vmul.f32 $8.000000000e+00, v0  }
0x1dc: {  	[tilespmem:s7+$0xA0] =	vst v6;
	v1 =	vmul.f32 $8.000000000e+00, v1  }
0x1dd: {  	[tilespmem:s7+$0xB0] =	vst v0;
	v0 =	vmul.f32 $8.000000000e+00, v2  }
0x1de: {  	[tilespmem:s7+$0xC0] =	vst v1;
	v1 =	vmul.f32 $8.000000000e+00, v3  }
0x1df: {  	v2 =	vmul.f32 $8.000000000e+00, v4;
	[tilespmem:s7+$0xD0] =	vst v0  }
0x1e0: {  	[tilespmem:s7+$0xE0] =	vst v1  }
0x1e1: {  	[tilespmem:s7+$0xFFFFFF00] =	vst v2  }
0x1e2: {  	s7 =	rddreg [dreg:$0x5]  }
0x1e3: {  	[hbm4b:s7+s1] =	stream.strided.scatter [tilespmem:s17], [sflag:$0x3], $0x8000, s16, s1, $0x38;
	[tilespmem:$0x10400] =	vst v63  }
0x1e4: {  	_ =	swait.ge [sflag:s12], $0x2000  }
0x1e5: {  	[sflag:s12] =	ssyncset.done $0x0  }
0x1e6: {  	[sflag:s12] =	ssyncadd.s32 $0xFFFFE000  }
0x1e7: {  	_ =	swait.ge [sflag:s12], $0x2000  }
0x1e8: {  	[sflag:s12] =	ssyncset.done $0x0  }
0x1e9: {  	[sflag:s12] =	ssyncadd.s32 $0xFFFFE000  }
0x1ea: {  	_ =	swait.ge [sflag:s12], $0x2000  }
0x1eb: {  	[sflag:s12] =	ssyncset.done $0x0  }
0x1ec: {  	[sflag:s12] =	ssyncadd.s32 $0xFFFFE000  }
0x1ed: {  	_ =	swait.ge [sflag:s12], $0x2000  }
0x1ee: {  	[sflag:s12] =	ssyncset.done $0x0  }
0x1ef: {  	s7 =	simm.s32 $0x8400;
	[sflag:s12] =	ssyncadd.s32 $0xFFFFE000  }
0x1f0: {  	v0 =	vld [tilespmem:s7+$0x1F0]  }
0x1f1: {  	v1 =	vld [tilespmem:s7+$0x10]  }
0x1f2: {  	v2 =	vld [tilespmem:s7+$0x20]  }
0x1f3: {  	v3 =	vld [tilespmem:s7+$0x30]  }
0x1f4: {  	v4 =	vld [tilespmem:s7+$0x40]  }
0x1f5: {  	v5 =	vld [tilespmem:s7+$0x50];
	v0 =	vmul.f32 $8.000000000e+00, v0  }
0x1f6: {  	v6 =	vld [tilespmem:s7+$0x60];
	v1 =	vmul.f32 $8.000000000e+00, v1  }
0x1f7: {  	v7 =	vld [tilespmem:s7+$0x70];
	v2 =	vmul.f32 $8.000000000e+00, v2;
	[tilespmem:s7+$0x1F0] =	vst v0  }
0x1f8: {  	[tilespmem:s7+$0x10] =	vst v1;
	v0 =	vmul.f32 $8.000000000e+00, v3;
	v1 =	vld [tilespmem:s7+$0x80]  }
0x1f9: {  	[tilespmem:s7+$0x20] =	vst v2;
	v2 =	vmul.f32 $8.000000000e+00, v4;
	v3 =	vld [tilespmem:s7+$0x90]  }
0x1fa: {  	v4 =	vld [tilespmem:s7+$0xA0];
	[tilespmem:s7+$0x30] =	vst v0;
	v0 =	vmul.f32 $8.000000000e+00, v5  }
0x1fb: {  	[tilespmem:s7+$0x40] =	vst v2;
	v2 =	vmul.f32 $8.000000000e+00, v6;
	v5 =	vld [tilespmem:s7+$0xB0]  }
0x1fc: {  	v6 =	vld [tilespmem:s7+$0xC0];
	[tilespmem:s7+$0x50] =	vst v0;
	v0 =	vmul.f32 $8.000000000e+00, v7  }
0x1fd: {  	[tilespmem:s7+$0x60] =	vst v2;
	v2 =	vld [tilespmem:s7+$0xD0];
	v1 =	vmul.f32 $8.000000000e+00, v1  }
0x1fe: {  	[tilespmem:s7+$0x70] =	vst v0;
	v0 =	vmul.f32 $8.000000000e+00, v3;
	v3 =	vld [tilespmem:s7+$0xE0]  }
0x1ff: {  	[tilespmem:s7+$0x80] =	vst v1;
	v1 =	vmul.f32 $8.000000000e+00, v4;
	v4 =	vld [tilespmem:s7+$0xF0]  }
0x200: {  	[tilespmem:s7+$0x90] =	vst v0;
	v0 =	vmul.f32 $8.000000000e+00, v5;
	v5 =	vld [tilespmem:s7+$0x100]  }
0x201: {  	[tilespmem:s7+$0xA0] =	vst v1;
	v1 =	vmul.f32 $8.000000000e+00, v6;
	v6 =	vld [tilespmem:s7+$0x110]  }
0x202: {  	[tilespmem:s7+$0xB0] =	vst v0;
	v0 =	vmul.f32 $8.000000000e+00, v2;
	v2 =	vld [tilespmem:s7+$0x120]  }
0x203: {  	[tilespmem:s7+$0xC0] =	vst v1;
	v1 =	vmul.f32 $8.000000000e+00, v3;
	v3 =	vld [tilespmem:s7+$0x130]  }
0x204: {  	[tilespmem:s7+$0xD0] =	vst v0;
	v0 =	vmul.f32 $8.000000000e+00, v4;
	v4 =	vld [tilespmem:s7+$0x140]  }
0x205: {  	[tilespmem:s7+$0xE0] =	vst v1;
	v1 =	vmul.f32 $8.000000000e+00, v5;
	v5 =	vld [tilespmem:s7+$0x150]  }
0x206: {  	[tilespmem:s7+$0xF0] =	vst v0;
	v0 =	vmul.f32 $8.000000000e+00, v6;
	v6 =	vld [tilespmem:s7+$0x160]  }
0x207: {  	[tilespmem:s7+$0x100] =	vst v1;
	v1 =	vmul.f32 $8.000000000e+00, v2;
	v2 =	vld [tilespmem:s7+$0x170]  }
0x208: {  	[tilespmem:s7+$0x110] =	vst v0;
	v0 =	vmul.f32 $8.000000000e+00, v3;
	v3 =	vld [tilespmem:s7+$0x180]  }
0x209: {  	[tilespmem:s7+$0x120] =	vst v1;
	v1 =	vmul.f32 $8.000000000e+00, v4;
	v4 =	vld [tilespmem:s7+$0x190]  }
0x20a: {  	v7 =	vld [tilespmem:s7+$0x1A0];
	[tilespmem:s7+$0x130] =	vst v0;
	v5 =	vmul.f32 $8.000000000e+00, v5  }
0x20b: {  	v0 =	vld [tilespmem:s7+$0x1B0];
	[tilespmem:s7+$0x140] =	vst v1;
	v6 =	vmul.f32 $8.000000000e+00, v6  }
0x20c: {  	v1 =	vld [tilespmem:s7+$0x1C0];
	[tilespmem:s7+$0x150] =	vst v5;
	v5 =	vmul.f32 $8.000000000e+00, v2  }
0x20d: {  	v2 =	vld [tilespmem:s7+$0x1D0];
	[tilespmem:s7+$0x160] =	vst v6;
	v6 =	vmul.f32 $8.000000000e+00, v3  }
0x20e: {  	v3 =	vld [tilespmem:s7+$0x1E0];
	[tilespmem:s7+$0x170] =	vst v5;
	v5 =	vmul.f32 $8.000000000e+00, v4  }
0x20f: {  	s14 =	simm.s32 $0x0;
	s18 =	simm.s32 $0x8600;
	v4 =	vld [tilespmem:s7+$0x0];
	[tilespmem:s7+$0x180] =	vst v6;
	v6 =	vmul.f32 $8.000000000e+00, v7  }
.LBB2_10:
0x210: {  	v7 =	vld [tilespmem:s18+$0x1F0];
	s14 =	sadd.s32 $0x8, s14;
	[tilespmem:s7+$0x190] =	vst v5;
	v0 =	vmul.f32 $8.000000000e+00, v0  }
0x211: {  	v5 =	vld [tilespmem:s18+$0x10];
	p0 =	slt.u32 s14, $0x1F8;
	[tilespmem:s7+$0x1A0] =	vst v6;
	v1 =	vmul.f32 $8.000000000e+00, v1  }
0x212: {  	v6 =	vld [tilespmem:s18+$0x20];
	[tilespmem:s7+$0x1B0] =	vst v0;
	v0 =	vmul.f32 $8.000000000e+00, v2  }
0x213: {  	v2 =	vld [tilespmem:s18+$0x30];
	[tilespmem:s7+$0x1C0] =	vst v1;
	v1 =	vmul.f32 $8.000000000e+00, v3  }
0x214: {  	v3 =	vld [tilespmem:s18+$0x40];
	v4 =	vmul.f32 $8.000000000e+00, v4;
	[tilespmem:s7+$0x1D0] =	vst v0  }
0x215: {  	v0 =	vld [tilespmem:s18+$0x50];
	v7 =	vmul.f32 $8.000000000e+00, v7;
	[tilespmem:s7+$0x1E0] =	vst v1  }
0x216: {  	v1 =	vmul.f32 $8.000000000e+00, v5;
	v5 =	vld [tilespmem:s18+$0x60];
	[tilespmem:s7+$0x0] =	vst v4;
	s7 =	smov.u32 s18  }
0x217: {  	v4 =	vmul.f32 $8.000000000e+00, v6;
	v6 =	vld [tilespmem:s18+$0x70];
	[tilespmem:s18+$0x1F0] =	vst v7  }
0x218: {  	[tilespmem:s18+$0x10] =	vst v1;
	v1 =	vmul.f32 $8.000000000e+00, v2;
	v2 =	vld [tilespmem:s18+$0x80]  }
0x219: {  	[tilespmem:s18+$0x20] =	vst v4;
	v3 =	vmul.f32 $8.000000000e+00, v3;
	v4 =	vld [tilespmem:s18+$0x90]  }
0x21a: {  	[tilespmem:s18+$0x30] =	vst v1;
	v0 =	vmul.f32 $8.000000000e+00, v0;
	v1 =	vld [tilespmem:s18+$0xA0]  }
0x21b: {  	[tilespmem:s18+$0x40] =	vst v3;
	v3 =	vmul.f32 $8.000000000e+00, v5;
	v5 =	vld [tilespmem:s18+$0xB0]  }
0x21c: {  	[tilespmem:s18+$0x50] =	vst v0;
	v0 =	vmul.f32 $8.000000000e+00, v6;
	v6 =	vld [tilespmem:s18+$0xC0]  }
0x21d: {  	[tilespmem:s18+$0x60] =	vst v3;
	v2 =	vmul.f32 $8.000000000e+00, v2;
	v3 =	vld [tilespmem:s18+$0xD0]  }
0x21e: {  	[tilespmem:s18+$0x70] =	vst v0;
	v0 =	vmul.f32 $8.000000000e+00, v4;
	v4 =	vld [tilespmem:s18+$0xE0]  }
0x21f: {  	[tilespmem:s18+$0x80] =	vst v2;
	v1 =	vmul.f32 $8.000000000e+00, v1;
	v2 =	vld [tilespmem:s18+$0xF0]  }
0x220: {  	[tilespmem:s18+$0x90] =	vst v0;
	v0 =	vmul.f32 $8.000000000e+00, v5;
	v5 =	vld [tilespmem:s18+$0x100]  }
0x221: {  	[tilespmem:s18+$0xA0] =	vst v1;
	v1 =	vmul.f32 $8.000000000e+00, v6;
	v6 =	vld [tilespmem:s18+$0x110]  }
0x222: {  	[tilespmem:s18+$0xB0] =	vst v0;
	v0 =	vmul.f32 $8.000000000e+00, v3;
	v3 =	vld [tilespmem:s18+$0x120]  }
0x223: {  	[tilespmem:s18+$0xC0] =	vst v1;
	v1 =	vmul.f32 $8.000000000e+00, v4;
	v4 =	vld [tilespmem:s18+$0x130]  }
0x224: {  	[tilespmem:s18+$0xD0] =	vst v0;
	v0 =	vmul.f32 $8.000000000e+00, v2;
	v2 =	vld [tilespmem:s18+$0x140]  }
0x225: {  	[tilespmem:s18+$0xE0] =	vst v1;
	v1 =	vmul.f32 $8.000000000e+00, v5;
	v5 =	vld [tilespmem:s18+$0x150]  }
0x226: {  	[tilespmem:s18+$0xF0] =	vst v0;
	v0 =	vmul.f32 $8.000000000e+00, v6;
	v6 =	vld [tilespmem:s18+$0x160]  }
0x227: {  	[tilespmem:s18+$0x100] =	vst v1;
	v1 =	vmul.f32 $8.000000000e+00, v3;
	v3 =	vld [tilespmem:s18+$0x170]  }
0x228: {  	[tilespmem:s18+$0x110] =	vst v0;
	v0 =	vmul.f32 $8.000000000e+00, v4;
	v4 =	vld [tilespmem:s18+$0x180]  }
0x229: {  	[tilespmem:s18+$0x120] =	vst v1;
	v1 =	vmul.f32 $8.000000000e+00, v2;
	v7 =	vld [tilespmem:s18+$0x190]  }
0x22a: {  	[tilespmem:s18+$0x130] =	vst v0;
	v2 =	vmul.f32 $8.000000000e+00, v5;
	v8 =	vld [tilespmem:s18+$0x1A0]  }
.Ltmp4:
0x22b: {  	[tilespmem:s18+$0x140] =	vst v1;
	v5 =	vmul.f32 $8.000000000e+00, v6;
	v0 =	vld [tilespmem:s18+$0x1B0];
	(pc) =	sbr.rel @p0 .LBB2_10-.Ltmp4, $4  }
0x22c: {  	[tilespmem:s18+$0x150] =	vst v2;
	v3 =	vmul.f32 $8.000000000e+00, v3;
	v1 =	vld [tilespmem:s18+$0x1C0]  }
0x22d: {  	[tilespmem:s18+$0x160] =	vst v5;
	v6 =	vmul.f32 $8.000000000e+00, v4;
	v2 =	vld [tilespmem:s18+$0x1D0]  }
0x22e: {  	[tilespmem:s18+$0x170] =	vst v3;
	v5 =	vmul.f32 $8.000000000e+00, v7;
	v3 =	vld [tilespmem:s18+$0x1E0]  }
0x22f: {  	s18 =	sadd.s32 $0x200, s18;
	v4 =	vld [tilespmem:s7+$0x0];
	[tilespmem:s7+$0x180] =	vst v6;
	v6 =	vmul.f32 $8.000000000e+00, v8  }
0x230: {  	[tilespmem:s7+$0x190] =	vst v5;
	v0 =	vmul.f32 $8.000000000e+00, v0  }
0x231: {  	[tilespmem:s7+$0x1A0] =	vst v6;
	v1 =	vmul.f32 $8.000000000e+00, v1  }
0x232: {  	[tilespmem:s7+$0x1B0] =	vst v0;
	v61 =	vmul.f32 $8.000000000e+00, v2  }
0x233: {  	[tilespmem:s7+$0x1C0] =	vst v1;
	v62 =	vmul.f32 $8.000000000e+00, v3  }
0x234: {  	v63 =	vmul.f32 $8.000000000e+00, v4;
	[tilespmem:s7+$0x1D0] =	vst v61  }
0x235: {  	[tilespmem:s7+$0x1E0] =	vst v62  }
0x236: {  	[tilespmem:s7+$0x0] =	vst v63  }
0x237: {  	s7 =	rddreg [dreg:$0x6]  }
0x238: {  	[hbm4b:s7+s1] =	stream.strided.scatter [tilespmem:s24], [sflag:$0x4], $0x8000, s16, s1, $0x38;
	[tilespmem:$0x10400] =	vst v63  }
0x239: {  	_ =	swait.ge [sflag:s8], $0x8000  }
0x23a: {  	[sflag:s8] =	ssyncset.done $0x0  }
0x23b: {  	[sflag:s8] =	ssyncadd.s32 $0xFFFF8000  }
0x23c: {  	_ =	swait.ge [sflag:s13], $0x8000  }
0x23d: {  	s14 =	rddreg [dreg:$0x8]  }
0x23e: {  	s20 =	rddreg [dreg:$0x7];
	s14 =	sadd.s32 $0x1, s14  }
0x23f: {  	p0 =	sne.s32 s14, s20  }
.Ltmp5:
0x240: {  	_ = 	snop;
	(pc) =	sbr.rel @p0 .LBB2_1-.Ltmp5, $3  }
0x241: {  	_ =	sdelay $0x1  }
0x242: {  	[sflag:s13] =	ssyncset.done $0x0  }
0x243: {  	[sflag:s13] =	ssyncadd.s32 $0xFFFF8000  }
0x244: {  	_ =	sfence.sel $0x180000  }
0x245: {  	[bflag:$0x0] =	sbarrier.arrive $0xFFFF  }
0x246: {  	_ =	strace $0x9000004A  }
0x247: {  	s0 =	stileid.u32;
	[bflag:$0x2] =	sbarrier.arrive $0xFFFF  }
0x248: {  	p0 =	sne.s32 s0, $0x0;
	s0 =	rddreg [dreg:$0x2]  }
0x249: {  	s0 =	sadd.s32 @!p0 $0x100000, s0  }
0x24a: {  	[sflag:s0] =	ssyncadd.tile.s32 @!p0 $0x1;
	_ =	shalt  }
.Lfunc_end2:
_tile_overlayer_lowered:
.L_overlay_start_2:
0x24b: {  	(tag) =	ssettag $0x2  }
0x24c: {  	s0 =	rddreg [dreg:$0x0];
	s2 =	stileid.u32  }
0x24d: {  	s1 =	rddreg [dreg:$0x1];
	p0 =	sne.s32 s2, $0x0  }
0x24e: {  	s3 =	rddreg [dreg:$0x2];
	[bflag:$0x3] =	sbarrier.arrive $0xFFFF;
	s2 =	simm.s32 @!p0 $0x1C05  }
0x24f: {  	[timem:s3], [sflag:s2] =	dma.local @!p0 [hbm:s0], s1  }
0x250: {  	s0 =	simm.s32 @!p0 $0x5  }
0x251: {  	_ =	swait.ge @!p0 [sflag:s0], s1  }
0x252: {  	s1 =	ssub.s32 @!p0 $0x0, s1;
	[sflag:s0] =	ssyncset.done @!p0 $0x0  }
0x253: {  	[sflag:s0] =	ssyncadd.s32 @!p0 s1  }
0x254: {  	[bflag:$0x3] =	sbarrier.arrive $0xFFFF  }
0x255: {  	_ =	shalt  }

// kernel: sparse-core-data-format-call.1.cloned.1.call-start
scs
called_computation.1_lowered:
.L_overlay_start_0:
0x0: {  	s2 =	sld [smem:$0x3FD9]  }
0x1: {  	s3 =	sld [smem:$0x3FFE];
	_ =	sdelay $0x1  }
0x2: {  	s1 =	srdreg.scid  }
0x3: {  	s0 =	sand.u32 $0x1, s1  }
0x4: {  	s18 =	sshll.u32 s0, $0xA;
	s2 =	sadd.s32 s3, s2  }
0x5: {  	s2 =	sadd.s32 s2, s18  }
0x6: {  	[smem:$0x3FC6] =	sst s2  }
0x7: {  	_ = 	snop  }
0x8: {  	s2 =	sld [smem:$0x3FC8];
	(tm) =	ssettm $0x1  }
0x9: {  	s19 =	sld [smem:$0x3FFB];
	_ =	sdelay $0x3  }
0xa: {  	_ =	strace s19  }
0xb: {  	s3 =	sld [smem:$0x3FFC];
	_ =	sdelay $0x3  }
0xc: {  	_ =	strace s3  }
0xd: {  	s3 =	sld [smem:$0x3FFD];
	_ =	sdelay $0x3  }
0xe: {  	_ =	strace s3  }
0xf: {  	_ =	strace $0x8FFFFFFF  }
0x10: {  	s20 =	sld [smem:$0x3FDB];
	_ =	sdelay $0x1  }
0x11: {  	s4 =	simm.s32 $_scs_section_size  }
0x12: {  	s5 =	simm.s32 $_size__tile_overlayer_lowered;
	s6 =	simm.s32 $_tile_overlayer_lowered  }
0x13: {  	s23 =	simm.s32 $0x1BFF;
	s22 =	sshll.u32 s6, $0x1;
	s3 =	sadd.s32 s4, s20  }
0x14: {  	s7 =	simm.s32 $0x0;
	s21 =	sshll.u32 s5, $0x1;
	s5 =	sadd.s32 s22, s3  }
0x15: {  	[timem:s7], [sflag:s23] =	dma.local [hbm:s5], s21  }
0x16: {  	_ =	swait.ge [sflag:s23], s21  }
0x17: {  	s4 =	ssub.s32 $0x0, s21;
	[sflag:s23] =	ssyncset.done $0x0  }
0x18: {  	[sflag:s23] =	ssyncadd.s32 s4;
	_ =	sdelay $0x1  }
0x19: {  	s24 =	simm.s32 $0x1B8B  }
0x1a: {  	_ =	swait.ge [sflag:s24], $0x1  }
0x1b: {  	[sflag:s24] =	ssyncset.done $0x0  }
0x1c: {  	s26 =	simm.s32 $0x1B8E;
	s25 =	sld [smem:$0x3FFE];
	[sflag:s24] =	ssyncadd.s32 $0xFFFFFFFF  }
0x1d: {  	s27 =	simm.s32 $execute0_lowered;
	[smem:$0x3FD2] =	sst s26  }
0x1e: {  	s5 =	sshll.u32 s27, $0x1;
	_ =	strace $0x80000046;
	[dreg:$0x1] =	wrdreg $0xFFFFFFFF  }
0x1f: {  	s28 =	simm.s32 $_size_execute0_lowered;
	s3 =	sadd.s32 s3, s5;
	[dreg:$0x0] =	wrdreg $0x0  }
0x20: {  	s5 =	sshll.u32 s28, $0x1;
	[dreg:$0x2] =	wrdreg s3  }
0x21: {  	[dreg:$0x3] =	wrdreg s5  }
0x22: {  	[dreg:$0x4] =	wrdreg $0xC0  }
0x23: {  	_ =	task [dreg:s7], $0x5FFFF  }
0x24: {  	[dreg:$0x1] =	wrdreg $0xFFFFFFFF  }
0x25: {  	[dreg:$0x0] =	wrdreg $0x60  }
0x26: {  	[dreg:$0x2] =	wrdreg s2  }
0x27: {  	[dreg:$0x3] =	wrdreg s25  }
0x28: {  	[dreg:$0x4] =	wrdreg $0x9  }
0x29: {  	_ =	task.clear_ibuf [dreg:s7], $0x5FFFF;
	_ =	strace $0x90000046  }
0x2a: {  	s29 =	simm.s32 $0x9;
	_ =	strace $0x80000048  }
0x2b: {  	_ =	swait.ge [sflag:s29], $0x1  }
0x2c: {  	[sflag:s29] =	ssyncadd.s32 $0xFFFFFFFF  }
0x2d: {  	_ =	strace $0x90000048  }
0x2e: {  	_ =	sfence  }
0x2f: {  	s30 =	sld [smem:$0x0];
	_ =	sdelay $0x2  }
0x30: {  	s31 =	sshll.u32 s1, $0xD;
	s1 =	sshrl.u32 s1, $0x2  }
0x31: {  	s3 =	sand.u32 $0x4000, s31;
	s1 =	sadd.s32 s1, s30  }
0x32: {  	s0 =	sor.u32 s3, s0;
	s1 =	sshll.u32 s1, $0x11  }
0x33: {  	s0 =	sor.u32 s1, s0  }
0x34: {  	s0 =	sadd.s32 $0x8F2B, s0  }
0x35: {  	[sflag:s0] =	ssyncadd.remote.s32 $0x1  }
0x36: {  	_ =	sfence.sel $0xFFFF  }
0x37: {  	[dreg:$0x0] =	wrdreg $0xFFFFFFFF;
	(pc) =	sbr.abs _section_cstart, $3  }
0x38: {  	[dreg:$0x1] =	wrdreg $0xFFFFFFFF  }
0x39: {  	_ =	task.clear_ibuf [dreg:s7], $0x2FFFF;
	_ =	strace $0x9FFFFFFF  }
0x3a: {  	(tm) =	ssettm $0x7FFFFFFF  }
0x3b: {  	_ =	shalt  }
tec
execute0_lowered:
.L_overlay_start_1:
0x0: {  	(tag) =	ssettag $0x1  }
0x1: {  	s0 =	srdreg.scid;
	s2 =	rddreg [dreg:$0x0]  }
0x2: {  	s5 =	rddreg [dreg:$0x1];
	s1 =	stileid.u32  }
0x3: {  	s4 =	simm.s32 $0x1;
	s6 =	simm.s32 $0x2;
	s15 =	simm.s32 $0x0  }
0x4: {  	p0 =	por $0x0, $0x0;
	s8 =	simm.s32 $0x80;
	s0 =	sshll.u32 s0, $0x4  }
0x5: {  	s14 =	simm.s32 $0x0;
	s9 =	simm.s32 $0x0;
	s3 =	sand.u32 $0x10, s0  }
.Ltmp0:
0x6: {  	s10 =	simm.s32 $0x0;
	s3 =	sor.u32 s1, s3;
	(pc) =	sbr.rel .LBB1_1-.Ltmp0, $4  }
0x7: {  	s0 =	rddreg [dreg:$0x2];
	_ =	strace $0x80000047;
	s3 =	sshll.u32 s3, $0x7  }
0x8: {  	s12 =	simm.s32 $0x0;
	[sflag:s4] =	ssyncpa.u1 $0x0;
	s7 =	ssub.s32 $0xF4200, s3  }
0x9: {  	s13 =	simm.s32 $0x0;
	[sflag:s6] =	ssyncpa.u1 $0x0;
	s6 =	sshrl.u32 s7, $0xC  }
0xa: {  	s5 =	sadd.s32 $0xE00, s5;
	s11 =	smov.u32 s3;
	s7 =	sadd.s32 $0x2, s6  }
.LBB1_5:
0xb: {  	p1 =	slt.u32 s13, $0x2  }
0xc: {  	s17 =	smov.u32 s15;
	p2 =	sgt.s32 @!p1 s15, $0xF41C0;
	s16 =	sshra.s32 @!p1 s15, $0x1F  }
0xd: {  	p3 =	sgt.s32 @!p1 s14, $0x40;
	s18 =	sshra.s32 @!p1 s14, $0x1F;
	p2 =	por !p2, p1  }
0xe: {  	s15 =	sand.u32 @!p1 s16, s15;
	p3 =	por !p3, p1;
	s16 =	smov.u32 s14  }
0xf: {  	s14 =	sand.u32 @!p1 s18, s14;
	s17 =	simm.s32 @p2 $0xF41C0;
	s16 =	simm.s32 @p3 $0x40  }
0x10: {  	s15 =	ssub.s32 @!p1 s17, s15;
	s14 =	ssub.s32 @!p1 s16, s14  }
0x11: {  	s18 =	smov.u32 s12;
	s16 =	sadd.s32 @!p1 $0xFFF0BE40, s15;
	s17 =	sadd.s32 @!p1 $0xFFFFFFC0, s14  }
0x12: {  	s15 =	ssub.s32 @!p1 $0xF4240, s15;
	p2 =	sgt.s32 @!p1 s16, $0x7F;
	p3 =	sgt.s32 @!p1 s17, $0x3F  }
0x13: {  	s14 =	ssub.s32 @!p1 $0x80, s14;
	p2 =	por !p2, p1;
	p3 =	por !p3, p1  }
0x14: {  	s16 =	sadd.s32 $0x1000, s11;
	s15 =	simm.s32 @!p2 $0x0;
	s14 =	simm.s32 @!p3 $0x0  }
0x15: {  	p2 =	sgt.s32 s16, $0xF423F;
	s14 =	smul.u32 @!p1 s14, s15;
	s15 =	sadd.s32 $0x40, s12  }
0x16: {  	s18 =	smov.u32 @p2 s15  }
0x17: {  	s16 =	smov.u32 @p2 s3;
	p2 =	sgt.s32 s18, $0x3F  }
0x18: {  	s18 =	simm.s32 @p2 $0x0;
	p2 =	sne.s32 s13, s7  }
.Ltmp1:
0x19: {  	p0 =	por !p0, !p0;
	s17 =	simm.s32 @!p1 $0x2;
	(pc) =	sbr.rel @!p2 .LBB1_6-.Ltmp1, $4  }
0x1a: {  	s15 =	smov.u32 s9;
	s9 =	smov.u32 s11;
	s14 =	sand.u32 @!p1 $0x3FFFFFFF, s14  }
0x1b: {  	s11 =	smov.u32 s16;
	_ =	swait.ge @!p1 [sflag:s17], s14;
	s19 =	ssub.s32 @!p1 $0x0, s14  }
0x1c: {  	s14 =	smov.u32 s10;
	s13 =	sadd.s32 $0x1, s13;
	[sflag:s17] =	ssyncset.done @!p1 $0x0  }
0x1d: {  	s10 =	smov.u32 s12;
	s12 =	smov.u32 s18;
	[sflag:s17] =	ssyncadd.s32 @!p1 s19  }
.LBB1_1:
0x1e: {  	p1 =	sgt.u32 s13, s6  }
0x1f: {  	s16 =	sshrl.u32 @!p1 s12, $0x3  }
0x20: {  	s17 =	sshll.u32 @!p1 s11, $0x3;
	s16 =	smul.u32 @!p1 $0x7A1400, s16  }
0x21: {  	s18 =	sshll.u32 @!p1 s12, $0x7;
	s17 =	sand.u32 @!p1 $0xFFFFFC00, s17  }
0x22: {  	s16 =	sadd.s32 @!p1 s16, s17;
	s17 =	sand.u32 @!p1 $0x380, s18  }
0x23: {  	s18 =	sand.u32 @!p1 $0x7F, s11;
	s16 =	sor.u32 @!p1 s17, s16  }
0x24: {  	s17 =	sor.u32 @!p1 s18, s16  }
0x25: {  	s18 =	smulhi.u32 @!p1 $0x218D6287, s17;
	_ =	sdelay $0x1  }
0x26: {  	s16 =	smulhi.u32 @!p1 $0x218D6287, s16;
	s18 =	sshrl.u32 @!p1 s18, $0x11  }
0x27: {  	s18 =	smul.u32 @!p1 $0xF4280, s18  }
0x28: {  	s19 =	sxor.u32 @!p1 $0xFFFFFFFF, s13;
	s16 =	sshrl.u32 @!p1 s16, $0x11  }
0x29: {  	s19 =	sshll.u32 @!p1 s19, $0xD;
	s16 =	sand.u32 @!p1 $0x3F, s16;
	s17 =	ssub.s32 @!p1 s17, s18  }
0x2a: {  	s16 =	smul.u32 @!p1 $0x1E850, s16;
	s18 =	sshrl.u32 @!p1 s17, $0x3;
	s17 =	sand.u32 @!p1 $0x7, s17  }
0x2b: {  	s19 =	sand.u32 @!p1 $0x2000, s19;
	s18 =	sadd.s32 @!p1 s2, s18;
	s17 =	sshll.u32 @!p1 s17, $0x12  }
0x2c: {  	s16 =	sadd.s32 @!p1 s16, s18;
	s17 =	sor.u32 @!p1 $0x400, s17;
	s18 =	simm.s32 @!p1 $0x7A1400  }
0x2d: {  	[tilespmem:s19], [sflag:$0x1] =	stream.strided.gather @!p1 [hbm4b:s16+s17], $0x2000, s18, s17, $0x38;
	[tilespmem:$0x8100] =	vst v63  }
0x2e: {  	p1 =	seq.s32 s13, $0x0  }
0x2f: {  	p2 =	sge.u32 @!p1 s13, s7  }
0x30: {  	p1 =	por p1, p2  }
.Ltmp2:
0x31: {  	_ = 	snop;
	(pc) =	sbr.rel @p1 .LBB1_5-.Ltmp2, $1  }
0x32: {  	_ =	sdelay $0x3  }
0x33: {  	s16 =	simm.s32 $0x1  }
0x34: {  	_ =	swait.ge [sflag:s4], $0x2000;
	s16 =	simm.s32 @!p0 $0x0  }
0x35: {  	[sflag:s4] =	ssyncset.done $0x0;
	s17 =	sshll.u32 s16, $0xD  }
0x36: {  	[sflag:s4] =	ssyncadd.s32 $0xFFFFE000;
	s17 =	sor.u32 $0x40, s17  }
0x37: {  	s16 =	smul.u32 $0x8200, s16;
	v0 =	vld [tilespmem:s17+$0x30]  }
0x38: {  	v1 =	vld [tilespmem:s17+$0xFFFFFFD0]  }
0x39: {  	s16 =	sshrl.u32 s16, $0x2;
	v5 =	vld [tilespmem:s17+$0xFFFFFFE0]  }
0x3a: {  	v6 =	vld [tilespmem:s17+$0xFFFFFFF0];
	s19 =	sor.u32 $0x4000, s16  }
0x3b: {  	s31 =	sand.u32 $0x1, s13;
	v4 =	vld [tilespmem:s17+$0x0];
	s18 =	sadd.s32 $0x0, s19  }
0x3c: {  	v3 =	vld [tilespmem:s17+$0x10];
	s16 =	smul.u32 $0x8200, s31;
	[tilespmem:s18+$0x1C70 ss:$0x41] =	vst.msk $0xffff, v0  }
0x3d: {  	v2 =	vld [tilespmem:s17+$0x20];
	[tilespmem:s18+$0x410 ss:$0x41] =	vst.msk $0xffff, v1  }
0x3e: {  	s16 =	sshrl.u32 s16, $0x2;
	v1 =	vld [tilespmem:s17+$0xFFFFFFC0];
	[tilespmem:s18+$0x820 ss:$0x41] =	vst.msk $0xffff, v5;
	s17 =	sadd.s32 $0x80, s17  }
0x3f: {  	s20 =	simm.s32 $0x4;
	s21 =	simm.s32 $0x8;
	s16 =	sor.u32 $0x4000, s16;
	[tilespmem:s18+$0xC30 ss:$0x41] =	vst.msk $0xffff, v6;
	v0 =	vld [tilespmem:s17+$0x30]  }
.LBB1_3:
0x40: {  	p1 =	sne.s32 s21, $0xFC;
	v5 =	vld [tilespmem:s17+$0xFFFFFFD0];
	[tilespmem:s18+$0x1040 ss:$0x41] =	vst.msk $0xffff, v4  }
0x41: {  	v6 =	vld [tilespmem:s17+$0xFFFFFFE0];
	[tilespmem:s18+$0x1450 ss:$0x41] =	vst.msk $0xffff, v3  }
0x42: {  	s22 =	sshra.s32 s20, $0x2;
	s20 =	smov.u32 s21;
	v7 =	vld [tilespmem:s17+$0xFFFFFFF0];
	[tilespmem:s18+$0x1860 ss:$0x41] =	vst.msk $0xffff, v2  }
.Ltmp3:
0x43: {  	v4 =	vld [tilespmem:s17+$0x0];
	[tilespmem:s18+$0x0 ss:$0x41] =	vst.msk $0xffff, v1;
	s18 =	sadd.s32 s22, s19;
	(pc) =	sbr.rel @p1 .LBB1_3-.Ltmp3, $4  }
0x44: {  	v3 =	vld [tilespmem:s17+$0x10];
	[tilespmem:s18+$0x1C70 ss:$0x41] =	vst.msk $0xffff, v0  }
0x45: {  	[tilespmem:s18+$0x410 ss:$0x41] =	vst.msk $0xffff, v5;
	v2 =	vld [tilespmem:s17+$0x20]  }
0x46: {  	v1 =	vld [tilespmem:s17+$0xFFFFFFC0];
	[tilespmem:s18+$0x820 ss:$0x41] =	vst.msk $0xffff, v6;
	s17 =	sadd.s32 $0x80, s17  }
0x47: {  	s21 =	sadd.s32 $0x4, s21;
	v0 =	vld [tilespmem:s17+$0x30];
	[tilespmem:s18+$0xC30 ss:$0x41] =	vst.msk $0xffff, v7  }
0x48: {  	s21 =	sshll.u32 s9, $0x7;
	s22 =	sshll.u32 s10, $0x3;
	s20 =	sshra.s32 s20, $0x2  }
0x49: {  	p1 =	sgt.s32 s9, $0xF41C0;
	s30 =	sshra.s32 s9, $0x1F;
	s25 =	sshra.s32 s10, $0x1F  }
0x4a: {  	v5 =	vld [tilespmem:s17+$0xFFFFFFD0];
	s28 =	sshrl.u32 s10, $0x3;
	s23 =	sand.u32 $0xFFFFFC00, s21;
	s22 =	sand.u32 $0xFFFFFC00, s22  }
0x4b: {  	[tilespmem:s18+$0x1040 ss:$0x41] =	vst.msk $0xffff, v4;
	v58 =	vld [tilespmem:s17+$0xFFFFFFE0];
	s21 =	sand.u32 $0x380, s21;
	s19 =	sadd.s32 s20, s19;
	s22 =	sadd.s32 s22, s23  }
0x4c: {  	v59 =	vld [tilespmem:s17+$0xFFFFFFF0];
	[tilespmem:s18+$0x1450 ss:$0x41] =	vst.msk $0xffff, v3;
	s29 =	sor.u32 s21, s22;
	s21 =	smov.u32 s9;
	s22 =	sand.u32 s30, s9  }
0x4d: {  	v60 =	vld [tilespmem:s17+$0x0];
	[tilespmem:s18+$0x1860 ss:$0x41] =	vst.msk $0xffff, v2;
	s30 =	sand.u32 $0x7, s10;
	s20 =	sshrl.u32 s29, $0x7;
	s21 =	simm.s32 @!p1 $0xF41C0  }
0x4e: {  	v61 =	vld [tilespmem:s17+$0x10];
	[tilespmem:s18+$0x0 ss:$0x41] =	vst.msk $0xffff, v1;
	p1 =	sgt.s32 s10, $0x40;
	s24 =	ssub.s32 s21, s22;
	s21 =	smov.u32 s10  }
0x4f: {  	v62 =	vld [tilespmem:s17+$0x20];
	[tilespmem:s19+$0x1C70 ss:$0x41] =	vst.msk $0xffff, v0;
	s31 =	smulhi.u32 $0x218DEF5, s20;
	s22 =	sand.u32 s25, s10;
	s21 =	simm.s32 @!p1 $0x40  }
0x50: {  	v63 =	vld [tilespmem:s17+$0xFFFFFFC0];
	[tilespmem:s19+$0x410 ss:$0x41] =	vst.msk $0xffff, v5;
	s26 =	sadd.s32 $0xFFF0BE40, s24;
	s17 =	ssub.s32 $0xF4240, s24;
	s21 =	ssub.s32 s21, s22  }
0x51: {  	[tilespmem:s19+$0x820 ss:$0x41] =	vst.msk $0xffff, v58;
	s23 =	sshrl.u32 s31, $0xD;
	p1 =	sgt.s32 s26, $0x7F;
	s27 =	sadd.s32 $0xFFFFFFC0, s21  }
0x52: {  	[tilespmem:s19+$0xC30 ss:$0x41] =	vst.msk $0xffff, v59;
	s23 =	smul.u32 $0xF4240, s23;
	s18 =	ssub.s32 $0x80, s21;
	p2 =	sgt.s32 s27, $0x3F  }
.Ltmp4:
0x53: {  	[tilespmem:s19+$0x1040 ss:$0x41] =	vst.msk $0xffff, v60;
	s17 =	simm.s32 @p1 $0x0;
	s18 =	simm.s32 @p2 $0x0;
	(pc) =	sbr.rel .LBB1_5-.Ltmp4, $4  }
0x54: {  	s29 =	sand.u32 $0xF, s28;
	[tilespmem:s19+$0x1450 ss:$0x41] =	vst.msk $0xffff, v61;
	s20 =	ssub.s32 s20, s23;
	s17 =	smul.u32 s18, s17  }
0x55: {  	[tilespmem:s19+$0x1860 ss:$0x41] =	vst.msk $0xffff, v62;
	s21 =	sshll.u32 s30, $0x12;
	s20 =	sshll.u32 s20, $0x4;
	s18 =	sadd.s32 s5, s29  }
0x56: {  	[tilespmem:s19+$0x0 ss:$0x41] =	vst.msk $0xffff, v63;
	s31 =	sor.u32 $0x40, s21;
	s18 =	sadd.s32 s20, s18;
	s17 =	sand.u32 $0x3FFFFFFF, s17  }
0x57: {  	[hbm4b:s18+s31] =	stream.strided.scatter [tilespmem:s16], [sflag:$0x2], s17, s8, s31, $0x18;
	[tilespmem:$0x8100] =	vst v63  }
.LBB1_6:
0x58: {  	_ =	sfence.sel $0x180000  }
0x59: {  	s2 =	simm.s32 $0x1;
	[bflag:$0x0] =	sbarrier.arrive $0xFFFF  }
0x5a: {  	s31 =	simm.s32 $0x2;
	[sflag:s2] =	ssyncpa.u1 $0x1  }
0x5b: {  	[sflag:s31] =	ssyncpa.u1 $0x1  }
0x5c: {  	p0 =	sne.s32 s1, $0x0;
	_ =	strace $0x90000047  }
0x5d: {  	s0 =	sadd.s32 @!p0 $0x100000, s0;
	[bflag:$0x2] =	sbarrier.arrive $0xFFFF  }
0x5e: {  	[sflag:s0] =	ssyncadd.tile.s32 @!p0 $0x1;
	_ =	shalt  }
.Lfunc_end1:
_tile_overlayer_lowered:
.L_overlay_start_2:
0x5f: {  	(tag) =	ssettag $0x2  }
0x60: {  	s0 =	rddreg [dreg:$0x0];
	s2 =	stileid.u32  }
0x61: {  	s1 =	rddreg [dreg:$0x1];
	p0 =	sne.s32 s2, $0x0  }
0x62: {  	s3 =	rddreg [dreg:$0x2];
	[bflag:$0x3] =	sbarrier.arrive $0xFFFF;
	s2 =	simm.s32 @!p0 $0x1C01  }
0x63: {  	[timem:s3], [sflag:s2] =	dma.local @!p0 [hbm:s0], s1  }
0x64: {  	s0 =	simm.s32 @!p0 $0x1  }
0x65: {  	_ =	swait.ge @!p0 [sflag:s0], s1  }
0x66: {  	s1 =	ssub.s32 @!p0 $0x0, s1;
	[sflag:s0] =	ssyncset.done @!p0 $0x0  }
0x67: {  	[sflag:s0] =	ssyncadd.s32 @!p0 s1  }
0x68: {  	[bflag:$0x3] =	sbarrier.arrive $0xFFFF  }
0x69: {  	_ =	shalt  }

// kernel: sparse-core-data-format-call.cloned.1.call-start
scs
called_computation_lowered:
.L_overlay_start_0:
0x0: {  	s2 =	sld [smem:$0x3FD9]  }
0x1: {  	s3 =	sld [smem:$0x3FFE];
	_ =	sdelay $0x1  }
0x2: {  	s1 =	srdreg.scid  }
0x3: {  	s0 =	sand.u32 $0x1, s1  }
0x4: {  	s18 =	sshll.u32 s0, $0xA;
	s2 =	sadd.s32 s3, s2  }
0x5: {  	s2 =	sadd.s32 s2, s18  }
0x6: {  	[smem:$0x3FC6] =	sst s2  }
0x7: {  	_ = 	snop  }
0x8: {  	s2 =	sld [smem:$0x3FD0];
	(tm) =	ssettm $0x1  }
0x9: {  	s19 =	sld [smem:$0x3FFB];
	_ =	sdelay $0x3  }
0xa: {  	_ =	strace s19  }
0xb: {  	s3 =	sld [smem:$0x3FFC];
	_ =	sdelay $0x3  }
0xc: {  	_ =	strace s3  }
0xd: {  	s3 =	sld [smem:$0x3FFD];
	_ =	sdelay $0x3  }
0xe: {  	_ =	strace s3  }
0xf: {  	_ =	strace $0x8FFFFFFF  }
0x10: {  	s20 =	sld [smem:$0x3FDB];
	_ =	sdelay $0x1  }
0x11: {  	s4 =	simm.s32 $_scs_section_size  }
0x12: {  	s5 =	simm.s32 $_size__tile_overlayer_lowered;
	s6 =	simm.s32 $_tile_overlayer_lowered  }
0x13: {  	s23 =	simm.s32 $0x1BFF;
	s22 =	sshll.u32 s6, $0x1;
	s3 =	sadd.s32 s4, s20  }
0x14: {  	s7 =	simm.s32 $0x0;
	s21 =	sshll.u32 s5, $0x1;
	s5 =	sadd.s32 s22, s3  }
0x15: {  	[timem:s7], [sflag:s23] =	dma.local [hbm:s5], s21  }
0x16: {  	_ =	swait.ge [sflag:s23], s21  }
0x17: {  	s4 =	ssub.s32 $0x0, s21;
	[sflag:s23] =	ssyncset.done $0x0  }
0x18: {  	[sflag:s23] =	ssyncadd.s32 s4;
	_ =	sdelay $0x1  }
0x19: {  	s24 =	simm.s32 $0x1B8B  }
0x1a: {  	_ =	swait.ge [sflag:s24], $0x1  }
0x1b: {  	[sflag:s24] =	ssyncset.done $0x0  }
0x1c: {  	s26 =	simm.s32 $0x1B8E;
	s25 =	sld [smem:$0x3FFE];
	[sflag:s24] =	ssyncadd.s32 $0xFFFFFFFF  }
0x1d: {  	s27 =	simm.s32 $execute0_lowered;
	[smem:$0x3FD2] =	sst s26  }
0x1e: {  	s5 =	sshll.u32 s27, $0x1;
	_ =	strace $0x8000004C;
	[dreg:$0x1] =	wrdreg $0xFFFFFFFF  }
0x1f: {  	s28 =	simm.s32 $_size_execute0_lowered;
	s3 =	sadd.s32 s3, s5;
	[dreg:$0x0] =	wrdreg $0x0  }
0x20: {  	s5 =	sshll.u32 s28, $0x1;
	[dreg:$0x2] =	wrdreg s3  }
0x21: {  	[dreg:$0x3] =	wrdreg s5  }
0x22: {  	[dreg:$0x4] =	wrdreg $0xC0  }
0x23: {  	_ =	task [dreg:s7], $0x5FFFF  }
0x24: {  	[dreg:$0x1] =	wrdreg $0xFFFFFFFF  }
0x25: {  	[dreg:$0x0] =	wrdreg $0x60  }
0x26: {  	[dreg:$0x2] =	wrdreg s25  }
0x27: {  	[dreg:$0x3] =	wrdreg s2  }
0x28: {  	[dreg:$0x4] =	wrdreg $0x9  }
0x29: {  	_ =	task.clear_ibuf [dreg:s7], $0x5FFFF;
	_ =	strace $0x9000004C  }
0x2a: {  	s29 =	simm.s32 $0x9;
	_ =	strace $0x8000004E  }
0x2b: {  	_ =	swait.ge [sflag:s29], $0x1  }
0x2c: {  	[sflag:s29] =	ssyncadd.s32 $0xFFFFFFFF  }
0x2d: {  	_ =	strace $0x9000004E  }
0x2e: {  	_ =	sfence  }
0x2f: {  	s30 =	sld [smem:$0x0];
	_ =	sdelay $0x2  }
0x30: {  	s31 =	sshll.u32 s1, $0xD;
	s1 =	sshrl.u32 s1, $0x2  }
0x31: {  	s3 =	sand.u32 $0x4000, s31;
	s1 =	sadd.s32 s1, s30  }
0x32: {  	s0 =	sor.u32 s3, s0;
	s1 =	sshll.u32 s1, $0x11  }
0x33: {  	s0 =	sor.u32 s1, s0  }
0x34: {  	s0 =	sadd.s32 $0x8F2B, s0  }
0x35: {  	[sflag:s0] =	ssyncadd.remote.s32 $0x1  }
0x36: {  	_ =	sfence.sel $0xFFFF  }
0x37: {  	[dreg:$0x0] =	wrdreg $0xFFFFFFFF;
	(pc) =	sbr.abs _section_cstart, $3  }
0x38: {  	[dreg:$0x1] =	wrdreg $0xFFFFFFFF  }
0x39: {  	_ =	task.clear_ibuf [dreg:s7], $0x2FFFF;
	_ =	strace $0x9FFFFFFF  }
0x3a: {  	(tm) =	ssettm $0x7FFFFFFF  }
0x3b: {  	_ =	shalt  }
tec
execute0_lowered:
.L_overlay_start_1:
0x0: {  	(tag) =	ssettag $0x1  }
0x1: {  	s0 =	srdreg.scid  }
0x2: {  	s1 =	sshll.u32 s0, $0x4  }
0x3: {  	s0 =	stileid.u32;
	s1 =	sand.u32 $0x10, s1  }
0x4: {  	s1 =	sor.u32 s0, s1  }
0x5: {  	s6 =	rddreg [dreg:$0x0];
	s4 =	simm.s32 $0x1;
	s2 =	sshll.u32 s1, $0x7  }
0x6: {  	s7 =	simm.s32 $0x2;
	s12 =	simm.s32 $0x0;
	s1 =	ssub.s32 $0x1000, s2  }
0x7: {  	s8 =	simm.s32 $0x8000;
	s13 =	simm.s32 $0x0;
	s3 =	sand.u32 $0xF80, s1  }
0x8: {  	s9 =	simm.s32 $0x0;
	s5 =	sshrl.u32 s1, $0xC;
	p0 =	sne.s32 s3, $0x0  }
.Ltmp0:
0x9: {  	s1 =	rddreg [dreg:$0x2];
	s4 =	simm.s32 @!p0 $0x0;
	(pc) =	sbr.rel .LBB1_1-.Ltmp0, $4  }
0xa: {  	s11 =	simm.s32 $0x0;
	s3 =	rddreg [dreg:$0x1];
	s5 =	sadd.s32 s4, s5  }
0xb: {  	_ =	strace $0x8000004D;
	s4 =	simm.s32 $0x1;
	s5 =	smul.u32 $0xC8, s5  }
0xc: {  	s6 =	sadd.s32 $0xE00, s6;
	s10 =	smov.u32 s2;
	[sflag:s4] =	ssyncpa.u1 $0x0  }
0xd: {  	p0 =	por $0x0, $0x0;
	[sflag:s7] =	ssyncpa.u1 $0x0;
	s7 =	sor.u32 $0x1, s5  }
.LBB1_4:
0xe: {  	s16 =	sshll.u32 s13, $0x3;
	s17 =	sand.u32 $0x78, s13  }
0xf: {  	s30 =	sand.u32 $0x7E00, s13;
	s12 =	sshll.u32 s12, $0xF;
	s16 =	sand.u32 $0xC00, s16  }
0x10: {  	[tilespmem:s15+$0x810 ss:$0x81] =	vst.msk $0xffff, v2;
	s31 =	sand.u32 $0x7, s13;
	s16 =	sor.u32 s17, s16;
	s17 =	sadd.s32 s3, s30  }
0x11: {  	[tilespmem:s15+$0x1020 ss:$0x81] =	vst.msk $0xffff, v0;
	s13 =	sshll.u32 s31, $0x12;
	s12 =	sadd.s32 s12, s17;
	s16 =	sshrl.u32 s16, $0x3  }
0x12: {  	[tilespmem:s15+$0x0 ss:$0x81] =	vst.msk $0xffff, v1;
	s13 =	sor.u32 $0x400, s13;
	s12 =	sadd.s32 s16, s12  }
0x13: {  	[hbm4b:s12+s13] =	stream.strided.scatter [tilespmem:s14], [sflag:$0x2], $0x2000, s8, s13, $0x20;
	[tilespmem:$0x8080] =	vst v63  }
.LBB1_5:
0x14: {  	s14 =	sadd.s32 $0x1, s9  }
0x15: {  	s12 =	sadd.s32 $0x1000, s10;
	s16 =	smov.u32 s10;
	p2 =	sgt.s32 s14, $0xC7  }
0x16: {  	s16 =	smov.u32 @p2 s12  }
0x17: {  	s14 =	simm.s32 @p2 $0x0;
	p2 =	sgt.s32 s16, $0xFFF  }
0x18: {  	s16 =	smov.u32 @p2 s2;
	p2 =	sne.s32 s11, s7  }
.Ltmp1:
0x19: {  	p1 =	slt.u32 s11, $0x2;
	(pc) =	sbr.rel @!p2 .LBB1_6-.Ltmp1, $4  }
0x1a: {  	s15 =	simm.s32 @!p1 $0x2  }
0x1b: {  	s13 =	smov.u32 s10;
	p0 =	por !p0, !p0;
	_ =	swait.ge @!p1 [sflag:s15], $0x2000  }
0x1c: {  	s12 =	smov.u32 s9;
	[sflag:s15] =	ssyncset.done @!p1 $0x0;
	s9 =	smov.u32 s14  }
0x1d: {  	s11 =	sadd.s32 $0x1, s11;
	[sflag:s15] =	ssyncadd.s32 @!p1 $0xFFFFE000;
	s10 =	smov.u32 s16  }
.LBB1_1:
0x1e: {  	p1 =	sge.u32 s11, s5  }
0x1f: {  	s14 =	sand.u32 @!p1 $0x1FFFFFF, s9  }
0x20: {  	s15 =	smulhi.u32 @!p1 $0x147AE15, s14;
	_ =	sdelay $0x1  }
0x21: {  	s15 =	smul.u32 @!p1 $0xC8, s15  }
0x22: {  	s16 =	sxor.u32 @!p1 $0xFFFFFFFF, s11;
	s17 =	smul.u32 @!p1 $0xC80, s10  }
0x23: {  	s31 =	sadd.s32 $0xFFFFFFFF, s11;
	s16 =	sshll.u32 @!p1 s16, $0xD;
	s14 =	ssub.s32 @!p1 s14, s15  }
0x24: {  	s15 =	sand.u32 @!p1 $0x2000, s16;
	s16 =	sadd.s32 @!p1 s6, s17;
	s14 =	sshll.u32 @!p1 s14, $0x4  }
0x25: {  	s17 =	simm.s32 @!p1 $0x6400;
	s14 =	sadd.s32 @!p1 s14, s16;
	s16 =	simm.s32 @!p1 $0x40  }
0x26: {  	[tilespmem:s15], [sflag:$0x1] =	stream.strided.gather @!p1 [hbm4b:s14+s16], $0x2000, s17, s16, $0x38;
	[tilespmem:$0x8080] =	vst v63  }
0x27: {  	p1 =	sge.u32 s31, s5  }
.Ltmp2:
0x28: {  	_ = 	snop;
	(pc) =	sbr.rel @p1 .LBB1_5-.Ltmp2, $1  }
0x29: {  	_ =	sdelay $0x3  }
0x2a: {  	s14 =	simm.s32 $0x1  }
0x2b: {  	_ =	swait.ge [sflag:s4], $0x2000;
	s14 =	simm.s32 @!p0 $0x0  }
0x2c: {  	[sflag:s4] =	ssyncset.done $0x0;
	s15 =	sshll.u32 s14, $0xD  }
0x2d: {  	[sflag:s4] =	ssyncadd.s32 $0xFFFFE000;
	s18 =	sor.u32 $0x20, s15  }
0x2e: {  	s14 =	smul.u32 $0x8100, s14;
	v3 =	vld [tilespmem:s18+$0x10]  }
0x2f: {  	s30 =	sand.u32 $0x1, s11;
	v2 =	vld [tilespmem:s18+$0xFFFFFFF0]  }
0x30: {  	s15 =	smul.u32 $0x8100, s30;
	s14 =	sshrl.u32 s14, $0x2;
	v0 =	vld [tilespmem:s18+$0x0]  }
0x31: {  	v1 =	vld [tilespmem:s18+$0xFFFFFFE0];
	s16 =	sor.u32 $0x4000, s14  }
0x32: {  	s31 =	sshrl.u32 s15, $0x2;
	s15 =	sadd.s32 $0x0, s16  }
0x33: {  	s17 =	simm.s32 $0x4;
	s18 =	sadd.s32 $0x40, s18;
	s14 =	sor.u32 $0x4000, s31;
	[tilespmem:s15+$0x1830 ss:$0x81] =	vst.msk $0xffff, v3  }
.LBB1_3:
0x34: {  	v3 =	vld [tilespmem:s18+$0x10];
	p1 =	sne.s32 s17, $0x1FC;
	[tilespmem:s15+$0x810 ss:$0x81] =	vst.msk $0xffff, v2;
	s19 =	smov.u32 s17;
	s17 =	sadd.s32 $0x4, s17  }
.Ltmp3:
0x35: {  	v2 =	vld [tilespmem:s18+$0xFFFFFFF0];
	[tilespmem:s15+$0x1020 ss:$0x81] =	vst.msk $0xffff, v0;
	(pc) =	sbr.rel @p1 .LBB1_3-.Ltmp3, $4  }
0x36: {  	v0 =	vld [tilespmem:s18+$0x0];
	[tilespmem:s15+$0x0 ss:$0x81] =	vst.msk $0xffff, v1  }
0x37: {  	s15 =	sshra.s32 s19, $0x2;
	v1 =	vld [tilespmem:s18+$0xFFFFFFE0]  }
0x38: {  	s15 =	sadd.s32 s15, s16  }
0x39: {  	s18 =	sadd.s32 $0x40, s18;
	[tilespmem:s15+$0x1830 ss:$0x81] =	vst.msk $0xffff, v3  }
.Ltmp4:
0x3a: {  	_ = 	snop;
	(pc) =	sbr.rel .LBB1_4-.Ltmp4, $1  }
0x3b: {  	_ =	sdelay $0x3  }
.LBB1_6:
0x3c: {  	_ =	sfence.sel $0x180000  }
0x3d: {  	s2 =	simm.s32 $0x1;
	[bflag:$0x0] =	sbarrier.arrive $0xFFFF  }
0x3e: {  	s31 =	simm.s32 $0x2;
	[sflag:s2] =	ssyncpa.u1 $0x1  }
0x3f: {  	[sflag:s31] =	ssyncpa.u1 $0x1  }
0x40: {  	p0 =	sne.s32 s0, $0x0;
	_ =	strace $0x9000004D  }
0x41: {  	s0 =	sadd.s32 @!p0 $0x100000, s1;
	[bflag:$0x2] =	sbarrier.arrive $0xFFFF  }
0x42: {  	[sflag:s0] =	ssyncadd.tile.s32 @!p0 $0x1;
	_ =	shalt  }
.Lfunc_end1:
_tile_overlayer_lowered:
.L_overlay_start_2:
0x43: {  	(tag) =	ssettag $0x2  }
0x44: {  	s0 =	rddreg [dreg:$0x0];
	s2 =	stileid.u32  }
0x45: {  	s1 =	rddreg [dreg:$0x1];
	p0 =	sne.s32 s2, $0x0  }
0x46: {  	s3 =	rddreg [dreg:$0x2];
	[bflag:$0x3] =	sbarrier.arrive $0xFFFF;
	s2 =	simm.s32 @!p0 $0x1C01  }
0x47: {  	[timem:s3], [sflag:s2] =	dma.local @!p0 [hbm:s0], s1  }
0x48: {  	s0 =	simm.s32 @!p0 $0x1  }
0x49: {  	_ =	swait.ge @!p0 [sflag:s0], s1  }
0x4a: {  	s1 =	ssub.s32 @!p0 $0x0, s1;
	[sflag:s0] =	ssyncset.done @!p0 $0x0  }
0x4b: {  	[sflag:s0] =	ssyncadd.s32 @!p0 s1  }
0x4c: {  	[bflag:$0x3] =	sbarrier.arrive $0xFFFF  }
0x4d: {  	_ =	shalt  }

</sc_bundles>
